<compile_context>
chip_gen: v7x
topology: tpu7x:2x2x1
jax: 0.10.2.dev20260603
libtpu: 0.0.44.dev20260713+nightly
codegen_flags: <defaults>
</compile_context>

<pallas_src>
import jax
import jax.numpy as jnp
from jax import lax
from jax.experimental import pallas as pl
from jax.experimental.pallas import tpu as pltpu
from jax.experimental.pallas import tpu_sc as plsc

EMBED_DIM = 64
SCALE = 8.0
L = 16
NC, NS = 2, 16
NW = NC * NS
CHUNK = 256
GSIZE = 128
NSLOT = 4
NGROUP = CHUNK // GSIZE


_GATHER_DN = lax.GatherDimensionNumbers(
    offset_dims=(), collapsed_slice_dims=(0,), start_index_map=(0,))


def _splat_lane(y, k):
    idx = jnp.full((L, 1), k, jnp.int32)
    return lax.gather(y, idx, _GATHER_DN, (1,),
                      mode=lax.GatherScatterMode.PROMISE_IN_BOUNDS)


def _normalize_rows(rows_v, chunk):
    lane = lax.iota(jnp.int32, L)

    def body16(i, carry):
        r0 = i * 16
        for q in range(4):
            base = r0 + 4 * q
            acc = jnp.full((L,), 1.0, jnp.float32)
            vs = []
            for k in range(4):
                r = base + k
                v0 = rows_v[r, pl.ds(0, L)]
                v1 = rows_v[r, pl.ds(L, L)]
                v2 = rows_v[r, pl.ds(2 * L, L)]
                v3 = rows_v[r, pl.ds(3 * L, L)]
                s = jnp.sum((v0 * v0 + v1 * v1) + (v2 * v2 + v3 * v3))
                acc = jnp.where(lane == k, jnp.full((L,), s, jnp.float32), acc)
                vs.append((r, v0, v1, v2, v3))
            sv = jnp.maximum(acc, 1e-24)
            i = plsc.bitcast(sv, jnp.int32)
            y = plsc.bitcast(
                jnp.full((L,), 0x5F3759DF, jnp.int32) - (i >> 1), jnp.float32)
            for _ in range(3):
                y = y * (1.5 - 0.5 * sv * y * y)
            y = y * SCALE
            for k, (r, v0, v1, v2, v3) in enumerate(vs):
                sc = _splat_lane(y, k)
                rows_v[r, pl.ds(0, L)] = v0 * sc
                rows_v[r, pl.ds(L, L)] = v1 * sc
                rows_v[r, pl.ds(2 * L, L)] = v2 * sc
                rows_v[r, pl.ds(3 * L, L)] = v3 * sc
        return carry

    lax.fori_loop(0, chunk // 16, body16, 0)


def _sc_body(idx_hbm, table_hbm, out_hbm, idx_v, rows, gsems, osems, b_per_w):
    wid = lax.axis_index("s") * NC + lax.axis_index("c")
    base = wid * b_per_w
    nchunks = b_per_w // CHUNK

    pltpu.sync_copy(idx_hbm.at[pl.ds(base, b_per_w)], idx_v)

    def fire_gather(g, slot):
        hs = []
        for j in range(NGROUP):
            hs.append(pltpu.async_copy(
                table_hbm.at[idx_v.at[pl.ds(g * CHUNK + j * GSIZE, GSIZE)]],
                rows[slot].at[pl.ds(j * GSIZE, GSIZE)],
                gsems[slot]))
        return hs

    def wait_gather(g, slot):
        for j in range(NGROUP):
            pltpu.make_async_copy(
                table_hbm.at[idx_v.at[pl.ds(g * CHUNK + j * GSIZE, GSIZE)]],
                rows[slot].at[pl.ds(j * GSIZE, GSIZE)],
                gsems[slot]).wait()

    def fire_out(g, slot):
        return pltpu.async_copy(
            rows[slot], out_hbm.at[pl.ds(base + g * CHUNK, CHUNK)], osems[slot])

    def wait_out(g, slot):
        pltpu.make_async_copy(
            rows[slot], out_hbm.at[pl.ds(base + g * CHUNK, CHUNK)],
            osems[slot]).wait()

    fire_gather(0, 0)
    fire_gather(1, 1)

    def quad_body(g4, carry):
        for b in range(NSLOT):
            g = g4 * NSLOT + b
            nxt = (b + 2) % NSLOT

            @pl.when(g >= 2)
            def _():
                wait_out(g - 2, nxt)

            @pl.when(g + 2 < nchunks)
            def _():
                fire_gather(g + 2, nxt)

            wait_gather(g, b)
            _normalize_rows(rows[b], CHUNK)
            fire_out(g, b)
        return carry

    lax.fori_loop(0, nchunks // NSLOT, quad_body, 0)

    for g in (nchunks - 2, nchunks - 1):
        wait_out(g, g % NSLOT)


def kernel(x, embed_mat):
    b0, seq = x.shape
    b = b0 * seq
    b_per_w = b // NW
    assert b % NW == 0 and b_per_w % (NSLOT * CHUNK) == 0
    idx = x.reshape(b).astype(jnp.int32)
    mesh = plsc.VectorSubcoreMesh(core_axis_name="c", subcore_axis_name="s")
    out = pl.kernel(
        lambda idx_h, tab_h, out_h, idx_v, r0, r1, r2, r3, g0, g1, g2, g3,
               o0, o1, o2, o3: _sc_body(
            idx_h, tab_h, out_h, idx_v, [r0, r1, r2, r3],
            [g0, g1, g2, g3], [o0, o1, o2, o3], b_per_w=b_per_w),
        out_type=jax.ShapeDtypeStruct((b, EMBED_DIM), jnp.float32),
        mesh=mesh,
        compiler_params=pltpu.CompilerParams(needs_layout_passes=False,
                                             use_tc_tiling_on_sc=False),
        scratch_types=(
            [pltpu.VMEM((b_per_w,), jnp.int32)]
            + [pltpu.VMEM((CHUNK, EMBED_DIM), jnp.float32)] * NSLOT
            + [pltpu.SemaphoreType.DMA] * (2 * NSLOT)
        ),
    )(idx, embed_mat)
    return out.reshape(b0, seq, EMBED_DIM)

# --- scband reference (transcript-rebuilt; emitter-appended) ---
"""Pipeline reference for scband-pretrained-embedding-10445360464449 (READ-ONLY COPY).

The authoritative reference and input builder live on the scoring server;
editing this copy changes nothing except your own understanding.
"""

import jax, jax.numpy as jnp
import numpy as np
import math

VOCAB = 1000000
EMBED_DIM = 64
BATCH = 16384
SEQ = 50

def setup_inputs(seed: int = 0) -> dict:
    key = jax.random.key(seed)
    k1, k2 = jax.random.split(key)
    x = jax.random.randint(k1, (BATCH, SEQ), 0, VOCAB, dtype=jnp.int64 if jax.config.read('jax_enable_x64') else jnp.int32)
    embed_mat = jax.random.normal(k2, (VOCAB, EMBED_DIM), dtype=jnp.float32)
    return {"x": x, "embed_mat": embed_mat}

def reference(x, embed_mat):
    scale = math.sqrt(EMBED_DIM)
    # embedding lookup (gather)
    embeds = jnp.take(embed_mat, x, axis=0)
    # F.normalize(p=2, dim=-1): v / max(||v||_2, eps)
    norm = jnp.linalg.norm(embeds, ord=2, axis=-1, keepdims=True)
    embeds = embeds / jnp.maximum(norm, 1e-12)
    embeds = embeds * scale
    return embeds

if __name__ == "__main__":
    import jax
    _d = setup_inputs()
    print(jax.jit(kernel)(*tuple(_d.values())))

</pallas_src>

<mosaic_0001>
#map = affine_map<(d0, d1) -> (0)>
#map1 = affine_map<(d0, d1) -> (0, 0)>
module attributes {stable_mosaic.version = 14 : i64} {
  func.func @_lambda_(%arg0: i32, %arg1: i32, %arg2: memref<819200xi32, #tpu.memory_space<hbm>>, %arg3: memref<1000000x64xf32, #tpu.memory_space<hbm>>, %arg4: memref<819200x64xf32, #tpu.memory_space<hbm>>, %arg5: memref<25600xi32, #tpu.memory_space<vmem>>, %arg6: memref<256x64xf32, #tpu.memory_space<vmem>>, %arg7: memref<256x64xf32, #tpu.memory_space<vmem>>, %arg8: memref<256x64xf32, #tpu.memory_space<vmem>>, %arg9: memref<256x64xf32, #tpu.memory_space<vmem>>, %arg10: memref<!tpu.dma_semaphore, #tpu.memory_space<semaphore_mem>>, %arg11: memref<!tpu.dma_semaphore, #tpu.memory_space<semaphore_mem>>, %arg12: memref<!tpu.dma_semaphore, #tpu.memory_space<semaphore_mem>>, %arg13: memref<!tpu.dma_semaphore, #tpu.memory_space<semaphore_mem>>, %arg14: memref<!tpu.dma_semaphore, #tpu.memory_space<semaphore_mem>>, %arg15: memref<!tpu.dma_semaphore, #tpu.memory_space<semaphore_mem>>, %arg16: memref<!tpu.dma_semaphore, #tpu.memory_space<semaphore_mem>>, %arg17: memref<!tpu.dma_semaphore, #tpu.memory_space<semaphore_mem>>) attributes {dimension_semantics = [#tpu.dimension_semantics<core_parallel>, #tpu.dimension_semantics<subcore_parallel>], iteration_bounds = array<i64: 2, 16>, scalar_prefetch = 0 : i64, scratch_operands = 13 : i64, tpu.core_type = #tpu.core_type<sc_vector_subcore>, window_params = [{transform_indices = #map}, {transform_indices = #map1}, {transform_indices = #map1}]} {
    %mul3A = arith.constant 2 : i32
    %mul3A_0 = arith.muli %arg1, %mul3A : i32
    %add3A = arith.addi %mul3A_0, %arg0 : i32
    %mul3A_1 = arith.constant 25600 : i32
    %mul3A_2 = arith.muli %add3A, %mul3A_1 : i32
    "tpu.region"() ({
      %run_scoped3A = tpu.sem_alloc : memref<!tpu.dma_semaphore, #tpu.memory_space<semaphore_mem>>
      %dma_start3A_50 = tpu.memref_slice %arg2[%mul3A_2] : memref<819200xi32, #tpu.memory_space<hbm>> -> memref<25600xi32, #tpu.memory_space<hbm>>
      %dma_start3A_51 = tpu.memref_slice %arg2[%mul3A_2] : memref<819200xi32, #tpu.memory_space<hbm>> -> memref<25600xi32, #tpu.memory_space<hbm>>
      tpu.enqueue_dma source(%dma_start3A_51 : memref<25600xi32, #tpu.memory_space<hbm>>) target(%arg5 : memref<25600xi32, #tpu.memory_space<vmem>>) target_semaphore(%run_scoped3A : memref<!tpu.dma_semaphore, #tpu.memory_space<semaphore_mem>>)
      %dma_wait3A_52 = tpu.memref_slice %arg2[%mul3A_2] : memref<819200xi32, #tpu.memory_space<hbm>> -> memref<25600xi32, #tpu.memory_space<hbm>>
      %dma_wait3A_53 = tpu.memref_slice %arg2[%mul3A_2] : memref<819200xi32, #tpu.memory_space<hbm>> -> memref<25600xi32, #tpu.memory_space<hbm>>
      tpu.wait_dma2 semaphore(%run_scoped3A : memref<!tpu.dma_semaphore, #tpu.memory_space<semaphore_mem>>) src(%dma_wait3A_53 : memref<25600xi32, #tpu.memory_space<hbm>>) dst(%arg5 : memref<25600xi32, #tpu.memory_space<vmem>>)
      tpu.yield
    }) : () -> ()
    %dma_start3A = arith.constant 0 : i32
    %dma_start3A_3 = arith.constant 0 : i32
    %dma_start3A_4 = tpu.memref_slice %arg6[%dma_start3A, %dma_start3A_3] : memref<256x64xf32, #tpu.memory_space<vmem>> -> memref<128x64xf32, #tpu.memory_space<vmem>>
    %dma_start3A_5 = arith.constant 0 : i32
    %dma_start3A_6 = tpu.memref_slice %arg5[%dma_start3A_5] : memref<25600xi32, #tpu.memory_space<vmem>> -> memref<128xi32, #tpu.memory_space<vmem>>
    %dma_start3A_7 = arith.constant 0 : i32
    %dma_start3A_8 = arith.constant 0 : i32
    %dma_start3A_9 = tpu.memref_slice %arg3[%dma_start3A_7, %dma_start3A_8] : memref<1000000x64xf32, #tpu.memory_space<hbm>> -> memref<1000000x64xf32, #tpu.memory_space<hbm>>
    tpu.enqueue_indirect_dma source(%dma_start3A_9 : memref<1000000x64xf32, #tpu.memory_space<hbm>>) target(%dma_start3A_4 : memref<128x64xf32, #tpu.memory_space<vmem>>) offsets(%dma_start3A_6 : memref<128xi32, #tpu.memory_space<vmem>>) semaphore(%arg10 : memref<!tpu.dma_semaphore, #tpu.memory_space<semaphore_mem>>)
    %dma_start3A_10 = arith.constant 128 : i32
    %dma_start3A_11 = arith.constant 0 : i32
    %dma_start3A_12 = tpu.memref_slice %arg6[%dma_start3A_10, %dma_start3A_11] : memref<256x64xf32, #tpu.memory_space<vmem>> -> memref<128x64xf32, #tpu.memory_space<vmem>>
    %dma_start3A_13 = arith.constant 128 : i32
    %dma_start3A_14 = tpu.memref_slice %arg5[%dma_start3A_13] : memref<25600xi32, #tpu.memory_space<vmem>> -> memref<128xi32, #tpu.memory_space<vmem>>
    %dma_start3A_15 = arith.constant 0 : i32
    %dma_start3A_16 = arith.constant 0 : i32
    %dma_start3A_17 = tpu.memref_slice %arg3[%dma_start3A_15, %dma_start3A_16] : memref<1000000x64xf32, #tpu.memory_space<hbm>> -> memref<1000000x64xf32, #tpu.memory_space<hbm>>
    tpu.enqueue_indirect_dma source(%dma_start3A_17 : memref<1000000x64xf32, #tpu.memory_space<hbm>>) target(%dma_start3A_12 : memref<128x64xf32, #tpu.memory_space<vmem>>) offsets(%dma_start3A_14 : memref<128xi32, #tpu.memory_space<vmem>>) semaphore(%arg10 : memref<!tpu.dma_semaphore, #tpu.memory_space<semaphore_mem>>)
    %dma_start3A_18 = arith.constant 0 : i32
    %dma_start3A_19 = arith.constant 0 : i32
    %dma_start3A_20 = tpu.memref_slice %arg7[%dma_start3A_18, %dma_start3A_19] : memref<256x64xf32, #tpu.memory_space<vmem>> -> memref<128x64xf32, #tpu.memory_space<vmem>>
    %dma_start3A_21 = arith.constant 256 : i32
    %dma_start3A_22 = tpu.memref_slice %arg5[%dma_start3A_21] : memref<25600xi32, #tpu.memory_space<vmem>> -> memref<128xi32, #tpu.memory_space<vmem>>
    %dma_start3A_23 = arith.constant 0 : i32
    %dma_start3A_24 = arith.constant 0 : i32
    %dma_start3A_25 = tpu.memref_slice %arg3[%dma_start3A_23, %dma_start3A_24] : memref<1000000x64xf32, #tpu.memory_space<hbm>> -> memref<1000000x64xf32, #tpu.memory_space<hbm>>
    tpu.enqueue_indirect_dma source(%dma_start3A_25 : memref<1000000x64xf32, #tpu.memory_space<hbm>>) target(%dma_start3A_20 : memref<128x64xf32, #tpu.memory_space<vmem>>) offsets(%dma_start3A_22 : memref<128xi32, #tpu.memory_space<vmem>>) semaphore(%arg11 : memref<!tpu.dma_semaphore, #tpu.memory_space<semaphore_mem>>)
    %dma_start3A_26 = arith.constant 128 : i32
    %dma_start3A_27 = arith.constant 0 : i32
    %dma_start3A_28 = tpu.memref_slice %arg7[%dma_start3A_26, %dma_start3A_27] : memref<256x64xf32, #tpu.memory_space<vmem>> -> memref<128x64xf32, #tpu.memory_space<vmem>>
    %dma_start3A_29 = arith.constant 384 : i32
    %dma_start3A_30 = tpu.memref_slice %arg5[%dma_start3A_29] : memref<25600xi32, #tpu.memory_space<vmem>> -> memref<128xi32, #tpu.memory_space<vmem>>
    %dma_start3A_31 = arith.constant 0 : i32
    %dma_start3A_32 = arith.constant 0 : i32
    %dma_start3A_33 = tpu.memref_slice %arg3[%dma_start3A_31, %dma_start3A_32] : memref<1000000x64xf32, #tpu.memory_space<hbm>> -> memref<1000000x64xf32, #tpu.memory_space<hbm>>
    tpu.enqueue_indirect_dma source(%dma_start3A_33 : memref<1000000x64xf32, #tpu.memory_space<hbm>>) target(%dma_start3A_28 : memref<128x64xf32, #tpu.memory_space<vmem>>) offsets(%dma_start3A_30 : memref<128xi32, #tpu.memory_space<vmem>>) semaphore(%arg11 : memref<!tpu.dma_semaphore, #tpu.memory_space<semaphore_mem>>)
    %scan3A = arith.constant 0 : i32
    %scan3A_34 = arith.constant 0 : i32
    %scan3A_35 = arith.constant 25 : i32
    %scan3A_36 = arith.addi %scan3A_34, %scan3A_35 : i32
    %scan3A_37 = arith.constant 1 : i32
    scf.for %scan3A_50 = %scan3A_34 to %scan3A_36 step %scan3A_37  : i32 {
      %mul3A_51 = arith.constant 4 : i32
      %mul3A_52 = arith.muli %scan3A_50, %mul3A_51 : i32
      %add3A_53 = arith.constant 0 : i32
      %add3A_54 = arith.addi %mul3A_52, %add3A_53 : i32
      %ge3A = arith.constant 2 : i32
      %ge3A_55 = arith.cmpi sge, %add3A_54, %ge3A : i32
      %convert_element_type3A = arith.extui %ge3A_55 : i1 to i32
      %cond3A = arith.constant 0 : i32
      %cond3A_56 = arith.cmpi ne, %convert_element_type3A, %cond3A : i32
      scf.if %cond3A_56 {
        %sub3A = arith.constant 2 : i32
        %sub3A_254 = arith.subi %add3A_54, %sub3A : i32
        %mul3A_255 = arith.constant 256 : i32
        %mul3A_256 = arith.muli %sub3A_254, %mul3A_255 : i32
        %add3A_257 = arith.addi %mul3A_2, %mul3A_256 : i32
        %dma_wait3A_258 = arith.constant 0 : i32
        %dma_wait3A_259 = tpu.memref_slice %arg4[%add3A_257, %dma_wait3A_258] : memref<819200x64xf32, #tpu.memory_space<hbm>> -> memref<256x64xf32, #tpu.memory_space<hbm>>
        %dma_wait3A_260 = arith.constant 0 : i32
        %dma_wait3A_261 = tpu.memref_slice %arg4[%add3A_257, %dma_wait3A_260] : memref<819200x64xf32, #tpu.memory_space<hbm>> -> memref<256x64xf32, #tpu.memory_space<hbm>>
        tpu.wait_dma2 semaphore(%arg16 : memref<!tpu.dma_semaphore, #tpu.memory_space<semaphore_mem>>) src(%arg8 : memref<256x64xf32, #tpu.memory_space<vmem>>) dst(%dma_wait3A_261 : memref<256x64xf32, #tpu.memory_space<hbm>>)
      } else {
      }
      %add3A_57 = arith.constant 2 : i32
      %add3A_58 = arith.addi %add3A_54, %add3A_57 : i32
      %lt3A = arith.constant 100 : i32
      %lt3A_59 = arith.cmpi slt, %add3A_58, %lt3A : i32
      %convert_element_type3A_60 = arith.extui %lt3A_59 : i1 to i32
      %cond3A_61 = arith.constant 0 : i32
      %cond3A_62 = arith.cmpi ne, %convert_element_type3A_60, %cond3A_61 : i32
      scf.if %cond3A_62 {
        %add3A_254 = arith.constant 2 : i32
        %add3A_255 = arith.addi %add3A_54, %add3A_254 : i32
        %mul3A_256 = arith.constant 256 : i32
        %mul3A_257 = arith.muli %add3A_255, %mul3A_256 : i32
        %add3A_258 = arith.constant 0 : i32
        %add3A_259 = arith.addi %mul3A_257, %add3A_258 : i32
        %dma_start3A_260 = arith.constant 0 : i32
        %dma_start3A_261 = arith.constant 0 : i32
        %dma_start3A_262 = tpu.memref_slice %arg8[%dma_start3A_260, %dma_start3A_261] : memref<256x64xf32, #tpu.memory_space<vmem>> -> memref<128x64xf32, #tpu.memory_space<vmem>>
        %dma_start3A_263 = tpu.memref_slice %arg5[%add3A_259] : memref<25600xi32, #tpu.memory_space<vmem>> -> memref<128xi32, #tpu.memory_space<vmem>>
        %dma_start3A_264 = arith.constant 0 : i32
        %dma_start3A_265 = arith.constant 0 : i32
        %dma_start3A_266 = tpu.memref_slice %arg3[%dma_start3A_264, %dma_start3A_265] : memref<1000000x64xf32, #tpu.memory_space<hbm>> -> memref<1000000x64xf32, #tpu.memory_space<hbm>>
        tpu.enqueue_indirect_dma source(%dma_start3A_266 : memref<1000000x64xf32, #tpu.memory_space<hbm>>) target(%dma_start3A_262 : memref<128x64xf32, #tpu.memory_space<vmem>>) offsets(%dma_start3A_263 : memref<128xi32, #tpu.memory_space<vmem>>) semaphore(%arg12 : memref<!tpu.dma_semaphore, #tpu.memory_space<semaphore_mem>>)
        %mul3A_267 = arith.constant 256 : i32
        %mul3A_268 = arith.muli %add3A_255, %mul3A_267 : i32
        %add3A_269 = arith.constant 128 : i32
        %add3A_270 = arith.addi %mul3A_268, %add3A_269 : i32
        %dma_start3A_271 = arith.constant 128 : i32
        %dma_start3A_272 = arith.constant 0 : i32
        %dma_start3A_273 = tpu.memref_slice %arg8[%dma_start3A_271, %dma_start3A_272] : memref<256x64xf32, #tpu.memory_space<vmem>> -> memref<128x64xf32, #tpu.memory_space<vmem>>
        %dma_start3A_274 = tpu.memref_slice %arg5[%add3A_270] : memref<25600xi32, #tpu.memory_space<vmem>> -> memref<128xi32, #tpu.memory_space<vmem>>
        %dma_start3A_275 = arith.constant 0 : i32
        %dma_start3A_276 = arith.constant 0 : i32
        %dma_start3A_277 = tpu.memref_slice %arg3[%dma_start3A_275, %dma_start3A_276] : memref<1000000x64xf32, #tpu.memory_space<hbm>> -> memref<1000000x64xf32, #tpu.memory_space<hbm>>
        tpu.enqueue_indirect_dma source(%dma_start3A_277 : memref<1000000x64xf32, #tpu.memory_space<hbm>>) target(%dma_start3A_273 : memref<128x64xf32, #tpu.memory_space<vmem>>) offsets(%dma_start3A_274 : memref<128xi32, #tpu.memory_space<vmem>>) semaphore(%arg12 : memref<!tpu.dma_semaphore, #tpu.memory_space<semaphore_mem>>)
      } else {
      }
      %mul3A_63 = arith.constant 256 : i32
      %mul3A_64 = arith.muli %add3A_54, %mul3A_63 : i32
      %add3A_65 = arith.constant 0 : i32
      %add3A_66 = arith.addi %mul3A_64, %add3A_65 : i32
      %dma_wait3A_67 = arith.constant 0 : i32
      %dma_wait3A_68 = arith.constant 0 : i32
      %dma_wait3A_69 = tpu.memref_slice %arg6[%dma_wait3A_67, %dma_wait3A_68] : memref<256x64xf32, #tpu.memory_space<vmem>> -> memref<128x64xf32, #tpu.memory_space<vmem>>
      %dma_wait3A_70 = tpu.memref_slice %arg5[%add3A_66] : memref<25600xi32, #tpu.memory_space<vmem>> -> memref<128xi32, #tpu.memory_space<vmem>>
      %dma_wait3A_71 = arith.constant 0 : i32
      %dma_wait3A_72 = arith.constant 0 : i32
      %dma_wait3A_73 = tpu.memref_slice %arg3[%dma_wait3A_71, %dma_wait3A_72] : memref<1000000x64xf32, #tpu.memory_space<hbm>> -> memref<1000000x64xf32, #tpu.memory_space<hbm>>
      tpu.wait_indirect_dma semaphore(%arg10 : memref<!tpu.dma_semaphore, #tpu.memory_space<semaphore_mem>>) src(%dma_wait3A_73 : memref<1000000x64xf32, #tpu.memory_space<hbm>>) dst(%dma_wait3A_69 : memref<128x64xf32, #tpu.memory_space<vmem>>)
      %mul3A_74 = arith.constant 256 : i32
      %mul3A_75 = arith.muli %add3A_54, %mul3A_74 : i32
      %add3A_76 = arith.constant 128 : i32
      %add3A_77 = arith.addi %mul3A_75, %add3A_76 : i32
      %dma_wait3A_78 = arith.constant 128 : i32
      %dma_wait3A_79 = arith.constant 0 : i32
      %dma_wait3A_80 = tpu.memref_slice %arg6[%dma_wait3A_78, %dma_wait3A_79] : memref<256x64xf32, #tpu.memory_space<vmem>> -> memref<128x64xf32, #tpu.memory_space<vmem>>
      %dma_wait3A_81 = tpu.memref_slice %arg5[%add3A_77] : memref<25600xi32, #tpu.memory_space<vmem>> -> memref<128xi32, #tpu.memory_space<vmem>>
      %dma_wait3A_82 = arith.constant 0 : i32
      %dma_wait3A_83 = arith.constant 0 : i32
      %dma_wait3A_84 = tpu.memref_slice %arg3[%dma_wait3A_82, %dma_wait3A_83] : memref<1000000x64xf32, #tpu.memory_space<hbm>> -> memref<1000000x64xf32, #tpu.memory_space<hbm>>
      tpu.wait_indirect_dma semaphore(%arg10 : memref<!tpu.dma_semaphore, #tpu.memory_space<semaphore_mem>>) src(%dma_wait3A_84 : memref<1000000x64xf32, #tpu.memory_space<hbm>>) dst(%dma_wait3A_80 : memref<128x64xf32, #tpu.memory_space<vmem>>)
      %iota3A = tpu.iota {dimensions = array<i32: 0>} : vector<16xi32>
      %scan3A_85 = arith.constant 0 : i32
      %scan3A_86 = arith.constant 0 : i32
      %scan3A_87 = arith.constant 16 : i32
      %scan3A_88 = arith.addi %scan3A_86, %scan3A_87 : i32
      %scan3A_89 = arith.constant 1 : i32
      scf.for %scan3A_254 = %scan3A_86 to %scan3A_88 step %scan3A_89  : i32 {
        %mul3A_255 = arith.constant 16 : i32
        %mul3A_256 = arith.muli %scan3A_254, %mul3A_255 : i32
        %add3A_257 = arith.constant 0 : i32
        %add3A_258 = arith.addi %mul3A_256, %add3A_257 : i32
        %broadcast_in_dim3A = arith.constant 1.000000e+00 : f32
        %broadcast_in_dim3A_259 = vector.broadcast %broadcast_in_dim3A : f32 to vector<16xf32>
        %add3A_260 = arith.constant 0 : i32
        %add3A_261 = arith.addi %add3A_258, %add3A_260 : i32
        %get3A = arith.index_cast %add3A_261 : i32 to index
        %get3A_262 = arith.constant 0 : index
        %get3A_263 = tpu.vector_load %arg6[%get3A, %get3A_262] {strides = array<i32>} : memref<256x64xf32, #tpu.memory_space<vmem>>, vector<16xf32>,
        %get3A_264 = arith.index_cast %add3A_261 : i32 to index
        %get3A_265 = arith.constant 16 : index
        %get3A_266 = tpu.vector_load %arg6[%get3A_264, %get3A_265] {strides = array<i32>} : memref<256x64xf32, #tpu.memory_space<vmem>>, vector<16xf32>,
        %get3A_267 = arith.index_cast %add3A_261 : i32 to index
        %get3A_268 = arith.constant 32 : index
        %get3A_269 = tpu.vector_load %arg6[%get3A_267, %get3A_268] {strides = array<i32>} : memref<256x64xf32, #tpu.memory_space<vmem>>, vector<16xf32>,
        %get3A_270 = arith.index_cast %add3A_261 : i32 to index
        %get3A_271 = arith.constant 48 : index
        %get3A_272 = tpu.vector_load %arg6[%get3A_270, %get3A_271] {strides = array<i32>} : memref<256x64xf32, #tpu.memory_space<vmem>>, vector<16xf32>,
        %mul3A_273 = arith.mulf %get3A_263, %get3A_263 : vector<16xf32>
        %mul3A_274 = arith.mulf %get3A_266, %get3A_266 : vector<16xf32>
        %add3A_275 = arith.addf %mul3A_273, %mul3A_274 : vector<16xf32>
        %mul3A_276 = arith.mulf %get3A_269, %get3A_269 : vector<16xf32>
        %mul3A_277 = arith.mulf %get3A_272, %get3A_272 : vector<16xf32>
        %add3A_278 = arith.addf %mul3A_276, %mul3A_277 : vector<16xf32>
        %add3A_279 = arith.addf %add3A_275, %add3A_278 : vector<16xf32>
        %reduce_sum3A = arith.constant true
        %reduce_sum3A_280 = vector.broadcast %reduce_sum3A : i1 to vector<16xi1>
        %reduce_sum3A_281 = tpu.scan <sum>, %add3A_279 masked %reduce_sum3A_280 : vector<16xf32>, vector<16xi1> -> vector<16xf32>
        %reduce_sum3A_282 = vector.extract %reduce_sum3A_281[15] : f32 from vector<16xf32>
        %eq3A = arith.constant 0 : i32
        %eq3A_283 = vector.broadcast %eq3A : i32 to vector<16xi32>
        %eq3A_284 = arith.cmpi eq, %iota3A, %eq3A_283 : vector<16xi32>
        %broadcast_in_dim3A_285 = vector.broadcast %reduce_sum3A_282 : f32 to vector<16xf32>
        %select_n3A = arith.select %eq3A_284, %broadcast_in_dim3A_285, %broadcast_in_dim3A_259 : vector<16xi1>, vector<16xf32>
        %add3A_286 = arith.constant 1 : i32
        %add3A_287 = arith.addi %add3A_258, %add3A_286 : i32
        %get3A_288 = arith.index_cast %add3A_287 : i32 to index
        %get3A_289 = arith.constant 0 : index
        %get3A_290 = tpu.vector_load %arg6[%get3A_288, %get3A_289] {strides = array<i32>} : memref<256x64xf32, #tpu.memory_space<vmem>>, vector<16xf32>,
        %get3A_291 = arith.index_cast %add3A_287 : i32 to index
        %get3A_292 = arith.constant 16 : index
        %get3A_293 = tpu.vector_load %arg6[%get3A_291, %get3A_292] {strides = array<i32>} : memref<256x64xf32, #tpu.memory_space<vmem>>, vector<16xf32>,
        %get3A_294 = arith.index_cast %add3A_287 : i32 to index
        %get3A_295 = arith.constant 32 : index
        %get3A_296 = tpu.vector_load %arg6[%get3A_294, %get3A_295] {strides = array<i32>} : memref<256x64xf32, #tpu.memory_space<vmem>>, vector<16xf32>,
        %get3A_297 = arith.index_cast %add3A_287 : i32 to index
        %get3A_298 = arith.constant 48 : index
        %get3A_299 = tpu.vector_load %arg6[%get3A_297, %get3A_298] {strides = array<i32>} : memref<256x64xf32, #tpu.memory_space<vmem>>, vector<16xf32>,
        %mul3A_300 = arith.mulf %get3A_290, %get3A_290 : vector<16xf32>
        %mul3A_301 = arith.mulf %get3A_293, %get3A_293 : vector<16xf32>
        %add3A_302 = arith.addf %mul3A_300, %mul3A_301 : vector<16xf32>
        %mul3A_303 = arith.mulf %get3A_296, %get3A_296 : vector<16xf32>
        %mul3A_304 = arith.mulf %get3A_299, %get3A_299 : vector<16xf32>
        %add3A_305 = arith.addf %mul3A_303, %mul3A_304 : vector<16xf32>
        %add3A_306 = arith.addf %add3A_302, %add3A_305 : vector<16xf32>
        %reduce_sum3A_307 = arith.constant true
        %reduce_sum3A_308 = vector.broadcast %reduce_sum3A_307 : i1 to vector<16xi1>
        %reduce_sum3A_309 = tpu.scan <sum>, %add3A_306 masked %reduce_sum3A_308 : vector<16xf32>, vector<16xi1> -> vector<16xf32>
        %reduce_sum3A_310 = vector.extract %reduce_sum3A_309[15] : f32 from vector<16xf32>
        %eq3A_311 = arith.constant 1 : i32
        %eq3A_312 = vector.broadcast %eq3A_311 : i32 to vector<16xi32>
        %eq3A_313 = arith.cmpi eq, %iota3A, %eq3A_312 : vector<16xi32>
        %broadcast_in_dim3A_314 = vector.broadcast %reduce_sum3A_310 : f32 to vector<16xf32>
        %select_n3A_315 = arith.select %eq3A_313, %broadcast_in_dim3A_314, %select_n3A : vector<16xi1>, vector<16xf32>
        %add3A_316 = arith.constant 2 : i32
        %add3A_317 = arith.addi %add3A_258, %add3A_316 : i32
        %get3A_318 = arith.index_cast %add3A_317 : i32 to index
        %get3A_319 = arith.constant 0 : index
        %get3A_320 = tpu.vector_load %arg6[%get3A_318, %get3A_319] {strides = array<i32>} : memref<256x64xf32, #tpu.memory_space<vmem>>, vector<16xf32>,
        %get3A_321 = arith.index_cast %add3A_317 : i32 to index
        %get3A_322 = arith.constant 16 : index
        %get3A_323 = tpu.vector_load %arg6[%get3A_321, %get3A_322] {strides = array<i32>} : memref<256x64xf32, #tpu.memory_space<vmem>>, vector<16xf32>,
        %get3A_324 = arith.index_cast %add3A_317 : i32 to index
        %get3A_325 = arith.constant 32 : index
        %get3A_326 = tpu.vector_load %arg6[%get3A_324, %get3A_325] {strides = array<i32>} : memref<256x64xf32, #tpu.memory_space<vmem>>, vector<16xf32>,
        %get3A_327 = arith.index_cast %add3A_317 : i32 to index
        %get3A_328 = arith.constant 48 : index
        %get3A_329 = tpu.vector_load %arg6[%get3A_327, %get3A_328] {strides = array<i32>} : memref<256x64xf32, #tpu.memory_space<vmem>>, vector<16xf32>,
        %mul3A_330 = arith.mulf %get3A_320, %get3A_320 : vector<16xf32>
        %mul3A_331 = arith.mulf %get3A_323, %get3A_323 : vector<16xf32>
        %add3A_332 = arith.addf %mul3A_330, %mul3A_331 : vector<16xf32>
        %mul3A_333 = arith.mulf %get3A_326, %get3A_326 : vector<16xf32>
        %mul3A_334 = arith.mulf %get3A_329, %get3A_329 : vector<16xf32>
        %add3A_335 = arith.addf %mul3A_333, %mul3A_334 : vector<16xf32>
        %add3A_336 = arith.addf %add3A_332, %add3A_335 : vector<16xf32>
        %reduce_sum3A_337 = arith.constant true
        %reduce_sum3A_338 = vector.broadcast %reduce_sum3A_337 : i1 to vector<16xi1>
        %reduce_sum3A_339 = tpu.scan <sum>, %add3A_336 masked %reduce_sum3A_338 : vector<16xf32>, vector<16xi1> -> vector<16xf32>
        %reduce_sum3A_340 = vector.extract %reduce_sum3A_339[15] : f32 from vector<16xf32>
        %eq3A_341 = arith.constant 2 : i32
        %eq3A_342 = vector.broadcast %eq3A_341 : i32 to vector<16xi32>
        %eq3A_343 = arith.cmpi eq, %iota3A, %eq3A_342 : vector<16xi32>
        %broadcast_in_dim3A_344 = vector.broadcast %reduce_sum3A_340 : f32 to vector<16xf32>
        %select_n3A_345 = arith.select %eq3A_343, %broadcast_in_dim3A_344, %select_n3A_315 : vector<16xi1>, vector<16xf32>
        %add3A_346 = arith.constant 3 : i32
        %add3A_347 = arith.addi %add3A_258, %add3A_346 : i32
        %get3A_348 = arith.index_cast %add3A_347 : i32 to index
        %get3A_349 = arith.constant 0 : index
        %get3A_350 = tpu.vector_load %arg6[%get3A_348, %get3A_349] {strides = array<i32>} : memref<256x64xf32, #tpu.memory_space<vmem>>, vector<16xf32>,
        %get3A_351 = arith.index_cast %add3A_347 : i32 to index
        %get3A_352 = arith.constant 16 : index
        %get3A_353 = tpu.vector_load %arg6[%get3A_351, %get3A_352] {strides = array<i32>} : memref<256x64xf32, #tpu.memory_space<vmem>>, vector<16xf32>,
        %get3A_354 = arith.index_cast %add3A_347 : i32 to index
        %get3A_355 = arith.constant 32 : index
        %get3A_356 = tpu.vector_load %arg6[%get3A_354, %get3A_355] {strides = array<i32>} : memref<256x64xf32, #tpu.memory_space<vmem>>, vector<16xf32>,
        %get3A_357 = arith.index_cast %add3A_347 : i32 to index
        %get3A_358 = arith.constant 48 : index
        %get3A_359 = tpu.vector_load %arg6[%get3A_357, %get3A_358] {strides = array<i32>} : memref<256x64xf32, #tpu.memory_space<vmem>>, vector<16xf32>,
        %mul3A_360 = arith.mulf %get3A_350, %get3A_350 : vector<16xf32>
        %mul3A_361 = arith.mulf %get3A_353, %get3A_353 : vector<16xf32>
        %add3A_362 = arith.addf %mul3A_360, %mul3A_361 : vector<16xf32>
        %mul3A_363 = arith.mulf %get3A_356, %get3A_356 : vector<16xf32>
        %mul3A_364 = arith.mulf %get3A_359, %get3A_359 : vector<16xf32>
        %add3A_365 = arith.addf %mul3A_363, %mul3A_364 : vector<16xf32>
        %add3A_366 = arith.addf %add3A_362, %add3A_365 : vector<16xf32>
        %reduce_sum3A_367 = arith.constant true
        %reduce_sum3A_368 = vector.broadcast %reduce_sum3A_367 : i1 to vector<16xi1>
        %reduce_sum3A_369 = tpu.scan <sum>, %add3A_366 masked %reduce_sum3A_368 : vector<16xf32>, vector<16xi1> -> vector<16xf32>
        %reduce_sum3A_370 = vector.extract %reduce_sum3A_369[15] : f32 from vector<16xf32>
        %eq3A_371 = arith.constant 3 : i32
        %eq3A_372 = vector.broadcast %eq3A_371 : i32 to vector<16xi32>
        %eq3A_373 = arith.cmpi eq, %iota3A, %eq3A_372 : vector<16xi32>
        %broadcast_in_dim3A_374 = vector.broadcast %reduce_sum3A_370 : f32 to vector<16xf32>
        %select_n3A_375 = arith.select %eq3A_373, %broadcast_in_dim3A_374, %select_n3A_345 : vector<16xi1>, vector<16xf32>
        %max3A = arith.constant 1.000000e-24 : f32
        %max3A_376 = vector.broadcast %max3A : f32 to vector<16xf32>
        %max3A_377 = arith.maximumf %select_n3A_375, %max3A_376 : vector<16xf32>
        %bitcast3A = vector.bitcast %max3A_377 : vector<16xf32> to vector<16xi32>
        %broadcast_in_dim3A_378 = arith.constant 1597463007 : i32
        %broadcast_in_dim3A_379 = vector.broadcast %broadcast_in_dim3A_378 : i32 to vector<16xi32>
        %shift_right_arithmetic3A = arith.constant 1 : i32
        %shift_right_arithmetic3A_380 = vector.broadcast %shift_right_arithmetic3A : i32 to vector<16xi32>
        %shift_right_arithmetic3A_381 = arith.shrsi %bitcast3A, %shift_right_arithmetic3A_380 : vector<16xi32>
        %sub3A = arith.subi %broadcast_in_dim3A_379, %shift_right_arithmetic3A_381 : vector<16xi32>
        %bitcast3A_382 = vector.bitcast %sub3A : vector<16xi32> to vector<16xf32>
        %mul3A_383 = arith.constant 5.000000e-01 : f32
        %mul3A_384 = vector.broadcast %mul3A_383 : f32 to vector<16xf32>
        %mul3A_385 = arith.mulf %mul3A_384, %max3A_377 : vector<16xf32>
        %mul3A_386 = arith.mulf %mul3A_385, %bitcast3A_382 : vector<16xf32>
        %mul3A_387 = arith.mulf %mul3A_386, %bitcast3A_382 : vector<16xf32>
        %sub3A_388 = arith.constant 1.500000e+00 : f32
        %sub3A_389 = vector.broadcast %sub3A_388 : f32 to vector<16xf32>
        %sub3A_390 = arith.subf %sub3A_389, %mul3A_387 : vector<16xf32>
        %mul3A_391 = arith.mulf %bitcast3A_382, %sub3A_390 : vector<16xf32>
        %mul3A_392 = arith.constant 5.000000e-01 : f32
        %mul3A_393 = vector.broadcast %mul3A_392 : f32 to vector<16xf32>
        %mul3A_394 = arith.mulf %mul3A_393, %max3A_377 : vector<16xf32>
        %mul3A_395 = arith.mulf %mul3A_394, %mul3A_391 : vector<16xf32>
        %mul3A_396 = arith.mulf %mul3A_395, %mul3A_391 : vector<16xf32>
        %sub3A_397 = arith.constant 1.500000e+00 : f32
        %sub3A_398 = vector.broadcast %sub3A_397 : f32 to vector<16xf32>
        %sub3A_399 = arith.subf %sub3A_398, %mul3A_396 : vector<16xf32>
        %mul3A_400 = arith.mulf %mul3A_391, %sub3A_399 : vector<16xf32>
        %mul3A_401 = arith.constant 5.000000e-01 : f32
        %mul3A_402 = vector.broadcast %mul3A_401 : f32 to vector<16xf32>
        %mul3A_403 = arith.mulf %mul3A_402, %max3A_377 : vector<16xf32>
        %mul3A_404 = arith.mulf %mul3A_403, %mul3A_400 : vector<16xf32>
        %mul3A_405 = arith.mulf %mul3A_404, %mul3A_400 : vector<16xf32>
        %sub3A_406 = arith.constant 1.500000e+00 : f32
        %sub3A_407 = vector.broadcast %sub3A_406 : f32 to vector<16xf32>
        %sub3A_408 = arith.subf %sub3A_407, %mul3A_405 : vector<16xf32>
        %mul3A_409 = arith.mulf %mul3A_400, %sub3A_408 : vector<16xf32>
        %mul3A_410 = arith.constant 8.000000e+00 : f32
        %mul3A_411 = vector.broadcast %mul3A_410 : f32 to vector<16xf32>
        %mul3A_412 = arith.mulf %mul3A_409, %mul3A_411 : vector<16xf32>
        %broadcast_in_dim3A_413 = arith.constant 0 : i32
        %broadcast_in_dim3A_414 = vector.broadcast %broadcast_in_dim3A_413 : i32 to vector<16x1xi32>
        %gather3A = vector.shape_cast %broadcast_in_dim3A_414 : vector<16x1xi32> to vector<16xi32>
        %gather3A_415 = tpu.dynamic_gather %mul3A_412[%gather3A] in [0] : vector<16xf32>, vector<16xi32> -> vector<16xf32>
        %mul3A_416 = arith.mulf %get3A_263, %gather3A_415 : vector<16xf32>
        %swap3A = arith.index_cast %add3A_261 : i32 to index
        %swap3A_417 = arith.constant 0 : index
        %swap3A_418 = tpu.vector_load %arg6[%swap3A, %swap3A_417] {strides = array<i32>} : memref<256x64xf32, #tpu.memory_space<vmem>>, vector<16xf32>,
        tpu.vector_store %arg6[%swap3A, %swap3A_417], %mul3A_416 {strides = array<i32>} : memref<256x64xf32, #tpu.memory_space<vmem>>, vector<16xf32>,
        %mul3A_419 = arith.mulf %get3A_266, %gather3A_415 : vector<16xf32>
        %swap3A_420 = arith.index_cast %add3A_261 : i32 to index
        %swap3A_421 = arith.constant 16 : index
        %swap3A_422 = tpu.vector_load %arg6[%swap3A_420, %swap3A_421] {strides = array<i32>} : memref<256x64xf32, #tpu.memory_space<vmem>>, vector<16xf32>,
        tpu.vector_store %arg6[%swap3A_420, %swap3A_421], %mul3A_419 {strides = array<i32>} : memref<256x64xf32, #tpu.memory_space<vmem>>, vector<16xf32>,
        %mul3A_423 = arith.mulf %get3A_269, %gather3A_415 : vector<16xf32>
        %swap3A_424 = arith.index_cast %add3A_261 : i32 to index
        %swap3A_425 = arith.constant 32 : index
        %swap3A_426 = tpu.vector_load %arg6[%swap3A_424, %swap3A_425] {strides = array<i32>} : memref<256x64xf32, #tpu.memory_space<vmem>>, vector<16xf32>,
        tpu.vector_store %arg6[%swap3A_424, %swap3A_425], %mul3A_423 {strides = array<i32>} : memref<256x64xf32, #tpu.memory_space<vmem>>, vector<16xf32>,
        %mul3A_427 = arith.mulf %get3A_272, %gather3A_415 : vector<16xf32>
        %swap3A_428 = arith.index_cast %add3A_261 : i32 to index
        %swap3A_429 = arith.constant 48 : index
        %swap3A_430 = tpu.vector_load %arg6[%swap3A_428, %swap3A_429] {strides = array<i32>} : memref<256x64xf32, #tpu.memory_space<vmem>>, vector<16xf32>,
        tpu.vector_store %arg6[%swap3A_428, %swap3A_429], %mul3A_427 {strides = array<i32>} : memref<256x64xf32, #tpu.memory_space<vmem>>, vector<16xf32>,
        %broadcast_in_dim3A_431 = arith.constant 1 : i32
        %broadcast_in_dim3A_432 = vector.broadcast %broadcast_in_dim3A_431 : i32 to vector<16x1xi32>
        %gather3A_433 = vector.shape_cast %broadcast_in_dim3A_432 : vector<16x1xi32> to vector<16xi32>
        %gather3A_434 = tpu.dynamic_gather %mul3A_412[%gather3A_433] in [0] : vector<16xf32>, vector<16xi32> -> vector<16xf32>
        %mul3A_435 = arith.mulf %get3A_290, %gather3A_434 : vector<16xf32>
        %swap3A_436 = arith.index_cast %add3A_287 : i32 to index
        %swap3A_437 = arith.constant 0 : index
        %swap3A_438 = tpu.vector_load %arg6[%swap3A_436, %swap3A_437] {strides = array<i32>} : memref<256x64xf32, #tpu.memory_space<vmem>>, vector<16xf32>,
        tpu.vector_store %arg6[%swap3A_436, %swap3A_437], %mul3A_435 {strides = array<i32>} : memref<256x64xf32, #tpu.memory_space<vmem>>, vector<16xf32>,
        %mul3A_439 = arith.mulf %get3A_293, %gather3A_434 : vector<16xf32>
        %swap3A_440 = arith.index_cast %add3A_287 : i32 to index
        %swap3A_441 = arith.constant 16 : index
        %swap3A_442 = tpu.vector_load %arg6[%swap3A_440, %swap3A_441] {strides = array<i32>} : memref<256x64xf32, #tpu.memory_space<vmem>>, vector<16xf32>,
        tpu.vector_store %arg6[%swap3A_440, %swap3A_441], %mul3A_439 {strides = array<i32>} : memref<256x64xf32, #tpu.memory_space<vmem>>, vector<16xf32>,
        %mul3A_443 = arith.mulf %get3A_296, %gather3A_434 : vector<16xf32>
        %swap3A_444 = arith.index_cast %add3A_287 : i32 to index
        %swap3A_445 = arith.constant 32 : index
        %swap3A_446 = tpu.vector_load %arg6[%swap3A_444, %swap3A_445] {strides = array<i32>} : memref<256x64xf32, #tpu.memory_space<vmem>>, vector<16xf32>,
        tpu.vector_store %arg6[%swap3A_444, %swap3A_445], %mul3A_443 {strides = array<i32>} : memref<256x64xf32, #tpu.memory_space<vmem>>, vector<16xf32>,
        %mul3A_447 = arith.mulf %get3A_299, %gather3A_434 : vector<16xf32>
        %swap3A_448 = arith.index_cast %add3A_287 : i32 to index
        %swap3A_449 = arith.constant 48 : index
        %swap3A_450 = tpu.vector_load %arg6[%swap3A_448, %swap3A_449] {strides = array<i32>} : memref<256x64xf32, #tpu.memory_space<vmem>>, vector<16xf32>,
        tpu.vector_store %arg6[%swap3A_448, %swap3A_449], %mul3A_447 {strides = array<i32>} : memref<256x64xf32, #tpu.memory_space<vmem>>, vector<16xf32>,
        %broadcast_in_dim3A_451 = arith.constant 2 : i32
        %broadcast_in_dim3A_452 = vector.broadcast %broadcast_in_dim3A_451 : i32 to vector<16x1xi32>
        %gather3A_453 = vector.shape_cast %broadcast_in_dim3A_452 : vector<16x1xi32> to vector<16xi32>
        %gather3A_454 = tpu.dynamic_gather %mul3A_412[%gather3A_453] in [0] : vector<16xf32>, vector<16xi32> -> vector<16xf32>
        %mul3A_455 = arith.mulf %get3A_320, %gather3A_454 : vector<16xf32>
        %swap3A_456 = arith.index_cast %add3A_317 : i32 to index
        %swap3A_457 = arith.constant 0 : index
        %swap3A_458 = tpu.vector_load %arg6[%swap3A_456, %swap3A_457] {strides = array<i32>} : memref<256x64xf32, #tpu.memory_space<vmem>>, vector<16xf32>,
        tpu.vector_store %arg6[%swap3A_456, %swap3A_457], %mul3A_455 {strides = array<i32>} : memref<256x64xf32, #tpu.memory_space<vmem>>, vector<16xf32>,
        %mul3A_459 = arith.mulf %get3A_323, %gather3A_454 : vector<16xf32>
        %swap3A_460 = arith.index_cast %add3A_317 : i32 to index
        %swap3A_461 = arith.constant 16 : index
        %swap3A_462 = tpu.vector_load %arg6[%swap3A_460, %swap3A_461] {strides = array<i32>} : memref<256x64xf32, #tpu.memory_space<vmem>>, vector<16xf32>,
        tpu.vector_store %arg6[%swap3A_460, %swap3A_461], %mul3A_459 {strides = array<i32>} : memref<256x64xf32, #tpu.memory_space<vmem>>, vector<16xf32>,
        %mul3A_463 = arith.mulf %get3A_326, %gather3A_454 : vector<16xf32>
        %swap3A_464 = arith.index_cast %add3A_317 : i32 to index
        %swap3A_465 = arith.constant 32 : index
        %swap3A_466 = tpu.vector_load %arg6[%swap3A_464, %swap3A_465] {strides = array<i32>} : memref<256x64xf32, #tpu.memory_space<vmem>>, vector<16xf32>,
        tpu.vector_store %arg6[%swap3A_464, %swap3A_465], %mul3A_463 {strides = array<i32>} : memref<256x64xf32, #tpu.memory_space<vmem>>, vector<16xf32>,
        %mul3A_467 = arith.mulf %get3A_329, %gather3A_454 : vector<16xf32>
        %swap3A_468 = arith.index_cast %add3A_317 : i32 to index
        %swap3A_469 = arith.constant 48 : index
        %swap3A_470 = tpu.vector_load %arg6[%swap3A_468, %swap3A_469] {strides = array<i32>} : memref<256x64xf32, #tpu.memory_space<vmem>>, vector<16xf32>,
        tpu.vector_store %arg6[%swap3A_468, %swap3A_469], %mul3A_467 {strides = array<i32>} : memref<256x64xf32, #tpu.memory_space<vmem>>, vector<16xf32>,
        %broadcast_in_dim3A_471 = arith.constant 3 : i32
        %broadcast_in_dim3A_472 = vector.broadcast %broadcast_in_dim3A_471 : i32 to vector<16x1xi32>
        %gather3A_473 = vector.shape_cast %broadcast_in_dim3A_472 : vector<16x1xi32> to vector<16xi32>
        %gather3A_474 = tpu.dynamic_gather %mul3A_412[%gather3A_473] in [0] : vector<16xf32>, vector<16xi32> -> vector<16xf32>
        %mul3A_475 = arith.mulf %get3A_350, %gather3A_474 : vector<16xf32>
        %swap3A_476 = arith.index_cast %add3A_347 : i32 to index
        %swap3A_477 = arith.constant 0 : index
        %swap3A_478 = tpu.vector_load %arg6[%swap3A_476, %swap3A_477] {strides = array<i32>} : memref<256x64xf32, #tpu.memory_space<vmem>>, vector<16xf32>,
        tpu.vector_store %arg6[%swap3A_476, %swap3A_477], %mul3A_475 {strides = array<i32>} : memref<256x64xf32, #tpu.memory_space<vmem>>, vector<16xf32>,
        %mul3A_479 = arith.mulf %get3A_353, %gather3A_474 : vector<16xf32>
        %swap3A_480 = arith.index_cast %add3A_347 : i32 to index
        %swap3A_481 = arith.constant 16 : index
        %swap3A_482 = tpu.vector_load %arg6[%swap3A_480, %swap3A_481] {strides = array<i32>} : memref<256x64xf32, #tpu.memory_space<vmem>>, vector<16xf32>,
        tpu.vector_store %arg6[%swap3A_480, %swap3A_481], %mul3A_479 {strides = array<i32>} : memref<256x64xf32, #tpu.memory_space<vmem>>, vector<16xf32>,
        %mul3A_483 = arith.mulf %get3A_356, %gather3A_474 : vector<16xf32>
        %swap3A_484 = arith.index_cast %add3A_347 : i32 to index
        %swap3A_485 = arith.constant 32 : index
        %swap3A_486 = tpu.vector_load %arg6[%swap3A_484, %swap3A_485] {strides = array<i32>} : memref<256x64xf32, #tpu.memory_space<vmem>>, vector<16xf32>,
        tpu.vector_store %arg6[%swap3A_484, %swap3A_485], %mul3A_483 {strides = array<i32>} : memref<256x64xf32, #tpu.memory_space<vmem>>, vector<16xf32>,
        %mul3A_487 = arith.mulf %get3A_359, %gather3A_474 : vector<16xf32>
        %swap3A_488 = arith.index_cast %add3A_347 : i32 to index
        %swap3A_489 = arith.constant 48 : index
        %swap3A_490 = tpu.vector_load %arg6[%swap3A_488, %swap3A_489] {strides = array<i32>} : memref<256x64xf32, #tpu.memory_space<vmem>>, vector<16xf32>,
        tpu.vector_store %arg6[%swap3A_488, %swap3A_489], %mul3A_487 {strides = array<i32>} : memref<256x64xf32, #tpu.memory_space<vmem>>, vector<16xf32>,
        %add3A_491 = arith.constant 4 : i32
        %add3A_492 = arith.addi %mul3A_256, %add3A_491 : i32
        %broadcast_in_dim3A_493 = arith.constant 1.000000e+00 : f32
        %broadcast_in_dim3A_494 = vector.broadcast %broadcast_in_dim3A_493 : f32 to vector<16xf32>
        %add3A_495 = arith.constant 0 : i32
        %add3A_496 = arith.addi %add3A_492, %add3A_495 : i32
        %get3A_497 = arith.index_cast %add3A_496 : i32 to index
        %get3A_498 = arith.constant 0 : index
        %get3A_499 = tpu.vector_load %arg6[%get3A_497, %get3A_498] {strides = array<i32>} : memref<256x64xf32, #tpu.memory_space<vmem>>, vector<16xf32>,
        %get3A_500 = arith.index_cast %add3A_496 : i32 to index
        %get3A_501 = arith.constant 16 : index
        %get3A_502 = tpu.vector_load %arg6[%get3A_500, %get3A_501] {strides = array<i32>} : memref<256x64xf32, #tpu.memory_space<vmem>>, vector<16xf32>,
        %get3A_503 = arith.index_cast %add3A_496 : i32 to index
        %get3A_504 = arith.constant 32 : index
        %get3A_505 = tpu.vector_load %arg6[%get3A_503, %get3A_504] {strides = array<i32>} : memref<256x64xf32, #tpu.memory_space<vmem>>, vector<16xf32>,
        %get3A_506 = arith.index_cast %add3A_496 : i32 to index
        %get3A_507 = arith.constant 48 : index
        %get3A_508 = tpu.vector_load %arg6[%get3A_506, %get3A_507] {strides = array<i32>} : memref<256x64xf32, #tpu.memory_space<vmem>>, vector<16xf32>,
        %mul3A_509 = arith.mulf %get3A_499, %get3A_499 : vector<16xf32>
        %mul3A_510 = arith.mulf %get3A_502, %get3A_502 : vector<16xf32>
        %add3A_511 = arith.addf %mul3A_509, %mul3A_510 : vector<16xf32>
        %mul3A_512 = arith.mulf %get3A_505, %get3A_505 : vector<16xf32>
        %mul3A_513 = arith.mulf %get3A_508, %get3A_508 : vector<16xf32>
        %add3A_514 = arith.addf %mul3A_512, %mul3A_513 : vector<16xf32>
        %add3A_515 = arith.addf %add3A_511, %add3A_514 : vector<16xf32>
        %reduce_sum3A_516 = arith.constant true
        %reduce_sum3A_517 = vector.broadcast %reduce_sum3A_516 : i1 to vector<16xi1>
        %reduce_sum3A_518 = tpu.scan <sum>, %add3A_515 masked %reduce_sum3A_517 : vector<16xf32>, vector<16xi1> -> vector<16xf32>
        %reduce_sum3A_519 = vector.extract %reduce_sum3A_518[15] : f32 from vector<16xf32>
        %eq3A_520 = arith.constant 0 : i32
        %eq3A_521 = vector.broadcast %eq3A_520 : i32 to vector<16xi32>
        %eq3A_522 = arith.cmpi eq, %iota3A, %eq3A_521 : vector<16xi32>
        %broadcast_in_dim3A_523 = vector.broadcast %reduce_sum3A_519 : f32 to vector<16xf32>
        %select_n3A_524 = arith.select %eq3A_522, %broadcast_in_dim3A_523, %broadcast_in_dim3A_494 : vector<16xi1>, vector<16xf32>
        %add3A_525 = arith.constant 1 : i32
        %add3A_526 = arith.addi %add3A_492, %add3A_525 : i32
        %get3A_527 = arith.index_cast %add3A_526 : i32 to index
        %get3A_528 = arith.constant 0 : index
        %get3A_529 = tpu.vector_load %arg6[%get3A_527, %get3A_528] {strides = array<i32>} : memref<256x64xf32, #tpu.memory_space<vmem>>, vector<16xf32>,
        %get3A_530 = arith.index_cast %add3A_526 : i32 to index
        %get3A_531 = arith.constant 16 : index
        %get3A_532 = tpu.vector_load %arg6[%get3A_530, %get3A_531] {strides = array<i32>} : memref<256x64xf32, #tpu.memory_space<vmem>>, vector<16xf32>,
        %get3A_533 = arith.index_cast %add3A_526 : i32 to index
        %get3A_534 = arith.constant 32 : index
        %get3A_535 = tpu.vector_load %arg6[%get3A_533, %get3A_534] {strides = array<i32>} : memref<256x64xf32, #tpu.memory_space<vmem>>, vector<16xf32>,
        %get3A_536 = arith.index_cast %add3A_526 : i32 to index
        %get3A_537 = arith.constant 48 : index
        %get3A_538 = tpu.vector_load %arg6[%get3A_536, %get3A_537] {strides = array<i32>} : memref<256x64xf32, #tpu.memory_space<vmem>>, vector<16xf32>,
        %mul3A_539 = arith.mulf %get3A_529, %get3A_529 : vector<16xf32>
        %mul3A_540 = arith.mulf %get3A_532, %get3A_532 : vector<16xf32>
        %add3A_541 = arith.addf %mul3A_539, %mul3A_540 : vector<16xf32>
        %mul3A_542 = arith.mulf %get3A_535, %get3A_535 : vector<16xf32>
        %mul3A_543 = arith.mulf %get3A_538, %get3A_538 : vector<16xf32>
        %add3A_544 = arith.addf %mul3A_542, %mul3A_543 : vector<16xf32>
        %add3A_545 = arith.addf %add3A_541, %add3A_544 : vector<16xf32>
        %reduce_sum3A_546 = arith.constant true
        %reduce_sum3A_547 = vector.broadcast %reduce_sum3A_546 : i1 to vector<16xi1>
        %reduce_sum3A_548 = tpu.scan <sum>, %add3A_545 masked %reduce_sum3A_547 : vector<16xf32>, vector<16xi1> -> vector<16xf32>
        %reduce_sum3A_549 = vector.extract %reduce_sum3A_548[15] : f32 from vector<16xf32>
        %eq3A_550 = arith.constant 1 : i32
        %eq3A_551 = vector.broadcast %eq3A_550 : i32 to vector<16xi32>
        %eq3A_552 = arith.cmpi eq, %iota3A, %eq3A_551 : vector<16xi32>
        %broadcast_in_dim3A_553 = vector.broadcast %reduce_sum3A_549 : f32 to vector<16xf32>
        %select_n3A_554 = arith.select %eq3A_552, %broadcast_in_dim3A_553, %select_n3A_524 : vector<16xi1>, vector<16xf32>
        %add3A_555 = arith.constant 2 : i32
        %add3A_556 = arith.addi %add3A_492, %add3A_555 : i32
        %get3A_557 = arith.index_cast %add3A_556 : i32 to index
        %get3A_558 = arith.constant 0 : index
        %get3A_559 = tpu.vector_load %arg6[%get3A_557, %get3A_558] {strides = array<i32>} : memref<256x64xf32, #tpu.memory_space<vmem>>, vector<16xf32>,
        %get3A_560 = arith.index_cast %add3A_556 : i32 to index
        %get3A_561 = arith.constant 16 : index
        %get3A_562 = tpu.vector_load %arg6[%get3A_560, %get3A_561] {strides = array<i32>} : memref<256x64xf32, #tpu.memory_space<vmem>>, vector<16xf32>,
        %get3A_563 = arith.index_cast %add3A_556 : i32 to index
        %get3A_564 = arith.constant 32 : index
        %get3A_565 = tpu.vector_load %arg6[%get3A_563, %get3A_564] {strides = array<i32>} : memref<256x64xf32, #tpu.memory_space<vmem>>, vector<16xf32>,
        %get3A_566 = arith.index_cast %add3A_556 : i32 to index
        %get3A_567 = arith.constant 48 : index
        %get3A_568 = tpu.vector_load %arg6[%get3A_566, %get3A_567] {strides = array<i32>} : memref<256x64xf32, #tpu.memory_space<vmem>>, vector<16xf32>,
        %mul3A_569 = arith.mulf %get3A_559, %get3A_559 : vector<16xf32>
        %mul3A_570 = arith.mulf %get3A_562, %get3A_562 : vector<16xf32>
        %add3A_571 = arith.addf %mul3A_569, %mul3A_570 : vector<16xf32>
        %mul3A_572 = arith.mulf %get3A_565, %get3A_565 : vector<16xf32>
        %mul3A_573 = arith.mulf %get3A_568, %get3A_568 : vector<16xf32>
        %add3A_574 = arith.addf %mul3A_572, %mul3A_573 : vector<16xf32>
        %add3A_575 = arith.addf %add3A_571, %add3A_574 : vector<16xf32>
        %reduce_sum3A_576 = arith.constant true
        %reduce_sum3A_577 = vector.broadcast %reduce_sum3A_576 : i1 to vector<16xi1>
        %reduce_sum3A_578 = tpu.scan <sum>, %add3A_575 masked %reduce_sum3A_577 : vector<16xf32>, vector<16xi1> -> vector<16xf32>
        %reduce_sum3A_579 = vector.extract %reduce_sum3A_578[15] : f32 from vector<16xf32>
        %eq3A_580 = arith.constant 2 : i32
        %eq3A_581 = vector.broadcast %eq3A_580 : i32 to vector<16xi32>
        %eq3A_582 = arith.cmpi eq, %iota3A, %eq3A_581 : vector<16xi32>
        %broadcast_in_dim3A_583 = vector.broadcast %reduce_sum3A_579 : f32 to vector<16xf32>
        %select_n3A_584 = arith.select %eq3A_582, %broadcast_in_dim3A_583, %select_n3A_554 : vector<16xi1>, vector<16xf32>
        %add3A_585 = arith.constant 3 : i32
        %add3A_586 = arith.addi %add3A_492, %add3A_585 : i32
        %get3A_587 = arith.index_cast %add3A_586 : i32 to index
        %get3A_588 = arith.constant 0 : index
        %get3A_589 = tpu.vector_load %arg6[%get3A_587, %get3A_588] {strides = array<i32>} : memref<256x64xf32, #tpu.memory_space<vmem>>, vector<16xf32>,
        %get3A_590 = arith.index_cast %add3A_586 : i32 to index
        %get3A_591 = arith.constant 16 : index
        %get3A_592 = tpu.vector_load %arg6[%get3A_590, %get3A_591] {strides = array<i32>} : memref<256x64xf32, #tpu.memory_space<vmem>>, vector<16xf32>,
        %get3A_593 = arith.index_cast %add3A_586 : i32 to index
        %get3A_594 = arith.constant 32 : index
        %get3A_595 = tpu.vector_load %arg6[%get3A_593, %get3A_594] {strides = array<i32>} : memref<256x64xf32, #tpu.memory_space<vmem>>, vector<16xf32>,
        %get3A_596 = arith.index_cast %add3A_586 : i32 to index
        %get3A_597 = arith.constant 48 : index
        %get3A_598 = tpu.vector_load %arg6[%get3A_596, %get3A_597] {strides = array<i32>} : memref<256x64xf32, #tpu.memory_space<vmem>>, vector<16xf32>,
        %mul3A_599 = arith.mulf %get3A_589, %get3A_589 : vector<16xf32>
        %mul3A_600 = arith.mulf %get3A_592, %get3A_592 : vector<16xf32>
        %add3A_601 = arith.addf %mul3A_599, %mul3A_600 : vector<16xf32>
        %mul3A_602 = arith.mulf %get3A_595, %get3A_595 : vector<16xf32>
        %mul3A_603 = arith.mulf %get3A_598, %get3A_598 : vector<16xf32>
        %add3A_604 = arith.addf %mul3A_602, %mul3A_603 : vector<16xf32>
        %add3A_605 = arith.addf %add3A_601, %add3A_604 : vector<16xf32>
        %reduce_sum3A_606 = arith.constant true
        %reduce_sum3A_607 = vector.broadcast %reduce_sum3A_606 : i1 to vector<16xi1>
        %reduce_sum3A_608 = tpu.scan <sum>, %add3A_605 masked %reduce_sum3A_607 : vector<16xf32>, vector<16xi1> -> vector<16xf32>
        %reduce_sum3A_609 = vector.extract %reduce_sum3A_608[15] : f32 from vector<16xf32>
        %eq3A_610 = arith.constant 3 : i32
        %eq3A_611 = vector.broadcast %eq3A_610 : i32 to vector<16xi32>
        %eq3A_612 = arith.cmpi eq, %iota3A, %eq3A_611 : vector<16xi32>
        %broadcast_in_dim3A_613 = vector.broadcast %reduce_sum3A_609 : f32 to vector<16xf32>
        %select_n3A_614 = arith.select %eq3A_612, %broadcast_in_dim3A_613, %select_n3A_584 : vector<16xi1>, vector<16xf32>
        %max3A_615 = arith.constant 1.000000e-24 : f32
        %max3A_616 = vector.broadcast %max3A_615 : f32 to vector<16xf32>
        %max3A_617 = arith.maximumf %select_n3A_614, %max3A_616 : vector<16xf32>
        %bitcast3A_618 = vector.bitcast %max3A_617 : vector<16xf32> to vector<16xi32>
        %broadcast_in_dim3A_619 = arith.constant 1597463007 : i32
        %broadcast_in_dim3A_620 = vector.broadcast %broadcast_in_dim3A_619 : i32 to vector<16xi32>
        %shift_right_arithmetic3A_621 = arith.constant 1 : i32
        %shift_right_arithmetic3A_622 = vector.broadcast %shift_right_arithmetic3A_621 : i32 to vector<16xi32>
        %shift_right_arithmetic3A_623 = arith.shrsi %bitcast3A_618, %shift_right_arithmetic3A_622 : vector<16xi32>
        %sub3A_624 = arith.subi %broadcast_in_dim3A_620, %shift_right_arithmetic3A_623 : vector<16xi32>
        %bitcast3A_625 = vector.bitcast %sub3A_624 : vector<16xi32> to vector<16xf32>
        %mul3A_626 = arith.constant 5.000000e-01 : f32
        %mul3A_627 = vector.broadcast %mul3A_626 : f32 to vector<16xf32>
        %mul3A_628 = arith.mulf %mul3A_627, %max3A_617 : vector<16xf32>
        %mul3A_629 = arith.mulf %mul3A_628, %bitcast3A_625 : vector<16xf32>
        %mul3A_630 = arith.mulf %mul3A_629, %bitcast3A_625 : vector<16xf32>
        %sub3A_631 = arith.constant 1.500000e+00 : f32
        %sub3A_632 = vector.broadcast %sub3A_631 : f32 to vector<16xf32>
        %sub3A_633 = arith.subf %sub3A_632, %mul3A_630 : vector<16xf32>
        %mul3A_634 = arith.mulf %bitcast3A_625, %sub3A_633 : vector<16xf32>
        %mul3A_635 = arith.constant 5.000000e-01 : f32
        %mul3A_636 = vector.broadcast %mul3A_635 : f32 to vector<16xf32>
        %mul3A_637 = arith.mulf %mul3A_636, %max3A_617 : vector<16xf32>
        %mul3A_638 = arith.mulf %mul3A_637, %mul3A_634 : vector<16xf32>
        %mul3A_639 = arith.mulf %mul3A_638, %mul3A_634 : vector<16xf32>
        %sub3A_640 = arith.constant 1.500000e+00 : f32
        %sub3A_641 = vector.broadcast %sub3A_640 : f32 to vector<16xf32>
        %sub3A_642 = arith.subf %sub3A_641, %mul3A_639 : vector<16xf32>
        %mul3A_643 = arith.mulf %mul3A_634, %sub3A_642 : vector<16xf32>
        %mul3A_644 = arith.constant 5.000000e-01 : f32
        %mul3A_645 = vector.broadcast %mul3A_644 : f32 to vector<16xf32>
        %mul3A_646 = arith.mulf %mul3A_645, %max3A_617 : vector<16xf32>
        %mul3A_647 = arith.mulf %mul3A_646, %mul3A_643 : vector<16xf32>
        %mul3A_648 = arith.mulf %mul3A_647, %mul3A_643 : vector<16xf32>
        %sub3A_649 = arith.constant 1.500000e+00 : f32
        %sub3A_650 = vector.broadcast %sub3A_649 : f32 to vector<16xf32>
        %sub3A_651 = arith.subf %sub3A_650, %mul3A_648 : vector<16xf32>
        %mul3A_652 = arith.mulf %mul3A_643, %sub3A_651 : vector<16xf32>
        %mul3A_653 = arith.constant 8.000000e+00 : f32
        %mul3A_654 = vector.broadcast %mul3A_653 : f32 to vector<16xf32>
        %mul3A_655 = arith.mulf %mul3A_652, %mul3A_654 : vector<16xf32>
        %broadcast_in_dim3A_656 = arith.constant 0 : i32
        %broadcast_in_dim3A_657 = vector.broadcast %broadcast_in_dim3A_656 : i32 to vector<16x1xi32>
        %gather3A_658 = vector.shape_cast %broadcast_in_dim3A_657 : vector<16x1xi32> to vector<16xi32>
        %gather3A_659 = tpu.dynamic_gather %mul3A_655[%gather3A_658] in [0] : vector<16xf32>, vector<16xi32> -> vector<16xf32>
        %mul3A_660 = arith.mulf %get3A_499, %gather3A_659 : vector<16xf32>
        %swap3A_661 = arith.index_cast %add3A_496 : i32 to index
        %swap3A_662 = arith.constant 0 : index
        %swap3A_663 = tpu.vector_load %arg6[%swap3A_661, %swap3A_662] {strides = array<i32>} : memref<256x64xf32, #tpu.memory_space<vmem>>, vector<16xf32>,
        tpu.vector_store %arg6[%swap3A_661, %swap3A_662], %mul3A_660 {strides = array<i32>} : memref<256x64xf32, #tpu.memory_space<vmem>>, vector<16xf32>,
        %mul3A_664 = arith.mulf %get3A_502, %gather3A_659 : vector<16xf32>
        %swap3A_665 = arith.index_cast %add3A_496 : i32 to index
        %swap3A_666 = arith.constant 16 : index
        %swap3A_667 = tpu.vector_load %arg6[%swap3A_665, %swap3A_666] {strides = array<i32>} : memref<256x64xf32, #tpu.memory_space<vmem>>, vector<16xf32>,
        tpu.vector_store %arg6[%swap3A_665, %swap3A_666], %mul3A_664 {strides = array<i32>} : memref<256x64xf32, #tpu.memory_space<vmem>>, vector<16xf32>,
        %mul3A_668 = arith.mulf %get3A_505, %gather3A_659 : vector<16xf32>
        %swap3A_669 = arith.index_cast %add3A_496 : i32 to index
        %swap3A_670 = arith.constant 32 : index
        %swap3A_671 = tpu.vector_load %arg6[%swap3A_669, %swap3A_670] {strides = array<i32>} : memref<256x64xf32, #tpu.memory_space<vmem>>, vector<16xf32>,
        tpu.vector_store %arg6[%swap3A_669, %swap3A_670], %mul3A_668 {strides = array<i32>} : memref<256x64xf32, #tpu.memory_space<vmem>>, vector<16xf32>,
        %mul3A_672 = arith.mulf %get3A_508, %gather3A_659 : vector<16xf32>
        %swap3A_673 = arith.index_cast %add3A_496 : i32 to index
        %swap3A_674 = arith.constant 48 : index
        %swap3A_675 = tpu.vector_load %arg6[%swap3A_673, %swap3A_674] {strides = array<i32>} : memref<256x64xf32, #tpu.memory_space<vmem>>, vector<16xf32>,
        tpu.vector_store %arg6[%swap3A_673, %swap3A_674], %mul3A_672 {strides = array<i32>} : memref<256x64xf32, #tpu.memory_space<vmem>>, vector<16xf32>,
        %broadcast_in_dim3A_676 = arith.constant 1 : i32
        %broadcast_in_dim3A_677 = vector.broadcast %broadcast_in_dim3A_676 : i32 to vector<16x1xi32>
        %gather3A_678 = vector.shape_cast %broadcast_in_dim3A_677 : vector<16x1xi32> to vector<16xi32>
        %gather3A_679 = tpu.dynamic_gather %mul3A_655[%gather3A_678] in [0] : vector<16xf32>, vector<16xi32> -> vector<16xf32>
        %mul3A_680 = arith.mulf %get3A_529, %gather3A_679 : vector<16xf32>
        %swap3A_681 = arith.index_cast %add3A_526 : i32 to index
        %swap3A_682 = arith.constant 0 : index
        %swap3A_683 = tpu.vector_load %arg6[%swap3A_681, %swap3A_682] {strides = array<i32>} : memref<256x64xf32, #tpu.memory_space<vmem>>, vector<16xf32>,
        tpu.vector_store %arg6[%swap3A_681, %swap3A_682], %mul3A_680 {strides = array<i32>} : memref<256x64xf32, #tpu.memory_space<vmem>>, vector<16xf32>,
        %mul3A_684 = arith.mulf %get3A_532, %gather3A_679 : vector<16xf32>
        %swap3A_685 = arith.index_cast %add3A_526 : i32 to index
        %swap3A_686 = arith.constant 16 : index
        %swap3A_687 = tpu.vector_load %arg6[%swap3A_685, %swap3A_686] {strides = array<i32>} : memref<256x64xf32, #tpu.memory_space<vmem>>, vector<16xf32>,
        tpu.vector_store %arg6[%swap3A_685, %swap3A_686], %mul3A_684 {strides = array<i32>} : memref<256x64xf32, #tpu.memory_space<vmem>>, vector<16xf32>,
        %mul3A_688 = arith.mulf %get3A_535, %gather3A_679 : vector<16xf32>
        %swap3A_689 = arith.index_cast %add3A_526 : i32 to index
        %swap3A_690 = arith.constant 32 : index
        %swap3A_691 = tpu.vector_load %arg6[%swap3A_689, %swap3A_690] {strides = array<i32>} : memref<256x64xf32, #tpu.memory_space<vmem>>, vector<16xf32>,
        tpu.vector_store %arg6[%swap3A_689, %swap3A_690], %mul3A_688 {strides = array<i32>} : memref<256x64xf32, #tpu.memory_space<vmem>>, vector<16xf32>,
        %mul3A_692 = arith.mulf %get3A_538, %gather3A_679 : vector<16xf32>
        %swap3A_693 = arith.index_cast %add3A_526 : i32 to index
        %swap3A_694 = arith.constant 48 : index
        %swap3A_695 = tpu.vector_load %arg6[%swap3A_693, %swap3A_694] {strides = array<i32>} : memref<256x64xf32, #tpu.memory_space<vmem>>, vector<16xf32>,
        tpu.vector_store %arg6[%swap3A_693, %swap3A_694], %mul3A_692 {strides = array<i32>} : memref<256x64xf32, #tpu.memory_space<vmem>>, vector<16xf32>,
        %broadcast_in_dim3A_696 = arith.constant 2 : i32
        %broadcast_in_dim3A_697 = vector.broadcast %broadcast_in_dim3A_696 : i32 to vector<16x1xi32>
        %gather3A_698 = vector.shape_cast %broadcast_in_dim3A_697 : vector<16x1xi32> to vector<16xi32>
        %gather3A_699 = tpu.dynamic_gather %mul3A_655[%gather3A_698] in [0] : vector<16xf32>, vector<16xi32> -> vector<16xf32>
        %mul3A_700 = arith.mulf %get3A_559, %gather3A_699 : vector<16xf32>
        %swap3A_701 = arith.index_cast %add3A_556 : i32 to index
        %swap3A_702 = arith.constant 0 : index
        %swap3A_703 = tpu.vector_load %arg6[%swap3A_701, %swap3A_702] {strides = array<i32>} : memref<256x64xf32, #tpu.memory_space<vmem>>, vector<16xf32>,
        tpu.vector_store %arg6[%swap3A_701, %swap3A_702], %mul3A_700 {strides = array<i32>} : memref<256x64xf32, #tpu.memory_space<vmem>>, vector<16xf32>,
        %mul3A_704 = arith.mulf %get3A_562, %gather3A_699 : vector<16xf32>
        %swap3A_705 = arith.index_cast %add3A_556 : i32 to index
        %swap3A_706 = arith.constant 16 : index
        %swap3A_707 = tpu.vector_load %arg6[%swap3A_705, %swap3A_706] {strides = array<i32>} : memref<256x64xf32, #tpu.memory_space<vmem>>, vector<16xf32>,
        tpu.vector_store %arg6[%swap3A_705, %swap3A_706], %mul3A_704 {strides = array<i32>} : memref<256x64xf32, #tpu.memory_space<vmem>>, vector<16xf32>,
        %mul3A_708 = arith.mulf %get3A_565, %gather3A_699 : vector<16xf32>
        %swap3A_709 = arith.index_cast %add3A_556 : i32 to index
        %swap3A_710 = arith.constant 32 : index
        %swap3A_711 = tpu.vector_load %arg6[%swap3A_709, %swap3A_710] {strides = array<i32>} : memref<256x64xf32, #tpu.memory_space<vmem>>, vector<16xf32>,
        tpu.vector_store %arg6[%swap3A_709, %swap3A_710], %mul3A_708 {strides = array<i32>} : memref<256x64xf32, #tpu.memory_space<vmem>>, vector<16xf32>,
        %mul3A_712 = arith.mulf %get3A_568, %gather3A_699 : vector<16xf32>
        %swap3A_713 = arith.index_cast %add3A_556 : i32 to index
        %swap3A_714 = arith.constant 48 : index
        %swap3A_715 = tpu.vector_load %arg6[%swap3A_713, %swap3A_714] {strides = array<i32>} : memref<256x64xf32, #tpu.memory_space<vmem>>, vector<16xf32>,
        tpu.vector_store %arg6[%swap3A_713, %swap3A_714], %mul3A_712 {strides = array<i32>} : memref<256x64xf32, #tpu.memory_space<vmem>>, vector<16xf32>,
        %broadcast_in_dim3A_716 = arith.constant 3 : i32
        %broadcast_in_dim3A_717 = vector.broadcast %broadcast_in_dim3A_716 : i32 to vector<16x1xi32>
        %gather3A_718 = vector.shape_cast %broadcast_in_dim3A_717 : vector<16x1xi32> to vector<16xi32>
        %gather3A_719 = tpu.dynamic_gather %mul3A_655[%gather3A_718] in [0] : vector<16xf32>, vector<16xi32> -> vector<16xf32>
        %mul3A_720 = arith.mulf %get3A_589, %gather3A_719 : vector<16xf32>
        %swap3A_721 = arith.index_cast %add3A_586 : i32 to index
        %swap3A_722 = arith.constant 0 : index
        %swap3A_723 = tpu.vector_load %arg6[%swap3A_721, %swap3A_722] {strides = array<i32>} : memref<256x64xf32, #tpu.memory_space<vmem>>, vector<16xf32>,
        tpu.vector_store %arg6[%swap3A_721, %swap3A_722], %mul3A_720 {strides = array<i32>} : memref<256x64xf32, #tpu.memory_space<vmem>>, vector<16xf32>,
        %mul3A_724 = arith.mulf %get3A_592, %gather3A_719 : vector<16xf32>
        %swap3A_725 = arith.index_cast %add3A_586 : i32 to index
        %swap3A_726 = arith.constant 16 : index
        %swap3A_727 = tpu.vector_load %arg6[%swap3A_725, %swap3A_726] {strides = array<i32>} : memref<256x64xf32, #tpu.memory_space<vmem>>, vector<16xf32>,
        tpu.vector_store %arg6[%swap3A_725, %swap3A_726], %mul3A_724 {strides = array<i32>} : memref<256x64xf32, #tpu.memory_space<vmem>>, vector<16xf32>,
        %mul3A_728 = arith.mulf %get3A_595, %gather3A_719 : vector<16xf32>
        %swap3A_729 = arith.index_cast %add3A_586 : i32 to index
        %swap3A_730 = arith.constant 32 : index
        %swap3A_731 = tpu.vector_load %arg6[%swap3A_729, %swap3A_730] {strides = array<i32>} : memref<256x64xf32, #tpu.memory_space<vmem>>, vector<16xf32>,
        tpu.vector_store %arg6[%swap3A_729, %swap3A_730], %mul3A_728 {strides = array<i32>} : memref<256x64xf32, #tpu.memory_space<vmem>>, vector<16xf32>,
        %mul3A_732 = arith.mulf %get3A_598, %gather3A_719 : vector<16xf32>
        %swap3A_733 = arith.index_cast %add3A_586 : i32 to index
        %swap3A_734 = arith.constant 48 : index
        %swap3A_735 = tpu.vector_load %arg6[%swap3A_733, %swap3A_734] {strides = array<i32>} : memref<256x64xf32, #tpu.memory_space<vmem>>, vector<16xf32>,
        tpu.vector_store %arg6[%swap3A_733, %swap3A_734], %mul3A_732 {strides = array<i32>} : memref<256x64xf32, #tpu.memory_space<vmem>>, vector<16xf32>,
        %add3A_736 = arith.constant 8 : i32
        %add3A_737 = arith.addi %mul3A_256, %add3A_736 : i32
        %broadcast_in_dim3A_738 = arith.constant 1.000000e+00 : f32
        %broadcast_in_dim3A_739 = vector.broadcast %broadcast_in_dim3A_738 : f32 to vector<16xf32>
        %add3A_740 = arith.constant 0 : i32
        %add3A_741 = arith.addi %add3A_737, %add3A_740 : i32
        %get3A_742 = arith.index_cast %add3A_741 : i32 to index
        %get3A_743 = arith.constant 0 : index
        %get3A_744 = tpu.vector_load %arg6[%get3A_742, %get3A_743] {strides = array<i32>} : memref<256x64xf32, #tpu.memory_space<vmem>>, vector<16xf32>,
        %get3A_745 = arith.index_cast %add3A_741 : i32 to index
        %get3A_746 = arith.constant 16 : index
        %get3A_747 = tpu.vector_load %arg6[%get3A_745, %get3A_746] {strides = array<i32>} : memref<256x64xf32, #tpu.memory_space<vmem>>, vector<16xf32>,
        %get3A_748 = arith.index_cast %add3A_741 : i32 to index
        %get3A_749 = arith.constant 32 : index
        %get3A_750 = tpu.vector_load %arg6[%get3A_748, %get3A_749] {strides = array<i32>} : memref<256x64xf32, #tpu.memory_space<vmem>>, vector<16xf32>,
        %get3A_751 = arith.index_cast %add3A_741 : i32 to index
        %get3A_752 = arith.constant 48 : index
        %get3A_753 = tpu.vector_load %arg6[%get3A_751, %get3A_752] {strides = array<i32>} : memref<256x64xf32, #tpu.memory_space<vmem>>, vector<16xf32>,
        %mul3A_754 = arith.mulf %get3A_744, %get3A_744 : vector<16xf32>
        %mul3A_755 = arith.mulf %get3A_747, %get3A_747 : vector<16xf32>
        %add3A_756 = arith.addf %mul3A_754, %mul3A_755 : vector<16xf32>
        %mul3A_757 = arith.mulf %get3A_750, %get3A_750 : vector<16xf32>
        %mul3A_758 = arith.mulf %get3A_753, %get3A_753 : vector<16xf32>
        %add3A_759 = arith.addf %mul3A_757, %mul3A_758 : vector<16xf32>
        %add3A_760 = arith.addf %add3A_756, %add3A_759 : vector<16xf32>
        %reduce_sum3A_761 = arith.constant true
        %reduce_sum3A_762 = vector.broadcast %reduce_sum3A_761 : i1 to vector<16xi1>
        %reduce_sum3A_763 = tpu.scan <sum>, %add3A_760 masked %reduce_sum3A_762 : vector<16xf32>, vector<16xi1> -> vector<16xf32>
        %reduce_sum3A_764 = vector.extract %reduce_sum3A_763[15] : f32 from vector<16xf32>
        %eq3A_765 = arith.constant 0 : i32
        %eq3A_766 = vector.broadcast %eq3A_765 : i32 to vector<16xi32>
        %eq3A_767 = arith.cmpi eq, %iota3A, %eq3A_766 : vector<16xi32>
        %broadcast_in_dim3A_768 = vector.broadcast %reduce_sum3A_764 : f32 to vector<16xf32>
        %select_n3A_769 = arith.select %eq3A_767, %broadcast_in_dim3A_768, %broadcast_in_dim3A_739 : vector<16xi1>, vector<16xf32>
        %add3A_770 = arith.constant 1 : i32
        %add3A_771 = arith.addi %add3A_737, %add3A_770 : i32
        %get3A_772 = arith.index_cast %add3A_771 : i32 to index
        %get3A_773 = arith.constant 0 : index
        %get3A_774 = tpu.vector_load %arg6[%get3A_772, %get3A_773] {strides = array<i32>} : memref<256x64xf32, #tpu.memory_space<vmem>>, vector<16xf32>,
        %get3A_775 = arith.index_cast %add3A_771 : i32 to index
        %get3A_776 = arith.constant 16 : index
        %get3A_777 = tpu.vector_load %arg6[%get3A_775, %get3A_776] {strides = array<i32>} : memref<256x64xf32, #tpu.memory_space<vmem>>, vector<16xf32>,
        %get3A_778 = arith.index_cast %add3A_771 : i32 to index
        %get3A_779 = arith.constant 32 : index
        %get3A_780 = tpu.vector_load %arg6[%get3A_778, %get3A_779] {strides = array<i32>} : memref<256x64xf32, #tpu.memory_space<vmem>>, vector<16xf32>,
        %get3A_781 = arith.index_cast %add3A_771 : i32 to index
        %get3A_782 = arith.constant 48 : index
        %get3A_783 = tpu.vector_load %arg6[%get3A_781, %get3A_782] {strides = array<i32>} : memref<256x64xf32, #tpu.memory_space<vmem>>, vector<16xf32>,
        %mul3A_784 = arith.mulf %get3A_774, %get3A_774 : vector<16xf32>
        %mul3A_785 = arith.mulf %get3A_777, %get3A_777 : vector<16xf32>
        %add3A_786 = arith.addf %mul3A_784, %mul3A_785 : vector<16xf32>
        %mul3A_787 = arith.mulf %get3A_780, %get3A_780 : vector<16xf32>
        %mul3A_788 = arith.mulf %get3A_783, %get3A_783 : vector<16xf32>
        %add3A_789 = arith.addf %mul3A_787, %mul3A_788 : vector<16xf32>
        %add3A_790 = arith.addf %add3A_786, %add3A_789 : vector<16xf32>
        %reduce_sum3A_791 = arith.constant true
        %reduce_sum3A_792 = vector.broadcast %reduce_sum3A_791 : i1 to vector<16xi1>
        %reduce_sum3A_793 = tpu.scan <sum>, %add3A_790 masked %reduce_sum3A_792 : vector<16xf32>, vector<16xi1> -> vector<16xf32>
        %reduce_sum3A_794 = vector.extract %reduce_sum3A_793[15] : f32 from vector<16xf32>
        %eq3A_795 = arith.constant 1 : i32
        %eq3A_796 = vector.broadcast %eq3A_795 : i32 to vector<16xi32>
        %eq3A_797 = arith.cmpi eq, %iota3A, %eq3A_796 : vector<16xi32>
        %broadcast_in_dim3A_798 = vector.broadcast %reduce_sum3A_794 : f32 to vector<16xf32>
        %select_n3A_799 = arith.select %eq3A_797, %broadcast_in_dim3A_798, %select_n3A_769 : vector<16xi1>, vector<16xf32>
        %add3A_800 = arith.constant 2 : i32
        %add3A_801 = arith.addi %add3A_737, %add3A_800 : i32
        %get3A_802 = arith.index_cast %add3A_801 : i32 to index
        %get3A_803 = arith.constant 0 : index
        %get3A_804 = tpu.vector_load %arg6[%get3A_802, %get3A_803] {strides = array<i32>} : memref<256x64xf32, #tpu.memory_space<vmem>>, vector<16xf32>,
        %get3A_805 = arith.index_cast %add3A_801 : i32 to index
        %get3A_806 = arith.constant 16 : index
        %get3A_807 = tpu.vector_load %arg6[%get3A_805, %get3A_806] {strides = array<i32>} : memref<256x64xf32, #tpu.memory_space<vmem>>, vector<16xf32>,
        %get3A_808 = arith.index_cast %add3A_801 : i32 to index
        %get3A_809 = arith.constant 32 : index
        %get3A_810 = tpu.vector_load %arg6[%get3A_808, %get3A_809] {strides = array<i32>} : memref<256x64xf32, #tpu.memory_space<vmem>>, vector<16xf32>,
        %get3A_811 = arith.index_cast %add3A_801 : i32 to index
        %get3A_812 = arith.constant 48 : index
        %get3A_813 = tpu.vector_load %arg6[%get3A_811, %get3A_812] {strides = array<i32>} : memref<256x64xf32, #tpu.memory_space<vmem>>, vector<16xf32>,
        %mul3A_814 = arith.mulf %get3A_804, %get3A_804 : vector<16xf32>
        %mul3A_815 = arith.mulf %get3A_807, %get3A_807 : vector<16xf32>
        %add3A_816 = arith.addf %mul3A_814, %mul3A_815 : vector<16xf32>
        %mul3A_817 = arith.mulf %get3A_810, %get3A_810 : vector<16xf32>
        %mul3A_818 = arith.mulf %get3A_813, %get3A_813 : vector<16xf32>
        %add3A_819 = arith.addf %mul3A_817, %mul3A_818 : vector<16xf32>
        %add3A_820 = arith.addf %add3A_816, %add3A_819 : vector<16xf32>
        %reduce_sum3A_821 = arith.constant true
        %reduce_sum3A_822 = vector.broadcast %reduce_sum3A_821 : i1 to vector<16xi1>
        %reduce_sum3A_823 = tpu.scan <sum>, %add3A_820 masked %reduce_sum3A_822 : vector<16xf32>, vector<16xi1> -> vector<16xf32>
        %reduce_sum3A_824 = vector.extract %reduce_sum3A_823[15] : f32 from vector<16xf32>
        %eq3A_825 = arith.constant 2 : i32
        %eq3A_826 = vector.broadcast %eq3A_825 : i32 to vector<16xi32>
        %eq3A_827 = arith.cmpi eq, %iota3A, %eq3A_826 : vector<16xi32>
        %broadcast_in_dim3A_828 = vector.broadcast %reduce_sum3A_824 : f32 to vector<16xf32>
        %select_n3A_829 = arith.select %eq3A_827, %broadcast_in_dim3A_828, %select_n3A_799 : vector<16xi1>, vector<16xf32>
        %add3A_830 = arith.constant 3 : i32
        %add3A_831 = arith.addi %add3A_737, %add3A_830 : i32
        %get3A_832 = arith.index_cast %add3A_831 : i32 to index
        %get3A_833 = arith.constant 0 : index
        %get3A_834 = tpu.vector_load %arg6[%get3A_832, %get3A_833] {strides = array<i32>} : memref<256x64xf32, #tpu.memory_space<vmem>>, vector<16xf32>,
        %get3A_835 = arith.index_cast %add3A_831 : i32 to index
        %get3A_836 = arith.constant 16 : index
        %get3A_837 = tpu.vector_load %arg6[%get3A_835, %get3A_836] {strides = array<i32>} : memref<256x64xf32, #tpu.memory_space<vmem>>, vector<16xf32>,
        %get3A_838 = arith.index_cast %add3A_831 : i32 to index
        %get3A_839 = arith.constant 32 : index
        %get3A_840 = tpu.vector_load %arg6[%get3A_838, %get3A_839] {strides = array<i32>} : memref<256x64xf32, #tpu.memory_space<vmem>>, vector<16xf32>,
        %get3A_841 = arith.index_cast %add3A_831 : i32 to index
        %get3A_842 = arith.constant 48 : index
        %get3A_843 = tpu.vector_load %arg6[%get3A_841, %get3A_842] {strides = array<i32>} : memref<256x64xf32, #tpu.memory_space<vmem>>, vector<16xf32>,
        %mul3A_844 = arith.mulf %get3A_834, %get3A_834 : vector<16xf32>
        %mul3A_845 = arith.mulf %get3A_837, %get3A_837 : vector<16xf32>
        %add3A_846 = arith.addf %mul3A_844, %mul3A_845 : vector<16xf32>
        %mul3A_847 = arith.mulf %get3A_840, %get3A_840 : vector<16xf32>
        %mul3A_848 = arith.mulf %get3A_843, %get3A_843 : vector<16xf32>
        %add3A_849 = arith.addf %mul3A_847, %mul3A_848 : vector<16xf32>
        %add3A_850 = arith.addf %add3A_846, %add3A_849 : vector<16xf32>
        %reduce_sum3A_851 = arith.constant true
        %reduce_sum3A_852 = vector.broadcast %reduce_sum3A_851 : i1 to vector<16xi1>
        %reduce_sum3A_853 = tpu.scan <sum>, %add3A_850 masked %reduce_sum3A_852 : vector<16xf32>, vector<16xi1> -> vector<16xf32>
        %reduce_sum3A_854 = vector.extract %reduce_sum3A_853[15] : f32 from vector<16xf32>
        %eq3A_855 = arith.constant 3 : i32
        %eq3A_856 = vector.broadcast %eq3A_855 : i32 to vector<16xi32>
        %eq3A_857 = arith.cmpi eq, %iota3A, %eq3A_856 : vector<16xi32>
        %broadcast_in_dim3A_858 = vector.broadcast %reduce_sum3A_854 : f32 to vector<16xf32>
        %select_n3A_859 = arith.select %eq3A_857, %broadcast_in_dim3A_858, %select_n3A_829 : vector<16xi1>, vector<16xf32>
        %max3A_860 = arith.constant 1.000000e-24 : f32
        %max3A_861 = vector.broadcast %max3A_860 : f32 to vector<16xf32>
        %max3A_862 = arith.maximumf %select_n3A_859, %max3A_861 : vector<16xf32>
        %bitcast3A_863 = vector.bitcast %max3A_862 : vector<16xf32> to vector<16xi32>
        %broadcast_in_dim3A_864 = arith.constant 1597463007 : i32
        %broadcast_in_dim3A_865 = vector.broadcast %broadcast_in_dim3A_864 : i32 to vector<16xi32>
        %shift_right_arithmetic3A_866 = arith.constant 1 : i32
        %shift_right_arithmetic3A_867 = vector.broadcast %shift_right_arithmetic3A_866 : i32 to vector<16xi32>
        %shift_right_arithmetic3A_868 = arith.shrsi %bitcast3A_863, %shift_right_arithmetic3A_867 : vector<16xi32>
        %sub3A_869 = arith.subi %broadcast_in_dim3A_865, %shift_right_arithmetic3A_868 : vector<16xi32>
        %bitcast3A_870 = vector.bitcast %sub3A_869 : vector<16xi32> to vector<16xf32>
        %mul3A_871 = arith.constant 5.000000e-01 : f32
        %mul3A_872 = vector.broadcast %mul3A_871 : f32 to vector<16xf32>
        %mul3A_873 = arith.mulf %mul3A_872, %max3A_862 : vector<16xf32>
        %mul3A_874 = arith.mulf %mul3A_873, %bitcast3A_870 : vector<16xf32>
        %mul3A_875 = arith.mulf %mul3A_874, %bitcast3A_870 : vector<16xf32>
        %sub3A_876 = arith.constant 1.500000e+00 : f32
        %sub3A_877 = vector.broadcast %sub3A_876 : f32 to vector<16xf32>
        %sub3A_878 = arith.subf %sub3A_877, %mul3A_875 : vector<16xf32>
        %mul3A_879 = arith.mulf %bitcast3A_870, %sub3A_878 : vector<16xf32>
        %mul3A_880 = arith.constant 5.000000e-01 : f32
        %mul3A_881 = vector.broadcast %mul3A_880 : f32 to vector<16xf32>
        %mul3A_882 = arith.mulf %mul3A_881, %max3A_862 : vector<16xf32>
        %mul3A_883 = arith.mulf %mul3A_882, %mul3A_879 : vector<16xf32>
        %mul3A_884 = arith.mulf %mul3A_883, %mul3A_879 : vector<16xf32>
        %sub3A_885 = arith.constant 1.500000e+00 : f32
        %sub3A_886 = vector.broadcast %sub3A_885 : f32 to vector<16xf32>
        %sub3A_887 = arith.subf %sub3A_886, %mul3A_884 : vector<16xf32>
        %mul3A_888 = arith.mulf %mul3A_879, %sub3A_887 : vector<16xf32>
        %mul3A_889 = arith.constant 5.000000e-01 : f32
        %mul3A_890 = vector.broadcast %mul3A_889 : f32 to vector<16xf32>
        %mul3A_891 = arith.mulf %mul3A_890, %max3A_862 : vector<16xf32>
        %mul3A_892 = arith.mulf %mul3A_891, %mul3A_888 : vector<16xf32>
        %mul3A_893 = arith.mulf %mul3A_892, %mul3A_888 : vector<16xf32>
        %sub3A_894 = arith.constant 1.500000e+00 : f32
        %sub3A_895 = vector.broadcast %sub3A_894 : f32 to vector<16xf32>
        %sub3A_896 = arith.subf %sub3A_895, %mul3A_893 : vector<16xf32>
        %mul3A_897 = arith.mulf %mul3A_888, %sub3A_896 : vector<16xf32>
        %mul3A_898 = arith.constant 8.000000e+00 : f32
        %mul3A_899 = vector.broadcast %mul3A_898 : f32 to vector<16xf32>
        %mul3A_900 = arith.mulf %mul3A_897, %mul3A_899 : vector<16xf32>
        %broadcast_in_dim3A_901 = arith.constant 0 : i32
        %broadcast_in_dim3A_902 = vector.broadcast %broadcast_in_dim3A_901 : i32 to vector<16x1xi32>
        %gather3A_903 = vector.shape_cast %broadcast_in_dim3A_902 : vector<16x1xi32> to vector<16xi32>
        %gather3A_904 = tpu.dynamic_gather %mul3A_900[%gather3A_903] in [0] : vector<16xf32>, vector<16xi32> -> vector<16xf32>
        %mul3A_905 = arith.mulf %get3A_744, %gather3A_904 : vector<16xf32>
        %swap3A_906 = arith.index_cast %add3A_741 : i32 to index
        %swap3A_907 = arith.constant 0 : index
        %swap3A_908 = tpu.vector_load %arg6[%swap3A_906, %swap3A_907] {strides = array<i32>} : memref<256x64xf32, #tpu.memory_space<vmem>>, vector<16xf32>,
        tpu.vector_store %arg6[%swap3A_906, %swap3A_907], %mul3A_905 {strides = array<i32>} : memref<256x64xf32, #tpu.memory_space<vmem>>, vector<16xf32>,
        %mul3A_909 = arith.mulf %get3A_747, %gather3A_904 : vector<16xf32>
        %swap3A_910 = arith.index_cast %add3A_741 : i32 to index
        %swap3A_911 = arith.constant 16 : index
        %swap3A_912 = tpu.vector_load %arg6[%swap3A_910, %swap3A_911] {strides = array<i32>} : memref<256x64xf32, #tpu.memory_space<vmem>>, vector<16xf32>,
        tpu.vector_store %arg6[%swap3A_910, %swap3A_911], %mul3A_909 {strides = array<i32>} : memref<256x64xf32, #tpu.memory_space<vmem>>, vector<16xf32>,
        %mul3A_913 = arith.mulf %get3A_750, %gather3A_904 : vector<16xf32>
        %swap3A_914 = arith.index_cast %add3A_741 : i32 to index
        %swap3A_915 = arith.constant 32 : index
        %swap3A_916 = tpu.vector_load %arg6[%swap3A_914, %swap3A_915] {strides = array<i32>} : memref<256x64xf32, #tpu.memory_space<vmem>>, vector<16xf32>,
        tpu.vector_store %arg6[%swap3A_914, %swap3A_915], %mul3A_913 {strides = array<i32>} : memref<256x64xf32, #tpu.memory_space<vmem>>, vector<16xf32>,
        %mul3A_917 = arith.mulf %get3A_753, %gather3A_904 : vector<16xf32>
        %swap3A_918 = arith.index_cast %add3A_741 : i32 to index
        %swap3A_919 = arith.constant 48 : index
        %swap3A_920 = tpu.vector_load %arg6[%swap3A_918, %swap3A_919] {strides = array<i32>} : memref<256x64xf32, #tpu.memory_space<vmem>>, vector<16xf32>,
        tpu.vector_store %arg6[%swap3A_918, %swap3A_919], %mul3A_917 {strides = array<i32>} : memref<256x64xf32, #tpu.memory_space<vmem>>, vector<16xf32>,
        %broadcast_in_dim3A_921 = arith.constant 1 : i32
        %broadcast_in_dim3A_922 = vector.broadcast %broadcast_in_dim3A_921 : i32 to vector<16x1xi32>
        %gather3A_923 = vector.shape_cast %broadcast_in_dim3A_922 : vector<16x1xi32> to vector<16xi32>
        %gather3A_924 = tpu.dynamic_gather %mul3A_900[%gather3A_923] in [0] : vector<16xf32>, vector<16xi32> -> vector<16xf32>
        %mul3A_925 = arith.mulf %get3A_774, %gather3A_924 : vector<16xf32>
        %swap3A_926 = arith.index_cast %add3A_771 : i32 to index
        %swap3A_927 = arith.constant 0 : index
        %swap3A_928 = tpu.vector_load %arg6[%swap3A_926, %swap3A_927] {strides = array<i32>} : memref<256x64xf32, #tpu.memory_space<vmem>>, vector<16xf32>,
        tpu.vector_store %arg6[%swap3A_926, %swap3A_927], %mul3A_925 {strides = array<i32>} : memref<256x64xf32, #tpu.memory_space<vmem>>, vector<16xf32>,
        %mul3A_929 = arith.mulf %get3A_777, %gather3A_924 : vector<16xf32>
        %swap3A_930 = arith.index_cast %add3A_771 : i32 to index
        %swap3A_931 = arith.constant 16 : index
        %swap3A_932 = tpu.vector_load %arg6[%swap3A_930, %swap3A_931] {strides = array<i32>} : memref<256x64xf32, #tpu.memory_space<vmem>>, vector<16xf32>,
        tpu.vector_store %arg6[%swap3A_930, %swap3A_931], %mul3A_929 {strides = array<i32>} : memref<256x64xf32, #tpu.memory_space<vmem>>, vector<16xf32>,
        %mul3A_933 = arith.mulf %get3A_780, %gather3A_924 : vector<16xf32>
        %swap3A_934 = arith.index_cast %add3A_771 : i32 to index
        %swap3A_935 = arith.constant 32 : index
        %swap3A_936 = tpu.vector_load %arg6[%swap3A_934, %swap3A_935] {strides = array<i32>} : memref<256x64xf32, #tpu.memory_space<vmem>>, vector<16xf32>,
        tpu.vector_store %arg6[%swap3A_934, %swap3A_935], %mul3A_933 {strides = array<i32>} : memref<256x64xf32, #tpu.memory_space<vmem>>, vector<16xf32>,
        %mul3A_937 = arith.mulf %get3A_783, %gather3A_924 : vector<16xf32>
        %swap3A_938 = arith.index_cast %add3A_771 : i32 to index
        %swap3A_939 = arith.constant 48 : index
        %swap3A_940 = tpu.vector_load %arg6[%swap3A_938, %swap3A_939] {strides = array<i32>} : memref<256x64xf32, #tpu.memory_space<vmem>>, vector<16xf32>,
        tpu.vector_store %arg6[%swap3A_938, %swap3A_939], %mul3A_937 {strides = array<i32>} : memref<256x64xf32, #tpu.memory_space<vmem>>, vector<16xf32>,
        %broadcast_in_dim3A_941 = arith.constant 2 : i32
        %broadcast_in_dim3A_942 = vector.broadcast %broadcast_in_dim3A_941 : i32 to vector<16x1xi32>
        %gather3A_943 = vector.shape_cast %broadcast_in_dim3A_942 : vector<16x1xi32> to vector<16xi32>
        %gather3A_944 = tpu.dynamic_gather %mul3A_900[%gather3A_943] in [0] : vector<16xf32>, vector<16xi32> -> vector<16xf32>
        %mul3A_945 = arith.mulf %get3A_804, %gather3A_944 : vector<16xf32>
        %swap3A_946 = arith.index_cast %add3A_801 : i32 to index
        %swap3A_947 = arith.constant 0 : index
        %swap3A_948 = tpu.vector_load %arg6[%swap3A_946, %swap3A_947] {strides = array<i32>} : memref<256x64xf32, #tpu.memory_space<vmem>>, vector<16xf32>,
        tpu.vector_store %arg6[%swap3A_946, %swap3A_947], %mul3A_945 {strides = array<i32>} : memref<256x64xf32, #tpu.memory_space<vmem>>, vector<16xf32>,
        %mul3A_949 = arith.mulf %get3A_807, %gather3A_944 : vector<16xf32>
        %swap3A_950 = arith.index_cast %add3A_801 : i32 to index
        %swap3A_951 = arith.constant 16 : index
        %swap3A_952 = tpu.vector_load %arg6[%swap3A_950, %swap3A_951] {strides = array<i32>} : memref<256x64xf32, #tpu.memory_space<vmem>>, vector<16xf32>,
        tpu.vector_store %arg6[%swap3A_950, %swap3A_951], %mul3A_949 {strides = array<i32>} : memref<256x64xf32, #tpu.memory_space<vmem>>, vector<16xf32>,
        %mul3A_953 = arith.mulf %get3A_810, %gather3A_944 : vector<16xf32>
        %swap3A_954 = arith.index_cast %add3A_801 : i32 to index
        %swap3A_955 = arith.constant 32 : index
        %swap3A_956 = tpu.vector_load %arg6[%swap3A_954, %swap3A_955] {strides = array<i32>} : memref<256x64xf32, #tpu.memory_space<vmem>>, vector<16xf32>,
        tpu.vector_store %arg6[%swap3A_954, %swap3A_955], %mul3A_953 {strides = array<i32>} : memref<256x64xf32, #tpu.memory_space<vmem>>, vector<16xf32>,
        %mul3A_957 = arith.mulf %get3A_813, %gather3A_944 : vector<16xf32>
        %swap3A_958 = arith.index_cast %add3A_801 : i32 to index
        %swap3A_959 = arith.constant 48 : index
        %swap3A_960 = tpu.vector_load %arg6[%swap3A_958, %swap3A_959] {strides = array<i32>} : memref<256x64xf32, #tpu.memory_space<vmem>>, vector<16xf32>,
        tpu.vector_store %arg6[%swap3A_958, %swap3A_959], %mul3A_957 {strides = array<i32>} : memref<256x64xf32, #tpu.memory_space<vmem>>, vector<16xf32>,
        %broadcast_in_dim3A_961 = arith.constant 3 : i32
        %broadcast_in_dim3A_962 = vector.broadcast %broadcast_in_dim3A_961 : i32 to vector<16x1xi32>
        %gather3A_963 = vector.shape_cast %broadcast_in_dim3A_962 : vector<16x1xi32> to vector<16xi32>
        %gather3A_964 = tpu.dynamic_gather %mul3A_900[%gather3A_963] in [0] : vector<16xf32>, vector<16xi32> -> vector<16xf32>
        %mul3A_965 = arith.mulf %get3A_834, %gather3A_964 : vector<16xf32>
        %swap3A_966 = arith.index_cast %add3A_831 : i32 to index
        %swap3A_967 = arith.constant 0 : index
        %swap3A_968 = tpu.vector_load %arg6[%swap3A_966, %swap3A_967] {strides = array<i32>} : memref<256x64xf32, #tpu.memory_space<vmem>>, vector<16xf32>,
        tpu.vector_store %arg6[%swap3A_966, %swap3A_967], %mul3A_965 {strides = array<i32>} : memref<256x64xf32, #tpu.memory_space<vmem>>, vector<16xf32>,
        %mul3A_969 = arith.mulf %get3A_837, %gather3A_964 : vector<16xf32>
        %swap3A_970 = arith.index_cast %add3A_831 : i32 to index
        %swap3A_971 = arith.constant 16 : index
        %swap3A_972 = tpu.vector_load %arg6[%swap3A_970, %swap3A_971] {strides = array<i32>} : memref<256x64xf32, #tpu.memory_space<vmem>>, vector<16xf32>,
        tpu.vector_store %arg6[%swap3A_970, %swap3A_971], %mul3A_969 {strides = array<i32>} : memref<256x64xf32, #tpu.memory_space<vmem>>, vector<16xf32>,
        %mul3A_973 = arith.mulf %get3A_840, %gather3A_964 : vector<16xf32>
        %swap3A_974 = arith.index_cast %add3A_831 : i32 to index
        %swap3A_975 = arith.constant 32 : index
        %swap3A_976 = tpu.vector_load %arg6[%swap3A_974, %swap3A_975] {strides = array<i32>} : memref<256x64xf32, #tpu.memory_space<vmem>>, vector<16xf32>,
        tpu.vector_store %arg6[%swap3A_974, %swap3A_975], %mul3A_973 {strides = array<i32>} : memref<256x64xf32, #tpu.memory_space<vmem>>, vector<16xf32>,
        %mul3A_977 = arith.mulf %get3A_843, %gather3A_964 : vector<16xf32>
        %swap3A_978 = arith.index_cast %add3A_831 : i32 to index
        %swap3A_979 = arith.constant 48 : index
        %swap3A_980 = tpu.vector_load %arg6[%swap3A_978, %swap3A_979] {strides = array<i32>} : memref<256x64xf32, #tpu.memory_space<vmem>>, vector<16xf32>,
        tpu.vector_store %arg6[%swap3A_978, %swap3A_979], %mul3A_977 {strides = array<i32>} : memref<256x64xf32, #tpu.memory_space<vmem>>, vector<16xf32>,
        %add3A_981 = arith.constant 12 : i32
        %add3A_982 = arith.addi %mul3A_256, %add3A_981 : i32
        %broadcast_in_dim3A_983 = arith.constant 1.000000e+00 : f32
        %broadcast_in_dim3A_984 = vector.broadcast %broadcast_in_dim3A_983 : f32 to vector<16xf32>
        %add3A_985 = arith.constant 0 : i32
        %add3A_986 = arith.addi %add3A_982, %add3A_985 : i32
        %get3A_987 = arith.index_cast %add3A_986 : i32 to index
        %get3A_988 = arith.constant 0 : index
        %get3A_989 = tpu.vector_load %arg6[%get3A_987, %get3A_988] {strides = array<i32>} : memref<256x64xf32, #tpu.memory_space<vmem>>, vector<16xf32>,
        %get3A_990 = arith.index_cast %add3A_986 : i32 to index
        %get3A_991 = arith.constant 16 : index
        %get3A_992 = tpu.vector_load %arg6[%get3A_990, %get3A_991] {strides = array<i32>} : memref<256x64xf32, #tpu.memory_space<vmem>>, vector<16xf32>,
        %get3A_993 = arith.index_cast %add3A_986 : i32 to index
        %get3A_994 = arith.constant 32 : index
        %get3A_995 = tpu.vector_load %arg6[%get3A_993, %get3A_994] {strides = array<i32>} : memref<256x64xf32, #tpu.memory_space<vmem>>, vector<16xf32>,
        %get3A_996 = arith.index_cast %add3A_986 : i32 to index
        %get3A_997 = arith.constant 48 : index
        %get3A_998 = tpu.vector_load %arg6[%get3A_996, %get3A_997] {strides = array<i32>} : memref<256x64xf32, #tpu.memory_space<vmem>>, vector<16xf32>,
        %mul3A_999 = arith.mulf %get3A_989, %get3A_989 : vector<16xf32>
        %mul3A_1000 = arith.mulf %get3A_992, %get3A_992 : vector<16xf32>
        %add3A_1001 = arith.addf %mul3A_999, %mul3A_1000 : vector<16xf32>
        %mul3A_1002 = arith.mulf %get3A_995, %get3A_995 : vector<16xf32>
        %mul3A_1003 = arith.mulf %get3A_998, %get3A_998 : vector<16xf32>
        %add3A_1004 = arith.addf %mul3A_1002, %mul3A_1003 : vector<16xf32>
        %add3A_1005 = arith.addf %add3A_1001, %add3A_1004 : vector<16xf32>
        %reduce_sum3A_1006 = arith.constant true
        %reduce_sum3A_1007 = vector.broadcast %reduce_sum3A_1006 : i1 to vector<16xi1>
        %reduce_sum3A_1008 = tpu.scan <sum>, %add3A_1005 masked %reduce_sum3A_1007 : vector<16xf32>, vector<16xi1> -> vector<16xf32>
        %reduce_sum3A_1009 = vector.extract %reduce_sum3A_1008[15] : f32 from vector<16xf32>
        %eq3A_1010 = arith.constant 0 : i32
        %eq3A_1011 = vector.broadcast %eq3A_1010 : i32 to vector<16xi32>
        %eq3A_1012 = arith.cmpi eq, %iota3A, %eq3A_1011 : vector<16xi32>
        %broadcast_in_dim3A_1013 = vector.broadcast %reduce_sum3A_1009 : f32 to vector<16xf32>
        %select_n3A_1014 = arith.select %eq3A_1012, %broadcast_in_dim3A_1013, %broadcast_in_dim3A_984 : vector<16xi1>, vector<16xf32>
        %add3A_1015 = arith.constant 1 : i32
        %add3A_1016 = arith.addi %add3A_982, %add3A_1015 : i32
        %get3A_1017 = arith.index_cast %add3A_1016 : i32 to index
        %get3A_1018 = arith.constant 0 : index
        %get3A_1019 = tpu.vector_load %arg6[%get3A_1017, %get3A_1018] {strides = array<i32>} : memref<256x64xf32, #tpu.memory_space<vmem>>, vector<16xf32>,
        %get3A_1020 = arith.index_cast %add3A_1016 : i32 to index
        %get3A_1021 = arith.constant 16 : index
        %get3A_1022 = tpu.vector_load %arg6[%get3A_1020, %get3A_1021] {strides = array<i32>} : memref<256x64xf32, #tpu.memory_space<vmem>>, vector<16xf32>,
        %get3A_1023 = arith.index_cast %add3A_1016 : i32 to index
        %get3A_1024 = arith.constant 32 : index
        %get3A_1025 = tpu.vector_load %arg6[%get3A_1023, %get3A_1024] {strides = array<i32>} : memref<256x64xf32, #tpu.memory_space<vmem>>, vector<16xf32>,
        %get3A_1026 = arith.index_cast %add3A_1016 : i32 to index
        %get3A_1027 = arith.constant 48 : index
        %get3A_1028 = tpu.vector_load %arg6[%get3A_1026, %get3A_1027] {strides = array<i32>} : memref<256x64xf32, #tpu.memory_space<vmem>>, vector<16xf32>,
        %mul3A_1029 = arith.mulf %get3A_1019, %get3A_1019 : vector<16xf32>
        %mul3A_1030 = arith.mulf %get3A_1022, %get3A_1022 : vector<16xf32>
        %add3A_1031 = arith.addf %mul3A_1029, %mul3A_1030 : vector<16xf32>
        %mul3A_1032 = arith.mulf %get3A_1025, %get3A_1025 : vector<16xf32>
        %mul3A_1033 = arith.mulf %get3A_1028, %get3A_1028 : vector<16xf32>
        %add3A_1034 = arith.addf %mul3A_1032, %mul3A_1033 : vector<16xf32>
        %add3A_1035 = arith.addf %add3A_1031, %add3A_1034 : vector<16xf32>
        %reduce_sum3A_1036 = arith.constant true
        %reduce_sum3A_1037 = vector.broadcast %reduce_sum3A_1036 : i1 to vector<16xi1>
        %reduce_sum3A_1038 = tpu.scan <sum>, %add3A_1035 masked %reduce_sum3A_1037 : vector<16xf32>, vector<16xi1> -> vector<16xf32>
        %reduce_sum3A_1039 = vector.extract %reduce_sum3A_1038[15] : f32 from vector<16xf32>
        %eq3A_1040 = arith.constant 1 : i32
        %eq3A_1041 = vector.broadcast %eq3A_1040 : i32 to vector<16xi32>
        %eq3A_1042 = arith.cmpi eq, %iota3A, %eq3A_1041 : vector<16xi32>
        %broadcast_in_dim3A_1043 = vector.broadcast %reduce_sum3A_1039 : f32 to vector<16xf32>
        %select_n3A_1044 = arith.select %eq3A_1042, %broadcast_in_dim3A_1043, %select_n3A_1014 : vector<16xi1>, vector<16xf32>
        %add3A_1045 = arith.constant 2 : i32
        %add3A_1046 = arith.addi %add3A_982, %add3A_1045 : i32
        %get3A_1047 = arith.index_cast %add3A_1046 : i32 to index
        %get3A_1048 = arith.constant 0 : index
        %get3A_1049 = tpu.vector_load %arg6[%get3A_1047, %get3A_1048] {strides = array<i32>} : memref<256x64xf32, #tpu.memory_space<vmem>>, vector<16xf32>,
        %get3A_1050 = arith.index_cast %add3A_1046 : i32 to index
        %get3A_1051 = arith.constant 16 : index
        %get3A_1052 = tpu.vector_load %arg6[%get3A_1050, %get3A_1051] {strides = array<i32>} : memref<256x64xf32, #tpu.memory_space<vmem>>, vector<16xf32>,
        %get3A_1053 = arith.index_cast %add3A_1046 : i32 to index
        %get3A_1054 = arith.constant 32 : index
        %get3A_1055 = tpu.vector_load %arg6[%get3A_1053, %get3A_1054] {strides = array<i32>} : memref<256x64xf32, #tpu.memory_space<vmem>>, vector<16xf32>,
        %get3A_1056 = arith.index_cast %add3A_1046 : i32 to index
        %get3A_1057 = arith.constant 48 : index
        %get3A_1058 = tpu.vector_load %arg6[%get3A_1056, %get3A_1057] {strides = array<i32>} : memref<256x64xf32, #tpu.memory_space<vmem>>, vector<16xf32>,
        %mul3A_1059 = arith.mulf %get3A_1049, %get3A_1049 : vector<16xf32>
        %mul3A_1060 = arith.mulf %get3A_1052, %get3A_1052 : vector<16xf32>
        %add3A_1061 = arith.addf %mul3A_1059, %mul3A_1060 : vector<16xf32>
        %mul3A_1062 = arith.mulf %get3A_1055, %get3A_1055 : vector<16xf32>
        %mul3A_1063 = arith.mulf %get3A_1058, %get3A_1058 : vector<16xf32>
        %add3A_1064 = arith.addf %mul3A_1062, %mul3A_1063 : vector<16xf32>
        %add3A_1065 = arith.addf %add3A_1061, %add3A_1064 : vector<16xf32>
        %reduce_sum3A_1066 = arith.constant true
        %reduce_sum3A_1067 = vector.broadcast %reduce_sum3A_1066 : i1 to vector<16xi1>
        %reduce_sum3A_1068 = tpu.scan <sum>, %add3A_1065 masked %reduce_sum3A_1067 : vector<16xf32>, vector<16xi1> -> vector<16xf32>
        %reduce_sum3A_1069 = vector.extract %reduce_sum3A_1068[15] : f32 from vector<16xf32>
        %eq3A_1070 = arith.constant 2 : i32
        %eq3A_1071 = vector.broadcast %eq3A_1070 : i32 to vector<16xi32>
        %eq3A_1072 = arith.cmpi eq, %iota3A, %eq3A_1071 : vector<16xi32>
        %broadcast_in_dim3A_1073 = vector.broadcast %reduce_sum3A_1069 : f32 to vector<16xf32>
        %select_n3A_1074 = arith.select %eq3A_1072, %broadcast_in_dim3A_1073, %select_n3A_1044 : vector<16xi1>, vector<16xf32>
        %add3A_1075 = arith.constant 3 : i32
        %add3A_1076 = arith.addi %add3A_982, %add3A_1075 : i32
        %get3A_1077 = arith.index_cast %add3A_1076 : i32 to index
        %get3A_1078 = arith.constant 0 : index
        %get3A_1079 = tpu.vector_load %arg6[%get3A_1077, %get3A_1078] {strides = array<i32>} : memref<256x64xf32, #tpu.memory_space<vmem>>, vector<16xf32>,
        %get3A_1080 = arith.index_cast %add3A_1076 : i32 to index
        %get3A_1081 = arith.constant 16 : index
        %get3A_1082 = tpu.vector_load %arg6[%get3A_1080, %get3A_1081] {strides = array<i32>} : memref<256x64xf32, #tpu.memory_space<vmem>>, vector<16xf32>,
        %get3A_1083 = arith.index_cast %add3A_1076 : i32 to index
        %get3A_1084 = arith.constant 32 : index
        %get3A_1085 = tpu.vector_load %arg6[%get3A_1083, %get3A_1084] {strides = array<i32>} : memref<256x64xf32, #tpu.memory_space<vmem>>, vector<16xf32>,
        %get3A_1086 = arith.index_cast %add3A_1076 : i32 to index
        %get3A_1087 = arith.constant 48 : index
        %get3A_1088 = tpu.vector_load %arg6[%get3A_1086, %get3A_1087] {strides = array<i32>} : memref<256x64xf32, #tpu.memory_space<vmem>>, vector<16xf32>,
        %mul3A_1089 = arith.mulf %get3A_1079, %get3A_1079 : vector<16xf32>
        %mul3A_1090 = arith.mulf %get3A_1082, %get3A_1082 : vector<16xf32>
        %add3A_1091 = arith.addf %mul3A_1089, %mul3A_1090 : vector<16xf32>
        %mul3A_1092 = arith.mulf %get3A_1085, %get3A_1085 : vector<16xf32>
        %mul3A_1093 = arith.mulf %get3A_1088, %get3A_1088 : vector<16xf32>
        %add3A_1094 = arith.addf %mul3A_1092, %mul3A_1093 : vector<16xf32>
        %add3A_1095 = arith.addf %add3A_1091, %add3A_1094 : vector<16xf32>
        %reduce_sum3A_1096 = arith.constant true
        %reduce_sum3A_1097 = vector.broadcast %reduce_sum3A_1096 : i1 to vector<16xi1>
        %reduce_sum3A_1098 = tpu.scan <sum>, %add3A_1095 masked %reduce_sum3A_1097 : vector<16xf32>, vector<16xi1> -> vector<16xf32>
        %reduce_sum3A_1099 = vector.extract %reduce_sum3A_1098[15] : f32 from vector<16xf32>
        %eq3A_1100 = arith.constant 3 : i32
        %eq3A_1101 = vector.broadcast %eq3A_1100 : i32 to vector<16xi32>
        %eq3A_1102 = arith.cmpi eq, %iota3A, %eq3A_1101 : vector<16xi32>
        %broadcast_in_dim3A_1103 = vector.broadcast %reduce_sum3A_1099 : f32 to vector<16xf32>
        %select_n3A_1104 = arith.select %eq3A_1102, %broadcast_in_dim3A_1103, %select_n3A_1074 : vector<16xi1>, vector<16xf32>
        %max3A_1105 = arith.constant 1.000000e-24 : f32
        %max3A_1106 = vector.broadcast %max3A_1105 : f32 to vector<16xf32>
        %max3A_1107 = arith.maximumf %select_n3A_1104, %max3A_1106 : vector<16xf32>
        %bitcast3A_1108 = vector.bitcast %max3A_1107 : vector<16xf32> to vector<16xi32>
        %broadcast_in_dim3A_1109 = arith.constant 1597463007 : i32
        %broadcast_in_dim3A_1110 = vector.broadcast %broadcast_in_dim3A_1109 : i32 to vector<16xi32>
        %shift_right_arithmetic3A_1111 = arith.constant 1 : i32
        %shift_right_arithmetic3A_1112 = vector.broadcast %shift_right_arithmetic3A_1111 : i32 to vector<16xi32>
        %shift_right_arithmetic3A_1113 = arith.shrsi %bitcast3A_1108, %shift_right_arithmetic3A_1112 : vector<16xi32>
        %sub3A_1114 = arith.subi %broadcast_in_dim3A_1110, %shift_right_arithmetic3A_1113 : vector<16xi32>
        %bitcast3A_1115 = vector.bitcast %sub3A_1114 : vector<16xi32> to vector<16xf32>
        %mul3A_1116 = arith.constant 5.000000e-01 : f32
        %mul3A_1117 = vector.broadcast %mul3A_1116 : f32 to vector<16xf32>
        %mul3A_1118 = arith.mulf %mul3A_1117, %max3A_1107 : vector<16xf32>
        %mul3A_1119 = arith.mulf %mul3A_1118, %bitcast3A_1115 : vector<16xf32>
        %mul3A_1120 = arith.mulf %mul3A_1119, %bitcast3A_1115 : vector<16xf32>
        %sub3A_1121 = arith.constant 1.500000e+00 : f32
        %sub3A_1122 = vector.broadcast %sub3A_1121 : f32 to vector<16xf32>
        %sub3A_1123 = arith.subf %sub3A_1122, %mul3A_1120 : vector<16xf32>
        %mul3A_1124 = arith.mulf %bitcast3A_1115, %sub3A_1123 : vector<16xf32>
        %mul3A_1125 = arith.constant 5.000000e-01 : f32
        %mul3A_1126 = vector.broadcast %mul3A_1125 : f32 to vector<16xf32>
        %mul3A_1127 = arith.mulf %mul3A_1126, %max3A_1107 : vector<16xf32>
        %mul3A_1128 = arith.mulf %mul3A_1127, %mul3A_1124 : vector<16xf32>
        %mul3A_1129 = arith.mulf %mul3A_1128, %mul3A_1124 : vector<16xf32>
        %sub3A_1130 = arith.constant 1.500000e+00 : f32
        %sub3A_1131 = vector.broadcast %sub3A_1130 : f32 to vector<16xf32>
        %sub3A_1132 = arith.subf %sub3A_1131, %mul3A_1129 : vector<16xf32>
        %mul3A_1133 = arith.mulf %mul3A_1124, %sub3A_1132 : vector<16xf32>
        %mul3A_1134 = arith.constant 5.000000e-01 : f32
        %mul3A_1135 = vector.broadcast %mul3A_1134 : f32 to vector<16xf32>
        %mul3A_1136 = arith.mulf %mul3A_1135, %max3A_1107 : vector<16xf32>
        %mul3A_1137 = arith.mulf %mul3A_1136, %mul3A_1133 : vector<16xf32>
        %mul3A_1138 = arith.mulf %mul3A_1137, %mul3A_1133 : vector<16xf32>
        %sub3A_1139 = arith.constant 1.500000e+00 : f32
        %sub3A_1140 = vector.broadcast %sub3A_1139 : f32 to vector<16xf32>
        %sub3A_1141 = arith.subf %sub3A_1140, %mul3A_1138 : vector<16xf32>
        %mul3A_1142 = arith.mulf %mul3A_1133, %sub3A_1141 : vector<16xf32>
        %mul3A_1143 = arith.constant 8.000000e+00 : f32
        %mul3A_1144 = vector.broadcast %mul3A_1143 : f32 to vector<16xf32>
        %mul3A_1145 = arith.mulf %mul3A_1142, %mul3A_1144 : vector<16xf32>
        %broadcast_in_dim3A_1146 = arith.constant 0 : i32
        %broadcast_in_dim3A_1147 = vector.broadcast %broadcast_in_dim3A_1146 : i32 to vector<16x1xi32>
        %gather3A_1148 = vector.shape_cast %broadcast_in_dim3A_1147 : vector<16x1xi32> to vector<16xi32>
        %gather3A_1149 = tpu.dynamic_gather %mul3A_1145[%gather3A_1148] in [0] : vector<16xf32>, vector<16xi32> -> vector<16xf32>
        %mul3A_1150 = arith.mulf %get3A_989, %gather3A_1149 : vector<16xf32>
        %swap3A_1151 = arith.index_cast %add3A_986 : i32 to index
        %swap3A_1152 = arith.constant 0 : index
        %swap3A_1153 = tpu.vector_load %arg6[%swap3A_1151, %swap3A_1152] {strides = array<i32>} : memref<256x64xf32, #tpu.memory_space<vmem>>, vector<16xf32>,
        tpu.vector_store %arg6[%swap3A_1151, %swap3A_1152], %mul3A_1150 {strides = array<i32>} : memref<256x64xf32, #tpu.memory_space<vmem>>, vector<16xf32>,
        %mul3A_1154 = arith.mulf %get3A_992, %gather3A_1149 : vector<16xf32>
        %swap3A_1155 = arith.index_cast %add3A_986 : i32 to index
        %swap3A_1156 = arith.constant 16 : index
        %swap3A_1157 = tpu.vector_load %arg6[%swap3A_1155, %swap3A_1156] {strides = array<i32>} : memref<256x64xf32, #tpu.memory_space<vmem>>, vector<16xf32>,
        tpu.vector_store %arg6[%swap3A_1155, %swap3A_1156], %mul3A_1154 {strides = array<i32>} : memref<256x64xf32, #tpu.memory_space<vmem>>, vector<16xf32>,
        %mul3A_1158 = arith.mulf %get3A_995, %gather3A_1149 : vector<16xf32>
        %swap3A_1159 = arith.index_cast %add3A_986 : i32 to index
        %swap3A_1160 = arith.constant 32 : index
        %swap3A_1161 = tpu.vector_load %arg6[%swap3A_1159, %swap3A_1160] {strides = array<i32>} : memref<256x64xf32, #tpu.memory_space<vmem>>, vector<16xf32>,
        tpu.vector_store %arg6[%swap3A_1159, %swap3A_1160], %mul3A_1158 {strides = array<i32>} : memref<256x64xf32, #tpu.memory_space<vmem>>, vector<16xf32>,
        %mul3A_1162 = arith.mulf %get3A_998, %gather3A_1149 : vector<16xf32>
        %swap3A_1163 = arith.index_cast %add3A_986 : i32 to index
        %swap3A_1164 = arith.constant 48 : index
        %swap3A_1165 = tpu.vector_load %arg6[%swap3A_1163, %swap3A_1164] {strides = array<i32>} : memref<256x64xf32, #tpu.memory_space<vmem>>, vector<16xf32>,
        tpu.vector_store %arg6[%swap3A_1163, %swap3A_1164], %mul3A_1162 {strides = array<i32>} : memref<256x64xf32, #tpu.memory_space<vmem>>, vector<16xf32>,
        %broadcast_in_dim3A_1166 = arith.constant 1 : i32
        %broadcast_in_dim3A_1167 = vector.broadcast %broadcast_in_dim3A_1166 : i32 to vector<16x1xi32>
        %gather3A_1168 = vector.shape_cast %broadcast_in_dim3A_1167 : vector<16x1xi32> to vector<16xi32>
        %gather3A_1169 = tpu.dynamic_gather %mul3A_1145[%gather3A_1168] in [0] : vector<16xf32>, vector<16xi32> -> vector<16xf32>
        %mul3A_1170 = arith.mulf %get3A_1019, %gather3A_1169 : vector<16xf32>
        %swap3A_1171 = arith.index_cast %add3A_1016 : i32 to index
        %swap3A_1172 = arith.constant 0 : index
        %swap3A_1173 = tpu.vector_load %arg6[%swap3A_1171, %swap3A_1172] {strides = array<i32>} : memref<256x64xf32, #tpu.memory_space<vmem>>, vector<16xf32>,
        tpu.vector_store %arg6[%swap3A_1171, %swap3A_1172], %mul3A_1170 {strides = array<i32>} : memref<256x64xf32, #tpu.memory_space<vmem>>, vector<16xf32>,
        %mul3A_1174 = arith.mulf %get3A_1022, %gather3A_1169 : vector<16xf32>
        %swap3A_1175 = arith.index_cast %add3A_1016 : i32 to index
        %swap3A_1176 = arith.constant 16 : index
        %swap3A_1177 = tpu.vector_load %arg6[%swap3A_1175, %swap3A_1176] {strides = array<i32>} : memref<256x64xf32, #tpu.memory_space<vmem>>, vector<16xf32>,
        tpu.vector_store %arg6[%swap3A_1175, %swap3A_1176], %mul3A_1174 {strides = array<i32>} : memref<256x64xf32, #tpu.memory_space<vmem>>, vector<16xf32>,
        %mul3A_1178 = arith.mulf %get3A_1025, %gather3A_1169 : vector<16xf32>
        %swap3A_1179 = arith.index_cast %add3A_1016 : i32 to index
        %swap3A_1180 = arith.constant 32 : index
        %swap3A_1181 = tpu.vector_load %arg6[%swap3A_1179, %swap3A_1180] {strides = array<i32>} : memref<256x64xf32, #tpu.memory_space<vmem>>, vector<16xf32>,
        tpu.vector_store %arg6[%swap3A_1179, %swap3A_1180], %mul3A_1178 {strides = array<i32>} : memref<256x64xf32, #tpu.memory_space<vmem>>, vector<16xf32>,
        %mul3A_1182 = arith.mulf %get3A_1028, %gather3A_1169 : vector<16xf32>
        %swap3A_1183 = arith.index_cast %add3A_1016 : i32 to index
        %swap3A_1184 = arith.constant 48 : index
        %swap3A_1185 = tpu.vector_load %arg6[%swap3A_1183, %swap3A_1184] {strides = array<i32>} : memref<256x64xf32, #tpu.memory_space<vmem>>, vector<16xf32>,
        tpu.vector_store %arg6[%swap3A_1183, %swap3A_1184], %mul3A_1182 {strides = array<i32>} : memref<256x64xf32, #tpu.memory_space<vmem>>, vector<16xf32>,
        %broadcast_in_dim3A_1186 = arith.constant 2 : i32
        %broadcast_in_dim3A_1187 = vector.broadcast %broadcast_in_dim3A_1186 : i32 to vector<16x1xi32>
        %gather3A_1188 = vector.shape_cast %broadcast_in_dim3A_1187 : vector<16x1xi32> to vector<16xi32>
        %gather3A_1189 = tpu.dynamic_gather %mul3A_1145[%gather3A_1188] in [0] : vector<16xf32>, vector<16xi32> -> vector<16xf32>
        %mul3A_1190 = arith.mulf %get3A_1049, %gather3A_1189 : vector<16xf32>
        %swap3A_1191 = arith.index_cast %add3A_1046 : i32 to index
        %swap3A_1192 = arith.constant 0 : index
        %swap3A_1193 = tpu.vector_load %arg6[%swap3A_1191, %swap3A_1192] {strides = array<i32>} : memref<256x64xf32, #tpu.memory_space<vmem>>, vector<16xf32>,
        tpu.vector_store %arg6[%swap3A_1191, %swap3A_1192], %mul3A_1190 {strides = array<i32>} : memref<256x64xf32, #tpu.memory_space<vmem>>, vector<16xf32>,
        %mul3A_1194 = arith.mulf %get3A_1052, %gather3A_1189 : vector<16xf32>
        %swap3A_1195 = arith.index_cast %add3A_1046 : i32 to index
        %swap3A_1196 = arith.constant 16 : index
        %swap3A_1197 = tpu.vector_load %arg6[%swap3A_1195, %swap3A_1196] {strides = array<i32>} : memref<256x64xf32, #tpu.memory_space<vmem>>, vector<16xf32>,
        tpu.vector_store %arg6[%swap3A_1195, %swap3A_1196], %mul3A_1194 {strides = array<i32>} : memref<256x64xf32, #tpu.memory_space<vmem>>, vector<16xf32>,
        %mul3A_1198 = arith.mulf %get3A_1055, %gather3A_1189 : vector<16xf32>
        %swap3A_1199 = arith.index_cast %add3A_1046 : i32 to index
        %swap3A_1200 = arith.constant 32 : index
        %swap3A_1201 = tpu.vector_load %arg6[%swap3A_1199, %swap3A_1200] {strides = array<i32>} : memref<256x64xf32, #tpu.memory_space<vmem>>, vector<16xf32>,
        tpu.vector_store %arg6[%swap3A_1199, %swap3A_1200], %mul3A_1198 {strides = array<i32>} : memref<256x64xf32, #tpu.memory_space<vmem>>, vector<16xf32>,
        %mul3A_1202 = arith.mulf %get3A_1058, %gather3A_1189 : vector<16xf32>
        %swap3A_1203 = arith.index_cast %add3A_1046 : i32 to index
        %swap3A_1204 = arith.constant 48 : index
        %swap3A_1205 = tpu.vector_load %arg6[%swap3A_1203, %swap3A_1204] {strides = array<i32>} : memref<256x64xf32, #tpu.memory_space<vmem>>, vector<16xf32>,
        tpu.vector_store %arg6[%swap3A_1203, %swap3A_1204], %mul3A_1202 {strides = array<i32>} : memref<256x64xf32, #tpu.memory_space<vmem>>, vector<16xf32>,
        %broadcast_in_dim3A_1206 = arith.constant 3 : i32
        %broadcast_in_dim3A_1207 = vector.broadcast %broadcast_in_dim3A_1206 : i32 to vector<16x1xi32>
        %gather3A_1208 = vector.shape_cast %broadcast_in_dim3A_1207 : vector<16x1xi32> to vector<16xi32>
        %gather3A_1209 = tpu.dynamic_gather %mul3A_1145[%gather3A_1208] in [0] : vector<16xf32>, vector<16xi32> -> vector<16xf32>
        %mul3A_1210 = arith.mulf %get3A_1079, %gather3A_1209 : vector<16xf32>
        %swap3A_1211 = arith.index_cast %add3A_1076 : i32 to index
        %swap3A_1212 = arith.constant 0 : index
        %swap3A_1213 = tpu.vector_load %arg6[%swap3A_1211, %swap3A_1212] {strides = array<i32>} : memref<256x64xf32, #tpu.memory_space<vmem>>, vector<16xf32>,
        tpu.vector_store %arg6[%swap3A_1211, %swap3A_1212], %mul3A_1210 {strides = array<i32>} : memref<256x64xf32, #tpu.memory_space<vmem>>, vector<16xf32>,
        %mul3A_1214 = arith.mulf %get3A_1082, %gather3A_1209 : vector<16xf32>
        %swap3A_1215 = arith.index_cast %add3A_1076 : i32 to index
        %swap3A_1216 = arith.constant 16 : index
        %swap3A_1217 = tpu.vector_load %arg6[%swap3A_1215, %swap3A_1216] {strides = array<i32>} : memref<256x64xf32, #tpu.memory_space<vmem>>, vector<16xf32>,
        tpu.vector_store %arg6[%swap3A_1215, %swap3A_1216], %mul3A_1214 {strides = array<i32>} : memref<256x64xf32, #tpu.memory_space<vmem>>, vector<16xf32>,
        %mul3A_1218 = arith.mulf %get3A_1085, %gather3A_1209 : vector<16xf32>
        %swap3A_1219 = arith.index_cast %add3A_1076 : i32 to index
        %swap3A_1220 = arith.constant 32 : index
        %swap3A_1221 = tpu.vector_load %arg6[%swap3A_1219, %swap3A_1220] {strides = array<i32>} : memref<256x64xf32, #tpu.memory_space<vmem>>, vector<16xf32>,
        tpu.vector_store %arg6[%swap3A_1219, %swap3A_1220], %mul3A_1218 {strides = array<i32>} : memref<256x64xf32, #tpu.memory_space<vmem>>, vector<16xf32>,
        %mul3A_1222 = arith.mulf %get3A_1088, %gather3A_1209 : vector<16xf32>
        %swap3A_1223 = arith.index_cast %add3A_1076 : i32 to index
        %swap3A_1224 = arith.constant 48 : index
        %swap3A_1225 = tpu.vector_load %arg6[%swap3A_1223, %swap3A_1224] {strides = array<i32>} : memref<256x64xf32, #tpu.memory_space<vmem>>, vector<16xf32>,
        tpu.vector_store %arg6[%swap3A_1223, %swap3A_1224], %mul3A_1222 {strides = array<i32>} : memref<256x64xf32, #tpu.memory_space<vmem>>, vector<16xf32>,
      }
      %scan3A_90 = arith.constant 16 : i32
      %mul3A_91 = arith.constant 256 : i32
      %mul3A_92 = arith.muli %add3A_54, %mul3A_91 : i32
      %add3A_93 = arith.addi %mul3A_2, %mul3A_92 : i32
      %dma_start3A_94 = arith.constant 0 : i32
      %dma_start3A_95 = tpu.memref_slice %arg4[%add3A_93, %dma_start3A_94] : memref<819200x64xf32, #tpu.memory_space<hbm>> -> memref<256x64xf32, #tpu.memory_space<hbm>>
      %dma_start3A_96 = arith.constant 0 : i32
      %dma_start3A_97 = tpu.memref_slice %arg4[%add3A_93, %dma_start3A_96] : memref<819200x64xf32, #tpu.memory_space<hbm>> -> memref<256x64xf32, #tpu.memory_space<hbm>>
      tpu.enqueue_dma source(%arg6 : memref<256x64xf32, #tpu.memory_space<vmem>>) target(%dma_start3A_97 : memref<256x64xf32, #tpu.memory_space<hbm>>) target_semaphore(%arg14 : memref<!tpu.dma_semaphore, #tpu.memory_space<semaphore_mem>>)
      %mul3A_98 = arith.constant 4 : i32
      %mul3A_99 = arith.muli %scan3A_50, %mul3A_98 : i32
      %add3A_100 = arith.constant 1 : i32
      %add3A_101 = arith.addi %mul3A_99, %add3A_100 : i32
      %ge3A_102 = arith.constant 2 : i32
      %ge3A_103 = arith.cmpi sge, %add3A_101, %ge3A_102 : i32
      %convert_element_type3A_104 = arith.extui %ge3A_103 : i1 to i32
      %cond3A_105 = arith.constant 0 : i32
      %cond3A_106 = arith.cmpi ne, %convert_element_type3A_104, %cond3A_105 : i32
      scf.if %cond3A_106 {
        %sub3A = arith.constant 2 : i32
        %sub3A_254 = arith.subi %add3A_101, %sub3A : i32
        %mul3A_255 = arith.constant 256 : i32
        %mul3A_256 = arith.muli %sub3A_254, %mul3A_255 : i32
        %add3A_257 = arith.addi %mul3A_2, %mul3A_256 : i32
        %dma_wait3A_258 = arith.constant 0 : i32
        %dma_wait3A_259 = tpu.memref_slice %arg4[%add3A_257, %dma_wait3A_258] : memref<819200x64xf32, #tpu.memory_space<hbm>> -> memref<256x64xf32, #tpu.memory_space<hbm>>
        %dma_wait3A_260 = arith.constant 0 : i32
        %dma_wait3A_261 = tpu.memref_slice %arg4[%add3A_257, %dma_wait3A_260] : memref<819200x64xf32, #tpu.memory_space<hbm>> -> memref<256x64xf32, #tpu.memory_space<hbm>>
        tpu.wait_dma2 semaphore(%arg17 : memref<!tpu.dma_semaphore, #tpu.memory_space<semaphore_mem>>) src(%arg9 : memref<256x64xf32, #tpu.memory_space<vmem>>) dst(%dma_wait3A_261 : memref<256x64xf32, #tpu.memory_space<hbm>>)
      } else {
      }
      %add3A_107 = arith.constant 2 : i32
      %add3A_108 = arith.addi %add3A_101, %add3A_107 : i32
      %lt3A_109 = arith.constant 100 : i32
      %lt3A_110 = arith.cmpi slt, %add3A_108, %lt3A_109 : i32
      %convert_element_type3A_111 = arith.extui %lt3A_110 : i1 to i32
      %cond3A_112 = arith.constant 0 : i32
      %cond3A_113 = arith.cmpi ne, %convert_element_type3A_111, %cond3A_112 : i32
      scf.if %cond3A_113 {
        %add3A_254 = arith.constant 2 : i32
        %add3A_255 = arith.addi %add3A_101, %add3A_254 : i32
        %mul3A_256 = arith.constant 256 : i32
        %mul3A_257 = arith.muli %add3A_255, %mul3A_256 : i32
        %add3A_258 = arith.constant 0 : i32
        %add3A_259 = arith.addi %mul3A_257, %add3A_258 : i32
        %dma_start3A_260 = arith.constant 0 : i32
        %dma_start3A_261 = arith.constant 0 : i32
        %dma_start3A_262 = tpu.memref_slice %arg9[%dma_start3A_260, %dma_start3A_261] : memref<256x64xf32, #tpu.memory_space<vmem>> -> memref<128x64xf32, #tpu.memory_space<vmem>>
        %dma_start3A_263 = tpu.memref_slice %arg5[%add3A_259] : memref<25600xi32, #tpu.memory_space<vmem>> -> memref<128xi32, #tpu.memory_space<vmem>>
        %dma_start3A_264 = arith.constant 0 : i32
        %dma_start3A_265 = arith.constant 0 : i32
        %dma_start3A_266 = tpu.memref_slice %arg3[%dma_start3A_264, %dma_start3A_265] : memref<1000000x64xf32, #tpu.memory_space<hbm>> -> memref<1000000x64xf32, #tpu.memory_space<hbm>>
        tpu.enqueue_indirect_dma source(%dma_start3A_266 : memref<1000000x64xf32, #tpu.memory_space<hbm>>) target(%dma_start3A_262 : memref<128x64xf32, #tpu.memory_space<vmem>>) offsets(%dma_start3A_263 : memref<128xi32, #tpu.memory_space<vmem>>) semaphore(%arg13 : memref<!tpu.dma_semaphore, #tpu.memory_space<semaphore_mem>>)
        %mul3A_267 = arith.constant 256 : i32
        %mul3A_268 = arith.muli %add3A_255, %mul3A_267 : i32
        %add3A_269 = arith.constant 128 : i32
        %add3A_270 = arith.addi %mul3A_268, %add3A_269 : i32
        %dma_start3A_271 = arith.constant 128 : i32
        %dma_start3A_272 = arith.constant 0 : i32
        %dma_start3A_273 = tpu.memref_slice %arg9[%dma_start3A_271, %dma_start3A_272] : memref<256x64xf32, #tpu.memory_space<vmem>> -> memref<128x64xf32, #tpu.memory_space<vmem>>
        %dma_start3A_274 = tpu.memref_slice %arg5[%add3A_270] : memref<25600xi32, #tpu.memory_space<vmem>> -> memref<128xi32, #tpu.memory_space<vmem>>
        %dma_start3A_275 = arith.constant 0 : i32
        %dma_start3A_276 = arith.constant 0 : i32
        %dma_start3A_277 = tpu.memref_slice %arg3[%dma_start3A_275, %dma_start3A_276] : memref<1000000x64xf32, #tpu.memory_space<hbm>> -> memref<1000000x64xf32, #tpu.memory_space<hbm>>
        tpu.enqueue_indirect_dma source(%dma_start3A_277 : memref<1000000x64xf32, #tpu.memory_space<hbm>>) target(%dma_start3A_273 : memref<128x64xf32, #tpu.memory_space<vmem>>) offsets(%dma_start3A_274 : memref<128xi32, #tpu.memory_space<vmem>>) semaphore(%arg13 : memref<!tpu.dma_semaphore, #tpu.memory_space<semaphore_mem>>)
      } else {
      }
      %mul3A_114 = arith.constant 256 : i32
      %mul3A_115 = arith.muli %add3A_101, %mul3A_114 : i32
      %add3A_116 = arith.constant 0 : i32
      %add3A_117 = arith.addi %mul3A_115, %add3A_116 : i32
      %dma_wait3A_118 = arith.constant 0 : i32
      %dma_wait3A_119 = arith.constant 0 : i32
      %dma_wait3A_120 = tpu.memref_slice %arg7[%dma_wait3A_118, %dma_wait3A_119] : memref<256x64xf32, #tpu.memory_space<vmem>> -> memref<128x64xf32, #tpu.memory_space<vmem>>
      %dma_wait3A_121 = tpu.memref_slice %arg5[%add3A_117] : memref<25600xi32, #tpu.memory_space<vmem>> -> memref<128xi32, #tpu.memory_space<vmem>>
      %dma_wait3A_122 = arith.constant 0 : i32
      %dma_wait3A_123 = arith.constant 0 : i32
      %dma_wait3A_124 = tpu.memref_slice %arg3[%dma_wait3A_122, %dma_wait3A_123] : memref<1000000x64xf32, #tpu.memory_space<hbm>> -> memref<1000000x64xf32, #tpu.memory_space<hbm>>
      tpu.wait_indirect_dma semaphore(%arg11 : memref<!tpu.dma_semaphore, #tpu.memory_space<semaphore_mem>>) src(%dma_wait3A_124 : memref<1000000x64xf32, #tpu.memory_space<hbm>>) dst(%dma_wait3A_120 : memref<128x64xf32, #tpu.memory_space<vmem>>)
      %mul3A_125 = arith.constant 256 : i32
      %mul3A_126 = arith.muli %add3A_101, %mul3A_125 : i32
      %add3A_127 = arith.constant 128 : i32
      %add3A_128 = arith.addi %mul3A_126, %add3A_127 : i32
      %dma_wait3A_129 = arith.constant 128 : i32
      %dma_wait3A_130 = arith.constant 0 : i32
      %dma_wait3A_131 = tpu.memref_slice %arg7[%dma_wait3A_129, %dma_wait3A_130] : memref<256x64xf32, #tpu.memory_space<vmem>> -> memref<128x64xf32, #tpu.memory_space<vmem>>
      %dma_wait3A_132 = tpu.memref_slice %arg5[%add3A_128] : memref<25600xi32, #tpu.memory_space<vmem>> -> memref<128xi32, #tpu.memory_space<vmem>>
      %dma_wait3A_133 = arith.constant 0 : i32
      %dma_wait3A_134 = arith.constant 0 : i32
      %dma_wait3A_135 = tpu.memref_slice %arg3[%dma_wait3A_133, %dma_wait3A_134] : memref<1000000x64xf32, #tpu.memory_space<hbm>> -> memref<1000000x64xf32, #tpu.memory_space<hbm>>
      tpu.wait_indirect_dma semaphore(%arg11 : memref<!tpu.dma_semaphore, #tpu.memory_space<semaphore_mem>>) src(%dma_wait3A_135 : memref<1000000x64xf32, #tpu.memory_space<hbm>>) dst(%dma_wait3A_131 : memref<128x64xf32, #tpu.memory_space<vmem>>)
      %iota3A_136 = tpu.iota {dimensions = array<i32: 0>} : vector<16xi32>
      %scan3A_137 = arith.constant 0 : i32
      %scan3A_138 = arith.constant 0 : i32
      %scan3A_139 = arith.constant 16 : i32
      %scan3A_140 = arith.addi %scan3A_138, %scan3A_139 : i32
      %scan3A_141 = arith.constant 1 : i32
      scf.for %scan3A_254 = %scan3A_138 to %scan3A_140 step %scan3A_141  : i32 {
        %mul3A_255 = arith.constant 16 : i32
        %mul3A_256 = arith.muli %scan3A_254, %mul3A_255 : i32
        %add3A_257 = arith.constant 0 : i32
        %add3A_258 = arith.addi %mul3A_256, %add3A_257 : i32
        %broadcast_in_dim3A = arith.constant 1.000000e+00 : f32
        %broadcast_in_dim3A_259 = vector.broadcast %broadcast_in_dim3A : f32 to vector<16xf32>
        %add3A_260 = arith.constant 0 : i32
        %add3A_261 = arith.addi %add3A_258, %add3A_260 : i32
        %get3A = arith.index_cast %add3A_261 : i32 to index
        %get3A_262 = arith.constant 0 : index
        %get3A_263 = tpu.vector_load %arg7[%get3A, %get3A_262] {strides = array<i32>} : memref<256x64xf32, #tpu.memory_space<vmem>>, vector<16xf32>,
        %get3A_264 = arith.index_cast %add3A_261 : i32 to index
        %get3A_265 = arith.constant 16 : index
        %get3A_266 = tpu.vector_load %arg7[%get3A_264, %get3A_265] {strides = array<i32>} : memref<256x64xf32, #tpu.memory_space<vmem>>, vector<16xf32>,
        %get3A_267 = arith.index_cast %add3A_261 : i32 to index
        %get3A_268 = arith.constant 32 : index
        %get3A_269 = tpu.vector_load %arg7[%get3A_267, %get3A_268] {strides = array<i32>} : memref<256x64xf32, #tpu.memory_space<vmem>>, vector<16xf32>,
        %get3A_270 = arith.index_cast %add3A_261 : i32 to index
        %get3A_271 = arith.constant 48 : index
        %get3A_272 = tpu.vector_load %arg7[%get3A_270, %get3A_271] {strides = array<i32>} : memref<256x64xf32, #tpu.memory_space<vmem>>, vector<16xf32>,
        %mul3A_273 = arith.mulf %get3A_263, %get3A_263 : vector<16xf32>
        %mul3A_274 = arith.mulf %get3A_266, %get3A_266 : vector<16xf32>
        %add3A_275 = arith.addf %mul3A_273, %mul3A_274 : vector<16xf32>
        %mul3A_276 = arith.mulf %get3A_269, %get3A_269 : vector<16xf32>
        %mul3A_277 = arith.mulf %get3A_272, %get3A_272 : vector<16xf32>
        %add3A_278 = arith.addf %mul3A_276, %mul3A_277 : vector<16xf32>
        %add3A_279 = arith.addf %add3A_275, %add3A_278 : vector<16xf32>
        %reduce_sum3A = arith.constant true
        %reduce_sum3A_280 = vector.broadcast %reduce_sum3A : i1 to vector<16xi1>
        %reduce_sum3A_281 = tpu.scan <sum>, %add3A_279 masked %reduce_sum3A_280 : vector<16xf32>, vector<16xi1> -> vector<16xf32>
        %reduce_sum3A_282 = vector.extract %reduce_sum3A_281[15] : f32 from vector<16xf32>
        %eq3A = arith.constant 0 : i32
        %eq3A_283 = vector.broadcast %eq3A : i32 to vector<16xi32>
        %eq3A_284 = arith.cmpi eq, %iota3A_136, %eq3A_283 : vector<16xi32>
        %broadcast_in_dim3A_285 = vector.broadcast %reduce_sum3A_282 : f32 to vector<16xf32>
        %select_n3A = arith.select %eq3A_284, %broadcast_in_dim3A_285, %broadcast_in_dim3A_259 : vector<16xi1>, vector<16xf32>
        %add3A_286 = arith.constant 1 : i32
        %add3A_287 = arith.addi %add3A_258, %add3A_286 : i32
        %get3A_288 = arith.index_cast %add3A_287 : i32 to index
        %get3A_289 = arith.constant 0 : index
        %get3A_290 = tpu.vector_load %arg7[%get3A_288, %get3A_289] {strides = array<i32>} : memref<256x64xf32, #tpu.memory_space<vmem>>, vector<16xf32>,
        %get3A_291 = arith.index_cast %add3A_287 : i32 to index
        %get3A_292 = arith.constant 16 : index
        %get3A_293 = tpu.vector_load %arg7[%get3A_291, %get3A_292] {strides = array<i32>} : memref<256x64xf32, #tpu.memory_space<vmem>>, vector<16xf32>,
        %get3A_294 = arith.index_cast %add3A_287 : i32 to index
        %get3A_295 = arith.constant 32 : index
        %get3A_296 = tpu.vector_load %arg7[%get3A_294, %get3A_295] {strides = array<i32>} : memref<256x64xf32, #tpu.memory_space<vmem>>, vector<16xf32>,
        %get3A_297 = arith.index_cast %add3A_287 : i32 to index
        %get3A_298 = arith.constant 48 : index
        %get3A_299 = tpu.vector_load %arg7[%get3A_297, %get3A_298] {strides = array<i32>} : memref<256x64xf32, #tpu.memory_space<vmem>>, vector<16xf32>,
        %mul3A_300 = arith.mulf %get3A_290, %get3A_290 : vector<16xf32>
        %mul3A_301 = arith.mulf %get3A_293, %get3A_293 : vector<16xf32>
        %add3A_302 = arith.addf %mul3A_300, %mul3A_301 : vector<16xf32>
        %mul3A_303 = arith.mulf %get3A_296, %get3A_296 : vector<16xf32>
        %mul3A_304 = arith.mulf %get3A_299, %get3A_299 : vector<16xf32>
        %add3A_305 = arith.addf %mul3A_303, %mul3A_304 : vector<16xf32>
        %add3A_306 = arith.addf %add3A_302, %add3A_305 : vector<16xf32>
        %reduce_sum3A_307 = arith.constant true
        %reduce_sum3A_308 = vector.broadcast %reduce_sum3A_307 : i1 to vector<16xi1>
        %reduce_sum3A_309 = tpu.scan <sum>, %add3A_306 masked %reduce_sum3A_308 : vector<16xf32>, vector<16xi1> -> vector<16xf32>
        %reduce_sum3A_310 = vector.extract %reduce_sum3A_309[15] : f32 from vector<16xf32>
        %eq3A_311 = arith.constant 1 : i32
        %eq3A_312 = vector.broadcast %eq3A_311 : i32 to vector<16xi32>
        %eq3A_313 = arith.cmpi eq, %iota3A_136, %eq3A_312 : vector<16xi32>
        %broadcast_in_dim3A_314 = vector.broadcast %reduce_sum3A_310 : f32 to vector<16xf32>
        %select_n3A_315 = arith.select %eq3A_313, %broadcast_in_dim3A_314, %select_n3A : vector<16xi1>, vector<16xf32>
        %add3A_316 = arith.constant 2 : i32
        %add3A_317 = arith.addi %add3A_258, %add3A_316 : i32
        %get3A_318 = arith.index_cast %add3A_317 : i32 to index
        %get3A_319 = arith.constant 0 : index
        %get3A_320 = tpu.vector_load %arg7[%get3A_318, %get3A_319] {strides = array<i32>} : memref<256x64xf32, #tpu.memory_space<vmem>>, vector<16xf32>,
        %get3A_321 = arith.index_cast %add3A_317 : i32 to index
        %get3A_322 = arith.constant 16 : index
        %get3A_323 = tpu.vector_load %arg7[%get3A_321, %get3A_322] {strides = array<i32>} : memref<256x64xf32, #tpu.memory_space<vmem>>, vector<16xf32>,
        %get3A_324 = arith.index_cast %add3A_317 : i32 to index
        %get3A_325 = arith.constant 32 : index
        %get3A_326 = tpu.vector_load %arg7[%get3A_324, %get3A_325] {strides = array<i32>} : memref<256x64xf32, #tpu.memory_space<vmem>>, vector<16xf32>,
        %get3A_327 = arith.index_cast %add3A_317 : i32 to index
        %get3A_328 = arith.constant 48 : index
        %get3A_329 = tpu.vector_load %arg7[%get3A_327, %get3A_328] {strides = array<i32>} : memref<256x64xf32, #tpu.memory_space<vmem>>, vector<16xf32>,
        %mul3A_330 = arith.mulf %get3A_320, %get3A_320 : vector<16xf32>
        %mul3A_331 = arith.mulf %get3A_323, %get3A_323 : vector<16xf32>
        %add3A_332 = arith.addf %mul3A_330, %mul3A_331 : vector<16xf32>
        %mul3A_333 = arith.mulf %get3A_326, %get3A_326 : vector<16xf32>
        %mul3A_334 = arith.mulf %get3A_329, %get3A_329 : vector<16xf32>
        %add3A_335 = arith.addf %mul3A_333, %mul3A_334 : vector<16xf32>
        %add3A_336 = arith.addf %add3A_332, %add3A_335 : vector<16xf32>
        %reduce_sum3A_337 = arith.constant true
        %reduce_sum3A_338 = vector.broadcast %reduce_sum3A_337 : i1 to vector<16xi1>
        %reduce_sum3A_339 = tpu.scan <sum>, %add3A_336 masked %reduce_sum3A_338 : vector<16xf32>, vector<16xi1> -> vector<16xf32>
        %reduce_sum3A_340 = vector.extract %reduce_sum3A_339[15] : f32 from vector<16xf32>
        %eq3A_341 = arith.constant 2 : i32
        %eq3A_342 = vector.broadcast %eq3A_341 : i32 to vector<16xi32>
        %eq3A_343 = arith.cmpi eq, %iota3A_136, %eq3A_342 : vector<16xi32>
        %broadcast_in_dim3A_344 = vector.broadcast %reduce_sum3A_340 : f32 to vector<16xf32>
        %select_n3A_345 = arith.select %eq3A_343, %broadcast_in_dim3A_344, %select_n3A_315 : vector<16xi1>, vector<16xf32>
        %add3A_346 = arith.constant 3 : i32
        %add3A_347 = arith.addi %add3A_258, %add3A_346 : i32
        %get3A_348 = arith.index_cast %add3A_347 : i32 to index
        %get3A_349 = arith.constant 0 : index
        %get3A_350 = tpu.vector_load %arg7[%get3A_348, %get3A_349] {strides = array<i32>} : memref<256x64xf32, #tpu.memory_space<vmem>>, vector<16xf32>,
        %get3A_351 = arith.index_cast %add3A_347 : i32 to index
        %get3A_352 = arith.constant 16 : index
        %get3A_353 = tpu.vector_load %arg7[%get3A_351, %get3A_352] {strides = array<i32>} : memref<256x64xf32, #tpu.memory_space<vmem>>, vector<16xf32>,
        %get3A_354 = arith.index_cast %add3A_347 : i32 to index
        %get3A_355 = arith.constant 32 : index
        %get3A_356 = tpu.vector_load %arg7[%get3A_354, %get3A_355] {strides = array<i32>} : memref<256x64xf32, #tpu.memory_space<vmem>>, vector<16xf32>,
        %get3A_357 = arith.index_cast %add3A_347 : i32 to index
        %get3A_358 = arith.constant 48 : index
        %get3A_359 = tpu.vector_load %arg7[%get3A_357, %get3A_358] {strides = array<i32>} : memref<256x64xf32, #tpu.memory_space<vmem>>, vector<16xf32>,
        %mul3A_360 = arith.mulf %get3A_350, %get3A_350 : vector<16xf32>
        %mul3A_361 = arith.mulf %get3A_353, %get3A_353 : vector<16xf32>
        %add3A_362 = arith.addf %mul3A_360, %mul3A_361 : vector<16xf32>
        %mul3A_363 = arith.mulf %get3A_356, %get3A_356 : vector<16xf32>
        %mul3A_364 = arith.mulf %get3A_359, %get3A_359 : vector<16xf32>
        %add3A_365 = arith.addf %mul3A_363, %mul3A_364 : vector<16xf32>
        %add3A_366 = arith.addf %add3A_362, %add3A_365 : vector<16xf32>
        %reduce_sum3A_367 = arith.constant true
        %reduce_sum3A_368 = vector.broadcast %reduce_sum3A_367 : i1 to vector<16xi1>
        %reduce_sum3A_369 = tpu.scan <sum>, %add3A_366 masked %reduce_sum3A_368 : vector<16xf32>, vector<16xi1> -> vector<16xf32>
        %reduce_sum3A_370 = vector.extract %reduce_sum3A_369[15] : f32 from vector<16xf32>
        %eq3A_371 = arith.constant 3 : i32
        %eq3A_372 = vector.broadcast %eq3A_371 : i32 to vector<16xi32>
        %eq3A_373 = arith.cmpi eq, %iota3A_136, %eq3A_372 : vector<16xi32>
        %broadcast_in_dim3A_374 = vector.broadcast %reduce_sum3A_370 : f32 to vector<16xf32>
        %select_n3A_375 = arith.select %eq3A_373, %broadcast_in_dim3A_374, %select_n3A_345 : vector<16xi1>, vector<16xf32>
        %max3A = arith.constant 1.000000e-24 : f32
        %max3A_376 = vector.broadcast %max3A : f32 to vector<16xf32>
        %max3A_377 = arith.maximumf %select_n3A_375, %max3A_376 : vector<16xf32>
        %bitcast3A = vector.bitcast %max3A_377 : vector<16xf32> to vector<16xi32>
        %broadcast_in_dim3A_378 = arith.constant 1597463007 : i32
        %broadcast_in_dim3A_379 = vector.broadcast %broadcast_in_dim3A_378 : i32 to vector<16xi32>
        %shift_right_arithmetic3A = arith.constant 1 : i32
        %shift_right_arithmetic3A_380 = vector.broadcast %shift_right_arithmetic3A : i32 to vector<16xi32>
        %shift_right_arithmetic3A_381 = arith.shrsi %bitcast3A, %shift_right_arithmetic3A_380 : vector<16xi32>
        %sub3A = arith.subi %broadcast_in_dim3A_379, %shift_right_arithmetic3A_381 : vector<16xi32>
        %bitcast3A_382 = vector.bitcast %sub3A : vector<16xi32> to vector<16xf32>
        %mul3A_383 = arith.constant 5.000000e-01 : f32
        %mul3A_384 = vector.broadcast %mul3A_383 : f32 to vector<16xf32>
        %mul3A_385 = arith.mulf %mul3A_384, %max3A_377 : vector<16xf32>
        %mul3A_386 = arith.mulf %mul3A_385, %bitcast3A_382 : vector<16xf32>
        %mul3A_387 = arith.mulf %mul3A_386, %bitcast3A_382 : vector<16xf32>
        %sub3A_388 = arith.constant 1.500000e+00 : f32
        %sub3A_389 = vector.broadcast %sub3A_388 : f32 to vector<16xf32>
        %sub3A_390 = arith.subf %sub3A_389, %mul3A_387 : vector<16xf32>
        %mul3A_391 = arith.mulf %bitcast3A_382, %sub3A_390 : vector<16xf32>
        %mul3A_392 = arith.constant 5.000000e-01 : f32
        %mul3A_393 = vector.broadcast %mul3A_392 : f32 to vector<16xf32>
        %mul3A_394 = arith.mulf %mul3A_393, %max3A_377 : vector<16xf32>
        %mul3A_395 = arith.mulf %mul3A_394, %mul3A_391 : vector<16xf32>
        %mul3A_396 = arith.mulf %mul3A_395, %mul3A_391 : vector<16xf32>
        %sub3A_397 = arith.constant 1.500000e+00 : f32
        %sub3A_398 = vector.broadcast %sub3A_397 : f32 to vector<16xf32>
        %sub3A_399 = arith.subf %sub3A_398, %mul3A_396 : vector<16xf32>
        %mul3A_400 = arith.mulf %mul3A_391, %sub3A_399 : vector<16xf32>
        %mul3A_401 = arith.constant 5.000000e-01 : f32
        %mul3A_402 = vector.broadcast %mul3A_401 : f32 to vector<16xf32>
        %mul3A_403 = arith.mulf %mul3A_402, %max3A_377 : vector<16xf32>
        %mul3A_404 = arith.mulf %mul3A_403, %mul3A_400 : vector<16xf32>
        %mul3A_405 = arith.mulf %mul3A_404, %mul3A_400 : vector<16xf32>
        %sub3A_406 = arith.constant 1.500000e+00 : f32
        %sub3A_407 = vector.broadcast %sub3A_406 : f32 to vector<16xf32>
        %sub3A_408 = arith.subf %sub3A_407, %mul3A_405 : vector<16xf32>
        %mul3A_409 = arith.mulf %mul3A_400, %sub3A_408 : vector<16xf32>
        %mul3A_410 = arith.constant 8.000000e+00 : f32
        %mul3A_411 = vector.broadcast %mul3A_410 : f32 to vector<16xf32>
        %mul3A_412 = arith.mulf %mul3A_409, %mul3A_411 : vector<16xf32>
        %broadcast_in_dim3A_413 = arith.constant 0 : i32
        %broadcast_in_dim3A_414 = vector.broadcast %broadcast_in_dim3A_413 : i32 to vector<16x1xi32>
        %gather3A = vector.shape_cast %broadcast_in_dim3A_414 : vector<16x1xi32> to vector<16xi32>
        %gather3A_415 = tpu.dynamic_gather %mul3A_412[%gather3A] in [0] : vector<16xf32>, vector<16xi32> -> vector<16xf32>
        %mul3A_416 = arith.mulf %get3A_263, %gather3A_415 : vector<16xf32>
        %swap3A = arith.index_cast %add3A_261 : i32 to index
        %swap3A_417 = arith.constant 0 : index
        %swap3A_418 = tpu.vector_load %arg7[%swap3A, %swap3A_417] {strides = array<i32>} : memref<256x64xf32, #tpu.memory_space<vmem>>, vector<16xf32>,
        tpu.vector_store %arg7[%swap3A, %swap3A_417], %mul3A_416 {strides = array<i32>} : memref<256x64xf32, #tpu.memory_space<vmem>>, vector<16xf32>,
        %mul3A_419 = arith.mulf %get3A_266, %gather3A_415 : vector<16xf32>
        %swap3A_420 = arith.index_cast %add3A_261 : i32 to index
        %swap3A_421 = arith.constant 16 : index
        %swap3A_422 = tpu.vector_load %arg7[%swap3A_420, %swap3A_421] {strides = array<i32>} : memref<256x64xf32, #tpu.memory_space<vmem>>, vector<16xf32>,
        tpu.vector_store %arg7[%swap3A_420, %swap3A_421], %mul3A_419 {strides = array<i32>} : memref<256x64xf32, #tpu.memory_space<vmem>>, vector<16xf32>,
        %mul3A_423 = arith.mulf %get3A_269, %gather3A_415 : vector<16xf32>
        %swap3A_424 = arith.index_cast %add3A_261 : i32 to index
        %swap3A_425 = arith.constant 32 : index
        %swap3A_426 = tpu.vector_load %arg7[%swap3A_424, %swap3A_425] {strides = array<i32>} : memref<256x64xf32, #tpu.memory_space<vmem>>, vector<16xf32>,
        tpu.vector_store %arg7[%swap3A_424, %swap3A_425], %mul3A_423 {strides = array<i32>} : memref<256x64xf32, #tpu.memory_space<vmem>>, vector<16xf32>,
        %mul3A_427 = arith.mulf %get3A_272, %gather3A_415 : vector<16xf32>
        %swap3A_428 = arith.index_cast %add3A_261 : i32 to index
        %swap3A_429 = arith.constant 48 : index
        %swap3A_430 = tpu.vector_load %arg7[%swap3A_428, %swap3A_429] {strides = array<i32>} : memref<256x64xf32, #tpu.memory_space<vmem>>, vector<16xf32>,
        tpu.vector_store %arg7[%swap3A_428, %swap3A_429], %mul3A_427 {strides = array<i32>} : memref<256x64xf32, #tpu.memory_space<vmem>>, vector<16xf32>,
        %broadcast_in_dim3A_431 = arith.constant 1 : i32
        %broadcast_in_dim3A_432 = vector.broadcast %broadcast_in_dim3A_431 : i32 to vector<16x1xi32>
        %gather3A_433 = vector.shape_cast %broadcast_in_dim3A_432 : vector<16x1xi32> to vector<16xi32>
        %gather3A_434 = tpu.dynamic_gather %mul3A_412[%gather3A_433] in [0] : vector<16xf32>, vector<16xi32> -> vector<16xf32>
        %mul3A_435 = arith.mulf %get3A_290, %gather3A_434 : vector<16xf32>
        %swap3A_436 = arith.index_cast %add3A_287 : i32 to index
        %swap3A_437 = arith.constant 0 : index
        %swap3A_438 = tpu.vector_load %arg7[%swap3A_436, %swap3A_437] {strides = array<i32>} : memref<256x64xf32, #tpu.memory_space<vmem>>, vector<16xf32>,
        tpu.vector_store %arg7[%swap3A_436, %swap3A_437], %mul3A_435 {strides = array<i32>} : memref<256x64xf32, #tpu.memory_space<vmem>>, vector<16xf32>,
        %mul3A_439 = arith.mulf %get3A_293, %gather3A_434 : vector<16xf32>
        %swap3A_440 = arith.index_cast %add3A_287 : i32 to index
        %swap3A_441 = arith.constant 16 : index
        %swap3A_442 = tpu.vector_load %arg7[%swap3A_440, %swap3A_441] {strides = array<i32>} : memref<256x64xf32, #tpu.memory_space<vmem>>, vector<16xf32>,
        tpu.vector_store %arg7[%swap3A_440, %swap3A_441], %mul3A_439 {strides = array<i32>} : memref<256x64xf32, #tpu.memory_space<vmem>>, vector<16xf32>,
        %mul3A_443 = arith.mulf %get3A_296, %gather3A_434 : vector<16xf32>
        %swap3A_444 = arith.index_cast %add3A_287 : i32 to index
        %swap3A_445 = arith.constant 32 : index
        %swap3A_446 = tpu.vector_load %arg7[%swap3A_444, %swap3A_445] {strides = array<i32>} : memref<256x64xf32, #tpu.memory_space<vmem>>, vector<16xf32>,
        tpu.vector_store %arg7[%swap3A_444, %swap3A_445], %mul3A_443 {strides = array<i32>} : memref<256x64xf32, #tpu.memory_space<vmem>>, vector<16xf32>,
        %mul3A_447 = arith.mulf %get3A_299, %gather3A_434 : vector<16xf32>
        %swap3A_448 = arith.index_cast %add3A_287 : i32 to index
        %swap3A_449 = arith.constant 48 : index
        %swap3A_450 = tpu.vector_load %arg7[%swap3A_448, %swap3A_449] {strides = array<i32>} : memref<256x64xf32, #tpu.memory_space<vmem>>, vector<16xf32>,
        tpu.vector_store %arg7[%swap3A_448, %swap3A_449], %mul3A_447 {strides = array<i32>} : memref<256x64xf32, #tpu.memory_space<vmem>>, vector<16xf32>,
        %broadcast_in_dim3A_451 = arith.constant 2 : i32
        %broadcast_in_dim3A_452 = vector.broadcast %broadcast_in_dim3A_451 : i32 to vector<16x1xi32>
        %gather3A_453 = vector.shape_cast %broadcast_in_dim3A_452 : vector<16x1xi32> to vector<16xi32>
        %gather3A_454 = tpu.dynamic_gather %mul3A_412[%gather3A_453] in [0] : vector<16xf32>, vector<16xi32> -> vector<16xf32>
        %mul3A_455 = arith.mulf %get3A_320, %gather3A_454 : vector<16xf32>
        %swap3A_456 = arith.index_cast %add3A_317 : i32 to index
        %swap3A_457 = arith.constant 0 : index
        %swap3A_458 = tpu.vector_load %arg7[%swap3A_456, %swap3A_457] {strides = array<i32>} : memref<256x64xf32, #tpu.memory_space<vmem>>, vector<16xf32>,
        tpu.vector_store %arg7[%swap3A_456, %swap3A_457], %mul3A_455 {strides = array<i32>} : memref<256x64xf32, #tpu.memory_space<vmem>>, vector<16xf32>,
        %mul3A_459 = arith.mulf %get3A_323, %gather3A_454 : vector<16xf32>
        %swap3A_460 = arith.index_cast %add3A_317 : i32 to index
        %swap3A_461 = arith.constant 16 : index
        %swap3A_462 = tpu.vector_load %arg7[%swap3A_460, %swap3A_461] {strides = array<i32>} : memref<256x64xf32, #tpu.memory_space<vmem>>, vector<16xf32>,
        tpu.vector_store %arg7[%swap3A_460, %swap3A_461], %mul3A_459 {strides = array<i32>} : memref<256x64xf32, #tpu.memory_space<vmem>>, vector<16xf32>,
        %mul3A_463 = arith.mulf %get3A_326, %gather3A_454 : vector<16xf32>
        %swap3A_464 = arith.index_cast %add3A_317 : i32 to index
        %swap3A_465 = arith.constant 32 : index
        %swap3A_466 = tpu.vector_load %arg7[%swap3A_464, %swap3A_465] {strides = array<i32>} : memref<256x64xf32, #tpu.memory_space<vmem>>, vector<16xf32>,
        tpu.vector_store %arg7[%swap3A_464, %swap3A_465], %mul3A_463 {strides = array<i32>} : memref<256x64xf32, #tpu.memory_space<vmem>>, vector<16xf32>,
        %mul3A_467 = arith.mulf %get3A_329, %gather3A_454 : vector<16xf32>
        %swap3A_468 = arith.index_cast %add3A_317 : i32 to index
        %swap3A_469 = arith.constant 48 : index
        %swap3A_470 = tpu.vector_load %arg7[%swap3A_468, %swap3A_469] {strides = array<i32>} : memref<256x64xf32, #tpu.memory_space<vmem>>, vector<16xf32>,
        tpu.vector_store %arg7[%swap3A_468, %swap3A_469], %mul3A_467 {strides = array<i32>} : memref<256x64xf32, #tpu.memory_space<vmem>>, vector<16xf32>,
        %broadcast_in_dim3A_471 = arith.constant 3 : i32
        %broadcast_in_dim3A_472 = vector.broadcast %broadcast_in_dim3A_471 : i32 to vector<16x1xi32>
        %gather3A_473 = vector.shape_cast %broadcast_in_dim3A_472 : vector<16x1xi32> to vector<16xi32>
        %gather3A_474 = tpu.dynamic_gather %mul3A_412[%gather3A_473] in [0] : vector<16xf32>, vector<16xi32> -> vector<16xf32>
        %mul3A_475 = arith.mulf %get3A_350, %gather3A_474 : vector<16xf32>
        %swap3A_476 = arith.index_cast %add3A_347 : i32 to index
        %swap3A_477 = arith.constant 0 : index
        %swap3A_478 = tpu.vector_load %arg7[%swap3A_476, %swap3A_477] {strides = array<i32>} : memref<256x64xf32, #tpu.memory_space<vmem>>, vector<16xf32>,
        tpu.vector_store %arg7[%swap3A_476, %swap3A_477], %mul3A_475 {strides = array<i32>} : memref<256x64xf32, #tpu.memory_space<vmem>>, vector<16xf32>,
        %mul3A_479 = arith.mulf %get3A_353, %gather3A_474 : vector<16xf32>
        %swap3A_480 = arith.index_cast %add3A_347 : i32 to index
        %swap3A_481 = arith.constant 16 : index
        %swap3A_482 = tpu.vector_load %arg7[%swap3A_480, %swap3A_481] {strides = array<i32>} : memref<256x64xf32, #tpu.memory_space<vmem>>, vector<16xf32>,
        tpu.vector_store %arg7[%swap3A_480, %swap3A_481], %mul3A_479 {strides = array<i32>} : memref<256x64xf32, #tpu.memory_space<vmem>>, vector<16xf32>,
        %mul3A_483 = arith.mulf %get3A_356, %gather3A_474 : vector<16xf32>
        %swap3A_484 = arith.index_cast %add3A_347 : i32 to index
        %swap3A_485 = arith.constant 32 : index
        %swap3A_486 = tpu.vector_load %arg7[%swap3A_484, %swap3A_485] {strides = array<i32>} : memref<256x64xf32, #tpu.memory_space<vmem>>, vector<16xf32>,
        tpu.vector_store %arg7[%swap3A_484, %swap3A_485], %mul3A_483 {strides = array<i32>} : memref<256x64xf32, #tpu.memory_space<vmem>>, vector<16xf32>,
        %mul3A_487 = arith.mulf %get3A_359, %gather3A_474 : vector<16xf32>
        %swap3A_488 = arith.index_cast %add3A_347 : i32 to index
        %swap3A_489 = arith.constant 48 : index
        %swap3A_490 = tpu.vector_load %arg7[%swap3A_488, %swap3A_489] {strides = array<i32>} : memref<256x64xf32, #tpu.memory_space<vmem>>, vector<16xf32>,
        tpu.vector_store %arg7[%swap3A_488, %swap3A_489], %mul3A_487 {strides = array<i32>} : memref<256x64xf32, #tpu.memory_space<vmem>>, vector<16xf32>,
        %add3A_491 = arith.constant 4 : i32
        %add3A_492 = arith.addi %mul3A_256, %add3A_491 : i32
        %broadcast_in_dim3A_493 = arith.constant 1.000000e+00 : f32
        %broadcast_in_dim3A_494 = vector.broadcast %broadcast_in_dim3A_493 : f32 to vector<16xf32>
        %add3A_495 = arith.constant 0 : i32
        %add3A_496 = arith.addi %add3A_492, %add3A_495 : i32
        %get3A_497 = arith.index_cast %add3A_496 : i32 to index
        %get3A_498 = arith.constant 0 : index
        %get3A_499 = tpu.vector_load %arg7[%get3A_497, %get3A_498] {strides = array<i32>} : memref<256x64xf32, #tpu.memory_space<vmem>>, vector<16xf32>,
        %get3A_500 = arith.index_cast %add3A_496 : i32 to index
        %get3A_501 = arith.constant 16 : index
        %get3A_502 = tpu.vector_load %arg7[%get3A_500, %get3A_501] {strides = array<i32>} : memref<256x64xf32, #tpu.memory_space<vmem>>, vector<16xf32>,
        %get3A_503 = arith.index_cast %add3A_496 : i32 to index
        %get3A_504 = arith.constant 32 : index
        %get3A_505 = tpu.vector_load %arg7[%get3A_503, %get3A_504] {strides = array<i32>} : memref<256x64xf32, #tpu.memory_space<vmem>>, vector<16xf32>,
        %get3A_506 = arith.index_cast %add3A_496 : i32 to index
        %get3A_507 = arith.constant 48 : index
        %get3A_508 = tpu.vector_load %arg7[%get3A_506, %get3A_507] {strides = array<i32>} : memref<256x64xf32, #tpu.memory_space<vmem>>, vector<16xf32>,
        %mul3A_509 = arith.mulf %get3A_499, %get3A_499 : vector<16xf32>
        %mul3A_510 = arith.mulf %get3A_502, %get3A_502 : vector<16xf32>
        %add3A_511 = arith.addf %mul3A_509, %mul3A_510 : vector<16xf32>
        %mul3A_512 = arith.mulf %get3A_505, %get3A_505 : vector<16xf32>
        %mul3A_513 = arith.mulf %get3A_508, %get3A_508 : vector<16xf32>
        %add3A_514 = arith.addf %mul3A_512, %mul3A_513 : vector<16xf32>
        %add3A_515 = arith.addf %add3A_511, %add3A_514 : vector<16xf32>
        %reduce_sum3A_516 = arith.constant true
        %reduce_sum3A_517 = vector.broadcast %reduce_sum3A_516 : i1 to vector<16xi1>
        %reduce_sum3A_518 = tpu.scan <sum>, %add3A_515 masked %reduce_sum3A_517 : vector<16xf32>, vector<16xi1> -> vector<16xf32>
        %reduce_sum3A_519 = vector.extract %reduce_sum3A_518[15] : f32 from vector<16xf32>
        %eq3A_520 = arith.constant 0 : i32
        %eq3A_521 = vector.broadcast %eq3A_520 : i32 to vector<16xi32>
        %eq3A_522 = arith.cmpi eq, %iota3A_136, %eq3A_521 : vector<16xi32>
        %broadcast_in_dim3A_523 = vector.broadcast %reduce_sum3A_519 : f32 to vector<16xf32>
        %select_n3A_524 = arith.select %eq3A_522, %broadcast_in_dim3A_523, %broadcast_in_dim3A_494 : vector<16xi1>, vector<16xf32>
        %add3A_525 = arith.constant 1 : i32
        %add3A_526 = arith.addi %add3A_492, %add3A_525 : i32
        %get3A_527 = arith.index_cast %add3A_526 : i32 to index
        %get3A_528 = arith.constant 0 : index
        %get3A_529 = tpu.vector_load %arg7[%get3A_527, %get3A_528] {strides = array<i32>} : memref<256x64xf32, #tpu.memory_space<vmem>>, vector<16xf32>,
        %get3A_530 = arith.index_cast %add3A_526 : i32 to index
        %get3A_531 = arith.constant 16 : index
        %get3A_532 = tpu.vector_load %arg7[%get3A_530, %get3A_531] {strides = array<i32>} : memref<256x64xf32, #tpu.memory_space<vmem>>, vector<16xf32>,
        %get3A_533 = arith.index_cast %add3A_526 : i32 to index
        %get3A_534 = arith.constant 32 : index
        %get3A_535 = tpu.vector_load %arg7[%get3A_533, %get3A_534] {strides = array<i32>} : memref<256x64xf32, #tpu.memory_space<vmem>>, vector<16xf32>,
        %get3A_536 = arith.index_cast %add3A_526 : i32 to index
        %get3A_537 = arith.constant 48 : index
        %get3A_538 = tpu.vector_load %arg7[%get3A_536, %get3A_537] {strides = array<i32>} : memref<256x64xf32, #tpu.memory_space<vmem>>, vector<16xf32>,
        %mul3A_539 = arith.mulf %get3A_529, %get3A_529 : vector<16xf32>
        %mul3A_540 = arith.mulf %get3A_532, %get3A_532 : vector<16xf32>
        %add3A_541 = arith.addf %mul3A_539, %mul3A_540 : vector<16xf32>
        %mul3A_542 = arith.mulf %get3A_535, %get3A_535 : vector<16xf32>
        %mul3A_543 = arith.mulf %get3A_538, %get3A_538 : vector<16xf32>
        %add3A_544 = arith.addf %mul3A_542, %mul3A_543 : vector<16xf32>
        %add3A_545 = arith.addf %add3A_541, %add3A_544 : vector<16xf32>
        %reduce_sum3A_546 = arith.constant true
        %reduce_sum3A_547 = vector.broadcast %reduce_sum3A_546 : i1 to vector<16xi1>
        %reduce_sum3A_548 = tpu.scan <sum>, %add3A_545 masked %reduce_sum3A_547 : vector<16xf32>, vector<16xi1> -> vector<16xf32>
        %reduce_sum3A_549 = vector.extract %reduce_sum3A_548[15] : f32 from vector<16xf32>
        %eq3A_550 = arith.constant 1 : i32
        %eq3A_551 = vector.broadcast %eq3A_550 : i32 to vector<16xi32>
        %eq3A_552 = arith.cmpi eq, %iota3A_136, %eq3A_551 : vector<16xi32>
        %broadcast_in_dim3A_553 = vector.broadcast %reduce_sum3A_549 : f32 to vector<16xf32>
        %select_n3A_554 = arith.select %eq3A_552, %broadcast_in_dim3A_553, %select_n3A_524 : vector<16xi1>, vector<16xf32>
        %add3A_555 = arith.constant 2 : i32
        %add3A_556 = arith.addi %add3A_492, %add3A_555 : i32
        %get3A_557 = arith.index_cast %add3A_556 : i32 to index
        %get3A_558 = arith.constant 0 : index
        %get3A_559 = tpu.vector_load %arg7[%get3A_557, %get3A_558] {strides = array<i32>} : memref<256x64xf32, #tpu.memory_space<vmem>>, vector<16xf32>,
        %get3A_560 = arith.index_cast %add3A_556 : i32 to index
        %get3A_561 = arith.constant 16 : index
        %get3A_562 = tpu.vector_load %arg7[%get3A_560, %get3A_561] {strides = array<i32>} : memref<256x64xf32, #tpu.memory_space<vmem>>, vector<16xf32>,
        %get3A_563 = arith.index_cast %add3A_556 : i32 to index
        %get3A_564 = arith.constant 32 : index
        %get3A_565 = tpu.vector_load %arg7[%get3A_563, %get3A_564] {strides = array<i32>} : memref<256x64xf32, #tpu.memory_space<vmem>>, vector<16xf32>,
        %get3A_566 = arith.index_cast %add3A_556 : i32 to index
        %get3A_567 = arith.constant 48 : index
        %get3A_568 = tpu.vector_load %arg7[%get3A_566, %get3A_567] {strides = array<i32>} : memref<256x64xf32, #tpu.memory_space<vmem>>, vector<16xf32>,
        %mul3A_569 = arith.mulf %get3A_559, %get3A_559 : vector<16xf32>
        %mul3A_570 = arith.mulf %get3A_562, %get3A_562 : vector<16xf32>
        %add3A_571 = arith.addf %mul3A_569, %mul3A_570 : vector<16xf32>
        %mul3A_572 = arith.mulf %get3A_565, %get3A_565 : vector<16xf32>
        %mul3A_573 = arith.mulf %get3A_568, %get3A_568 : vector<16xf32>
        %add3A_574 = arith.addf %mul3A_572, %mul3A_573 : vector<16xf32>
        %add3A_575 = arith.addf %add3A_571, %add3A_574 : vector<16xf32>
        %reduce_sum3A_576 = arith.constant true
        %reduce_sum3A_577 = vector.broadcast %reduce_sum3A_576 : i1 to vector<16xi1>
        %reduce_sum3A_578 = tpu.scan <sum>, %add3A_575 masked %reduce_sum3A_577 : vector<16xf32>, vector<16xi1> -> vector<16xf32>
        %reduce_sum3A_579 = vector.extract %reduce_sum3A_578[15] : f32 from vector<16xf32>
        %eq3A_580 = arith.constant 2 : i32
        %eq3A_581 = vector.broadcast %eq3A_580 : i32 to vector<16xi32>
        %eq3A_582 = arith.cmpi eq, %iota3A_136, %eq3A_581 : vector<16xi32>
        %broadcast_in_dim3A_583 = vector.broadcast %reduce_sum3A_579 : f32 to vector<16xf32>
        %select_n3A_584 = arith.select %eq3A_582, %broadcast_in_dim3A_583, %select_n3A_554 : vector<16xi1>, vector<16xf32>
        %add3A_585 = arith.constant 3 : i32
        %add3A_586 = arith.addi %add3A_492, %add3A_585 : i32
        %get3A_587 = arith.index_cast %add3A_586 : i32 to index
        %get3A_588 = arith.constant 0 : index
        %get3A_589 = tpu.vector_load %arg7[%get3A_587, %get3A_588] {strides = array<i32>} : memref<256x64xf32, #tpu.memory_space<vmem>>, vector<16xf32>,
        %get3A_590 = arith.index_cast %add3A_586 : i32 to index
        %get3A_591 = arith.constant 16 : index
        %get3A_592 = tpu.vector_load %arg7[%get3A_590, %get3A_591] {strides = array<i32>} : memref<256x64xf32, #tpu.memory_space<vmem>>, vector<16xf32>,
        %get3A_593 = arith.index_cast %add3A_586 : i32 to index
        %get3A_594 = arith.constant 32 : index
        %get3A_595 = tpu.vector_load %arg7[%get3A_593, %get3A_594] {strides = array<i32>} : memref<256x64xf32, #tpu.memory_space<vmem>>, vector<16xf32>,
        %get3A_596 = arith.index_cast %add3A_586 : i32 to index
        %get3A_597 = arith.constant 48 : index
        %get3A_598 = tpu.vector_load %arg7[%get3A_596, %get3A_597] {strides = array<i32>} : memref<256x64xf32, #tpu.memory_space<vmem>>, vector<16xf32>,
        %mul3A_599 = arith.mulf %get3A_589, %get3A_589 : vector<16xf32>
        %mul3A_600 = arith.mulf %get3A_592, %get3A_592 : vector<16xf32>
        %add3A_601 = arith.addf %mul3A_599, %mul3A_600 : vector<16xf32>
        %mul3A_602 = arith.mulf %get3A_595, %get3A_595 : vector<16xf32>
        %mul3A_603 = arith.mulf %get3A_598, %get3A_598 : vector<16xf32>
        %add3A_604 = arith.addf %mul3A_602, %mul3A_603 : vector<16xf32>
        %add3A_605 = arith.addf %add3A_601, %add3A_604 : vector<16xf32>
        %reduce_sum3A_606 = arith.constant true
        %reduce_sum3A_607 = vector.broadcast %reduce_sum3A_606 : i1 to vector<16xi1>
        %reduce_sum3A_608 = tpu.scan <sum>, %add3A_605 masked %reduce_sum3A_607 : vector<16xf32>, vector<16xi1> -> vector<16xf32>
        %reduce_sum3A_609 = vector.extract %reduce_sum3A_608[15] : f32 from vector<16xf32>
        %eq3A_610 = arith.constant 3 : i32
        %eq3A_611 = vector.broadcast %eq3A_610 : i32 to vector<16xi32>
        %eq3A_612 = arith.cmpi eq, %iota3A_136, %eq3A_611 : vector<16xi32>
        %broadcast_in_dim3A_613 = vector.broadcast %reduce_sum3A_609 : f32 to vector<16xf32>
        %select_n3A_614 = arith.select %eq3A_612, %broadcast_in_dim3A_613, %select_n3A_584 : vector<16xi1>, vector<16xf32>
        %max3A_615 = arith.constant 1.000000e-24 : f32
        %max3A_616 = vector.broadcast %max3A_615 : f32 to vector<16xf32>
        %max3A_617 = arith.maximumf %select_n3A_614, %max3A_616 : vector<16xf32>
        %bitcast3A_618 = vector.bitcast %max3A_617 : vector<16xf32> to vector<16xi32>
        %broadcast_in_dim3A_619 = arith.constant 1597463007 : i32
        %broadcast_in_dim3A_620 = vector.broadcast %broadcast_in_dim3A_619 : i32 to vector<16xi32>
        %shift_right_arithmetic3A_621 = arith.constant 1 : i32
        %shift_right_arithmetic3A_622 = vector.broadcast %shift_right_arithmetic3A_621 : i32 to vector<16xi32>
        %shift_right_arithmetic3A_623 = arith.shrsi %bitcast3A_618, %shift_right_arithmetic3A_622 : vector<16xi32>
        %sub3A_624 = arith.subi %broadcast_in_dim3A_620, %shift_right_arithmetic3A_623 : vector<16xi32>
        %bitcast3A_625 = vector.bitcast %sub3A_624 : vector<16xi32> to vector<16xf32>
        %mul3A_626 = arith.constant 5.000000e-01 : f32
        %mul3A_627 = vector.broadcast %mul3A_626 : f32 to vector<16xf32>
        %mul3A_628 = arith.mulf %mul3A_627, %max3A_617 : vector<16xf32>
        %mul3A_629 = arith.mulf %mul3A_628, %bitcast3A_625 : vector<16xf32>
        %mul3A_630 = arith.mulf %mul3A_629, %bitcast3A_625 : vector<16xf32>
        %sub3A_631 = arith.constant 1.500000e+00 : f32
        %sub3A_632 = vector.broadcast %sub3A_631 : f32 to vector<16xf32>
        %sub3A_633 = arith.subf %sub3A_632, %mul3A_630 : vector<16xf32>
        %mul3A_634 = arith.mulf %bitcast3A_625, %sub3A_633 : vector<16xf32>
        %mul3A_635 = arith.constant 5.000000e-01 : f32
        %mul3A_636 = vector.broadcast %mul3A_635 : f32 to vector<16xf32>
        %mul3A_637 = arith.mulf %mul3A_636, %max3A_617 : vector<16xf32>
        %mul3A_638 = arith.mulf %mul3A_637, %mul3A_634 : vector<16xf32>
        %mul3A_639 = arith.mulf %mul3A_638, %mul3A_634 : vector<16xf32>
        %sub3A_640 = arith.constant 1.500000e+00 : f32
        %sub3A_641 = vector.broadcast %sub3A_640 : f32 to vector<16xf32>
        %sub3A_642 = arith.subf %sub3A_641, %mul3A_639 : vector<16xf32>
        %mul3A_643 = arith.mulf %mul3A_634, %sub3A_642 : vector<16xf32>
        %mul3A_644 = arith.constant 5.000000e-01 : f32
        %mul3A_645 = vector.broadcast %mul3A_644 : f32 to vector<16xf32>
        %mul3A_646 = arith.mulf %mul3A_645, %max3A_617 : vector<16xf32>
        %mul3A_647 = arith.mulf %mul3A_646, %mul3A_643 : vector<16xf32>
        %mul3A_648 = arith.mulf %mul3A_647, %mul3A_643 : vector<16xf32>
        %sub3A_649 = arith.constant 1.500000e+00 : f32
        %sub3A_650 = vector.broadcast %sub3A_649 : f32 to vector<16xf32>
        %sub3A_651 = arith.subf %sub3A_650, %mul3A_648 : vector<16xf32>
        %mul3A_652 = arith.mulf %mul3A_643, %sub3A_651 : vector<16xf32>
        %mul3A_653 = arith.constant 8.000000e+00 : f32
        %mul3A_654 = vector.broadcast %mul3A_653 : f32 to vector<16xf32>
        %mul3A_655 = arith.mulf %mul3A_652, %mul3A_654 : vector<16xf32>
        %broadcast_in_dim3A_656 = arith.constant 0 : i32
        %broadcast_in_dim3A_657 = vector.broadcast %broadcast_in_dim3A_656 : i32 to vector<16x1xi32>
        %gather3A_658 = vector.shape_cast %broadcast_in_dim3A_657 : vector<16x1xi32> to vector<16xi32>
        %gather3A_659 = tpu.dynamic_gather %mul3A_655[%gather3A_658] in [0] : vector<16xf32>, vector<16xi32> -> vector<16xf32>
        %mul3A_660 = arith.mulf %get3A_499, %gather3A_659 : vector<16xf32>
        %swap3A_661 = arith.index_cast %add3A_496 : i32 to index
        %swap3A_662 = arith.constant 0 : index
        %swap3A_663 = tpu.vector_load %arg7[%swap3A_661, %swap3A_662] {strides = array<i32>} : memref<256x64xf32, #tpu.memory_space<vmem>>, vector<16xf32>,
        tpu.vector_store %arg7[%swap3A_661, %swap3A_662], %mul3A_660 {strides = array<i32>} : memref<256x64xf32, #tpu.memory_space<vmem>>, vector<16xf32>,
        %mul3A_664 = arith.mulf %get3A_502, %gather3A_659 : vector<16xf32>
        %swap3A_665 = arith.index_cast %add3A_496 : i32 to index
        %swap3A_666 = arith.constant 16 : index
        %swap3A_667 = tpu.vector_load %arg7[%swap3A_665, %swap3A_666] {strides = array<i32>} : memref<256x64xf32, #tpu.memory_space<vmem>>, vector<16xf32>,
        tpu.vector_store %arg7[%swap3A_665, %swap3A_666], %mul3A_664 {strides = array<i32>} : memref<256x64xf32, #tpu.memory_space<vmem>>, vector<16xf32>,
        %mul3A_668 = arith.mulf %get3A_505, %gather3A_659 : vector<16xf32>
        %swap3A_669 = arith.index_cast %add3A_496 : i32 to index
        %swap3A_670 = arith.constant 32 : index
        %swap3A_671 = tpu.vector_load %arg7[%swap3A_669, %swap3A_670] {strides = array<i32>} : memref<256x64xf32, #tpu.memory_space<vmem>>, vector<16xf32>,
        tpu.vector_store %arg7[%swap3A_669, %swap3A_670], %mul3A_668 {strides = array<i32>} : memref<256x64xf32, #tpu.memory_space<vmem>>, vector<16xf32>,
        %mul3A_672 = arith.mulf %get3A_508, %gather3A_659 : vector<16xf32>
        %swap3A_673 = arith.index_cast %add3A_496 : i32 to index
        %swap3A_674 = arith.constant 48 : index
        %swap3A_675 = tpu.vector_load %arg7[%swap3A_673, %swap3A_674] {strides = array<i32>} : memref<256x64xf32, #tpu.memory_space<vmem>>, vector<16xf32>,
        tpu.vector_store %arg7[%swap3A_673, %swap3A_674], %mul3A_672 {strides = array<i32>} : memref<256x64xf32, #tpu.memory_space<vmem>>, vector<16xf32>,
        %broadcast_in_dim3A_676 = arith.constant 1 : i32
        %broadcast_in_dim3A_677 = vector.broadcast %broadcast_in_dim3A_676 : i32 to vector<16x1xi32>
        %gather3A_678 = vector.shape_cast %broadcast_in_dim3A_677 : vector<16x1xi32> to vector<16xi32>
        %gather3A_679 = tpu.dynamic_gather %mul3A_655[%gather3A_678] in [0] : vector<16xf32>, vector<16xi32> -> vector<16xf32>
        %mul3A_680 = arith.mulf %get3A_529, %gather3A_679 : vector<16xf32>
        %swap3A_681 = arith.index_cast %add3A_526 : i32 to index
        %swap3A_682 = arith.constant 0 : index
        %swap3A_683 = tpu.vector_load %arg7[%swap3A_681, %swap3A_682] {strides = array<i32>} : memref<256x64xf32, #tpu.memory_space<vmem>>, vector<16xf32>,
        tpu.vector_store %arg7[%swap3A_681, %swap3A_682], %mul3A_680 {strides = array<i32>} : memref<256x64xf32, #tpu.memory_space<vmem>>, vector<16xf32>,
        %mul3A_684 = arith.mulf %get3A_532, %gather3A_679 : vector<16xf32>
        %swap3A_685 = arith.index_cast %add3A_526 : i32 to index
        %swap3A_686 = arith.constant 16 : index
        %swap3A_687 = tpu.vector_load %arg7[%swap3A_685, %swap3A_686] {strides = array<i32>} : memref<256x64xf32, #tpu.memory_space<vmem>>, vector<16xf32>,
        tpu.vector_store %arg7[%swap3A_685, %swap3A_686], %mul3A_684 {strides = array<i32>} : memref<256x64xf32, #tpu.memory_space<vmem>>, vector<16xf32>,
        %mul3A_688 = arith.mulf %get3A_535, %gather3A_679 : vector<16xf32>
        %swap3A_689 = arith.index_cast %add3A_526 : i32 to index
        %swap3A_690 = arith.constant 32 : index
        %swap3A_691 = tpu.vector_load %arg7[%swap3A_689, %swap3A_690] {strides = array<i32>} : memref<256x64xf32, #tpu.memory_space<vmem>>, vector<16xf32>,
        tpu.vector_store %arg7[%swap3A_689, %swap3A_690], %mul3A_688 {strides = array<i32>} : memref<256x64xf32, #tpu.memory_space<vmem>>, vector<16xf32>,
        %mul3A_692 = arith.mulf %get3A_538, %gather3A_679 : vector<16xf32>
        %swap3A_693 = arith.index_cast %add3A_526 : i32 to index
        %swap3A_694 = arith.constant 48 : index
        %swap3A_695 = tpu.vector_load %arg7[%swap3A_693, %swap3A_694] {strides = array<i32>} : memref<256x64xf32, #tpu.memory_space<vmem>>, vector<16xf32>,
        tpu.vector_store %arg7[%swap3A_693, %swap3A_694], %mul3A_692 {strides = array<i32>} : memref<256x64xf32, #tpu.memory_space<vmem>>, vector<16xf32>,
        %broadcast_in_dim3A_696 = arith.constant 2 : i32
        %broadcast_in_dim3A_697 = vector.broadcast %broadcast_in_dim3A_696 : i32 to vector<16x1xi32>
        %gather3A_698 = vector.shape_cast %broadcast_in_dim3A_697 : vector<16x1xi32> to vector<16xi32>
        %gather3A_699 = tpu.dynamic_gather %mul3A_655[%gather3A_698] in [0] : vector<16xf32>, vector<16xi32> -> vector<16xf32>
        %mul3A_700 = arith.mulf %get3A_559, %gather3A_699 : vector<16xf32>
        %swap3A_701 = arith.index_cast %add3A_556 : i32 to index
        %swap3A_702 = arith.constant 0 : index
        %swap3A_703 = tpu.vector_load %arg7[%swap3A_701, %swap3A_702] {strides = array<i32>} : memref<256x64xf32, #tpu.memory_space<vmem>>, vector<16xf32>,
        tpu.vector_store %arg7[%swap3A_701, %swap3A_702], %mul3A_700 {strides = array<i32>} : memref<256x64xf32, #tpu.memory_space<vmem>>, vector<16xf32>,
        %mul3A_704 = arith.mulf %get3A_562, %gather3A_699 : vector<16xf32>
        %swap3A_705 = arith.index_cast %add3A_556 : i32 to index
        %swap3A_706 = arith.constant 16 : index
        %swap3A_707 = tpu.vector_load %arg7[%swap3A_705, %swap3A_706] {strides = array<i32>} : memref<256x64xf32, #tpu.memory_space<vmem>>, vector<16xf32>,
        tpu.vector_store %arg7[%swap3A_705, %swap3A_706], %mul3A_704 {strides = array<i32>} : memref<256x64xf32, #tpu.memory_space<vmem>>, vector<16xf32>,
        %mul3A_708 = arith.mulf %get3A_565, %gather3A_699 : vector<16xf32>
        %swap3A_709 = arith.index_cast %add3A_556 : i32 to index
        %swap3A_710 = arith.constant 32 : index
        %swap3A_711 = tpu.vector_load %arg7[%swap3A_709, %swap3A_710] {strides = array<i32>} : memref<256x64xf32, #tpu.memory_space<vmem>>, vector<16xf32>,
        tpu.vector_store %arg7[%swap3A_709, %swap3A_710], %mul3A_708 {strides = array<i32>} : memref<256x64xf32, #tpu.memory_space<vmem>>, vector<16xf32>,
        %mul3A_712 = arith.mulf %get3A_568, %gather3A_699 : vector<16xf32>
        %swap3A_713 = arith.index_cast %add3A_556 : i32 to index
        %swap3A_714 = arith.constant 48 : index
        %swap3A_715 = tpu.vector_load %arg7[%swap3A_713, %swap3A_714] {strides = array<i32>} : memref<256x64xf32, #tpu.memory_space<vmem>>, vector<16xf32>,
        tpu.vector_store %arg7[%swap3A_713, %swap3A_714], %mul3A_712 {strides = array<i32>} : memref<256x64xf32, #tpu.memory_space<vmem>>, vector<16xf32>,
        %broadcast_in_dim3A_716 = arith.constant 3 : i32
        %broadcast_in_dim3A_717 = vector.broadcast %broadcast_in_dim3A_716 : i32 to vector<16x1xi32>
        %gather3A_718 = vector.shape_cast %broadcast_in_dim3A_717 : vector<16x1xi32> to vector<16xi32>
        %gather3A_719 = tpu.dynamic_gather %mul3A_655[%gather3A_718] in [0] : vector<16xf32>, vector<16xi32> -> vector<16xf32>
        %mul3A_720 = arith.mulf %get3A_589, %gather3A_719 : vector<16xf32>
        %swap3A_721 = arith.index_cast %add3A_586 : i32 to index
        %swap3A_722 = arith.constant 0 : index
        %swap3A_723 = tpu.vector_load %arg7[%swap3A_721, %swap3A_722] {strides = array<i32>} : memref<256x64xf32, #tpu.memory_space<vmem>>, vector<16xf32>,
        tpu.vector_store %arg7[%swap3A_721, %swap3A_722], %mul3A_720 {strides = array<i32>} : memref<256x64xf32, #tpu.memory_space<vmem>>, vector<16xf32>,
        %mul3A_724 = arith.mulf %get3A_592, %gather3A_719 : vector<16xf32>
        %swap3A_725 = arith.index_cast %add3A_586 : i32 to index
        %swap3A_726 = arith.constant 16 : index
        %swap3A_727 = tpu.vector_load %arg7[%swap3A_725, %swap3A_726] {strides = array<i32>} : memref<256x64xf32, #tpu.memory_space<vmem>>, vector<16xf32>,
        tpu.vector_store %arg7[%swap3A_725, %swap3A_726], %mul3A_724 {strides = array<i32>} : memref<256x64xf32, #tpu.memory_space<vmem>>, vector<16xf32>,
        %mul3A_728 = arith.mulf %get3A_595, %gather3A_719 : vector<16xf32>
        %swap3A_729 = arith.index_cast %add3A_586 : i32 to index
        %swap3A_730 = arith.constant 32 : index
        %swap3A_731 = tpu.vector_load %arg7[%swap3A_729, %swap3A_730] {strides = array<i32>} : memref<256x64xf32, #tpu.memory_space<vmem>>, vector<16xf32>,
        tpu.vector_store %arg7[%swap3A_729, %swap3A_730], %mul3A_728 {strides = array<i32>} : memref<256x64xf32, #tpu.memory_space<vmem>>, vector<16xf32>,
        %mul3A_732 = arith.mulf %get3A_598, %gather3A_719 : vector<16xf32>
        %swap3A_733 = arith.index_cast %add3A_586 : i32 to index
        %swap3A_734 = arith.constant 48 : index
        %swap3A_735 = tpu.vector_load %arg7[%swap3A_733, %swap3A_734] {strides = array<i32>} : memref<256x64xf32, #tpu.memory_space<vmem>>, vector<16xf32>,
        tpu.vector_store %arg7[%swap3A_733, %swap3A_734], %mul3A_732 {strides = array<i32>} : memref<256x64xf32, #tpu.memory_space<vmem>>, vector<16xf32>,
        %add3A_736 = arith.constant 8 : i32
        %add3A_737 = arith.addi %mul3A_256, %add3A_736 : i32
        %broadcast_in_dim3A_738 = arith.constant 1.000000e+00 : f32
        %broadcast_in_dim3A_739 = vector.broadcast %broadcast_in_dim3A_738 : f32 to vector<16xf32>
        %add3A_740 = arith.constant 0 : i32
        %add3A_741 = arith.addi %add3A_737, %add3A_740 : i32
        %get3A_742 = arith.index_cast %add3A_741 : i32 to index
        %get3A_743 = arith.constant 0 : index
        %get3A_744 = tpu.vector_load %arg7[%get3A_742, %get3A_743] {strides = array<i32>} : memref<256x64xf32, #tpu.memory_space<vmem>>, vector<16xf32>,
        %get3A_745 = arith.index_cast %add3A_741 : i32 to index
        %get3A_746 = arith.constant 16 : index
        %get3A_747 = tpu.vector_load %arg7[%get3A_745, %get3A_746] {strides = array<i32>} : memref<256x64xf32, #tpu.memory_space<vmem>>, vector<16xf32>,
        %get3A_748 = arith.index_cast %add3A_741 : i32 to index
        %get3A_749 = arith.constant 32 : index
        %get3A_750 = tpu.vector_load %arg7[%get3A_748, %get3A_749] {strides = array<i32>} : memref<256x64xf32, #tpu.memory_space<vmem>>, vector<16xf32>,
        %get3A_751 = arith.index_cast %add3A_741 : i32 to index
        %get3A_752 = arith.constant 48 : index
        %get3A_753 = tpu.vector_load %arg7[%get3A_751, %get3A_752] {strides = array<i32>} : memref<256x64xf32, #tpu.memory_space<vmem>>, vector<16xf32>,
        %mul3A_754 = arith.mulf %get3A_744, %get3A_744 : vector<16xf32>
        %mul3A_755 = arith.mulf %get3A_747, %get3A_747 : vector<16xf32>
        %add3A_756 = arith.addf %mul3A_754, %mul3A_755 : vector<16xf32>
        %mul3A_757 = arith.mulf %get3A_750, %get3A_750 : vector<16xf32>
        %mul3A_758 = arith.mulf %get3A_753, %get3A_753 : vector<16xf32>
        %add3A_759 = arith.addf %mul3A_757, %mul3A_758 : vector<16xf32>
        %add3A_760 = arith.addf %add3A_756, %add3A_759 : vector<16xf32>
        %reduce_sum3A_761 = arith.constant true
        %reduce_sum3A_762 = vector.broadcast %reduce_sum3A_761 : i1 to vector<16xi1>
        %reduce_sum3A_763 = tpu.scan <sum>, %add3A_760 masked %reduce_sum3A_762 : vector<16xf32>, vector<16xi1> -> vector<16xf32>
        %reduce_sum3A_764 = vector.extract %reduce_sum3A_763[15] : f32 from vector<16xf32>
        %eq3A_765 = arith.constant 0 : i32
        %eq3A_766 = vector.broadcast %eq3A_765 : i32 to vector<16xi32>
        %eq3A_767 = arith.cmpi eq, %iota3A_136, %eq3A_766 : vector<16xi32>
        %broadcast_in_dim3A_768 = vector.broadcast %reduce_sum3A_764 : f32 to vector<16xf32>
        %select_n3A_769 = arith.select %eq3A_767, %broadcast_in_dim3A_768, %broadcast_in_dim3A_739 : vector<16xi1>, vector<16xf32>
        %add3A_770 = arith.constant 1 : i32
        %add3A_771 = arith.addi %add3A_737, %add3A_770 : i32
        %get3A_772 = arith.index_cast %add3A_771 : i32 to index
        %get3A_773 = arith.constant 0 : index
        %get3A_774 = tpu.vector_load %arg7[%get3A_772, %get3A_773] {strides = array<i32>} : memref<256x64xf32, #tpu.memory_space<vmem>>, vector<16xf32>,
        %get3A_775 = arith.index_cast %add3A_771 : i32 to index
        %get3A_776 = arith.constant 16 : index
        %get3A_777 = tpu.vector_load %arg7[%get3A_775, %get3A_776] {strides = array<i32>} : memref<256x64xf32, #tpu.memory_space<vmem>>, vector<16xf32>,
        %get3A_778 = arith.index_cast %add3A_771 : i32 to index
        %get3A_779 = arith.constant 32 : index
        %get3A_780 = tpu.vector_load %arg7[%get3A_778, %get3A_779] {strides = array<i32>} : memref<256x64xf32, #tpu.memory_space<vmem>>, vector<16xf32>,
        %get3A_781 = arith.index_cast %add3A_771 : i32 to index
        %get3A_782 = arith.constant 48 : index
        %get3A_783 = tpu.vector_load %arg7[%get3A_781, %get3A_782] {strides = array<i32>} : memref<256x64xf32, #tpu.memory_space<vmem>>, vector<16xf32>,
        %mul3A_784 = arith.mulf %get3A_774, %get3A_774 : vector<16xf32>
        %mul3A_785 = arith.mulf %get3A_777, %get3A_777 : vector<16xf32>
        %add3A_786 = arith.addf %mul3A_784, %mul3A_785 : vector<16xf32>
        %mul3A_787 = arith.mulf %get3A_780, %get3A_780 : vector<16xf32>
        %mul3A_788 = arith.mulf %get3A_783, %get3A_783 : vector<16xf32>
        %add3A_789 = arith.addf %mul3A_787, %mul3A_788 : vector<16xf32>
        %add3A_790 = arith.addf %add3A_786, %add3A_789 : vector<16xf32>
        %reduce_sum3A_791 = arith.constant true
        %reduce_sum3A_792 = vector.broadcast %reduce_sum3A_791 : i1 to vector<16xi1>
        %reduce_sum3A_793 = tpu.scan <sum>, %add3A_790 masked %reduce_sum3A_792 : vector<16xf32>, vector<16xi1> -> vector<16xf32>
        %reduce_sum3A_794 = vector.extract %reduce_sum3A_793[15] : f32 from vector<16xf32>
        %eq3A_795 = arith.constant 1 : i32
        %eq3A_796 = vector.broadcast %eq3A_795 : i32 to vector<16xi32>
        %eq3A_797 = arith.cmpi eq, %iota3A_136, %eq3A_796 : vector<16xi32>
        %broadcast_in_dim3A_798 = vector.broadcast %reduce_sum3A_794 : f32 to vector<16xf32>
        %select_n3A_799 = arith.select %eq3A_797, %broadcast_in_dim3A_798, %select_n3A_769 : vector<16xi1>, vector<16xf32>
        %add3A_800 = arith.constant 2 : i32
        %add3A_801 = arith.addi %add3A_737, %add3A_800 : i32
        %get3A_802 = arith.index_cast %add3A_801 : i32 to index
        %get3A_803 = arith.constant 0 : index
        %get3A_804 = tpu.vector_load %arg7[%get3A_802, %get3A_803] {strides = array<i32>} : memref<256x64xf32, #tpu.memory_space<vmem>>, vector<16xf32>,
        %get3A_805 = arith.index_cast %add3A_801 : i32 to index
        %get3A_806 = arith.constant 16 : index
        %get3A_807 = tpu.vector_load %arg7[%get3A_805, %get3A_806] {strides = array<i32>} : memref<256x64xf32, #tpu.memory_space<vmem>>, vector<16xf32>,
        %get3A_808 = arith.index_cast %add3A_801 : i32 to index
        %get3A_809 = arith.constant 32 : index
        %get3A_810 = tpu.vector_load %arg7[%get3A_808, %get3A_809] {strides = array<i32>} : memref<256x64xf32, #tpu.memory_space<vmem>>, vector<16xf32>,
        %get3A_811 = arith.index_cast %add3A_801 : i32 to index
        %get3A_812 = arith.constant 48 : index
        %get3A_813 = tpu.vector_load %arg7[%get3A_811, %get3A_812] {strides = array<i32>} : memref<256x64xf32, #tpu.memory_space<vmem>>, vector<16xf32>,
        %mul3A_814 = arith.mulf %get3A_804, %get3A_804 : vector<16xf32>
        %mul3A_815 = arith.mulf %get3A_807, %get3A_807 : vector<16xf32>
        %add3A_816 = arith.addf %mul3A_814, %mul3A_815 : vector<16xf32>
        %mul3A_817 = arith.mulf %get3A_810, %get3A_810 : vector<16xf32>
        %mul3A_818 = arith.mulf %get3A_813, %get3A_813 : vector<16xf32>
        %add3A_819 = arith.addf %mul3A_817, %mul3A_818 : vector<16xf32>
        %add3A_820 = arith.addf %add3A_816, %add3A_819 : vector<16xf32>
        %reduce_sum3A_821 = arith.constant true
        %reduce_sum3A_822 = vector.broadcast %reduce_sum3A_821 : i1 to vector<16xi1>
        %reduce_sum3A_823 = tpu.scan <sum>, %add3A_820 masked %reduce_sum3A_822 : vector<16xf32>, vector<16xi1> -> vector<16xf32>
        %reduce_sum3A_824 = vector.extract %reduce_sum3A_823[15] : f32 from vector<16xf32>
        %eq3A_825 = arith.constant 2 : i32
        %eq3A_826 = vector.broadcast %eq3A_825 : i32 to vector<16xi32>
        %eq3A_827 = arith.cmpi eq, %iota3A_136, %eq3A_826 : vector<16xi32>
        %broadcast_in_dim3A_828 = vector.broadcast %reduce_sum3A_824 : f32 to vector<16xf32>
        %select_n3A_829 = arith.select %eq3A_827, %broadcast_in_dim3A_828, %select_n3A_799 : vector<16xi1>, vector<16xf32>
        %add3A_830 = arith.constant 3 : i32
        %add3A_831 = arith.addi %add3A_737, %add3A_830 : i32
        %get3A_832 = arith.index_cast %add3A_831 : i32 to index
        %get3A_833 = arith.constant 0 : index
        %get3A_834 = tpu.vector_load %arg7[%get3A_832, %get3A_833] {strides = array<i32>} : memref<256x64xf32, #tpu.memory_space<vmem>>, vector<16xf32>,
        %get3A_835 = arith.index_cast %add3A_831 : i32 to index
        %get3A_836 = arith.constant 16 : index
        %get3A_837 = tpu.vector_load %arg7[%get3A_835, %get3A_836] {strides = array<i32>} : memref<256x64xf32, #tpu.memory_space<vmem>>, vector<16xf32>,
        %get3A_838 = arith.index_cast %add3A_831 : i32 to index
        %get3A_839 = arith.constant 32 : index
        %get3A_840 = tpu.vector_load %arg7[%get3A_838, %get3A_839] {strides = array<i32>} : memref<256x64xf32, #tpu.memory_space<vmem>>, vector<16xf32>,
        %get3A_841 = arith.index_cast %add3A_831 : i32 to index
        %get3A_842 = arith.constant 48 : index
        %get3A_843 = tpu.vector_load %arg7[%get3A_841, %get3A_842] {strides = array<i32>} : memref<256x64xf32, #tpu.memory_space<vmem>>, vector<16xf32>,
        %mul3A_844 = arith.mulf %get3A_834, %get3A_834 : vector<16xf32>
        %mul3A_845 = arith.mulf %get3A_837, %get3A_837 : vector<16xf32>
        %add3A_846 = arith.addf %mul3A_844, %mul3A_845 : vector<16xf32>
        %mul3A_847 = arith.mulf %get3A_840, %get3A_840 : vector<16xf32>
        %mul3A_848 = arith.mulf %get3A_843, %get3A_843 : vector<16xf32>
        %add3A_849 = arith.addf %mul3A_847, %mul3A_848 : vector<16xf32>
        %add3A_850 = arith.addf %add3A_846, %add3A_849 : vector<16xf32>
        %reduce_sum3A_851 = arith.constant true
        %reduce_sum3A_852 = vector.broadcast %reduce_sum3A_851 : i1 to vector<16xi1>
        %reduce_sum3A_853 = tpu.scan <sum>, %add3A_850 masked %reduce_sum3A_852 : vector<16xf32>, vector<16xi1> -> vector<16xf32>
        %reduce_sum3A_854 = vector.extract %reduce_sum3A_853[15] : f32 from vector<16xf32>
        %eq3A_855 = arith.constant 3 : i32
        %eq3A_856 = vector.broadcast %eq3A_855 : i32 to vector<16xi32>
        %eq3A_857 = arith.cmpi eq, %iota3A_136, %eq3A_856 : vector<16xi32>
        %broadcast_in_dim3A_858 = vector.broadcast %reduce_sum3A_854 : f32 to vector<16xf32>
        %select_n3A_859 = arith.select %eq3A_857, %broadcast_in_dim3A_858, %select_n3A_829 : vector<16xi1>, vector<16xf32>
        %max3A_860 = arith.constant 1.000000e-24 : f32
        %max3A_861 = vector.broadcast %max3A_860 : f32 to vector<16xf32>
        %max3A_862 = arith.maximumf %select_n3A_859, %max3A_861 : vector<16xf32>
        %bitcast3A_863 = vector.bitcast %max3A_862 : vector<16xf32> to vector<16xi32>
        %broadcast_in_dim3A_864 = arith.constant 1597463007 : i32
        %broadcast_in_dim3A_865 = vector.broadcast %broadcast_in_dim3A_864 : i32 to vector<16xi32>
        %shift_right_arithmetic3A_866 = arith.constant 1 : i32
        %shift_right_arithmetic3A_867 = vector.broadcast %shift_right_arithmetic3A_866 : i32 to vector<16xi32>
        %shift_right_arithmetic3A_868 = arith.shrsi %bitcast3A_863, %shift_right_arithmetic3A_867 : vector<16xi32>
        %sub3A_869 = arith.subi %broadcast_in_dim3A_865, %shift_right_arithmetic3A_868 : vector<16xi32>
        %bitcast3A_870 = vector.bitcast %sub3A_869 : vector<16xi32> to vector<16xf32>
        %mul3A_871 = arith.constant 5.000000e-01 : f32
        %mul3A_872 = vector.broadcast %mul3A_871 : f32 to vector<16xf32>
        %mul3A_873 = arith.mulf %mul3A_872, %max3A_862 : vector<16xf32>
        %mul3A_874 = arith.mulf %mul3A_873, %bitcast3A_870 : vector<16xf32>
        %mul3A_875 = arith.mulf %mul3A_874, %bitcast3A_870 : vector<16xf32>
        %sub3A_876 = arith.constant 1.500000e+00 : f32
        %sub3A_877 = vector.broadcast %sub3A_876 : f32 to vector<16xf32>
        %sub3A_878 = arith.subf %sub3A_877, %mul3A_875 : vector<16xf32>
        %mul3A_879 = arith.mulf %bitcast3A_870, %sub3A_878 : vector<16xf32>
        %mul3A_880 = arith.constant 5.000000e-01 : f32
        %mul3A_881 = vector.broadcast %mul3A_880 : f32 to vector<16xf32>
        %mul3A_882 = arith.mulf %mul3A_881, %max3A_862 : vector<16xf32>
        %mul3A_883 = arith.mulf %mul3A_882, %mul3A_879 : vector<16xf32>
        %mul3A_884 = arith.mulf %mul3A_883, %mul3A_879 : vector<16xf32>
        %sub3A_885 = arith.constant 1.500000e+00 : f32
        %sub3A_886 = vector.broadcast %sub3A_885 : f32 to vector<16xf32>
        %sub3A_887 = arith.subf %sub3A_886, %mul3A_884 : vector<16xf32>
        %mul3A_888 = arith.mulf %mul3A_879, %sub3A_887 : vector<16xf32>
        %mul3A_889 = arith.constant 5.000000e-01 : f32
        %mul3A_890 = vector.broadcast %mul3A_889 : f32 to vector<16xf32>
        %mul3A_891 = arith.mulf %mul3A_890, %max3A_862 : vector<16xf32>
        %mul3A_892 = arith.mulf %mul3A_891, %mul3A_888 : vector<16xf32>
        %mul3A_893 = arith.mulf %mul3A_892, %mul3A_888 : vector<16xf32>
        %sub3A_894 = arith.constant 1.500000e+00 : f32
        %sub3A_895 = vector.broadcast %sub3A_894 : f32 to vector<16xf32>
        %sub3A_896 = arith.subf %sub3A_895, %mul3A_893 : vector<16xf32>
        %mul3A_897 = arith.mulf %mul3A_888, %sub3A_896 : vector<16xf32>
        %mul3A_898 = arith.constant 8.000000e+00 : f32
        %mul3A_899 = vector.broadcast %mul3A_898 : f32 to vector<16xf32>
        %mul3A_900 = arith.mulf %mul3A_897, %mul3A_899 : vector<16xf32>
        %broadcast_in_dim3A_901 = arith.constant 0 : i32
        %broadcast_in_dim3A_902 = vector.broadcast %broadcast_in_dim3A_901 : i32 to vector<16x1xi32>
        %gather3A_903 = vector.shape_cast %broadcast_in_dim3A_902 : vector<16x1xi32> to vector<16xi32>
        %gather3A_904 = tpu.dynamic_gather %mul3A_900[%gather3A_903] in [0] : vector<16xf32>, vector<16xi32> -> vector<16xf32>
        %mul3A_905 = arith.mulf %get3A_744, %gather3A_904 : vector<16xf32>
        %swap3A_906 = arith.index_cast %add3A_741 : i32 to index
        %swap3A_907 = arith.constant 0 : index
        %swap3A_908 = tpu.vector_load %arg7[%swap3A_906, %swap3A_907] {strides = array<i32>} : memref<256x64xf32, #tpu.memory_space<vmem>>, vector<16xf32>,
        tpu.vector_store %arg7[%swap3A_906, %swap3A_907], %mul3A_905 {strides = array<i32>} : memref<256x64xf32, #tpu.memory_space<vmem>>, vector<16xf32>,
        %mul3A_909 = arith.mulf %get3A_747, %gather3A_904 : vector<16xf32>
        %swap3A_910 = arith.index_cast %add3A_741 : i32 to index
        %swap3A_911 = arith.constant 16 : index
        %swap3A_912 = tpu.vector_load %arg7[%swap3A_910, %swap3A_911] {strides = array<i32>} : memref<256x64xf32, #tpu.memory_space<vmem>>, vector<16xf32>,
        tpu.vector_store %arg7[%swap3A_910, %swap3A_911], %mul3A_909 {strides = array<i32>} : memref<256x64xf32, #tpu.memory_space<vmem>>, vector<16xf32>,
        %mul3A_913 = arith.mulf %get3A_750, %gather3A_904 : vector<16xf32>
        %swap3A_914 = arith.index_cast %add3A_741 : i32 to index
        %swap3A_915 = arith.constant 32 : index
        %swap3A_916 = tpu.vector_load %arg7[%swap3A_914, %swap3A_915] {strides = array<i32>} : memref<256x64xf32, #tpu.memory_space<vmem>>, vector<16xf32>,
        tpu.vector_store %arg7[%swap3A_914, %swap3A_915], %mul3A_913 {strides = array<i32>} : memref<256x64xf32, #tpu.memory_space<vmem>>, vector<16xf32>,
        %mul3A_917 = arith.mulf %get3A_753, %gather3A_904 : vector<16xf32>
        %swap3A_918 = arith.index_cast %add3A_741 : i32 to index
        %swap3A_919 = arith.constant 48 : index
        %swap3A_920 = tpu.vector_load %arg7[%swap3A_918, %swap3A_919] {strides = array<i32>} : memref<256x64xf32, #tpu.memory_space<vmem>>, vector<16xf32>,
        tpu.vector_store %arg7[%swap3A_918, %swap3A_919], %mul3A_917 {strides = array<i32>} : memref<256x64xf32, #tpu.memory_space<vmem>>, vector<16xf32>,
        %broadcast_in_dim3A_921 = arith.constant 1 : i32
        %broadcast_in_dim3A_922 = vector.broadcast %broadcast_in_dim3A_921 : i32 to vector<16x1xi32>
        %gather3A_923 = vector.shape_cast %broadcast_in_dim3A_922 : vector<16x1xi32> to vector<16xi32>
        %gather3A_924 = tpu.dynamic_gather %mul3A_900[%gather3A_923] in [0] : vector<16xf32>, vector<16xi32> -> vector<16xf32>
        %mul3A_925 = arith.mulf %get3A_774, %gather3A_924 : vector<16xf32>
        %swap3A_926 = arith.index_cast %add3A_771 : i32 to index
        %swap3A_927 = arith.constant 0 : index
        %swap3A_928 = tpu.vector_load %arg7[%swap3A_926, %swap3A_927] {strides = array<i32>} : memref<256x64xf32, #tpu.memory_space<vmem>>, vector<16xf32>,
        tpu.vector_store %arg7[%swap3A_926, %swap3A_927], %mul3A_925 {strides = array<i32>} : memref<256x64xf32, #tpu.memory_space<vmem>>, vector<16xf32>,
        %mul3A_929 = arith.mulf %get3A_777, %gather3A_924 : vector<16xf32>
        %swap3A_930 = arith.index_cast %add3A_771 : i32 to index
        %swap3A_931 = arith.constant 16 : index
        %swap3A_932 = tpu.vector_load %arg7[%swap3A_930, %swap3A_931] {strides = array<i32>} : memref<256x64xf32, #tpu.memory_space<vmem>>, vector<16xf32>,
        tpu.vector_store %arg7[%swap3A_930, %swap3A_931], %mul3A_929 {strides = array<i32>} : memref<256x64xf32, #tpu.memory_space<vmem>>, vector<16xf32>,
        %mul3A_933 = arith.mulf %get3A_780, %gather3A_924 : vector<16xf32>
        %swap3A_934 = arith.index_cast %add3A_771 : i32 to index
        %swap3A_935 = arith.constant 32 : index
        %swap3A_936 = tpu.vector_load %arg7[%swap3A_934, %swap3A_935] {strides = array<i32>} : memref<256x64xf32, #tpu.memory_space<vmem>>, vector<16xf32>,
        tpu.vector_store %arg7[%swap3A_934, %swap3A_935], %mul3A_933 {strides = array<i32>} : memref<256x64xf32, #tpu.memory_space<vmem>>, vector<16xf32>,
        %mul3A_937 = arith.mulf %get3A_783, %gather3A_924 : vector<16xf32>
        %swap3A_938 = arith.index_cast %add3A_771 : i32 to index
        %swap3A_939 = arith.constant 48 : index
        %swap3A_940 = tpu.vector_load %arg7[%swap3A_938, %swap3A_939] {strides = array<i32>} : memref<256x64xf32, #tpu.memory_space<vmem>>, vector<16xf32>,
        tpu.vector_store %arg7[%swap3A_938, %swap3A_939], %mul3A_937 {strides = array<i32>} : memref<256x64xf32, #tpu.memory_space<vmem>>, vector<16xf32>,
        %broadcast_in_dim3A_941 = arith.constant 2 : i32
        %broadcast_in_dim3A_942 = vector.broadcast %broadcast_in_dim3A_941 : i32 to vector<16x1xi32>
        %gather3A_943 = vector.shape_cast %broadcast_in_dim3A_942 : vector<16x1xi32> to vector<16xi32>
        %gather3A_944 = tpu.dynamic_gather %mul3A_900[%gather3A_943] in [0] : vector<16xf32>, vector<16xi32> -> vector<16xf32>
        %mul3A_945 = arith.mulf %get3A_804, %gather3A_944 : vector<16xf32>
        %swap3A_946 = arith.index_cast %add3A_801 : i32 to index
        %swap3A_947 = arith.constant 0 : index
        %swap3A_948 = tpu.vector_load %arg7[%swap3A_946, %swap3A_947] {strides = array<i32>} : memref<256x64xf32, #tpu.memory_space<vmem>>, vector<16xf32>,
        tpu.vector_store %arg7[%swap3A_946, %swap3A_947], %mul3A_945 {strides = array<i32>} : memref<256x64xf32, #tpu.memory_space<vmem>>, vector<16xf32>,
        %mul3A_949 = arith.mulf %get3A_807, %gather3A_944 : vector<16xf32>
        %swap3A_950 = arith.index_cast %add3A_801 : i32 to index
        %swap3A_951 = arith.constant 16 : index
        %swap3A_952 = tpu.vector_load %arg7[%swap3A_950, %swap3A_951] {strides = array<i32>} : memref<256x64xf32, #tpu.memory_space<vmem>>, vector<16xf32>,
        tpu.vector_store %arg7[%swap3A_950, %swap3A_951], %mul3A_949 {strides = array<i32>} : memref<256x64xf32, #tpu.memory_space<vmem>>, vector<16xf32>,
        %mul3A_953 = arith.mulf %get3A_810, %gather3A_944 : vector<16xf32>
        %swap3A_954 = arith.index_cast %add3A_801 : i32 to index
        %swap3A_955 = arith.constant 32 : index
        %swap3A_956 = tpu.vector_load %arg7[%swap3A_954, %swap3A_955] {strides = array<i32>} : memref<256x64xf32, #tpu.memory_space<vmem>>, vector<16xf32>,
        tpu.vector_store %arg7[%swap3A_954, %swap3A_955], %mul3A_953 {strides = array<i32>} : memref<256x64xf32, #tpu.memory_space<vmem>>, vector<16xf32>,
        %mul3A_957 = arith.mulf %get3A_813, %gather3A_944 : vector<16xf32>
        %swap3A_958 = arith.index_cast %add3A_801 : i32 to index
        %swap3A_959 = arith.constant 48 : index
        %swap3A_960 = tpu.vector_load %arg7[%swap3A_958, %swap3A_959] {strides = array<i32>} : memref<256x64xf32, #tpu.memory_space<vmem>>, vector<16xf32>,
        tpu.vector_store %arg7[%swap3A_958, %swap3A_959], %mul3A_957 {strides = array<i32>} : memref<256x64xf32, #tpu.memory_space<vmem>>, vector<16xf32>,
        %broadcast_in_dim3A_961 = arith.constant 3 : i32
        %broadcast_in_dim3A_962 = vector.broadcast %broadcast_in_dim3A_961 : i32 to vector<16x1xi32>
        %gather3A_963 = vector.shape_cast %broadcast_in_dim3A_962 : vector<16x1xi32> to vector<16xi32>
        %gather3A_964 = tpu.dynamic_gather %mul3A_900[%gather3A_963] in [0] : vector<16xf32>, vector<16xi32> -> vector<16xf32>
        %mul3A_965 = arith.mulf %get3A_834, %gather3A_964 : vector<16xf32>
        %swap3A_966 = arith.index_cast %add3A_831 : i32 to index
        %swap3A_967 = arith.constant 0 : index
        %swap3A_968 = tpu.vector_load %arg7[%swap3A_966, %swap3A_967] {strides = array<i32>} : memref<256x64xf32, #tpu.memory_space<vmem>>, vector<16xf32>,
        tpu.vector_store %arg7[%swap3A_966, %swap3A_967], %mul3A_965 {strides = array<i32>} : memref<256x64xf32, #tpu.memory_space<vmem>>, vector<16xf32>,
        %mul3A_969 = arith.mulf %get3A_837, %gather3A_964 : vector<16xf32>
        %swap3A_970 = arith.index_cast %add3A_831 : i32 to index
        %swap3A_971 = arith.constant 16 : index
        %swap3A_972 = tpu.vector_load %arg7[%swap3A_970, %swap3A_971] {strides = array<i32>} : memref<256x64xf32, #tpu.memory_space<vmem>>, vector<16xf32>,
        tpu.vector_store %arg7[%swap3A_970, %swap3A_971], %mul3A_969 {strides = array<i32>} : memref<256x64xf32, #tpu.memory_space<vmem>>, vector<16xf32>,
        %mul3A_973 = arith.mulf %get3A_840, %gather3A_964 : vector<16xf32>
        %swap3A_974 = arith.index_cast %add3A_831 : i32 to index
        %swap3A_975 = arith.constant 32 : index
        %swap3A_976 = tpu.vector_load %arg7[%swap3A_974, %swap3A_975] {strides = array<i32>} : memref<256x64xf32, #tpu.memory_space<vmem>>, vector<16xf32>,
        tpu.vector_store %arg7[%swap3A_974, %swap3A_975], %mul3A_973 {strides = array<i32>} : memref<256x64xf32, #tpu.memory_space<vmem>>, vector<16xf32>,
        %mul3A_977 = arith.mulf %get3A_843, %gather3A_964 : vector<16xf32>
        %swap3A_978 = arith.index_cast %add3A_831 : i32 to index
        %swap3A_979 = arith.constant 48 : index
        %swap3A_980 = tpu.vector_load %arg7[%swap3A_978, %swap3A_979] {strides = array<i32>} : memref<256x64xf32, #tpu.memory_space<vmem>>, vector<16xf32>,
        tpu.vector_store %arg7[%swap3A_978, %swap3A_979], %mul3A_977 {strides = array<i32>} : memref<256x64xf32, #tpu.memory_space<vmem>>, vector<16xf32>,
        %add3A_981 = arith.constant 12 : i32
        %add3A_982 = arith.addi %mul3A_256, %add3A_981 : i32
        %broadcast_in_dim3A_983 = arith.constant 1.000000e+00 : f32
        %broadcast_in_dim3A_984 = vector.broadcast %broadcast_in_dim3A_983 : f32 to vector<16xf32>
        %add3A_985 = arith.constant 0 : i32
        %add3A_986 = arith.addi %add3A_982, %add3A_985 : i32
        %get3A_987 = arith.index_cast %add3A_986 : i32 to index
        %get3A_988 = arith.constant 0 : index
        %get3A_989 = tpu.vector_load %arg7[%get3A_987, %get3A_988] {strides = array<i32>} : memref<256x64xf32, #tpu.memory_space<vmem>>, vector<16xf32>,
        %get3A_990 = arith.index_cast %add3A_986 : i32 to index
        %get3A_991 = arith.constant 16 : index
        %get3A_992 = tpu.vector_load %arg7[%get3A_990, %get3A_991] {strides = array<i32>} : memref<256x64xf32, #tpu.memory_space<vmem>>, vector<16xf32>,
        %get3A_993 = arith.index_cast %add3A_986 : i32 to index
        %get3A_994 = arith.constant 32 : index
        %get3A_995 = tpu.vector_load %arg7[%get3A_993, %get3A_994] {strides = array<i32>} : memref<256x64xf32, #tpu.memory_space<vmem>>, vector<16xf32>,
        %get3A_996 = arith.index_cast %add3A_986 : i32 to index
        %get3A_997 = arith.constant 48 : index
        %get3A_998 = tpu.vector_load %arg7[%get3A_996, %get3A_997] {strides = array<i32>} : memref<256x64xf32, #tpu.memory_space<vmem>>, vector<16xf32>,
        %mul3A_999 = arith.mulf %get3A_989, %get3A_989 : vector<16xf32>
        %mul3A_1000 = arith.mulf %get3A_992, %get3A_992 : vector<16xf32>
        %add3A_1001 = arith.addf %mul3A_999, %mul3A_1000 : vector<16xf32>
        %mul3A_1002 = arith.mulf %get3A_995, %get3A_995 : vector<16xf32>
        %mul3A_1003 = arith.mulf %get3A_998, %get3A_998 : vector<16xf32>
        %add3A_1004 = arith.addf %mul3A_1002, %mul3A_1003 : vector<16xf32>
        %add3A_1005 = arith.addf %add3A_1001, %add3A_1004 : vector<16xf32>
        %reduce_sum3A_1006 = arith.constant true
        %reduce_sum3A_1007 = vector.broadcast %reduce_sum3A_1006 : i1 to vector<16xi1>
        %reduce_sum3A_1008 = tpu.scan <sum>, %add3A_1005 masked %reduce_sum3A_1007 : vector<16xf32>, vector<16xi1> -> vector<16xf32>
        %reduce_sum3A_1009 = vector.extract %reduce_sum3A_1008[15] : f32 from vector<16xf32>
        %eq3A_1010 = arith.constant 0 : i32
        %eq3A_1011 = vector.broadcast %eq3A_1010 : i32 to vector<16xi32>
        %eq3A_1012 = arith.cmpi eq, %iota3A_136, %eq3A_1011 : vector<16xi32>
        %broadcast_in_dim3A_1013 = vector.broadcast %reduce_sum3A_1009 : f32 to vector<16xf32>
        %select_n3A_1014 = arith.select %eq3A_1012, %broadcast_in_dim3A_1013, %broadcast_in_dim3A_984 : vector<16xi1>, vector<16xf32>
        %add3A_1015 = arith.constant 1 : i32
        %add3A_1016 = arith.addi %add3A_982, %add3A_1015 : i32
        %get3A_1017 = arith.index_cast %add3A_1016 : i32 to index
        %get3A_1018 = arith.constant 0 : index
        %get3A_1019 = tpu.vector_load %arg7[%get3A_1017, %get3A_1018] {strides = array<i32>} : memref<256x64xf32, #tpu.memory_space<vmem>>, vector<16xf32>,
        %get3A_1020 = arith.index_cast %add3A_1016 : i32 to index
        %get3A_1021 = arith.constant 16 : index
        %get3A_1022 = tpu.vector_load %arg7[%get3A_1020, %get3A_1021] {strides = array<i32>} : memref<256x64xf32, #tpu.memory_space<vmem>>, vector<16xf32>,
        %get3A_1023 = arith.index_cast %add3A_1016 : i32 to index
        %get3A_1024 = arith.constant 32 : index
        %get3A_1025 = tpu.vector_load %arg7[%get3A_1023, %get3A_1024] {strides = array<i32>} : memref<256x64xf32, #tpu.memory_space<vmem>>, vector<16xf32>,
        %get3A_1026 = arith.index_cast %add3A_1016 : i32 to index
        %get3A_1027 = arith.constant 48 : index
        %get3A_1028 = tpu.vector_load %arg7[%get3A_1026, %get3A_1027] {strides = array<i32>} : memref<256x64xf32, #tpu.memory_space<vmem>>, vector<16xf32>,
        %mul3A_1029 = arith.mulf %get3A_1019, %get3A_1019 : vector<16xf32>
        %mul3A_1030 = arith.mulf %get3A_1022, %get3A_1022 : vector<16xf32>
        %add3A_1031 = arith.addf %mul3A_1029, %mul3A_1030 : vector<16xf32>
        %mul3A_1032 = arith.mulf %get3A_1025, %get3A_1025 : vector<16xf32>
        %mul3A_1033 = arith.mulf %get3A_1028, %get3A_1028 : vector<16xf32>
        %add3A_1034 = arith.addf %mul3A_1032, %mul3A_1033 : vector<16xf32>
        %add3A_1035 = arith.addf %add3A_1031, %add3A_1034 : vector<16xf32>
        %reduce_sum3A_1036 = arith.constant true
        %reduce_sum3A_1037 = vector.broadcast %reduce_sum3A_1036 : i1 to vector<16xi1>
        %reduce_sum3A_1038 = tpu.scan <sum>, %add3A_1035 masked %reduce_sum3A_1037 : vector<16xf32>, vector<16xi1> -> vector<16xf32>
        %reduce_sum3A_1039 = vector.extract %reduce_sum3A_1038[15] : f32 from vector<16xf32>
        %eq3A_1040 = arith.constant 1 : i32
        %eq3A_1041 = vector.broadcast %eq3A_1040 : i32 to vector<16xi32>
        %eq3A_1042 = arith.cmpi eq, %iota3A_136, %eq3A_1041 : vector<16xi32>
        %broadcast_in_dim3A_1043 = vector.broadcast %reduce_sum3A_1039 : f32 to vector<16xf32>
        %select_n3A_1044 = arith.select %eq3A_1042, %broadcast_in_dim3A_1043, %select_n3A_1014 : vector<16xi1>, vector<16xf32>
        %add3A_1045 = arith.constant 2 : i32
        %add3A_1046 = arith.addi %add3A_982, %add3A_1045 : i32
        %get3A_1047 = arith.index_cast %add3A_1046 : i32 to index
        %get3A_1048 = arith.constant 0 : index
        %get3A_1049 = tpu.vector_load %arg7[%get3A_1047, %get3A_1048] {strides = array<i32>} : memref<256x64xf32, #tpu.memory_space<vmem>>, vector<16xf32>,
        %get3A_1050 = arith.index_cast %add3A_1046 : i32 to index
        %get3A_1051 = arith.constant 16 : index
        %get3A_1052 = tpu.vector_load %arg7[%get3A_1050, %get3A_1051] {strides = array<i32>} : memref<256x64xf32, #tpu.memory_space<vmem>>, vector<16xf32>,
        %get3A_1053 = arith.index_cast %add3A_1046 : i32 to index
        %get3A_1054 = arith.constant 32 : index
        %get3A_1055 = tpu.vector_load %arg7[%get3A_1053, %get3A_1054] {strides = array<i32>} : memref<256x64xf32, #tpu.memory_space<vmem>>, vector<16xf32>,
        %get3A_1056 = arith.index_cast %add3A_1046 : i32 to index
        %get3A_1057 = arith.constant 48 : index
        %get3A_1058 = tpu.vector_load %arg7[%get3A_1056, %get3A_1057] {strides = array<i32>} : memref<256x64xf32, #tpu.memory_space<vmem>>, vector<16xf32>,
        %mul3A_1059 = arith.mulf %get3A_1049, %get3A_1049 : vector<16xf32>
        %mul3A_1060 = arith.mulf %get3A_1052, %get3A_1052 : vector<16xf32>
        %add3A_1061 = arith.addf %mul3A_1059, %mul3A_1060 : vector<16xf32>
        %mul3A_1062 = arith.mulf %get3A_1055, %get3A_1055 : vector<16xf32>
        %mul3A_1063 = arith.mulf %get3A_1058, %get3A_1058 : vector<16xf32>
        %add3A_1064 = arith.addf %mul3A_1062, %mul3A_1063 : vector<16xf32>
        %add3A_1065 = arith.addf %add3A_1061, %add3A_1064 : vector<16xf32>
        %reduce_sum3A_1066 = arith.constant true
        %reduce_sum3A_1067 = vector.broadcast %reduce_sum3A_1066 : i1 to vector<16xi1>
        %reduce_sum3A_1068 = tpu.scan <sum>, %add3A_1065 masked %reduce_sum3A_1067 : vector<16xf32>, vector<16xi1> -> vector<16xf32>
        %reduce_sum3A_1069 = vector.extract %reduce_sum3A_1068[15] : f32 from vector<16xf32>
        %eq3A_1070 = arith.constant 2 : i32
        %eq3A_1071 = vector.broadcast %eq3A_1070 : i32 to vector<16xi32>
        %eq3A_1072 = arith.cmpi eq, %iota3A_136, %eq3A_1071 : vector<16xi32>
        %broadcast_in_dim3A_1073 = vector.broadcast %reduce_sum3A_1069 : f32 to vector<16xf32>
        %select_n3A_1074 = arith.select %eq3A_1072, %broadcast_in_dim3A_1073, %select_n3A_1044 : vector<16xi1>, vector<16xf32>
        %add3A_1075 = arith.constant 3 : i32
        %add3A_1076 = arith.addi %add3A_982, %add3A_1075 : i32
        %get3A_1077 = arith.index_cast %add3A_1076 : i32 to index
        %get3A_1078 = arith.constant 0 : index
        %get3A_1079 = tpu.vector_load %arg7[%get3A_1077, %get3A_1078] {strides = array<i32>} : memref<256x64xf32, #tpu.memory_space<vmem>>, vector<16xf32>,
        %get3A_1080 = arith.index_cast %add3A_1076 : i32 to index
        %get3A_1081 = arith.constant 16 : index
        %get3A_1082 = tpu.vector_load %arg7[%get3A_1080, %get3A_1081] {strides = array<i32>} : memref<256x64xf32, #tpu.memory_space<vmem>>, vector<16xf32>,
        %get3A_1083 = arith.index_cast %add3A_1076 : i32 to index
        %get3A_1084 = arith.constant 32 : index
        %get3A_1085 = tpu.vector_load %arg7[%get3A_1083, %get3A_1084] {strides = array<i32>} : memref<256x64xf32, #tpu.memory_space<vmem>>, vector<16xf32>,
        %get3A_1086 = arith.index_cast %add3A_1076 : i32 to index
        %get3A_1087 = arith.constant 48 : index
        %get3A_1088 = tpu.vector_load %arg7[%get3A_1086, %get3A_1087] {strides = array<i32>} : memref<256x64xf32, #tpu.memory_space<vmem>>, vector<16xf32>,
        %mul3A_1089 = arith.mulf %get3A_1079, %get3A_1079 : vector<16xf32>
        %mul3A_1090 = arith.mulf %get3A_1082, %get3A_1082 : vector<16xf32>
        %add3A_1091 = arith.addf %mul3A_1089, %mul3A_1090 : vector<16xf32>
        %mul3A_1092 = arith.mulf %get3A_1085, %get3A_1085 : vector<16xf32>
        %mul3A_1093 = arith.mulf %get3A_1088, %get3A_1088 : vector<16xf32>
        %add3A_1094 = arith.addf %mul3A_1092, %mul3A_1093 : vector<16xf32>
        %add3A_1095 = arith.addf %add3A_1091, %add3A_1094 : vector<16xf32>
        %reduce_sum3A_1096 = arith.constant true
        %reduce_sum3A_1097 = vector.broadcast %reduce_sum3A_1096 : i1 to vector<16xi1>
        %reduce_sum3A_1098 = tpu.scan <sum>, %add3A_1095 masked %reduce_sum3A_1097 : vector<16xf32>, vector<16xi1> -> vector<16xf32>
        %reduce_sum3A_1099 = vector.extract %reduce_sum3A_1098[15] : f32 from vector<16xf32>
        %eq3A_1100 = arith.constant 3 : i32
        %eq3A_1101 = vector.broadcast %eq3A_1100 : i32 to vector<16xi32>
        %eq3A_1102 = arith.cmpi eq, %iota3A_136, %eq3A_1101 : vector<16xi32>
        %broadcast_in_dim3A_1103 = vector.broadcast %reduce_sum3A_1099 : f32 to vector<16xf32>
        %select_n3A_1104 = arith.select %eq3A_1102, %broadcast_in_dim3A_1103, %select_n3A_1074 : vector<16xi1>, vector<16xf32>
        %max3A_1105 = arith.constant 1.000000e-24 : f32
        %max3A_1106 = vector.broadcast %max3A_1105 : f32 to vector<16xf32>
        %max3A_1107 = arith.maximumf %select_n3A_1104, %max3A_1106 : vector<16xf32>
        %bitcast3A_1108 = vector.bitcast %max3A_1107 : vector<16xf32> to vector<16xi32>
        %broadcast_in_dim3A_1109 = arith.constant 1597463007 : i32
        %broadcast_in_dim3A_1110 = vector.broadcast %broadcast_in_dim3A_1109 : i32 to vector<16xi32>
        %shift_right_arithmetic3A_1111 = arith.constant 1 : i32
        %shift_right_arithmetic3A_1112 = vector.broadcast %shift_right_arithmetic3A_1111 : i32 to vector<16xi32>
        %shift_right_arithmetic3A_1113 = arith.shrsi %bitcast3A_1108, %shift_right_arithmetic3A_1112 : vector<16xi32>
        %sub3A_1114 = arith.subi %broadcast_in_dim3A_1110, %shift_right_arithmetic3A_1113 : vector<16xi32>
        %bitcast3A_1115 = vector.bitcast %sub3A_1114 : vector<16xi32> to vector<16xf32>
        %mul3A_1116 = arith.constant 5.000000e-01 : f32
        %mul3A_1117 = vector.broadcast %mul3A_1116 : f32 to vector<16xf32>
        %mul3A_1118 = arith.mulf %mul3A_1117, %max3A_1107 : vector<16xf32>
        %mul3A_1119 = arith.mulf %mul3A_1118, %bitcast3A_1115 : vector<16xf32>
        %mul3A_1120 = arith.mulf %mul3A_1119, %bitcast3A_1115 : vector<16xf32>
        %sub3A_1121 = arith.constant 1.500000e+00 : f32
        %sub3A_1122 = vector.broadcast %sub3A_1121 : f32 to vector<16xf32>
        %sub3A_1123 = arith.subf %sub3A_1122, %mul3A_1120 : vector<16xf32>
        %mul3A_1124 = arith.mulf %bitcast3A_1115, %sub3A_1123 : vector<16xf32>
        %mul3A_1125 = arith.constant 5.000000e-01 : f32
        %mul3A_1126 = vector.broadcast %mul3A_1125 : f32 to vector<16xf32>
        %mul3A_1127 = arith.mulf %mul3A_1126, %max3A_1107 : vector<16xf32>
        %mul3A_1128 = arith.mulf %mul3A_1127, %mul3A_1124 : vector<16xf32>
        %mul3A_1129 = arith.mulf %mul3A_1128, %mul3A_1124 : vector<16xf32>
        %sub3A_1130 = arith.constant 1.500000e+00 : f32
        %sub3A_1131 = vector.broadcast %sub3A_1130 : f32 to vector<16xf32>
        %sub3A_1132 = arith.subf %sub3A_1131, %mul3A_1129 : vector<16xf32>
        %mul3A_1133 = arith.mulf %mul3A_1124, %sub3A_1132 : vector<16xf32>
        %mul3A_1134 = arith.constant 5.000000e-01 : f32
        %mul3A_1135 = vector.broadcast %mul3A_1134 : f32 to vector<16xf32>
        %mul3A_1136 = arith.mulf %mul3A_1135, %max3A_1107 : vector<16xf32>
        %mul3A_1137 = arith.mulf %mul3A_1136, %mul3A_1133 : vector<16xf32>
        %mul3A_1138 = arith.mulf %mul3A_1137, %mul3A_1133 : vector<16xf32>
        %sub3A_1139 = arith.constant 1.500000e+00 : f32
        %sub3A_1140 = vector.broadcast %sub3A_1139 : f32 to vector<16xf32>
        %sub3A_1141 = arith.subf %sub3A_1140, %mul3A_1138 : vector<16xf32>
        %mul3A_1142 = arith.mulf %mul3A_1133, %sub3A_1141 : vector<16xf32>
        %mul3A_1143 = arith.constant 8.000000e+00 : f32
        %mul3A_1144 = vector.broadcast %mul3A_1143 : f32 to vector<16xf32>
        %mul3A_1145 = arith.mulf %mul3A_1142, %mul3A_1144 : vector<16xf32>
        %broadcast_in_dim3A_1146 = arith.constant 0 : i32
        %broadcast_in_dim3A_1147 = vector.broadcast %broadcast_in_dim3A_1146 : i32 to vector<16x1xi32>
        %gather3A_1148 = vector.shape_cast %broadcast_in_dim3A_1147 : vector<16x1xi32> to vector<16xi32>
        %gather3A_1149 = tpu.dynamic_gather %mul3A_1145[%gather3A_1148] in [0] : vector<16xf32>, vector<16xi32> -> vector<16xf32>
        %mul3A_1150 = arith.mulf %get3A_989, %gather3A_1149 : vector<16xf32>
        %swap3A_1151 = arith.index_cast %add3A_986 : i32 to index
        %swap3A_1152 = arith.constant 0 : index
        %swap3A_1153 = tpu.vector_load %arg7[%swap3A_1151, %swap3A_1152] {strides = array<i32>} : memref<256x64xf32, #tpu.memory_space<vmem>>, vector<16xf32>,
        tpu.vector_store %arg7[%swap3A_1151, %swap3A_1152], %mul3A_1150 {strides = array<i32>} : memref<256x64xf32, #tpu.memory_space<vmem>>, vector<16xf32>,
        %mul3A_1154 = arith.mulf %get3A_992, %gather3A_1149 : vector<16xf32>
        %swap3A_1155 = arith.index_cast %add3A_986 : i32 to index
        %swap3A_1156 = arith.constant 16 : index
        %swap3A_1157 = tpu.vector_load %arg7[%swap3A_1155, %swap3A_1156] {strides = array<i32>} : memref<256x64xf32, #tpu.memory_space<vmem>>, vector<16xf32>,
        tpu.vector_store %arg7[%swap3A_1155, %swap3A_1156], %mul3A_1154 {strides = array<i32>} : memref<256x64xf32, #tpu.memory_space<vmem>>, vector<16xf32>,
        %mul3A_1158 = arith.mulf %get3A_995, %gather3A_1149 : vector<16xf32>
        %swap3A_1159 = arith.index_cast %add3A_986 : i32 to index
        %swap3A_1160 = arith.constant 32 : index
        %swap3A_1161 = tpu.vector_load %arg7[%swap3A_1159, %swap3A_1160] {strides = array<i32>} : memref<256x64xf32, #tpu.memory_space<vmem>>, vector<16xf32>,
        tpu.vector_store %arg7[%swap3A_1159, %swap3A_1160], %mul3A_1158 {strides = array<i32>} : memref<256x64xf32, #tpu.memory_space<vmem>>, vector<16xf32>,
        %mul3A_1162 = arith.mulf %get3A_998, %gather3A_1149 : vector<16xf32>
        %swap3A_1163 = arith.index_cast %add3A_986 : i32 to index
        %swap3A_1164 = arith.constant 48 : index
        %swap3A_1165 = tpu.vector_load %arg7[%swap3A_1163, %swap3A_1164] {strides = array<i32>} : memref<256x64xf32, #tpu.memory_space<vmem>>, vector<16xf32>,
        tpu.vector_store %arg7[%swap3A_1163, %swap3A_1164], %mul3A_1162 {strides = array<i32>} : memref<256x64xf32, #tpu.memory_space<vmem>>, vector<16xf32>,
        %broadcast_in_dim3A_1166 = arith.constant 1 : i32
        %broadcast_in_dim3A_1167 = vector.broadcast %broadcast_in_dim3A_1166 : i32 to vector<16x1xi32>
        %gather3A_1168 = vector.shape_cast %broadcast_in_dim3A_1167 : vector<16x1xi32> to vector<16xi32>
        %gather3A_1169 = tpu.dynamic_gather %mul3A_1145[%gather3A_1168] in [0] : vector<16xf32>, vector<16xi32> -> vector<16xf32>
        %mul3A_1170 = arith.mulf %get3A_1019, %gather3A_1169 : vector<16xf32>
        %swap3A_1171 = arith.index_cast %add3A_1016 : i32 to index
        %swap3A_1172 = arith.constant 0 : index
        %swap3A_1173 = tpu.vector_load %arg7[%swap3A_1171, %swap3A_1172] {strides = array<i32>} : memref<256x64xf32, #tpu.memory_space<vmem>>, vector<16xf32>,
        tpu.vector_store %arg7[%swap3A_1171, %swap3A_1172], %mul3A_1170 {strides = array<i32>} : memref<256x64xf32, #tpu.memory_space<vmem>>, vector<16xf32>,
        %mul3A_1174 = arith.mulf %get3A_1022, %gather3A_1169 : vector<16xf32>
        %swap3A_1175 = arith.index_cast %add3A_1016 : i32 to index
        %swap3A_1176 = arith.constant 16 : index
        %swap3A_1177 = tpu.vector_load %arg7[%swap3A_1175, %swap3A_1176] {strides = array<i32>} : memref<256x64xf32, #tpu.memory_space<vmem>>, vector<16xf32>,
        tpu.vector_store %arg7[%swap3A_1175, %swap3A_1176], %mul3A_1174 {strides = array<i32>} : memref<256x64xf32, #tpu.memory_space<vmem>>, vector<16xf32>,
        %mul3A_1178 = arith.mulf %get3A_1025, %gather3A_1169 : vector<16xf32>
        %swap3A_1179 = arith.index_cast %add3A_1016 : i32 to index
        %swap3A_1180 = arith.constant 32 : index
        %swap3A_1181 = tpu.vector_load %arg7[%swap3A_1179, %swap3A_1180] {strides = array<i32>} : memref<256x64xf32, #tpu.memory_space<vmem>>, vector<16xf32>,
        tpu.vector_store %arg7[%swap3A_1179, %swap3A_1180], %mul3A_1178 {strides = array<i32>} : memref<256x64xf32, #tpu.memory_space<vmem>>, vector<16xf32>,
        %mul3A_1182 = arith.mulf %get3A_1028, %gather3A_1169 : vector<16xf32>
        %swap3A_1183 = arith.index_cast %add3A_1016 : i32 to index
        %swap3A_1184 = arith.constant 48 : index
        %swap3A_1185 = tpu.vector_load %arg7[%swap3A_1183, %swap3A_1184] {strides = array<i32>} : memref<256x64xf32, #tpu.memory_space<vmem>>, vector<16xf32>,
        tpu.vector_store %arg7[%swap3A_1183, %swap3A_1184], %mul3A_1182 {strides = array<i32>} : memref<256x64xf32, #tpu.memory_space<vmem>>, vector<16xf32>,
        %broadcast_in_dim3A_1186 = arith.constant 2 : i32
        %broadcast_in_dim3A_1187 = vector.broadcast %broadcast_in_dim3A_1186 : i32 to vector<16x1xi32>
        %gather3A_1188 = vector.shape_cast %broadcast_in_dim3A_1187 : vector<16x1xi32> to vector<16xi32>
        %gather3A_1189 = tpu.dynamic_gather %mul3A_1145[%gather3A_1188] in [0] : vector<16xf32>, vector<16xi32> -> vector<16xf32>
        %mul3A_1190 = arith.mulf %get3A_1049, %gather3A_1189 : vector<16xf32>
        %swap3A_1191 = arith.index_cast %add3A_1046 : i32 to index
        %swap3A_1192 = arith.constant 0 : index
        %swap3A_1193 = tpu.vector_load %arg7[%swap3A_1191, %swap3A_1192] {strides = array<i32>} : memref<256x64xf32, #tpu.memory_space<vmem>>, vector<16xf32>,
        tpu.vector_store %arg7[%swap3A_1191, %swap3A_1192], %mul3A_1190 {strides = array<i32>} : memref<256x64xf32, #tpu.memory_space<vmem>>, vector<16xf32>,
        %mul3A_1194 = arith.mulf %get3A_1052, %gather3A_1189 : vector<16xf32>
        %swap3A_1195 = arith.index_cast %add3A_1046 : i32 to index
        %swap3A_1196 = arith.constant 16 : index
        %swap3A_1197 = tpu.vector_load %arg7[%swap3A_1195, %swap3A_1196] {strides = array<i32>} : memref<256x64xf32, #tpu.memory_space<vmem>>, vector<16xf32>,
        tpu.vector_store %arg7[%swap3A_1195, %swap3A_1196], %mul3A_1194 {strides = array<i32>} : memref<256x64xf32, #tpu.memory_space<vmem>>, vector<16xf32>,
        %mul3A_1198 = arith.mulf %get3A_1055, %gather3A_1189 : vector<16xf32>
        %swap3A_1199 = arith.index_cast %add3A_1046 : i32 to index
        %swap3A_1200 = arith.constant 32 : index
        %swap3A_1201 = tpu.vector_load %arg7[%swap3A_1199, %swap3A_1200] {strides = array<i32>} : memref<256x64xf32, #tpu.memory_space<vmem>>, vector<16xf32>,
        tpu.vector_store %arg7[%swap3A_1199, %swap3A_1200], %mul3A_1198 {strides = array<i32>} : memref<256x64xf32, #tpu.memory_space<vmem>>, vector<16xf32>,
        %mul3A_1202 = arith.mulf %get3A_1058, %gather3A_1189 : vector<16xf32>
        %swap3A_1203 = arith.index_cast %add3A_1046 : i32 to index
        %swap3A_1204 = arith.constant 48 : index
        %swap3A_1205 = tpu.vector_load %arg7[%swap3A_1203, %swap3A_1204] {strides = array<i32>} : memref<256x64xf32, #tpu.memory_space<vmem>>, vector<16xf32>,
        tpu.vector_store %arg7[%swap3A_1203, %swap3A_1204], %mul3A_1202 {strides = array<i32>} : memref<256x64xf32, #tpu.memory_space<vmem>>, vector<16xf32>,
        %broadcast_in_dim3A_1206 = arith.constant 3 : i32
        %broadcast_in_dim3A_1207 = vector.broadcast %broadcast_in_dim3A_1206 : i32 to vector<16x1xi32>
        %gather3A_1208 = vector.shape_cast %broadcast_in_dim3A_1207 : vector<16x1xi32> to vector<16xi32>
        %gather3A_1209 = tpu.dynamic_gather %mul3A_1145[%gather3A_1208] in [0] : vector<16xf32>, vector<16xi32> -> vector<16xf32>
        %mul3A_1210 = arith.mulf %get3A_1079, %gather3A_1209 : vector<16xf32>
        %swap3A_1211 = arith.index_cast %add3A_1076 : i32 to index
        %swap3A_1212 = arith.constant 0 : index
        %swap3A_1213 = tpu.vector_load %arg7[%swap3A_1211, %swap3A_1212] {strides = array<i32>} : memref<256x64xf32, #tpu.memory_space<vmem>>, vector<16xf32>,
        tpu.vector_store %arg7[%swap3A_1211, %swap3A_1212], %mul3A_1210 {strides = array<i32>} : memref<256x64xf32, #tpu.memory_space<vmem>>, vector<16xf32>,
        %mul3A_1214 = arith.mulf %get3A_1082, %gather3A_1209 : vector<16xf32>
        %swap3A_1215 = arith.index_cast %add3A_1076 : i32 to index
        %swap3A_1216 = arith.constant 16 : index
        %swap3A_1217 = tpu.vector_load %arg7[%swap3A_1215, %swap3A_1216] {strides = array<i32>} : memref<256x64xf32, #tpu.memory_space<vmem>>, vector<16xf32>,
        tpu.vector_store %arg7[%swap3A_1215, %swap3A_1216], %mul3A_1214 {strides = array<i32>} : memref<256x64xf32, #tpu.memory_space<vmem>>, vector<16xf32>,
        %mul3A_1218 = arith.mulf %get3A_1085, %gather3A_1209 : vector<16xf32>
        %swap3A_1219 = arith.index_cast %add3A_1076 : i32 to index
        %swap3A_1220 = arith.constant 32 : index
        %swap3A_1221 = tpu.vector_load %arg7[%swap3A_1219, %swap3A_1220] {strides = array<i32>} : memref<256x64xf32, #tpu.memory_space<vmem>>, vector<16xf32>,
        tpu.vector_store %arg7[%swap3A_1219, %swap3A_1220], %mul3A_1218 {strides = array<i32>} : memref<256x64xf32, #tpu.memory_space<vmem>>, vector<16xf32>,
        %mul3A_1222 = arith.mulf %get3A_1088, %gather3A_1209 : vector<16xf32>
        %swap3A_1223 = arith.index_cast %add3A_1076 : i32 to index
        %swap3A_1224 = arith.constant 48 : index
        %swap3A_1225 = tpu.vector_load %arg7[%swap3A_1223, %swap3A_1224] {strides = array<i32>} : memref<256x64xf32, #tpu.memory_space<vmem>>, vector<16xf32>,
        tpu.vector_store %arg7[%swap3A_1223, %swap3A_1224], %mul3A_1222 {strides = array<i32>} : memref<256x64xf32, #tpu.memory_space<vmem>>, vector<16xf32>,
      }
      %scan3A_142 = arith.constant 16 : i32
      %mul3A_143 = arith.constant 256 : i32
      %mul3A_144 = arith.muli %add3A_101, %mul3A_143 : i32
      %add3A_145 = arith.addi %mul3A_2, %mul3A_144 : i32
      %dma_start3A_146 = arith.constant 0 : i32
      %dma_start3A_147 = tpu.memref_slice %arg4[%add3A_145, %dma_start3A_146] : memref<819200x64xf32, #tpu.memory_space<hbm>> -> memref<256x64xf32, #tpu.memory_space<hbm>>
      %dma_start3A_148 = arith.constant 0 : i32
      %dma_start3A_149 = tpu.memref_slice %arg4[%add3A_145, %dma_start3A_148] : memref<819200x64xf32, #tpu.memory_space<hbm>> -> memref<256x64xf32, #tpu.memory_space<hbm>>
      tpu.enqueue_dma source(%arg7 : memref<256x64xf32, #tpu.memory_space<vmem>>) target(%dma_start3A_149 : memref<256x64xf32, #tpu.memory_space<hbm>>) target_semaphore(%arg15 : memref<!tpu.dma_semaphore, #tpu.memory_space<semaphore_mem>>)
      %mul3A_150 = arith.constant 4 : i32
      %mul3A_151 = arith.muli %scan3A_50, %mul3A_150 : i32
      %add3A_152 = arith.constant 2 : i32
      %add3A_153 = arith.addi %mul3A_151, %add3A_152 : i32
      %ge3A_154 = arith.constant 2 : i32
      %ge3A_155 = arith.cmpi sge, %add3A_153, %ge3A_154 : i32
      %convert_element_type3A_156 = arith.extui %ge3A_155 : i1 to i32
      %cond3A_157 = arith.constant 0 : i32
      %cond3A_158 = arith.cmpi ne, %convert_element_type3A_156, %cond3A_157 : i32
      scf.if %cond3A_158 {
        %sub3A = arith.constant 2 : i32
        %sub3A_254 = arith.subi %add3A_153, %sub3A : i32
        %mul3A_255 = arith.constant 256 : i32
        %mul3A_256 = arith.muli %sub3A_254, %mul3A_255 : i32
        %add3A_257 = arith.addi %mul3A_2, %mul3A_256 : i32
        %dma_wait3A_258 = arith.constant 0 : i32
        %dma_wait3A_259 = tpu.memref_slice %arg4[%add3A_257, %dma_wait3A_258] : memref<819200x64xf32, #tpu.memory_space<hbm>> -> memref<256x64xf32, #tpu.memory_space<hbm>>
        %dma_wait3A_260 = arith.constant 0 : i32
        %dma_wait3A_261 = tpu.memref_slice %arg4[%add3A_257, %dma_wait3A_260] : memref<819200x64xf32, #tpu.memory_space<hbm>> -> memref<256x64xf32, #tpu.memory_space<hbm>>
        tpu.wait_dma2 semaphore(%arg14 : memref<!tpu.dma_semaphore, #tpu.memory_space<semaphore_mem>>) src(%arg6 : memref<256x64xf32, #tpu.memory_space<vmem>>) dst(%dma_wait3A_261 : memref<256x64xf32, #tpu.memory_space<hbm>>)
      } else {
      }
      %add3A_159 = arith.constant 2 : i32
      %add3A_160 = arith.addi %add3A_153, %add3A_159 : i32
      %lt3A_161 = arith.constant 100 : i32
      %lt3A_162 = arith.cmpi slt, %add3A_160, %lt3A_161 : i32
      %convert_element_type3A_163 = arith.extui %lt3A_162 : i1 to i32
      %cond3A_164 = arith.constant 0 : i32
      %cond3A_165 = arith.cmpi ne, %convert_element_type3A_163, %cond3A_164 : i32
      scf.if %cond3A_165 {
        %add3A_254 = arith.constant 2 : i32
        %add3A_255 = arith.addi %add3A_153, %add3A_254 : i32
        %mul3A_256 = arith.constant 256 : i32
        %mul3A_257 = arith.muli %add3A_255, %mul3A_256 : i32
        %add3A_258 = arith.constant 0 : i32
        %add3A_259 = arith.addi %mul3A_257, %add3A_258 : i32
        %dma_start3A_260 = arith.constant 0 : i32
        %dma_start3A_261 = arith.constant 0 : i32
        %dma_start3A_262 = tpu.memref_slice %arg6[%dma_start3A_260, %dma_start3A_261] : memref<256x64xf32, #tpu.memory_space<vmem>> -> memref<128x64xf32, #tpu.memory_space<vmem>>
        %dma_start3A_263 = tpu.memref_slice %arg5[%add3A_259] : memref<25600xi32, #tpu.memory_space<vmem>> -> memref<128xi32, #tpu.memory_space<vmem>>
        %dma_start3A_264 = arith.constant 0 : i32
        %dma_start3A_265 = arith.constant 0 : i32
        %dma_start3A_266 = tpu.memref_slice %arg3[%dma_start3A_264, %dma_start3A_265] : memref<1000000x64xf32, #tpu.memory_space<hbm>> -> memref<1000000x64xf32, #tpu.memory_space<hbm>>
        tpu.enqueue_indirect_dma source(%dma_start3A_266 : memref<1000000x64xf32, #tpu.memory_space<hbm>>) target(%dma_start3A_262 : memref<128x64xf32, #tpu.memory_space<vmem>>) offsets(%dma_start3A_263 : memref<128xi32, #tpu.memory_space<vmem>>) semaphore(%arg10 : memref<!tpu.dma_semaphore, #tpu.memory_space<semaphore_mem>>)
        %mul3A_267 = arith.constant 256 : i32
        %mul3A_268 = arith.muli %add3A_255, %mul3A_267 : i32
        %add3A_269 = arith.constant 128 : i32
        %add3A_270 = arith.addi %mul3A_268, %add3A_269 : i32
        %dma_start3A_271 = arith.constant 128 : i32
        %dma_start3A_272 = arith.constant 0 : i32
        %dma_start3A_273 = tpu.memref_slice %arg6[%dma_start3A_271, %dma_start3A_272] : memref<256x64xf32, #tpu.memory_space<vmem>> -> memref<128x64xf32, #tpu.memory_space<vmem>>
        %dma_start3A_274 = tpu.memref_slice %arg5[%add3A_270] : memref<25600xi32, #tpu.memory_space<vmem>> -> memref<128xi32, #tpu.memory_space<vmem>>
        %dma_start3A_275 = arith.constant 0 : i32
        %dma_start3A_276 = arith.constant 0 : i32
        %dma_start3A_277 = tpu.memref_slice %arg3[%dma_start3A_275, %dma_start3A_276] : memref<1000000x64xf32, #tpu.memory_space<hbm>> -> memref<1000000x64xf32, #tpu.memory_space<hbm>>
        tpu.enqueue_indirect_dma source(%dma_start3A_277 : memref<1000000x64xf32, #tpu.memory_space<hbm>>) target(%dma_start3A_273 : memref<128x64xf32, #tpu.memory_space<vmem>>) offsets(%dma_start3A_274 : memref<128xi32, #tpu.memory_space<vmem>>) semaphore(%arg10 : memref<!tpu.dma_semaphore, #tpu.memory_space<semaphore_mem>>)
      } else {
      }
      %mul3A_166 = arith.constant 256 : i32
      %mul3A_167 = arith.muli %add3A_153, %mul3A_166 : i32
      %add3A_168 = arith.constant 0 : i32
      %add3A_169 = arith.addi %mul3A_167, %add3A_168 : i32
      %dma_wait3A_170 = arith.constant 0 : i32
      %dma_wait3A_171 = arith.constant 0 : i32
      %dma_wait3A_172 = tpu.memref_slice %arg8[%dma_wait3A_170, %dma_wait3A_171] : memref<256x64xf32, #tpu.memory_space<vmem>> -> memref<128x64xf32, #tpu.memory_space<vmem>>
      %dma_wait3A_173 = tpu.memref_slice %arg5[%add3A_169] : memref<25600xi32, #tpu.memory_space<vmem>> -> memref<128xi32, #tpu.memory_space<vmem>>
      %dma_wait3A_174 = arith.constant 0 : i32
      %dma_wait3A_175 = arith.constant 0 : i32
      %dma_wait3A_176 = tpu.memref_slice %arg3[%dma_wait3A_174, %dma_wait3A_175] : memref<1000000x64xf32, #tpu.memory_space<hbm>> -> memref<1000000x64xf32, #tpu.memory_space<hbm>>
      tpu.wait_indirect_dma semaphore(%arg12 : memref<!tpu.dma_semaphore, #tpu.memory_space<semaphore_mem>>) src(%dma_wait3A_176 : memref<1000000x64xf32, #tpu.memory_space<hbm>>) dst(%dma_wait3A_172 : memref<128x64xf32, #tpu.memory_space<vmem>>)
      %mul3A_177 = arith.constant 256 : i32
      %mul3A_178 = arith.muli %add3A_153, %mul3A_177 : i32
      %add3A_179 = arith.constant 128 : i32
      %add3A_180 = arith.addi %mul3A_178, %add3A_179 : i32
      %dma_wait3A_181 = arith.constant 128 : i32
      %dma_wait3A_182 = arith.constant 0 : i32
      %dma_wait3A_183 = tpu.memref_slice %arg8[%dma_wait3A_181, %dma_wait3A_182] : memref<256x64xf32, #tpu.memory_space<vmem>> -> memref<128x64xf32, #tpu.memory_space<vmem>>
      %dma_wait3A_184 = tpu.memref_slice %arg5[%add3A_180] : memref<25600xi32, #tpu.memory_space<vmem>> -> memref<128xi32, #tpu.memory_space<vmem>>
      %dma_wait3A_185 = arith.constant 0 : i32
      %dma_wait3A_186 = arith.constant 0 : i32
      %dma_wait3A_187 = tpu.memref_slice %arg3[%dma_wait3A_185, %dma_wait3A_186] : memref<1000000x64xf32, #tpu.memory_space<hbm>> -> memref<1000000x64xf32, #tpu.memory_space<hbm>>
      tpu.wait_indirect_dma semaphore(%arg12 : memref<!tpu.dma_semaphore, #tpu.memory_space<semaphore_mem>>) src(%dma_wait3A_187 : memref<1000000x64xf32, #tpu.memory_space<hbm>>) dst(%dma_wait3A_183 : memref<128x64xf32, #tpu.memory_space<vmem>>)
      %iota3A_188 = tpu.iota {dimensions = array<i32: 0>} : vector<16xi32>
      %scan3A_189 = arith.constant 0 : i32
      %scan3A_190 = arith.constant 0 : i32
      %scan3A_191 = arith.constant 16 : i32
      %scan3A_192 = arith.addi %scan3A_190, %scan3A_191 : i32
      %scan3A_193 = arith.constant 1 : i32
      scf.for %scan3A_254 = %scan3A_190 to %scan3A_192 step %scan3A_193  : i32 {
        %mul3A_255 = arith.constant 16 : i32
        %mul3A_256 = arith.muli %scan3A_254, %mul3A_255 : i32
        %add3A_257 = arith.constant 0 : i32
        %add3A_258 = arith.addi %mul3A_256, %add3A_257 : i32
        %broadcast_in_dim3A = arith.constant 1.000000e+00 : f32
        %broadcast_in_dim3A_259 = vector.broadcast %broadcast_in_dim3A : f32 to vector<16xf32>
        %add3A_260 = arith.constant 0 : i32
        %add3A_261 = arith.addi %add3A_258, %add3A_260 : i32
        %get3A = arith.index_cast %add3A_261 : i32 to index
        %get3A_262 = arith.constant 0 : index
        %get3A_263 = tpu.vector_load %arg8[%get3A, %get3A_262] {strides = array<i32>} : memref<256x64xf32, #tpu.memory_space<vmem>>, vector<16xf32>,
        %get3A_264 = arith.index_cast %add3A_261 : i32 to index
        %get3A_265 = arith.constant 16 : index
        %get3A_266 = tpu.vector_load %arg8[%get3A_264, %get3A_265] {strides = array<i32>} : memref<256x64xf32, #tpu.memory_space<vmem>>, vector<16xf32>,
        %get3A_267 = arith.index_cast %add3A_261 : i32 to index
        %get3A_268 = arith.constant 32 : index
        %get3A_269 = tpu.vector_load %arg8[%get3A_267, %get3A_268] {strides = array<i32>} : memref<256x64xf32, #tpu.memory_space<vmem>>, vector<16xf32>,
        %get3A_270 = arith.index_cast %add3A_261 : i32 to index
        %get3A_271 = arith.constant 48 : index
        %get3A_272 = tpu.vector_load %arg8[%get3A_270, %get3A_271] {strides = array<i32>} : memref<256x64xf32, #tpu.memory_space<vmem>>, vector<16xf32>,
        %mul3A_273 = arith.mulf %get3A_263, %get3A_263 : vector<16xf32>
        %mul3A_274 = arith.mulf %get3A_266, %get3A_266 : vector<16xf32>
        %add3A_275 = arith.addf %mul3A_273, %mul3A_274 : vector<16xf32>
        %mul3A_276 = arith.mulf %get3A_269, %get3A_269 : vector<16xf32>
        %mul3A_277 = arith.mulf %get3A_272, %get3A_272 : vector<16xf32>
        %add3A_278 = arith.addf %mul3A_276, %mul3A_277 : vector<16xf32>
        %add3A_279 = arith.addf %add3A_275, %add3A_278 : vector<16xf32>
        %reduce_sum3A = arith.constant true
        %reduce_sum3A_280 = vector.broadcast %reduce_sum3A : i1 to vector<16xi1>
        %reduce_sum3A_281 = tpu.scan <sum>, %add3A_279 masked %reduce_sum3A_280 : vector<16xf32>, vector<16xi1> -> vector<16xf32>
        %reduce_sum3A_282 = vector.extract %reduce_sum3A_281[15] : f32 from vector<16xf32>
        %eq3A = arith.constant 0 : i32
        %eq3A_283 = vector.broadcast %eq3A : i32 to vector<16xi32>
        %eq3A_284 = arith.cmpi eq, %iota3A_188, %eq3A_283 : vector<16xi32>
        %broadcast_in_dim3A_285 = vector.broadcast %reduce_sum3A_282 : f32 to vector<16xf32>
        %select_n3A = arith.select %eq3A_284, %broadcast_in_dim3A_285, %broadcast_in_dim3A_259 : vector<16xi1>, vector<16xf32>
        %add3A_286 = arith.constant 1 : i32
        %add3A_287 = arith.addi %add3A_258, %add3A_286 : i32
        %get3A_288 = arith.index_cast %add3A_287 : i32 to index
        %get3A_289 = arith.constant 0 : index
        %get3A_290 = tpu.vector_load %arg8[%get3A_288, %get3A_289] {strides = array<i32>} : memref<256x64xf32, #tpu.memory_space<vmem>>, vector<16xf32>,
        %get3A_291 = arith.index_cast %add3A_287 : i32 to index
        %get3A_292 = arith.constant 16 : index
        %get3A_293 = tpu.vector_load %arg8[%get3A_291, %get3A_292] {strides = array<i32>} : memref<256x64xf32, #tpu.memory_space<vmem>>, vector<16xf32>,
        %get3A_294 = arith.index_cast %add3A_287 : i32 to index
        %get3A_295 = arith.constant 32 : index
        %get3A_296 = tpu.vector_load %arg8[%get3A_294, %get3A_295] {strides = array<i32>} : memref<256x64xf32, #tpu.memory_space<vmem>>, vector<16xf32>,
        %get3A_297 = arith.index_cast %add3A_287 : i32 to index
        %get3A_298 = arith.constant 48 : index
        %get3A_299 = tpu.vector_load %arg8[%get3A_297, %get3A_298] {strides = array<i32>} : memref<256x64xf32, #tpu.memory_space<vmem>>, vector<16xf32>,
        %mul3A_300 = arith.mulf %get3A_290, %get3A_290 : vector<16xf32>
        %mul3A_301 = arith.mulf %get3A_293, %get3A_293 : vector<16xf32>
        %add3A_302 = arith.addf %mul3A_300, %mul3A_301 : vector<16xf32>
        %mul3A_303 = arith.mulf %get3A_296, %get3A_296 : vector<16xf32>
        %mul3A_304 = arith.mulf %get3A_299, %get3A_299 : vector<16xf32>
        %add3A_305 = arith.addf %mul3A_303, %mul3A_304 : vector<16xf32>
        %add3A_306 = arith.addf %add3A_302, %add3A_305 : vector<16xf32>
        %reduce_sum3A_307 = arith.constant true
        %reduce_sum3A_308 = vector.broadcast %reduce_sum3A_307 : i1 to vector<16xi1>
        %reduce_sum3A_309 = tpu.scan <sum>, %add3A_306 masked %reduce_sum3A_308 : vector<16xf32>, vector<16xi1> -> vector<16xf32>
        %reduce_sum3A_310 = vector.extract %reduce_sum3A_309[15] : f32 from vector<16xf32>
        %eq3A_311 = arith.constant 1 : i32
        %eq3A_312 = vector.broadcast %eq3A_311 : i32 to vector<16xi32>
        %eq3A_313 = arith.cmpi eq, %iota3A_188, %eq3A_312 : vector<16xi32>
        %broadcast_in_dim3A_314 = vector.broadcast %reduce_sum3A_310 : f32 to vector<16xf32>
        %select_n3A_315 = arith.select %eq3A_313, %broadcast_in_dim3A_314, %select_n3A : vector<16xi1>, vector<16xf32>
        %add3A_316 = arith.constant 2 : i32
        %add3A_317 = arith.addi %add3A_258, %add3A_316 : i32
        %get3A_318 = arith.index_cast %add3A_317 : i32 to index
        %get3A_319 = arith.constant 0 : index
        %get3A_320 = tpu.vector_load %arg8[%get3A_318, %get3A_319] {strides = array<i32>} : memref<256x64xf32, #tpu.memory_space<vmem>>, vector<16xf32>,
        %get3A_321 = arith.index_cast %add3A_317 : i32 to index
        %get3A_322 = arith.constant 16 : index
        %get3A_323 = tpu.vector_load %arg8[%get3A_321, %get3A_322] {strides = array<i32>} : memref<256x64xf32, #tpu.memory_space<vmem>>, vector<16xf32>,
        %get3A_324 = arith.index_cast %add3A_317 : i32 to index
        %get3A_325 = arith.constant 32 : index
        %get3A_326 = tpu.vector_load %arg8[%get3A_324, %get3A_325] {strides = array<i32>} : memref<256x64xf32, #tpu.memory_space<vmem>>, vector<16xf32>,
        %get3A_327 = arith.index_cast %add3A_317 : i32 to index
        %get3A_328 = arith.constant 48 : index
        %get3A_329 = tpu.vector_load %arg8[%get3A_327, %get3A_328] {strides = array<i32>} : memref<256x64xf32, #tpu.memory_space<vmem>>, vector<16xf32>,
        %mul3A_330 = arith.mulf %get3A_320, %get3A_320 : vector<16xf32>
        %mul3A_331 = arith.mulf %get3A_323, %get3A_323 : vector<16xf32>
        %add3A_332 = arith.addf %mul3A_330, %mul3A_331 : vector<16xf32>
        %mul3A_333 = arith.mulf %get3A_326, %get3A_326 : vector<16xf32>
        %mul3A_334 = arith.mulf %get3A_329, %get3A_329 : vector<16xf32>
        %add3A_335 = arith.addf %mul3A_333, %mul3A_334 : vector<16xf32>
        %add3A_336 = arith.addf %add3A_332, %add3A_335 : vector<16xf32>
        %reduce_sum3A_337 = arith.constant true
        %reduce_sum3A_338 = vector.broadcast %reduce_sum3A_337 : i1 to vector<16xi1>
        %reduce_sum3A_339 = tpu.scan <sum>, %add3A_336 masked %reduce_sum3A_338 : vector<16xf32>, vector<16xi1> -> vector<16xf32>
        %reduce_sum3A_340 = vector.extract %reduce_sum3A_339[15] : f32 from vector<16xf32>
        %eq3A_341 = arith.constant 2 : i32
        %eq3A_342 = vector.broadcast %eq3A_341 : i32 to vector<16xi32>
        %eq3A_343 = arith.cmpi eq, %iota3A_188, %eq3A_342 : vector<16xi32>
        %broadcast_in_dim3A_344 = vector.broadcast %reduce_sum3A_340 : f32 to vector<16xf32>
        %select_n3A_345 = arith.select %eq3A_343, %broadcast_in_dim3A_344, %select_n3A_315 : vector<16xi1>, vector<16xf32>
        %add3A_346 = arith.constant 3 : i32
        %add3A_347 = arith.addi %add3A_258, %add3A_346 : i32
        %get3A_348 = arith.index_cast %add3A_347 : i32 to index
        %get3A_349 = arith.constant 0 : index
        %get3A_350 = tpu.vector_load %arg8[%get3A_348, %get3A_349] {strides = array<i32>} : memref<256x64xf32, #tpu.memory_space<vmem>>, vector<16xf32>,
        %get3A_351 = arith.index_cast %add3A_347 : i32 to index
        %get3A_352 = arith.constant 16 : index
        %get3A_353 = tpu.vector_load %arg8[%get3A_351, %get3A_352] {strides = array<i32>} : memref<256x64xf32, #tpu.memory_space<vmem>>, vector<16xf32>,
        %get3A_354 = arith.index_cast %add3A_347 : i32 to index
        %get3A_355 = arith.constant 32 : index
        %get3A_356 = tpu.vector_load %arg8[%get3A_354, %get3A_355] {strides = array<i32>} : memref<256x64xf32, #tpu.memory_space<vmem>>, vector<16xf32>,
        %get3A_357 = arith.index_cast %add3A_347 : i32 to index
        %get3A_358 = arith.constant 48 : index
        %get3A_359 = tpu.vector_load %arg8[%get3A_357, %get3A_358] {strides = array<i32>} : memref<256x64xf32, #tpu.memory_space<vmem>>, vector<16xf32>,
        %mul3A_360 = arith.mulf %get3A_350, %get3A_350 : vector<16xf32>
        %mul3A_361 = arith.mulf %get3A_353, %get3A_353 : vector<16xf32>
        %add3A_362 = arith.addf %mul3A_360, %mul3A_361 : vector<16xf32>
        %mul3A_363 = arith.mulf %get3A_356, %get3A_356 : vector<16xf32>
        %mul3A_364 = arith.mulf %get3A_359, %get3A_359 : vector<16xf32>
        %add3A_365 = arith.addf %mul3A_363, %mul3A_364 : vector<16xf32>
        %add3A_366 = arith.addf %add3A_362, %add3A_365 : vector<16xf32>
        %reduce_sum3A_367 = arith.constant true
        %reduce_sum3A_368 = vector.broadcast %reduce_sum3A_367 : i1 to vector<16xi1>
        %reduce_sum3A_369 = tpu.scan <sum>, %add3A_366 masked %reduce_sum3A_368 : vector<16xf32>, vector<16xi1> -> vector<16xf32>
        %reduce_sum3A_370 = vector.extract %reduce_sum3A_369[15] : f32 from vector<16xf32>
        %eq3A_371 = arith.constant 3 : i32
        %eq3A_372 = vector.broadcast %eq3A_371 : i32 to vector<16xi32>
        %eq3A_373 = arith.cmpi eq, %iota3A_188, %eq3A_372 : vector<16xi32>
        %broadcast_in_dim3A_374 = vector.broadcast %reduce_sum3A_370 : f32 to vector<16xf32>
        %select_n3A_375 = arith.select %eq3A_373, %broadcast_in_dim3A_374, %select_n3A_345 : vector<16xi1>, vector<16xf32>
        %max3A = arith.constant 1.000000e-24 : f32
        %max3A_376 = vector.broadcast %max3A : f32 to vector<16xf32>
        %max3A_377 = arith.maximumf %select_n3A_375, %max3A_376 : vector<16xf32>
        %bitcast3A = vector.bitcast %max3A_377 : vector<16xf32> to vector<16xi32>
        %broadcast_in_dim3A_378 = arith.constant 1597463007 : i32
        %broadcast_in_dim3A_379 = vector.broadcast %broadcast_in_dim3A_378 : i32 to vector<16xi32>
        %shift_right_arithmetic3A = arith.constant 1 : i32
        %shift_right_arithmetic3A_380 = vector.broadcast %shift_right_arithmetic3A : i32 to vector<16xi32>
        %shift_right_arithmetic3A_381 = arith.shrsi %bitcast3A, %shift_right_arithmetic3A_380 : vector<16xi32>
        %sub3A = arith.subi %broadcast_in_dim3A_379, %shift_right_arithmetic3A_381 : vector<16xi32>
        %bitcast3A_382 = vector.bitcast %sub3A : vector<16xi32> to vector<16xf32>
        %mul3A_383 = arith.constant 5.000000e-01 : f32
        %mul3A_384 = vector.broadcast %mul3A_383 : f32 to vector<16xf32>
        %mul3A_385 = arith.mulf %mul3A_384, %max3A_377 : vector<16xf32>
        %mul3A_386 = arith.mulf %mul3A_385, %bitcast3A_382 : vector<16xf32>
        %mul3A_387 = arith.mulf %mul3A_386, %bitcast3A_382 : vector<16xf32>
        %sub3A_388 = arith.constant 1.500000e+00 : f32
        %sub3A_389 = vector.broadcast %sub3A_388 : f32 to vector<16xf32>
        %sub3A_390 = arith.subf %sub3A_389, %mul3A_387 : vector<16xf32>
        %mul3A_391 = arith.mulf %bitcast3A_382, %sub3A_390 : vector<16xf32>
        %mul3A_392 = arith.constant 5.000000e-01 : f32
        %mul3A_393 = vector.broadcast %mul3A_392 : f32 to vector<16xf32>
        %mul3A_394 = arith.mulf %mul3A_393, %max3A_377 : vector<16xf32>
        %mul3A_395 = arith.mulf %mul3A_394, %mul3A_391 : vector<16xf32>
        %mul3A_396 = arith.mulf %mul3A_395, %mul3A_391 : vector<16xf32>
        %sub3A_397 = arith.constant 1.500000e+00 : f32
        %sub3A_398 = vector.broadcast %sub3A_397 : f32 to vector<16xf32>
        %sub3A_399 = arith.subf %sub3A_398, %mul3A_396 : vector<16xf32>
        %mul3A_400 = arith.mulf %mul3A_391, %sub3A_399 : vector<16xf32>
        %mul3A_401 = arith.constant 5.000000e-01 : f32
        %mul3A_402 = vector.broadcast %mul3A_401 : f32 to vector<16xf32>
        %mul3A_403 = arith.mulf %mul3A_402, %max3A_377 : vector<16xf32>
        %mul3A_404 = arith.mulf %mul3A_403, %mul3A_400 : vector<16xf32>
        %mul3A_405 = arith.mulf %mul3A_404, %mul3A_400 : vector<16xf32>
        %sub3A_406 = arith.constant 1.500000e+00 : f32
        %sub3A_407 = vector.broadcast %sub3A_406 : f32 to vector<16xf32>
        %sub3A_408 = arith.subf %sub3A_407, %mul3A_405 : vector<16xf32>
        %mul3A_409 = arith.mulf %mul3A_400, %sub3A_408 : vector<16xf32>
        %mul3A_410 = arith.constant 8.000000e+00 : f32
        %mul3A_411 = vector.broadcast %mul3A_410 : f32 to vector<16xf32>
        %mul3A_412 = arith.mulf %mul3A_409, %mul3A_411 : vector<16xf32>
        %broadcast_in_dim3A_413 = arith.constant 0 : i32
        %broadcast_in_dim3A_414 = vector.broadcast %broadcast_in_dim3A_413 : i32 to vector<16x1xi32>
        %gather3A = vector.shape_cast %broadcast_in_dim3A_414 : vector<16x1xi32> to vector<16xi32>
        %gather3A_415 = tpu.dynamic_gather %mul3A_412[%gather3A] in [0] : vector<16xf32>, vector<16xi32> -> vector<16xf32>
        %mul3A_416 = arith.mulf %get3A_263, %gather3A_415 : vector<16xf32>
        %swap3A = arith.index_cast %add3A_261 : i32 to index
        %swap3A_417 = arith.constant 0 : index
        %swap3A_418 = tpu.vector_load %arg8[%swap3A, %swap3A_417] {strides = array<i32>} : memref<256x64xf32, #tpu.memory_space<vmem>>, vector<16xf32>,
        tpu.vector_store %arg8[%swap3A, %swap3A_417], %mul3A_416 {strides = array<i32>} : memref<256x64xf32, #tpu.memory_space<vmem>>, vector<16xf32>,
        %mul3A_419 = arith.mulf %get3A_266, %gather3A_415 : vector<16xf32>
        %swap3A_420 = arith.index_cast %add3A_261 : i32 to index
        %swap3A_421 = arith.constant 16 : index
        %swap3A_422 = tpu.vector_load %arg8[%swap3A_420, %swap3A_421] {strides = array<i32>} : memref<256x64xf32, #tpu.memory_space<vmem>>, vector<16xf32>,
        tpu.vector_store %arg8[%swap3A_420, %swap3A_421], %mul3A_419 {strides = array<i32>} : memref<256x64xf32, #tpu.memory_space<vmem>>, vector<16xf32>,
        %mul3A_423 = arith.mulf %get3A_269, %gather3A_415 : vector<16xf32>
        %swap3A_424 = arith.index_cast %add3A_261 : i32 to index
        %swap3A_425 = arith.constant 32 : index
        %swap3A_426 = tpu.vector_load %arg8[%swap3A_424, %swap3A_425] {strides = array<i32>} : memref<256x64xf32, #tpu.memory_space<vmem>>, vector<16xf32>,
        tpu.vector_store %arg8[%swap3A_424, %swap3A_425], %mul3A_423 {strides = array<i32>} : memref<256x64xf32, #tpu.memory_space<vmem>>, vector<16xf32>,
        %mul3A_427 = arith.mulf %get3A_272, %gather3A_415 : vector<16xf32>
        %swap3A_428 = arith.index_cast %add3A_261 : i32 to index
        %swap3A_429 = arith.constant 48 : index
        %swap3A_430 = tpu.vector_load %arg8[%swap3A_428, %swap3A_429] {strides = array<i32>} : memref<256x64xf32, #tpu.memory_space<vmem>>, vector<16xf32>,
        tpu.vector_store %arg8[%swap3A_428, %swap3A_429], %mul3A_427 {strides = array<i32>} : memref<256x64xf32, #tpu.memory_space<vmem>>, vector<16xf32>,
        %broadcast_in_dim3A_431 = arith.constant 1 : i32
        %broadcast_in_dim3A_432 = vector.broadcast %broadcast_in_dim3A_431 : i32 to vector<16x1xi32>
        %gather3A_433 = vector.shape_cast %broadcast_in_dim3A_432 : vector<16x1xi32> to vector<16xi32>
        %gather3A_434 = tpu.dynamic_gather %mul3A_412[%gather3A_433] in [0] : vector<16xf32>, vector<16xi32> -> vector<16xf32>
        %mul3A_435 = arith.mulf %get3A_290, %gather3A_434 : vector<16xf32>
        %swap3A_436 = arith.index_cast %add3A_287 : i32 to index
        %swap3A_437 = arith.constant 0 : index
        %swap3A_438 = tpu.vector_load %arg8[%swap3A_436, %swap3A_437] {strides = array<i32>} : memref<256x64xf32, #tpu.memory_space<vmem>>, vector<16xf32>,
        tpu.vector_store %arg8[%swap3A_436, %swap3A_437], %mul3A_435 {strides = array<i32>} : memref<256x64xf32, #tpu.memory_space<vmem>>, vector<16xf32>,
        %mul3A_439 = arith.mulf %get3A_293, %gather3A_434 : vector<16xf32>
        %swap3A_440 = arith.index_cast %add3A_287 : i32 to index
        %swap3A_441 = arith.constant 16 : index
        %swap3A_442 = tpu.vector_load %arg8[%swap3A_440, %swap3A_441] {strides = array<i32>} : memref<256x64xf32, #tpu.memory_space<vmem>>, vector<16xf32>,
        tpu.vector_store %arg8[%swap3A_440, %swap3A_441], %mul3A_439 {strides = array<i32>} : memref<256x64xf32, #tpu.memory_space<vmem>>, vector<16xf32>,
        %mul3A_443 = arith.mulf %get3A_296, %gather3A_434 : vector<16xf32>
        %swap3A_444 = arith.index_cast %add3A_287 : i32 to index
        %swap3A_445 = arith.constant 32 : index
        %swap3A_446 = tpu.vector_load %arg8[%swap3A_444, %swap3A_445] {strides = array<i32>} : memref<256x64xf32, #tpu.memory_space<vmem>>, vector<16xf32>,
        tpu.vector_store %arg8[%swap3A_444, %swap3A_445], %mul3A_443 {strides = array<i32>} : memref<256x64xf32, #tpu.memory_space<vmem>>, vector<16xf32>,
        %mul3A_447 = arith.mulf %get3A_299, %gather3A_434 : vector<16xf32>
        %swap3A_448 = arith.index_cast %add3A_287 : i32 to index
        %swap3A_449 = arith.constant 48 : index
        %swap3A_450 = tpu.vector_load %arg8[%swap3A_448, %swap3A_449] {strides = array<i32>} : memref<256x64xf32, #tpu.memory_space<vmem>>, vector<16xf32>,
        tpu.vector_store %arg8[%swap3A_448, %swap3A_449], %mul3A_447 {strides = array<i32>} : memref<256x64xf32, #tpu.memory_space<vmem>>, vector<16xf32>,
        %broadcast_in_dim3A_451 = arith.constant 2 : i32
        %broadcast_in_dim3A_452 = vector.broadcast %broadcast_in_dim3A_451 : i32 to vector<16x1xi32>
        %gather3A_453 = vector.shape_cast %broadcast_in_dim3A_452 : vector<16x1xi32> to vector<16xi32>
        %gather3A_454 = tpu.dynamic_gather %mul3A_412[%gather3A_453] in [0] : vector<16xf32>, vector<16xi32> -> vector<16xf32>
        %mul3A_455 = arith.mulf %get3A_320, %gather3A_454 : vector<16xf32>
        %swap3A_456 = arith.index_cast %add3A_317 : i32 to index
        %swap3A_457 = arith.constant 0 : index
        %swap3A_458 = tpu.vector_load %arg8[%swap3A_456, %swap3A_457] {strides = array<i32>} : memref<256x64xf32, #tpu.memory_space<vmem>>, vector<16xf32>,
        tpu.vector_store %arg8[%swap3A_456, %swap3A_457], %mul3A_455 {strides = array<i32>} : memref<256x64xf32, #tpu.memory_space<vmem>>, vector<16xf32>,
        %mul3A_459 = arith.mulf %get3A_323, %gather3A_454 : vector<16xf32>
        %swap3A_460 = arith.index_cast %add3A_317 : i32 to index
        %swap3A_461 = arith.constant 16 : index
        %swap3A_462 = tpu.vector_load %arg8[%swap3A_460, %swap3A_461] {strides = array<i32>} : memref<256x64xf32, #tpu.memory_space<vmem>>, vector<16xf32>,
        tpu.vector_store %arg8[%swap3A_460, %swap3A_461], %mul3A_459 {strides = array<i32>} : memref<256x64xf32, #tpu.memory_space<vmem>>, vector<16xf32>,
        %mul3A_463 = arith.mulf %get3A_326, %gather3A_454 : vector<16xf32>
        %swap3A_464 = arith.index_cast %add3A_317 : i32 to index
        %swap3A_465 = arith.constant 32 : index
        %swap3A_466 = tpu.vector_load %arg8[%swap3A_464, %swap3A_465] {strides = array<i32>} : memref<256x64xf32, #tpu.memory_space<vmem>>, vector<16xf32>,
        tpu.vector_store %arg8[%swap3A_464, %swap3A_465], %mul3A_463 {strides = array<i32>} : memref<256x64xf32, #tpu.memory_space<vmem>>, vector<16xf32>,
        %mul3A_467 = arith.mulf %get3A_329, %gather3A_454 : vector<16xf32>
        %swap3A_468 = arith.index_cast %add3A_317 : i32 to index
        %swap3A_469 = arith.constant 48 : index
        %swap3A_470 = tpu.vector_load %arg8[%swap3A_468, %swap3A_469] {strides = array<i32>} : memref<256x64xf32, #tpu.memory_space<vmem>>, vector<16xf32>,
        tpu.vector_store %arg8[%swap3A_468, %swap3A_469], %mul3A_467 {strides = array<i32>} : memref<256x64xf32, #tpu.memory_space<vmem>>, vector<16xf32>,
        %broadcast_in_dim3A_471 = arith.constant 3 : i32
        %broadcast_in_dim3A_472 = vector.broadcast %broadcast_in_dim3A_471 : i32 to vector<16x1xi32>
        %gather3A_473 = vector.shape_cast %broadcast_in_dim3A_472 : vector<16x1xi32> to vector<16xi32>
        %gather3A_474 = tpu.dynamic_gather %mul3A_412[%gather3A_473] in [0] : vector<16xf32>, vector<16xi32> -> vector<16xf32>
        %mul3A_475 = arith.mulf %get3A_350, %gather3A_474 : vector<16xf32>
        %swap3A_476 = arith.index_cast %add3A_347 : i32 to index
        %swap3A_477 = arith.constant 0 : index
        %swap3A_478 = tpu.vector_load %arg8[%swap3A_476, %swap3A_477] {strides = array<i32>} : memref<256x64xf32, #tpu.memory_space<vmem>>, vector<16xf32>,
        tpu.vector_store %arg8[%swap3A_476, %swap3A_477], %mul3A_475 {strides = array<i32>} : memref<256x64xf32, #tpu.memory_space<vmem>>, vector<16xf32>,
        %mul3A_479 = arith.mulf %get3A_353, %gather3A_474 : vector<16xf32>
        %swap3A_480 = arith.index_cast %add3A_347 : i32 to index
        %swap3A_481 = arith.constant 16 : index
        %swap3A_482 = tpu.vector_load %arg8[%swap3A_480, %swap3A_481] {strides = array<i32>} : memref<256x64xf32, #tpu.memory_space<vmem>>, vector<16xf32>,
        tpu.vector_store %arg8[%swap3A_480, %swap3A_481], %mul3A_479 {strides = array<i32>} : memref<256x64xf32, #tpu.memory_space<vmem>>, vector<16xf32>,
        %mul3A_483 = arith.mulf %get3A_356, %gather3A_474 : vector<16xf32>
        %swap3A_484 = arith.index_cast %add3A_347 : i32 to index
        %swap3A_485 = arith.constant 32 : index
        %swap3A_486 = tpu.vector_load %arg8[%swap3A_484, %swap3A_485] {strides = array<i32>} : memref<256x64xf32, #tpu.memory_space<vmem>>, vector<16xf32>,
        tpu.vector_store %arg8[%swap3A_484, %swap3A_485], %mul3A_483 {strides = array<i32>} : memref<256x64xf32, #tpu.memory_space<vmem>>, vector<16xf32>,
        %mul3A_487 = arith.mulf %get3A_359, %gather3A_474 : vector<16xf32>
        %swap3A_488 = arith.index_cast %add3A_347 : i32 to index
        %swap3A_489 = arith.constant 48 : index
        %swap3A_490 = tpu.vector_load %arg8[%swap3A_488, %swap3A_489] {strides = array<i32>} : memref<256x64xf32, #tpu.memory_space<vmem>>, vector<16xf32>,
        tpu.vector_store %arg8[%swap3A_488, %swap3A_489], %mul3A_487 {strides = array<i32>} : memref<256x64xf32, #tpu.memory_space<vmem>>, vector<16xf32>,
        %add3A_491 = arith.constant 4 : i32
        %add3A_492 = arith.addi %mul3A_256, %add3A_491 : i32
        %broadcast_in_dim3A_493 = arith.constant 1.000000e+00 : f32
        %broadcast_in_dim3A_494 = vector.broadcast %broadcast_in_dim3A_493 : f32 to vector<16xf32>
        %add3A_495 = arith.constant 0 : i32
        %add3A_496 = arith.addi %add3A_492, %add3A_495 : i32
        %get3A_497 = arith.index_cast %add3A_496 : i32 to index
        %get3A_498 = arith.constant 0 : index
        %get3A_499 = tpu.vector_load %arg8[%get3A_497, %get3A_498] {strides = array<i32>} : memref<256x64xf32, #tpu.memory_space<vmem>>, vector<16xf32>,
        %get3A_500 = arith.index_cast %add3A_496 : i32 to index
        %get3A_501 = arith.constant 16 : index
        %get3A_502 = tpu.vector_load %arg8[%get3A_500, %get3A_501] {strides = array<i32>} : memref<256x64xf32, #tpu.memory_space<vmem>>, vector<16xf32>,
        %get3A_503 = arith.index_cast %add3A_496 : i32 to index
        %get3A_504 = arith.constant 32 : index
        %get3A_505 = tpu.vector_load %arg8[%get3A_503, %get3A_504] {strides = array<i32>} : memref<256x64xf32, #tpu.memory_space<vmem>>, vector<16xf32>,
        %get3A_506 = arith.index_cast %add3A_496 : i32 to index
        %get3A_507 = arith.constant 48 : index
        %get3A_508 = tpu.vector_load %arg8[%get3A_506, %get3A_507] {strides = array<i32>} : memref<256x64xf32, #tpu.memory_space<vmem>>, vector<16xf32>,
        %mul3A_509 = arith.mulf %get3A_499, %get3A_499 : vector<16xf32>
        %mul3A_510 = arith.mulf %get3A_502, %get3A_502 : vector<16xf32>
        %add3A_511 = arith.addf %mul3A_509, %mul3A_510 : vector<16xf32>
        %mul3A_512 = arith.mulf %get3A_505, %get3A_505 : vector<16xf32>
        %mul3A_513 = arith.mulf %get3A_508, %get3A_508 : vector<16xf32>
        %add3A_514 = arith.addf %mul3A_512, %mul3A_513 : vector<16xf32>
        %add3A_515 = arith.addf %add3A_511, %add3A_514 : vector<16xf32>
        %reduce_sum3A_516 = arith.constant true
        %reduce_sum3A_517 = vector.broadcast %reduce_sum3A_516 : i1 to vector<16xi1>
        %reduce_sum3A_518 = tpu.scan <sum>, %add3A_515 masked %reduce_sum3A_517 : vector<16xf32>, vector<16xi1> -> vector<16xf32>
        %reduce_sum3A_519 = vector.extract %reduce_sum3A_518[15] : f32 from vector<16xf32>
        %eq3A_520 = arith.constant 0 : i32
        %eq3A_521 = vector.broadcast %eq3A_520 : i32 to vector<16xi32>
        %eq3A_522 = arith.cmpi eq, %iota3A_188, %eq3A_521 : vector<16xi32>
        %broadcast_in_dim3A_523 = vector.broadcast %reduce_sum3A_519 : f32 to vector<16xf32>
        %select_n3A_524 = arith.select %eq3A_522, %broadcast_in_dim3A_523, %broadcast_in_dim3A_494 : vector<16xi1>, vector<16xf32>
        %add3A_525 = arith.constant 1 : i32
        %add3A_526 = arith.addi %add3A_492, %add3A_525 : i32
        %get3A_527 = arith.index_cast %add3A_526 : i32 to index
        %get3A_528 = arith.constant 0 : index
        %get3A_529 = tpu.vector_load %arg8[%get3A_527, %get3A_528] {strides = array<i32>} : memref<256x64xf32, #tpu.memory_space<vmem>>, vector<16xf32>,
        %get3A_530 = arith.index_cast %add3A_526 : i32 to index
        %get3A_531 = arith.constant 16 : index
        %get3A_532 = tpu.vector_load %arg8[%get3A_530, %get3A_531] {strides = array<i32>} : memref<256x64xf32, #tpu.memory_space<vmem>>, vector<16xf32>,
        %get3A_533 = arith.index_cast %add3A_526 : i32 to index
        %get3A_534 = arith.constant 32 : index
        %get3A_535 = tpu.vector_load %arg8[%get3A_533, %get3A_534] {strides = array<i32>} : memref<256x64xf32, #tpu.memory_space<vmem>>, vector<16xf32>,
        %get3A_536 = arith.index_cast %add3A_526 : i32 to index
        %get3A_537 = arith.constant 48 : index
        %get3A_538 = tpu.vector_load %arg8[%get3A_536, %get3A_537] {strides = array<i32>} : memref<256x64xf32, #tpu.memory_space<vmem>>, vector<16xf32>,
        %mul3A_539 = arith.mulf %get3A_529, %get3A_529 : vector<16xf32>
        %mul3A_540 = arith.mulf %get3A_532, %get3A_532 : vector<16xf32>
        %add3A_541 = arith.addf %mul3A_539, %mul3A_540 : vector<16xf32>
        %mul3A_542 = arith.mulf %get3A_535, %get3A_535 : vector<16xf32>
        %mul3A_543 = arith.mulf %get3A_538, %get3A_538 : vector<16xf32>
        %add3A_544 = arith.addf %mul3A_542, %mul3A_543 : vector<16xf32>
        %add3A_545 = arith.addf %add3A_541, %add3A_544 : vector<16xf32>
        %reduce_sum3A_546 = arith.constant true
        %reduce_sum3A_547 = vector.broadcast %reduce_sum3A_546 : i1 to vector<16xi1>
        %reduce_sum3A_548 = tpu.scan <sum>, %add3A_545 masked %reduce_sum3A_547 : vector<16xf32>, vector<16xi1> -> vector<16xf32>
        %reduce_sum3A_549 = vector.extract %reduce_sum3A_548[15] : f32 from vector<16xf32>
        %eq3A_550 = arith.constant 1 : i32
        %eq3A_551 = vector.broadcast %eq3A_550 : i32 to vector<16xi32>
        %eq3A_552 = arith.cmpi eq, %iota3A_188, %eq3A_551 : vector<16xi32>
        %broadcast_in_dim3A_553 = vector.broadcast %reduce_sum3A_549 : f32 to vector<16xf32>
        %select_n3A_554 = arith.select %eq3A_552, %broadcast_in_dim3A_553, %select_n3A_524 : vector<16xi1>, vector<16xf32>
        %add3A_555 = arith.constant 2 : i32
        %add3A_556 = arith.addi %add3A_492, %add3A_555 : i32
        %get3A_557 = arith.index_cast %add3A_556 : i32 to index
        %get3A_558 = arith.constant 0 : index
        %get3A_559 = tpu.vector_load %arg8[%get3A_557, %get3A_558] {strides = array<i32>} : memref<256x64xf32, #tpu.memory_space<vmem>>, vector<16xf32>,
        %get3A_560 = arith.index_cast %add3A_556 : i32 to index
        %get3A_561 = arith.constant 16 : index
        %get3A_562 = tpu.vector_load %arg8[%get3A_560, %get3A_561] {strides = array<i32>} : memref<256x64xf32, #tpu.memory_space<vmem>>, vector<16xf32>,
        %get3A_563 = arith.index_cast %add3A_556 : i32 to index
        %get3A_564 = arith.constant 32 : index
        %get3A_565 = tpu.vector_load %arg8[%get3A_563, %get3A_564] {strides = array<i32>} : memref<256x64xf32, #tpu.memory_space<vmem>>, vector<16xf32>,
        %get3A_566 = arith.index_cast %add3A_556 : i32 to index
        %get3A_567 = arith.constant 48 : index
        %get3A_568 = tpu.vector_load %arg8[%get3A_566, %get3A_567] {strides = array<i32>} : memref<256x64xf32, #tpu.memory_space<vmem>>, vector<16xf32>,
        %mul3A_569 = arith.mulf %get3A_559, %get3A_559 : vector<16xf32>
        %mul3A_570 = arith.mulf %get3A_562, %get3A_562 : vector<16xf32>
        %add3A_571 = arith.addf %mul3A_569, %mul3A_570 : vector<16xf32>
        %mul3A_572 = arith.mulf %get3A_565, %get3A_565 : vector<16xf32>
        %mul3A_573 = arith.mulf %get3A_568, %get3A_568 : vector<16xf32>
        %add3A_574 = arith.addf %mul3A_572, %mul3A_573 : vector<16xf32>
        %add3A_575 = arith.addf %add3A_571, %add3A_574 : vector<16xf32>
        %reduce_sum3A_576 = arith.constant true
        %reduce_sum3A_577 = vector.broadcast %reduce_sum3A_576 : i1 to vector<16xi1>
        %reduce_sum3A_578 = tpu.scan <sum>, %add3A_575 masked %reduce_sum3A_577 : vector<16xf32>, vector<16xi1> -> vector<16xf32>
        %reduce_sum3A_579 = vector.extract %reduce_sum3A_578[15] : f32 from vector<16xf32>
        %eq3A_580 = arith.constant 2 : i32
        %eq3A_581 = vector.broadcast %eq3A_580 : i32 to vector<16xi32>
        %eq3A_582 = arith.cmpi eq, %iota3A_188, %eq3A_581 : vector<16xi32>
        %broadcast_in_dim3A_583 = vector.broadcast %reduce_sum3A_579 : f32 to vector<16xf32>
        %select_n3A_584 = arith.select %eq3A_582, %broadcast_in_dim3A_583, %select_n3A_554 : vector<16xi1>, vector<16xf32>
        %add3A_585 = arith.constant 3 : i32
        %add3A_586 = arith.addi %add3A_492, %add3A_585 : i32
        %get3A_587 = arith.index_cast %add3A_586 : i32 to index
        %get3A_588 = arith.constant 0 : index
        %get3A_589 = tpu.vector_load %arg8[%get3A_587, %get3A_588] {strides = array<i32>} : memref<256x64xf32, #tpu.memory_space<vmem>>, vector<16xf32>,
        %get3A_590 = arith.index_cast %add3A_586 : i32 to index
        %get3A_591 = arith.constant 16 : index
        %get3A_592 = tpu.vector_load %arg8[%get3A_590, %get3A_591] {strides = array<i32>} : memref<256x64xf32, #tpu.memory_space<vmem>>, vector<16xf32>,
        %get3A_593 = arith.index_cast %add3A_586 : i32 to index
        %get3A_594 = arith.constant 32 : index
        %get3A_595 = tpu.vector_load %arg8[%get3A_593, %get3A_594] {strides = array<i32>} : memref<256x64xf32, #tpu.memory_space<vmem>>, vector<16xf32>,
        %get3A_596 = arith.index_cast %add3A_586 : i32 to index
        %get3A_597 = arith.constant 48 : index
        %get3A_598 = tpu.vector_load %arg8[%get3A_596, %get3A_597] {strides = array<i32>} : memref<256x64xf32, #tpu.memory_space<vmem>>, vector<16xf32>,
        %mul3A_599 = arith.mulf %get3A_589, %get3A_589 : vector<16xf32>
        %mul3A_600 = arith.mulf %get3A_592, %get3A_592 : vector<16xf32>
        %add3A_601 = arith.addf %mul3A_599, %mul3A_600 : vector<16xf32>
        %mul3A_602 = arith.mulf %get3A_595, %get3A_595 : vector<16xf32>
        %mul3A_603 = arith.mulf %get3A_598, %get3A_598 : vector<16xf32>
        %add3A_604 = arith.addf %mul3A_602, %mul3A_603 : vector<16xf32>
        %add3A_605 = arith.addf %add3A_601, %add3A_604 : vector<16xf32>
        %reduce_sum3A_606 = arith.constant true
        %reduce_sum3A_607 = vector.broadcast %reduce_sum3A_606 : i1 to vector<16xi1>
        %reduce_sum3A_608 = tpu.scan <sum>, %add3A_605 masked %reduce_sum3A_607 : vector<16xf32>, vector<16xi1> -> vector<16xf32>
        %reduce_sum3A_609 = vector.extract %reduce_sum3A_608[15] : f32 from vector<16xf32>
        %eq3A_610 = arith.constant 3 : i32
        %eq3A_611 = vector.broadcast %eq3A_610 : i32 to vector<16xi32>
        %eq3A_612 = arith.cmpi eq, %iota3A_188, %eq3A_611 : vector<16xi32>
        %broadcast_in_dim3A_613 = vector.broadcast %reduce_sum3A_609 : f32 to vector<16xf32>
        %select_n3A_614 = arith.select %eq3A_612, %broadcast_in_dim3A_613, %select_n3A_584 : vector<16xi1>, vector<16xf32>
        %max3A_615 = arith.constant 1.000000e-24 : f32
        %max3A_616 = vector.broadcast %max3A_615 : f32 to vector<16xf32>
        %max3A_617 = arith.maximumf %select_n3A_614, %max3A_616 : vector<16xf32>
        %bitcast3A_618 = vector.bitcast %max3A_617 : vector<16xf32> to vector<16xi32>
        %broadcast_in_dim3A_619 = arith.constant 1597463007 : i32
        %broadcast_in_dim3A_620 = vector.broadcast %broadcast_in_dim3A_619 : i32 to vector<16xi32>
        %shift_right_arithmetic3A_621 = arith.constant 1 : i32
        %shift_right_arithmetic3A_622 = vector.broadcast %shift_right_arithmetic3A_621 : i32 to vector<16xi32>
        %shift_right_arithmetic3A_623 = arith.shrsi %bitcast3A_618, %shift_right_arithmetic3A_622 : vector<16xi32>
        %sub3A_624 = arith.subi %broadcast_in_dim3A_620, %shift_right_arithmetic3A_623 : vector<16xi32>
        %bitcast3A_625 = vector.bitcast %sub3A_624 : vector<16xi32> to vector<16xf32>
        %mul3A_626 = arith.constant 5.000000e-01 : f32
        %mul3A_627 = vector.broadcast %mul3A_626 : f32 to vector<16xf32>
        %mul3A_628 = arith.mulf %mul3A_627, %max3A_617 : vector<16xf32>
        %mul3A_629 = arith.mulf %mul3A_628, %bitcast3A_625 : vector<16xf32>
        %mul3A_630 = arith.mulf %mul3A_629, %bitcast3A_625 : vector<16xf32>
        %sub3A_631 = arith.constant 1.500000e+00 : f32
        %sub3A_632 = vector.broadcast %sub3A_631 : f32 to vector<16xf32>
        %sub3A_633 = arith.subf %sub3A_632, %mul3A_630 : vector<16xf32>
        %mul3A_634 = arith.mulf %bitcast3A_625, %sub3A_633 : vector<16xf32>
        %mul3A_635 = arith.constant 5.000000e-01 : f32
        %mul3A_636 = vector.broadcast %mul3A_635 : f32 to vector<16xf32>
        %mul3A_637 = arith.mulf %mul3A_636, %max3A_617 : vector<16xf32>
        %mul3A_638 = arith.mulf %mul3A_637, %mul3A_634 : vector<16xf32>
        %mul3A_639 = arith.mulf %mul3A_638, %mul3A_634 : vector<16xf32>
        %sub3A_640 = arith.constant 1.500000e+00 : f32
        %sub3A_641 = vector.broadcast %sub3A_640 : f32 to vector<16xf32>
        %sub3A_642 = arith.subf %sub3A_641, %mul3A_639 : vector<16xf32>
        %mul3A_643 = arith.mulf %mul3A_634, %sub3A_642 : vector<16xf32>
        %mul3A_644 = arith.constant 5.000000e-01 : f32
        %mul3A_645 = vector.broadcast %mul3A_644 : f32 to vector<16xf32>
        %mul3A_646 = arith.mulf %mul3A_645, %max3A_617 : vector<16xf32>
        %mul3A_647 = arith.mulf %mul3A_646, %mul3A_643 : vector<16xf32>
        %mul3A_648 = arith.mulf %mul3A_647, %mul3A_643 : vector<16xf32>
        %sub3A_649 = arith.constant 1.500000e+00 : f32
        %sub3A_650 = vector.broadcast %sub3A_649 : f32 to vector<16xf32>
        %sub3A_651 = arith.subf %sub3A_650, %mul3A_648 : vector<16xf32>
        %mul3A_652 = arith.mulf %mul3A_643, %sub3A_651 : vector<16xf32>
        %mul3A_653 = arith.constant 8.000000e+00 : f32
        %mul3A_654 = vector.broadcast %mul3A_653 : f32 to vector<16xf32>
        %mul3A_655 = arith.mulf %mul3A_652, %mul3A_654 : vector<16xf32>
        %broadcast_in_dim3A_656 = arith.constant 0 : i32
        %broadcast_in_dim3A_657 = vector.broadcast %broadcast_in_dim3A_656 : i32 to vector<16x1xi32>
        %gather3A_658 = vector.shape_cast %broadcast_in_dim3A_657 : vector<16x1xi32> to vector<16xi32>
        %gather3A_659 = tpu.dynamic_gather %mul3A_655[%gather3A_658] in [0] : vector<16xf32>, vector<16xi32> -> vector<16xf32>
        %mul3A_660 = arith.mulf %get3A_499, %gather3A_659 : vector<16xf32>
        %swap3A_661 = arith.index_cast %add3A_496 : i32 to index
        %swap3A_662 = arith.constant 0 : index
        %swap3A_663 = tpu.vector_load %arg8[%swap3A_661, %swap3A_662] {strides = array<i32>} : memref<256x64xf32, #tpu.memory_space<vmem>>, vector<16xf32>,
        tpu.vector_store %arg8[%swap3A_661, %swap3A_662], %mul3A_660 {strides = array<i32>} : memref<256x64xf32, #tpu.memory_space<vmem>>, vector<16xf32>,
        %mul3A_664 = arith.mulf %get3A_502, %gather3A_659 : vector<16xf32>
        %swap3A_665 = arith.index_cast %add3A_496 : i32 to index
        %swap3A_666 = arith.constant 16 : index
        %swap3A_667 = tpu.vector_load %arg8[%swap3A_665, %swap3A_666] {strides = array<i32>} : memref<256x64xf32, #tpu.memory_space<vmem>>, vector<16xf32>,
        tpu.vector_store %arg8[%swap3A_665, %swap3A_666], %mul3A_664 {strides = array<i32>} : memref<256x64xf32, #tpu.memory_space<vmem>>, vector<16xf32>,
        %mul3A_668 = arith.mulf %get3A_505, %gather3A_659 : vector<16xf32>
        %swap3A_669 = arith.index_cast %add3A_496 : i32 to index
        %swap3A_670 = arith.constant 32 : index
        %swap3A_671 = tpu.vector_load %arg8[%swap3A_669, %swap3A_670] {strides = array<i32>} : memref<256x64xf32, #tpu.memory_space<vmem>>, vector<16xf32>,
        tpu.vector_store %arg8[%swap3A_669, %swap3A_670], %mul3A_668 {strides = array<i32>} : memref<256x64xf32, #tpu.memory_space<vmem>>, vector<16xf32>,
        %mul3A_672 = arith.mulf %get3A_508, %gather3A_659 : vector<16xf32>
        %swap3A_673 = arith.index_cast %add3A_496 : i32 to index
        %swap3A_674 = arith.constant 48 : index
        %swap3A_675 = tpu.vector_load %arg8[%swap3A_673, %swap3A_674] {strides = array<i32>} : memref<256x64xf32, #tpu.memory_space<vmem>>, vector<16xf32>,
        tpu.vector_store %arg8[%swap3A_673, %swap3A_674], %mul3A_672 {strides = array<i32>} : memref<256x64xf32, #tpu.memory_space<vmem>>, vector<16xf32>,
        %broadcast_in_dim3A_676 = arith.constant 1 : i32
        %broadcast_in_dim3A_677 = vector.broadcast %broadcast_in_dim3A_676 : i32 to vector<16x1xi32>
        %gather3A_678 = vector.shape_cast %broadcast_in_dim3A_677 : vector<16x1xi32> to vector<16xi32>
        %gather3A_679 = tpu.dynamic_gather %mul3A_655[%gather3A_678] in [0] : vector<16xf32>, vector<16xi32> -> vector<16xf32>
        %mul3A_680 = arith.mulf %get3A_529, %gather3A_679 : vector<16xf32>
        %swap3A_681 = arith.index_cast %add3A_526 : i32 to index
        %swap3A_682 = arith.constant 0 : index
        %swap3A_683 = tpu.vector_load %arg8[%swap3A_681, %swap3A_682] {strides = array<i32>} : memref<256x64xf32, #tpu.memory_space<vmem>>, vector<16xf32>,
        tpu.vector_store %arg8[%swap3A_681, %swap3A_682], %mul3A_680 {strides = array<i32>} : memref<256x64xf32, #tpu.memory_space<vmem>>, vector<16xf32>,
        %mul3A_684 = arith.mulf %get3A_532, %gather3A_679 : vector<16xf32>
        %swap3A_685 = arith.index_cast %add3A_526 : i32 to index
        %swap3A_686 = arith.constant 16 : index
        %swap3A_687 = tpu.vector_load %arg8[%swap3A_685, %swap3A_686] {strides = array<i32>} : memref<256x64xf32, #tpu.memory_space<vmem>>, vector<16xf32>,
        tpu.vector_store %arg8[%swap3A_685, %swap3A_686], %mul3A_684 {strides = array<i32>} : memref<256x64xf32, #tpu.memory_space<vmem>>, vector<16xf32>,
        %mul3A_688 = arith.mulf %get3A_535, %gather3A_679 : vector<16xf32>
        %swap3A_689 = arith.index_cast %add3A_526 : i32 to index
        %swap3A_690 = arith.constant 32 : index
        %swap3A_691 = tpu.vector_load %arg8[%swap3A_689, %swap3A_690] {strides = array<i32>} : memref<256x64xf32, #tpu.memory_space<vmem>>, vector<16xf32>,
        tpu.vector_store %arg8[%swap3A_689, %swap3A_690], %mul3A_688 {strides = array<i32>} : memref<256x64xf32, #tpu.memory_space<vmem>>, vector<16xf32>,
        %mul3A_692 = arith.mulf %get3A_538, %gather3A_679 : vector<16xf32>
        %swap3A_693 = arith.index_cast %add3A_526 : i32 to index
        %swap3A_694 = arith.constant 48 : index
        %swap3A_695 = tpu.vector_load %arg8[%swap3A_693, %swap3A_694] {strides = array<i32>} : memref<256x64xf32, #tpu.memory_space<vmem>>, vector<16xf32>,
        tpu.vector_store %arg8[%swap3A_693, %swap3A_694], %mul3A_692 {strides = array<i32>} : memref<256x64xf32, #tpu.memory_space<vmem>>, vector<16xf32>,
        %broadcast_in_dim3A_696 = arith.constant 2 : i32
        %broadcast_in_dim3A_697 = vector.broadcast %broadcast_in_dim3A_696 : i32 to vector<16x1xi32>
        %gather3A_698 = vector.shape_cast %broadcast_in_dim3A_697 : vector<16x1xi32> to vector<16xi32>
        %gather3A_699 = tpu.dynamic_gather %mul3A_655[%gather3A_698] in [0] : vector<16xf32>, vector<16xi32> -> vector<16xf32>
        %mul3A_700 = arith.mulf %get3A_559, %gather3A_699 : vector<16xf32>
        %swap3A_701 = arith.index_cast %add3A_556 : i32 to index
        %swap3A_702 = arith.constant 0 : index
        %swap3A_703 = tpu.vector_load %arg8[%swap3A_701, %swap3A_702] {strides = array<i32>} : memref<256x64xf32, #tpu.memory_space<vmem>>, vector<16xf32>,
        tpu.vector_store %arg8[%swap3A_701, %swap3A_702], %mul3A_700 {strides = array<i32>} : memref<256x64xf32, #tpu.memory_space<vmem>>, vector<16xf32>,
        %mul3A_704 = arith.mulf %get3A_562, %gather3A_699 : vector<16xf32>
        %swap3A_705 = arith.index_cast %add3A_556 : i32 to index
        %swap3A_706 = arith.constant 16 : index
        %swap3A_707 = tpu.vector_load %arg8[%swap3A_705, %swap3A_706] {strides = array<i32>} : memref<256x64xf32, #tpu.memory_space<vmem>>, vector<16xf32>,
        tpu.vector_store %arg8[%swap3A_705, %swap3A_706], %mul3A_704 {strides = array<i32>} : memref<256x64xf32, #tpu.memory_space<vmem>>, vector<16xf32>,
        %mul3A_708 = arith.mulf %get3A_565, %gather3A_699 : vector<16xf32>
        %swap3A_709 = arith.index_cast %add3A_556 : i32 to index
        %swap3A_710 = arith.constant 32 : index
        %swap3A_711 = tpu.vector_load %arg8[%swap3A_709, %swap3A_710] {strides = array<i32>} : memref<256x64xf32, #tpu.memory_space<vmem>>, vector<16xf32>,
        tpu.vector_store %arg8[%swap3A_709, %swap3A_710], %mul3A_708 {strides = array<i32>} : memref<256x64xf32, #tpu.memory_space<vmem>>, vector<16xf32>,
        %mul3A_712 = arith.mulf %get3A_568, %gather3A_699 : vector<16xf32>
        %swap3A_713 = arith.index_cast %add3A_556 : i32 to index
        %swap3A_714 = arith.constant 48 : index
        %swap3A_715 = tpu.vector_load %arg8[%swap3A_713, %swap3A_714] {strides = array<i32>} : memref<256x64xf32, #tpu.memory_space<vmem>>, vector<16xf32>,
        tpu.vector_store %arg8[%swap3A_713, %swap3A_714], %mul3A_712 {strides = array<i32>} : memref<256x64xf32, #tpu.memory_space<vmem>>, vector<16xf32>,
        %broadcast_in_dim3A_716 = arith.constant 3 : i32
        %broadcast_in_dim3A_717 = vector.broadcast %broadcast_in_dim3A_716 : i32 to vector<16x1xi32>
        %gather3A_718 = vector.shape_cast %broadcast_in_dim3A_717 : vector<16x1xi32> to vector<16xi32>
        %gather3A_719 = tpu.dynamic_gather %mul3A_655[%gather3A_718] in [0] : vector<16xf32>, vector<16xi32> -> vector<16xf32>
        %mul3A_720 = arith.mulf %get3A_589, %gather3A_719 : vector<16xf32>
        %swap3A_721 = arith.index_cast %add3A_586 : i32 to index
        %swap3A_722 = arith.constant 0 : index
        %swap3A_723 = tpu.vector_load %arg8[%swap3A_721, %swap3A_722] {strides = array<i32>} : memref<256x64xf32, #tpu.memory_space<vmem>>, vector<16xf32>,
        tpu.vector_store %arg8[%swap3A_721, %swap3A_722], %mul3A_720 {strides = array<i32>} : memref<256x64xf32, #tpu.memory_space<vmem>>, vector<16xf32>,
        %mul3A_724 = arith.mulf %get3A_592, %gather3A_719 : vector<16xf32>
        %swap3A_725 = arith.index_cast %add3A_586 : i32 to index
        %swap3A_726 = arith.constant 16 : index
        %swap3A_727 = tpu.vector_load %arg8[%swap3A_725, %swap3A_726] {strides = array<i32>} : memref<256x64xf32, #tpu.memory_space<vmem>>, vector<16xf32>,
        tpu.vector_store %arg8[%swap3A_725, %swap3A_726], %mul3A_724 {strides = array<i32>} : memref<256x64xf32, #tpu.memory_space<vmem>>, vector<16xf32>,
        %mul3A_728 = arith.mulf %get3A_595, %gather3A_719 : vector<16xf32>
        %swap3A_729 = arith.index_cast %add3A_586 : i32 to index
        %swap3A_730 = arith.constant 32 : index
        %swap3A_731 = tpu.vector_load %arg8[%swap3A_729, %swap3A_730] {strides = array<i32>} : memref<256x64xf32, #tpu.memory_space<vmem>>, vector<16xf32>,
        tpu.vector_store %arg8[%swap3A_729, %swap3A_730], %mul3A_728 {strides = array<i32>} : memref<256x64xf32, #tpu.memory_space<vmem>>, vector<16xf32>,
        %mul3A_732 = arith.mulf %get3A_598, %gather3A_719 : vector<16xf32>
        %swap3A_733 = arith.index_cast %add3A_586 : i32 to index
        %swap3A_734 = arith.constant 48 : index
        %swap3A_735 = tpu.vector_load %arg8[%swap3A_733, %swap3A_734] {strides = array<i32>} : memref<256x64xf32, #tpu.memory_space<vmem>>, vector<16xf32>,
        tpu.vector_store %arg8[%swap3A_733, %swap3A_734], %mul3A_732 {strides = array<i32>} : memref<256x64xf32, #tpu.memory_space<vmem>>, vector<16xf32>,
        %add3A_736 = arith.constant 8 : i32
        %add3A_737 = arith.addi %mul3A_256, %add3A_736 : i32
        %broadcast_in_dim3A_738 = arith.constant 1.000000e+00 : f32
        %broadcast_in_dim3A_739 = vector.broadcast %broadcast_in_dim3A_738 : f32 to vector<16xf32>
        %add3A_740 = arith.constant 0 : i32
        %add3A_741 = arith.addi %add3A_737, %add3A_740 : i32
        %get3A_742 = arith.index_cast %add3A_741 : i32 to index
        %get3A_743 = arith.constant 0 : index
        %get3A_744 = tpu.vector_load %arg8[%get3A_742, %get3A_743] {strides = array<i32>} : memref<256x64xf32, #tpu.memory_space<vmem>>, vector<16xf32>,
        %get3A_745 = arith.index_cast %add3A_741 : i32 to index
        %get3A_746 = arith.constant 16 : index
        %get3A_747 = tpu.vector_load %arg8[%get3A_745, %get3A_746] {strides = array<i32>} : memref<256x64xf32, #tpu.memory_space<vmem>>, vector<16xf32>,
        %get3A_748 = arith.index_cast %add3A_741 : i32 to index
        %get3A_749 = arith.constant 32 : index
        %get3A_750 = tpu.vector_load %arg8[%get3A_748, %get3A_749] {strides = array<i32>} : memref<256x64xf32, #tpu.memory_space<vmem>>, vector<16xf32>,
        %get3A_751 = arith.index_cast %add3A_741 : i32 to index
        %get3A_752 = arith.constant 48 : index
        %get3A_753 = tpu.vector_load %arg8[%get3A_751, %get3A_752] {strides = array<i32>} : memref<256x64xf32, #tpu.memory_space<vmem>>, vector<16xf32>,
        %mul3A_754 = arith.mulf %get3A_744, %get3A_744 : vector<16xf32>
        %mul3A_755 = arith.mulf %get3A_747, %get3A_747 : vector<16xf32>
        %add3A_756 = arith.addf %mul3A_754, %mul3A_755 : vector<16xf32>
        %mul3A_757 = arith.mulf %get3A_750, %get3A_750 : vector<16xf32>
        %mul3A_758 = arith.mulf %get3A_753, %get3A_753 : vector<16xf32>
        %add3A_759 = arith.addf %mul3A_757, %mul3A_758 : vector<16xf32>
        %add3A_760 = arith.addf %add3A_756, %add3A_759 : vector<16xf32>
        %reduce_sum3A_761 = arith.constant true
        %reduce_sum3A_762 = vector.broadcast %reduce_sum3A_761 : i1 to vector<16xi1>
        %reduce_sum3A_763 = tpu.scan <sum>, %add3A_760 masked %reduce_sum3A_762 : vector<16xf32>, vector<16xi1> -> vector<16xf32>
        %reduce_sum3A_764 = vector.extract %reduce_sum3A_763[15] : f32 from vector<16xf32>
        %eq3A_765 = arith.constant 0 : i32
        %eq3A_766 = vector.broadcast %eq3A_765 : i32 to vector<16xi32>
        %eq3A_767 = arith.cmpi eq, %iota3A_188, %eq3A_766 : vector<16xi32>
        %broadcast_in_dim3A_768 = vector.broadcast %reduce_sum3A_764 : f32 to vector<16xf32>
        %select_n3A_769 = arith.select %eq3A_767, %broadcast_in_dim3A_768, %broadcast_in_dim3A_739 : vector<16xi1>, vector<16xf32>
        %add3A_770 = arith.constant 1 : i32
        %add3A_771 = arith.addi %add3A_737, %add3A_770 : i32
        %get3A_772 = arith.index_cast %add3A_771 : i32 to index
        %get3A_773 = arith.constant 0 : index
        %get3A_774 = tpu.vector_load %arg8[%get3A_772, %get3A_773] {strides = array<i32>} : memref<256x64xf32, #tpu.memory_space<vmem>>, vector<16xf32>,
        %get3A_775 = arith.index_cast %add3A_771 : i32 to index
        %get3A_776 = arith.constant 16 : index
        %get3A_777 = tpu.vector_load %arg8[%get3A_775, %get3A_776] {strides = array<i32>} : memref<256x64xf32, #tpu.memory_space<vmem>>, vector<16xf32>,
        %get3A_778 = arith.index_cast %add3A_771 : i32 to index
        %get3A_779 = arith.constant 32 : index
        %get3A_780 = tpu.vector_load %arg8[%get3A_778, %get3A_779] {strides = array<i32>} : memref<256x64xf32, #tpu.memory_space<vmem>>, vector<16xf32>,
        %get3A_781 = arith.index_cast %add3A_771 : i32 to index
        %get3A_782 = arith.constant 48 : index
        %get3A_783 = tpu.vector_load %arg8[%get3A_781, %get3A_782] {strides = array<i32>} : memref<256x64xf32, #tpu.memory_space<vmem>>, vector<16xf32>,
        %mul3A_784 = arith.mulf %get3A_774, %get3A_774 : vector<16xf32>
        %mul3A_785 = arith.mulf %get3A_777, %get3A_777 : vector<16xf32>
        %add3A_786 = arith.addf %mul3A_784, %mul3A_785 : vector<16xf32>
        %mul3A_787 = arith.mulf %get3A_780, %get3A_780 : vector<16xf32>
        %mul3A_788 = arith.mulf %get3A_783, %get3A_783 : vector<16xf32>
        %add3A_789 = arith.addf %mul3A_787, %mul3A_788 : vector<16xf32>
        %add3A_790 = arith.addf %add3A_786, %add3A_789 : vector<16xf32>
        %reduce_sum3A_791 = arith.constant true
        %reduce_sum3A_792 = vector.broadcast %reduce_sum3A_791 : i1 to vector<16xi1>
        %reduce_sum3A_793 = tpu.scan <sum>, %add3A_790 masked %reduce_sum3A_792 : vector<16xf32>, vector<16xi1> -> vector<16xf32>
        %reduce_sum3A_794 = vector.extract %reduce_sum3A_793[15] : f32 from vector<16xf32>
        %eq3A_795 = arith.constant 1 : i32
        %eq3A_796 = vector.broadcast %eq3A_795 : i32 to vector<16xi32>
        %eq3A_797 = arith.cmpi eq, %iota3A_188, %eq3A_796 : vector<16xi32>
        %broadcast_in_dim3A_798 = vector.broadcast %reduce_sum3A_794 : f32 to vector<16xf32>
        %select_n3A_799 = arith.select %eq3A_797, %broadcast_in_dim3A_798, %select_n3A_769 : vector<16xi1>, vector<16xf32>
        %add3A_800 = arith.constant 2 : i32
        %add3A_801 = arith.addi %add3A_737, %add3A_800 : i32
        %get3A_802 = arith.index_cast %add3A_801 : i32 to index
        %get3A_803 = arith.constant 0 : index
        %get3A_804 = tpu.vector_load %arg8[%get3A_802, %get3A_803] {strides = array<i32>} : memref<256x64xf32, #tpu.memory_space<vmem>>, vector<16xf32>,
        %get3A_805 = arith.index_cast %add3A_801 : i32 to index
        %get3A_806 = arith.constant 16 : index
        %get3A_807 = tpu.vector_load %arg8[%get3A_805, %get3A_806] {strides = array<i32>} : memref<256x64xf32, #tpu.memory_space<vmem>>, vector<16xf32>,
        %get3A_808 = arith.index_cast %add3A_801 : i32 to index
        %get3A_809 = arith.constant 32 : index
        %get3A_810 = tpu.vector_load %arg8[%get3A_808, %get3A_809] {strides = array<i32>} : memref<256x64xf32, #tpu.memory_space<vmem>>, vector<16xf32>,
        %get3A_811 = arith.index_cast %add3A_801 : i32 to index
        %get3A_812 = arith.constant 48 : index
        %get3A_813 = tpu.vector_load %arg8[%get3A_811, %get3A_812] {strides = array<i32>} : memref<256x64xf32, #tpu.memory_space<vmem>>, vector<16xf32>,
        %mul3A_814 = arith.mulf %get3A_804, %get3A_804 : vector<16xf32>
        %mul3A_815 = arith.mulf %get3A_807, %get3A_807 : vector<16xf32>
        %add3A_816 = arith.addf %mul3A_814, %mul3A_815 : vector<16xf32>
        %mul3A_817 = arith.mulf %get3A_810, %get3A_810 : vector<16xf32>
        %mul3A_818 = arith.mulf %get3A_813, %get3A_813 : vector<16xf32>
        %add3A_819 = arith.addf %mul3A_817, %mul3A_818 : vector<16xf32>
        %add3A_820 = arith.addf %add3A_816, %add3A_819 : vector<16xf32>
        %reduce_sum3A_821 = arith.constant true
        %reduce_sum3A_822 = vector.broadcast %reduce_sum3A_821 : i1 to vector<16xi1>
        %reduce_sum3A_823 = tpu.scan <sum>, %add3A_820 masked %reduce_sum3A_822 : vector<16xf32>, vector<16xi1> -> vector<16xf32>
        %reduce_sum3A_824 = vector.extract %reduce_sum3A_823[15] : f32 from vector<16xf32>
        %eq3A_825 = arith.constant 2 : i32
        %eq3A_826 = vector.broadcast %eq3A_825 : i32 to vector<16xi32>
        %eq3A_827 = arith.cmpi eq, %iota3A_188, %eq3A_826 : vector<16xi32>
        %broadcast_in_dim3A_828 = vector.broadcast %reduce_sum3A_824 : f32 to vector<16xf32>
        %select_n3A_829 = arith.select %eq3A_827, %broadcast_in_dim3A_828, %select_n3A_799 : vector<16xi1>, vector<16xf32>
        %add3A_830 = arith.constant 3 : i32
        %add3A_831 = arith.addi %add3A_737, %add3A_830 : i32
        %get3A_832 = arith.index_cast %add3A_831 : i32 to index
        %get3A_833 = arith.constant 0 : index
        %get3A_834 = tpu.vector_load %arg8[%get3A_832, %get3A_833] {strides = array<i32>} : memref<256x64xf32, #tpu.memory_space<vmem>>, vector<16xf32>,
        %get3A_835 = arith.index_cast %add3A_831 : i32 to index
        %get3A_836 = arith.constant 16 : index
        %get3A_837 = tpu.vector_load %arg8[%get3A_835, %get3A_836] {strides = array<i32>} : memref<256x64xf32, #tpu.memory_space<vmem>>, vector<16xf32>,
        %get3A_838 = arith.index_cast %add3A_831 : i32 to index
        %get3A_839 = arith.constant 32 : index
        %get3A_840 = tpu.vector_load %arg8[%get3A_838, %get3A_839] {strides = array<i32>} : memref<256x64xf32, #tpu.memory_space<vmem>>, vector<16xf32>,
        %get3A_841 = arith.index_cast %add3A_831 : i32 to index
        %get3A_842 = arith.constant 48 : index
        %get3A_843 = tpu.vector_load %arg8[%get3A_841, %get3A_842] {strides = array<i32>} : memref<256x64xf32, #tpu.memory_space<vmem>>, vector<16xf32>,
        %mul3A_844 = arith.mulf %get3A_834, %get3A_834 : vector<16xf32>
        %mul3A_845 = arith.mulf %get3A_837, %get3A_837 : vector<16xf32>
        %add3A_846 = arith.addf %mul3A_844, %mul3A_845 : vector<16xf32>
        %mul3A_847 = arith.mulf %get3A_840, %get3A_840 : vector<16xf32>
        %mul3A_848 = arith.mulf %get3A_843, %get3A_843 : vector<16xf32>
        %add3A_849 = arith.addf %mul3A_847, %mul3A_848 : vector<16xf32>
        %add3A_850 = arith.addf %add3A_846, %add3A_849 : vector<16xf32>
        %reduce_sum3A_851 = arith.constant true
        %reduce_sum3A_852 = vector.broadcast %reduce_sum3A_851 : i1 to vector<16xi1>
        %reduce_sum3A_853 = tpu.scan <sum>, %add3A_850 masked %reduce_sum3A_852 : vector<16xf32>, vector<16xi1> -> vector<16xf32>
        %reduce_sum3A_854 = vector.extract %reduce_sum3A_853[15] : f32 from vector<16xf32>
        %eq3A_855 = arith.constant 3 : i32
        %eq3A_856 = vector.broadcast %eq3A_855 : i32 to vector<16xi32>
        %eq3A_857 = arith.cmpi eq, %iota3A_188, %eq3A_856 : vector<16xi32>
        %broadcast_in_dim3A_858 = vector.broadcast %reduce_sum3A_854 : f32 to vector<16xf32>
        %select_n3A_859 = arith.select %eq3A_857, %broadcast_in_dim3A_858, %select_n3A_829 : vector<16xi1>, vector<16xf32>
        %max3A_860 = arith.constant 1.000000e-24 : f32
        %max3A_861 = vector.broadcast %max3A_860 : f32 to vector<16xf32>
        %max3A_862 = arith.maximumf %select_n3A_859, %max3A_861 : vector<16xf32>
        %bitcast3A_863 = vector.bitcast %max3A_862 : vector<16xf32> to vector<16xi32>
        %broadcast_in_dim3A_864 = arith.constant 1597463007 : i32
        %broadcast_in_dim3A_865 = vector.broadcast %broadcast_in_dim3A_864 : i32 to vector<16xi32>
        %shift_right_arithmetic3A_866 = arith.constant 1 : i32
        %shift_right_arithmetic3A_867 = vector.broadcast %shift_right_arithmetic3A_866 : i32 to vector<16xi32>
        %shift_right_arithmetic3A_868 = arith.shrsi %bitcast3A_863, %shift_right_arithmetic3A_867 : vector<16xi32>
        %sub3A_869 = arith.subi %broadcast_in_dim3A_865, %shift_right_arithmetic3A_868 : vector<16xi32>
        %bitcast3A_870 = vector.bitcast %sub3A_869 : vector<16xi32> to vector<16xf32>
        %mul3A_871 = arith.constant 5.000000e-01 : f32
        %mul3A_872 = vector.broadcast %mul3A_871 : f32 to vector<16xf32>
        %mul3A_873 = arith.mulf %mul3A_872, %max3A_862 : vector<16xf32>
        %mul3A_874 = arith.mulf %mul3A_873, %bitcast3A_870 : vector<16xf32>
        %mul3A_875 = arith.mulf %mul3A_874, %bitcast3A_870 : vector<16xf32>
        %sub3A_876 = arith.constant 1.500000e+00 : f32
        %sub3A_877 = vector.broadcast %sub3A_876 : f32 to vector<16xf32>
        %sub3A_878 = arith.subf %sub3A_877, %mul3A_875 : vector<16xf32>
        %mul3A_879 = arith.mulf %bitcast3A_870, %sub3A_878 : vector<16xf32>
        %mul3A_880 = arith.constant 5.000000e-01 : f32
        %mul3A_881 = vector.broadcast %mul3A_880 : f32 to vector<16xf32>
        %mul3A_882 = arith.mulf %mul3A_881, %max3A_862 : vector<16xf32>
        %mul3A_883 = arith.mulf %mul3A_882, %mul3A_879 : vector<16xf32>
        %mul3A_884 = arith.mulf %mul3A_883, %mul3A_879 : vector<16xf32>
        %sub3A_885 = arith.constant 1.500000e+00 : f32
        %sub3A_886 = vector.broadcast %sub3A_885 : f32 to vector<16xf32>
        %sub3A_887 = arith.subf %sub3A_886, %mul3A_884 : vector<16xf32>
        %mul3A_888 = arith.mulf %mul3A_879, %sub3A_887 : vector<16xf32>
        %mul3A_889 = arith.constant 5.000000e-01 : f32
        %mul3A_890 = vector.broadcast %mul3A_889 : f32 to vector<16xf32>
        %mul3A_891 = arith.mulf %mul3A_890, %max3A_862 : vector<16xf32>
        %mul3A_892 = arith.mulf %mul3A_891, %mul3A_888 : vector<16xf32>
        %mul3A_893 = arith.mulf %mul3A_892, %mul3A_888 : vector<16xf32>
        %sub3A_894 = arith.constant 1.500000e+00 : f32
        %sub3A_895 = vector.broadcast %sub3A_894 : f32 to vector<16xf32>
        %sub3A_896 = arith.subf %sub3A_895, %mul3A_893 : vector<16xf32>
        %mul3A_897 = arith.mulf %mul3A_888, %sub3A_896 : vector<16xf32>
        %mul3A_898 = arith.constant 8.000000e+00 : f32
        %mul3A_899 = vector.broadcast %mul3A_898 : f32 to vector<16xf32>
        %mul3A_900 = arith.mulf %mul3A_897, %mul3A_899 : vector<16xf32>
        %broadcast_in_dim3A_901 = arith.constant 0 : i32
        %broadcast_in_dim3A_902 = vector.broadcast %broadcast_in_dim3A_901 : i32 to vector<16x1xi32>
        %gather3A_903 = vector.shape_cast %broadcast_in_dim3A_902 : vector<16x1xi32> to vector<16xi32>
        %gather3A_904 = tpu.dynamic_gather %mul3A_900[%gather3A_903] in [0] : vector<16xf32>, vector<16xi32> -> vector<16xf32>
        %mul3A_905 = arith.mulf %get3A_744, %gather3A_904 : vector<16xf32>
        %swap3A_906 = arith.index_cast %add3A_741 : i32 to index
        %swap3A_907 = arith.constant 0 : index
        %swap3A_908 = tpu.vector_load %arg8[%swap3A_906, %swap3A_907] {strides = array<i32>} : memref<256x64xf32, #tpu.memory_space<vmem>>, vector<16xf32>,
        tpu.vector_store %arg8[%swap3A_906, %swap3A_907], %mul3A_905 {strides = array<i32>} : memref<256x64xf32, #tpu.memory_space<vmem>>, vector<16xf32>,
        %mul3A_909 = arith.mulf %get3A_747, %gather3A_904 : vector<16xf32>
        %swap3A_910 = arith.index_cast %add3A_741 : i32 to index
        %swap3A_911 = arith.constant 16 : index
        %swap3A_912 = tpu.vector_load %arg8[%swap3A_910, %swap3A_911] {strides = array<i32>} : memref<256x64xf32, #tpu.memory_space<vmem>>, vector<16xf32>,
        tpu.vector_store %arg8[%swap3A_910, %swap3A_911], %mul3A_909 {strides = array<i32>} : memref<256x64xf32, #tpu.memory_space<vmem>>, vector<16xf32>,
        %mul3A_913 = arith.mulf %get3A_750, %gather3A_904 : vector<16xf32>
        %swap3A_914 = arith.index_cast %add3A_741 : i32 to index
        %swap3A_915 = arith.constant 32 : index
        %swap3A_916 = tpu.vector_load %arg8[%swap3A_914, %swap3A_915] {strides = array<i32>} : memref<256x64xf32, #tpu.memory_space<vmem>>, vector<16xf32>,
        tpu.vector_store %arg8[%swap3A_914, %swap3A_915], %mul3A_913 {strides = array<i32>} : memref<256x64xf32, #tpu.memory_space<vmem>>, vector<16xf32>,
        %mul3A_917 = arith.mulf %get3A_753, %gather3A_904 : vector<16xf32>
        %swap3A_918 = arith.index_cast %add3A_741 : i32 to index
        %swap3A_919 = arith.constant 48 : index
        %swap3A_920 = tpu.vector_load %arg8[%swap3A_918, %swap3A_919] {strides = array<i32>} : memref<256x64xf32, #tpu.memory_space<vmem>>, vector<16xf32>,
        tpu.vector_store %arg8[%swap3A_918, %swap3A_919], %mul3A_917 {strides = array<i32>} : memref<256x64xf32, #tpu.memory_space<vmem>>, vector<16xf32>,
        %broadcast_in_dim3A_921 = arith.constant 1 : i32
        %broadcast_in_dim3A_922 = vector.broadcast %broadcast_in_dim3A_921 : i32 to vector<16x1xi32>
        %gather3A_923 = vector.shape_cast %broadcast_in_dim3A_922 : vector<16x1xi32> to vector<16xi32>
        %gather3A_924 = tpu.dynamic_gather %mul3A_900[%gather3A_923] in [0] : vector<16xf32>, vector<16xi32> -> vector<16xf32>
        %mul3A_925 = arith.mulf %get3A_774, %gather3A_924 : vector<16xf32>
        %swap3A_926 = arith.index_cast %add3A_771 : i32 to index
        %swap3A_927 = arith.constant 0 : index
        %swap3A_928 = tpu.vector_load %arg8[%swap3A_926, %swap3A_927] {strides = array<i32>} : memref<256x64xf32, #tpu.memory_space<vmem>>, vector<16xf32>,
        tpu.vector_store %arg8[%swap3A_926, %swap3A_927], %mul3A_925 {strides = array<i32>} : memref<256x64xf32, #tpu.memory_space<vmem>>, vector<16xf32>,
        %mul3A_929 = arith.mulf %get3A_777, %gather3A_924 : vector<16xf32>
        %swap3A_930 = arith.index_cast %add3A_771 : i32 to index
        %swap3A_931 = arith.constant 16 : index
        %swap3A_932 = tpu.vector_load %arg8[%swap3A_930, %swap3A_931] {strides = array<i32>} : memref<256x64xf32, #tpu.memory_space<vmem>>, vector<16xf32>,
        tpu.vector_store %arg8[%swap3A_930, %swap3A_931], %mul3A_929 {strides = array<i32>} : memref<256x64xf32, #tpu.memory_space<vmem>>, vector<16xf32>,
        %mul3A_933 = arith.mulf %get3A_780, %gather3A_924 : vector<16xf32>
        %swap3A_934 = arith.index_cast %add3A_771 : i32 to index
        %swap3A_935 = arith.constant 32 : index
        %swap3A_936 = tpu.vector_load %arg8[%swap3A_934, %swap3A_935] {strides = array<i32>} : memref<256x64xf32, #tpu.memory_space<vmem>>, vector<16xf32>,
        tpu.vector_store %arg8[%swap3A_934, %swap3A_935], %mul3A_933 {strides = array<i32>} : memref<256x64xf32, #tpu.memory_space<vmem>>, vector<16xf32>,
        %mul3A_937 = arith.mulf %get3A_783, %gather3A_924 : vector<16xf32>
        %swap3A_938 = arith.index_cast %add3A_771 : i32 to index
        %swap3A_939 = arith.constant 48 : index
        %swap3A_940 = tpu.vector_load %arg8[%swap3A_938, %swap3A_939] {strides = array<i32>} : memref<256x64xf32, #tpu.memory_space<vmem>>, vector<16xf32>,
        tpu.vector_store %arg8[%swap3A_938, %swap3A_939], %mul3A_937 {strides = array<i32>} : memref<256x64xf32, #tpu.memory_space<vmem>>, vector<16xf32>,
        %broadcast_in_dim3A_941 = arith.constant 2 : i32
        %broadcast_in_dim3A_942 = vector.broadcast %broadcast_in_dim3A_941 : i32 to vector<16x1xi32>
        %gather3A_943 = vector.shape_cast %broadcast_in_dim3A_942 : vector<16x1xi32> to vector<16xi32>
        %gather3A_944 = tpu.dynamic_gather %mul3A_900[%gather3A_943] in [0] : vector<16xf32>, vector<16xi32> -> vector<16xf32>
        %mul3A_945 = arith.mulf %get3A_804, %gather3A_944 : vector<16xf32>
        %swap3A_946 = arith.index_cast %add3A_801 : i32 to index
        %swap3A_947 = arith.constant 0 : index
        %swap3A_948 = tpu.vector_load %arg8[%swap3A_946, %swap3A_947] {strides = array<i32>} : memref<256x64xf32, #tpu.memory_space<vmem>>, vector<16xf32>,
        tpu.vector_store %arg8[%swap3A_946, %swap3A_947], %mul3A_945 {strides = array<i32>} : memref<256x64xf32, #tpu.memory_space<vmem>>, vector<16xf32>,
        %mul3A_949 = arith.mulf %get3A_807, %gather3A_944 : vector<16xf32>
        %swap3A_950 = arith.index_cast %add3A_801 : i32 to index
        %swap3A_951 = arith.constant 16 : index
        %swap3A_952 = tpu.vector_load %arg8[%swap3A_950, %swap3A_951] {strides = array<i32>} : memref<256x64xf32, #tpu.memory_space<vmem>>, vector<16xf32>,
        tpu.vector_store %arg8[%swap3A_950, %swap3A_951], %mul3A_949 {strides = array<i32>} : memref<256x64xf32, #tpu.memory_space<vmem>>, vector<16xf32>,
        %mul3A_953 = arith.mulf %get3A_810, %gather3A_944 : vector<16xf32>
        %swap3A_954 = arith.index_cast %add3A_801 : i32 to index
        %swap3A_955 = arith.constant 32 : index
        %swap3A_956 = tpu.vector_load %arg8[%swap3A_954, %swap3A_955] {strides = array<i32>} : memref<256x64xf32, #tpu.memory_space<vmem>>, vector<16xf32>,
        tpu.vector_store %arg8[%swap3A_954, %swap3A_955], %mul3A_953 {strides = array<i32>} : memref<256x64xf32, #tpu.memory_space<vmem>>, vector<16xf32>,
        %mul3A_957 = arith.mulf %get3A_813, %gather3A_944 : vector<16xf32>
        %swap3A_958 = arith.index_cast %add3A_801 : i32 to index
        %swap3A_959 = arith.constant 48 : index
        %swap3A_960 = tpu.vector_load %arg8[%swap3A_958, %swap3A_959] {strides = array<i32>} : memref<256x64xf32, #tpu.memory_space<vmem>>, vector<16xf32>,
        tpu.vector_store %arg8[%swap3A_958, %swap3A_959], %mul3A_957 {strides = array<i32>} : memref<256x64xf32, #tpu.memory_space<vmem>>, vector<16xf32>,
        %broadcast_in_dim3A_961 = arith.constant 3 : i32
        %broadcast_in_dim3A_962 = vector.broadcast %broadcast_in_dim3A_961 : i32 to vector<16x1xi32>
        %gather3A_963 = vector.shape_cast %broadcast_in_dim3A_962 : vector<16x1xi32> to vector<16xi32>
        %gather3A_964 = tpu.dynamic_gather %mul3A_900[%gather3A_963] in [0] : vector<16xf32>, vector<16xi32> -> vector<16xf32>
        %mul3A_965 = arith.mulf %get3A_834, %gather3A_964 : vector<16xf32>
        %swap3A_966 = arith.index_cast %add3A_831 : i32 to index
        %swap3A_967 = arith.constant 0 : index
        %swap3A_968 = tpu.vector_load %arg8[%swap3A_966, %swap3A_967] {strides = array<i32>} : memref<256x64xf32, #tpu.memory_space<vmem>>, vector<16xf32>,
        tpu.vector_store %arg8[%swap3A_966, %swap3A_967], %mul3A_965 {strides = array<i32>} : memref<256x64xf32, #tpu.memory_space<vmem>>, vector<16xf32>,
        %mul3A_969 = arith.mulf %get3A_837, %gather3A_964 : vector<16xf32>
        %swap3A_970 = arith.index_cast %add3A_831 : i32 to index
        %swap3A_971 = arith.constant 16 : index
        %swap3A_972 = tpu.vector_load %arg8[%swap3A_970, %swap3A_971] {strides = array<i32>} : memref<256x64xf32, #tpu.memory_space<vmem>>, vector<16xf32>,
        tpu.vector_store %arg8[%swap3A_970, %swap3A_971], %mul3A_969 {strides = array<i32>} : memref<256x64xf32, #tpu.memory_space<vmem>>, vector<16xf32>,
        %mul3A_973 = arith.mulf %get3A_840, %gather3A_964 : vector<16xf32>
        %swap3A_974 = arith.index_cast %add3A_831 : i32 to index
        %swap3A_975 = arith.constant 32 : index
        %swap3A_976 = tpu.vector_load %arg8[%swap3A_974, %swap3A_975] {strides = array<i32>} : memref<256x64xf32, #tpu.memory_space<vmem>>, vector<16xf32>,
        tpu.vector_store %arg8[%swap3A_974, %swap3A_975], %mul3A_973 {strides = array<i32>} : memref<256x64xf32, #tpu.memory_space<vmem>>, vector<16xf32>,
        %mul3A_977 = arith.mulf %get3A_843, %gather3A_964 : vector<16xf32>
        %swap3A_978 = arith.index_cast %add3A_831 : i32 to index
        %swap3A_979 = arith.constant 48 : index
        %swap3A_980 = tpu.vector_load %arg8[%swap3A_978, %swap3A_979] {strides = array<i32>} : memref<256x64xf32, #tpu.memory_space<vmem>>, vector<16xf32>,
        tpu.vector_store %arg8[%swap3A_978, %swap3A_979], %mul3A_977 {strides = array<i32>} : memref<256x64xf32, #tpu.memory_space<vmem>>, vector<16xf32>,
        %add3A_981 = arith.constant 12 : i32
        %add3A_982 = arith.addi %mul3A_256, %add3A_981 : i32
        %broadcast_in_dim3A_983 = arith.constant 1.000000e+00 : f32
        %broadcast_in_dim3A_984 = vector.broadcast %broadcast_in_dim3A_983 : f32 to vector<16xf32>
        %add3A_985 = arith.constant 0 : i32
        %add3A_986 = arith.addi %add3A_982, %add3A_985 : i32
        %get3A_987 = arith.index_cast %add3A_986 : i32 to index
        %get3A_988 = arith.constant 0 : index
        %get3A_989 = tpu.vector_load %arg8[%get3A_987, %get3A_988] {strides = array<i32>} : memref<256x64xf32, #tpu.memory_space<vmem>>, vector<16xf32>,
        %get3A_990 = arith.index_cast %add3A_986 : i32 to index
        %get3A_991 = arith.constant 16 : index
        %get3A_992 = tpu.vector_load %arg8[%get3A_990, %get3A_991] {strides = array<i32>} : memref<256x64xf32, #tpu.memory_space<vmem>>, vector<16xf32>,
        %get3A_993 = arith.index_cast %add3A_986 : i32 to index
        %get3A_994 = arith.constant 32 : index
        %get3A_995 = tpu.vector_load %arg8[%get3A_993, %get3A_994] {strides = array<i32>} : memref<256x64xf32, #tpu.memory_space<vmem>>, vector<16xf32>,
        %get3A_996 = arith.index_cast %add3A_986 : i32 to index
        %get3A_997 = arith.constant 48 : index
        %get3A_998 = tpu.vector_load %arg8[%get3A_996, %get3A_997] {strides = array<i32>} : memref<256x64xf32, #tpu.memory_space<vmem>>, vector<16xf32>,
        %mul3A_999 = arith.mulf %get3A_989, %get3A_989 : vector<16xf32>
        %mul3A_1000 = arith.mulf %get3A_992, %get3A_992 : vector<16xf32>
        %add3A_1001 = arith.addf %mul3A_999, %mul3A_1000 : vector<16xf32>
        %mul3A_1002 = arith.mulf %get3A_995, %get3A_995 : vector<16xf32>
        %mul3A_1003 = arith.mulf %get3A_998, %get3A_998 : vector<16xf32>
        %add3A_1004 = arith.addf %mul3A_1002, %mul3A_1003 : vector<16xf32>
        %add3A_1005 = arith.addf %add3A_1001, %add3A_1004 : vector<16xf32>
        %reduce_sum3A_1006 = arith.constant true
        %reduce_sum3A_1007 = vector.broadcast %reduce_sum3A_1006 : i1 to vector<16xi1>
        %reduce_sum3A_1008 = tpu.scan <sum>, %add3A_1005 masked %reduce_sum3A_1007 : vector<16xf32>, vector<16xi1> -> vector<16xf32>
        %reduce_sum3A_1009 = vector.extract %reduce_sum3A_1008[15] : f32 from vector<16xf32>
        %eq3A_1010 = arith.constant 0 : i32
        %eq3A_1011 = vector.broadcast %eq3A_1010 : i32 to vector<16xi32>
        %eq3A_1012 = arith.cmpi eq, %iota3A_188, %eq3A_1011 : vector<16xi32>
        %broadcast_in_dim3A_1013 = vector.broadcast %reduce_sum3A_1009 : f32 to vector<16xf32>
        %select_n3A_1014 = arith.select %eq3A_1012, %broadcast_in_dim3A_1013, %broadcast_in_dim3A_984 : vector<16xi1>, vector<16xf32>
        %add3A_1015 = arith.constant 1 : i32
        %add3A_1016 = arith.addi %add3A_982, %add3A_1015 : i32
        %get3A_1017 = arith.index_cast %add3A_1016 : i32 to index
        %get3A_1018 = arith.constant 0 : index
        %get3A_1019 = tpu.vector_load %arg8[%get3A_1017, %get3A_1018] {strides = array<i32>} : memref<256x64xf32, #tpu.memory_space<vmem>>, vector<16xf32>,
        %get3A_1020 = arith.index_cast %add3A_1016 : i32 to index
        %get3A_1021 = arith.constant 16 : index
        %get3A_1022 = tpu.vector_load %arg8[%get3A_1020, %get3A_1021] {strides = array<i32>} : memref<256x64xf32, #tpu.memory_space<vmem>>, vector<16xf32>,
        %get3A_1023 = arith.index_cast %add3A_1016 : i32 to index
        %get3A_1024 = arith.constant 32 : index
        %get3A_1025 = tpu.vector_load %arg8[%get3A_1023, %get3A_1024] {strides = array<i32>} : memref<256x64xf32, #tpu.memory_space<vmem>>, vector<16xf32>,
        %get3A_1026 = arith.index_cast %add3A_1016 : i32 to index
        %get3A_1027 = arith.constant 48 : index
        %get3A_1028 = tpu.vector_load %arg8[%get3A_1026, %get3A_1027] {strides = array<i32>} : memref<256x64xf32, #tpu.memory_space<vmem>>, vector<16xf32>,
        %mul3A_1029 = arith.mulf %get3A_1019, %get3A_1019 : vector<16xf32>
        %mul3A_1030 = arith.mulf %get3A_1022, %get3A_1022 : vector<16xf32>
        %add3A_1031 = arith.addf %mul3A_1029, %mul3A_1030 : vector<16xf32>
        %mul3A_1032 = arith.mulf %get3A_1025, %get3A_1025 : vector<16xf32>
        %mul3A_1033 = arith.mulf %get3A_1028, %get3A_1028 : vector<16xf32>
        %add3A_1034 = arith.addf %mul3A_1032, %mul3A_1033 : vector<16xf32>
        %add3A_1035 = arith.addf %add3A_1031, %add3A_1034 : vector<16xf32>
        %reduce_sum3A_1036 = arith.constant true
        %reduce_sum3A_1037 = vector.broadcast %reduce_sum3A_1036 : i1 to vector<16xi1>
        %reduce_sum3A_1038 = tpu.scan <sum>, %add3A_1035 masked %reduce_sum3A_1037 : vector<16xf32>, vector<16xi1> -> vector<16xf32>
        %reduce_sum3A_1039 = vector.extract %reduce_sum3A_1038[15] : f32 from vector<16xf32>
        %eq3A_1040 = arith.constant 1 : i32
        %eq3A_1041 = vector.broadcast %eq3A_1040 : i32 to vector<16xi32>
        %eq3A_1042 = arith.cmpi eq, %iota3A_188, %eq3A_1041 : vector<16xi32>
        %broadcast_in_dim3A_1043 = vector.broadcast %reduce_sum3A_1039 : f32 to vector<16xf32>
        %select_n3A_1044 = arith.select %eq3A_1042, %broadcast_in_dim3A_1043, %select_n3A_1014 : vector<16xi1>, vector<16xf32>
        %add3A_1045 = arith.constant 2 : i32
        %add3A_1046 = arith.addi %add3A_982, %add3A_1045 : i32
        %get3A_1047 = arith.index_cast %add3A_1046 : i32 to index
        %get3A_1048 = arith.constant 0 : index
        %get3A_1049 = tpu.vector_load %arg8[%get3A_1047, %get3A_1048] {strides = array<i32>} : memref<256x64xf32, #tpu.memory_space<vmem>>, vector<16xf32>,
        %get3A_1050 = arith.index_cast %add3A_1046 : i32 to index
        %get3A_1051 = arith.constant 16 : index
        %get3A_1052 = tpu.vector_load %arg8[%get3A_1050, %get3A_1051] {strides = array<i32>} : memref<256x64xf32, #tpu.memory_space<vmem>>, vector<16xf32>,
        %get3A_1053 = arith.index_cast %add3A_1046 : i32 to index
        %get3A_1054 = arith.constant 32 : index
        %get3A_1055 = tpu.vector_load %arg8[%get3A_1053, %get3A_1054] {strides = array<i32>} : memref<256x64xf32, #tpu.memory_space<vmem>>, vector<16xf32>,
        %get3A_1056 = arith.index_cast %add3A_1046 : i32 to index
        %get3A_1057 = arith.constant 48 : index
        %get3A_1058 = tpu.vector_load %arg8[%get3A_1056, %get3A_1057] {strides = array<i32>} : memref<256x64xf32, #tpu.memory_space<vmem>>, vector<16xf32>,
        %mul3A_1059 = arith.mulf %get3A_1049, %get3A_1049 : vector<16xf32>
        %mul3A_1060 = arith.mulf %get3A_1052, %get3A_1052 : vector<16xf32>
        %add3A_1061 = arith.addf %mul3A_1059, %mul3A_1060 : vector<16xf32>
        %mul3A_1062 = arith.mulf %get3A_1055, %get3A_1055 : vector<16xf32>
        %mul3A_1063 = arith.mulf %get3A_1058, %get3A_1058 : vector<16xf32>
        %add3A_1064 = arith.addf %mul3A_1062, %mul3A_1063 : vector<16xf32>
        %add3A_1065 = arith.addf %add3A_1061, %add3A_1064 : vector<16xf32>
        %reduce_sum3A_1066 = arith.constant true
        %reduce_sum3A_1067 = vector.broadcast %reduce_sum3A_1066 : i1 to vector<16xi1>
        %reduce_sum3A_1068 = tpu.scan <sum>, %add3A_1065 masked %reduce_sum3A_1067 : vector<16xf32>, vector<16xi1> -> vector<16xf32>
        %reduce_sum3A_1069 = vector.extract %reduce_sum3A_1068[15] : f32 from vector<16xf32>
        %eq3A_1070 = arith.constant 2 : i32
        %eq3A_1071 = vector.broadcast %eq3A_1070 : i32 to vector<16xi32>
        %eq3A_1072 = arith.cmpi eq, %iota3A_188, %eq3A_1071 : vector<16xi32>
        %broadcast_in_dim3A_1073 = vector.broadcast %reduce_sum3A_1069 : f32 to vector<16xf32>
        %select_n3A_1074 = arith.select %eq3A_1072, %broadcast_in_dim3A_1073, %select_n3A_1044 : vector<16xi1>, vector<16xf32>
        %add3A_1075 = arith.constant 3 : i32
        %add3A_1076 = arith.addi %add3A_982, %add3A_1075 : i32
        %get3A_1077 = arith.index_cast %add3A_1076 : i32 to index
        %get3A_1078 = arith.constant 0 : index
        %get3A_1079 = tpu.vector_load %arg8[%get3A_1077, %get3A_1078] {strides = array<i32>} : memref<256x64xf32, #tpu.memory_space<vmem>>, vector<16xf32>,
        %get3A_1080 = arith.index_cast %add3A_1076 : i32 to index
        %get3A_1081 = arith.constant 16 : index
        %get3A_1082 = tpu.vector_load %arg8[%get3A_1080, %get3A_1081] {strides = array<i32>} : memref<256x64xf32, #tpu.memory_space<vmem>>, vector<16xf32>,
        %get3A_1083 = arith.index_cast %add3A_1076 : i32 to index
        %get3A_1084 = arith.constant 32 : index
        %get3A_1085 = tpu.vector_load %arg8[%get3A_1083, %get3A_1084] {strides = array<i32>} : memref<256x64xf32, #tpu.memory_space<vmem>>, vector<16xf32>,
        %get3A_1086 = arith.index_cast %add3A_1076 : i32 to index
        %get3A_1087 = arith.constant 48 : index
        %get3A_1088 = tpu.vector_load %arg8[%get3A_1086, %get3A_1087] {strides = array<i32>} : memref<256x64xf32, #tpu.memory_space<vmem>>, vector<16xf32>,
        %mul3A_1089 = arith.mulf %get3A_1079, %get3A_1079 : vector<16xf32>
        %mul3A_1090 = arith.mulf %get3A_1082, %get3A_1082 : vector<16xf32>
        %add3A_1091 = arith.addf %mul3A_1089, %mul3A_1090 : vector<16xf32>
        %mul3A_1092 = arith.mulf %get3A_1085, %get3A_1085 : vector<16xf32>
        %mul3A_1093 = arith.mulf %get3A_1088, %get3A_1088 : vector<16xf32>
        %add3A_1094 = arith.addf %mul3A_1092, %mul3A_1093 : vector<16xf32>
        %add3A_1095 = arith.addf %add3A_1091, %add3A_1094 : vector<16xf32>
        %reduce_sum3A_1096 = arith.constant true
        %reduce_sum3A_1097 = vector.broadcast %reduce_sum3A_1096 : i1 to vector<16xi1>
        %reduce_sum3A_1098 = tpu.scan <sum>, %add3A_1095 masked %reduce_sum3A_1097 : vector<16xf32>, vector<16xi1> -> vector<16xf32>
        %reduce_sum3A_1099 = vector.extract %reduce_sum3A_1098[15] : f32 from vector<16xf32>
        %eq3A_1100 = arith.constant 3 : i32
        %eq3A_1101 = vector.broadcast %eq3A_1100 : i32 to vector<16xi32>
        %eq3A_1102 = arith.cmpi eq, %iota3A_188, %eq3A_1101 : vector<16xi32>
        %broadcast_in_dim3A_1103 = vector.broadcast %reduce_sum3A_1099 : f32 to vector<16xf32>
        %select_n3A_1104 = arith.select %eq3A_1102, %broadcast_in_dim3A_1103, %select_n3A_1074 : vector<16xi1>, vector<16xf32>
        %max3A_1105 = arith.constant 1.000000e-24 : f32
        %max3A_1106 = vector.broadcast %max3A_1105 : f32 to vector<16xf32>
        %max3A_1107 = arith.maximumf %select_n3A_1104, %max3A_1106 : vector<16xf32>
        %bitcast3A_1108 = vector.bitcast %max3A_1107 : vector<16xf32> to vector<16xi32>
        %broadcast_in_dim3A_1109 = arith.constant 1597463007 : i32
        %broadcast_in_dim3A_1110 = vector.broadcast %broadcast_in_dim3A_1109 : i32 to vector<16xi32>
        %shift_right_arithmetic3A_1111 = arith.constant 1 : i32
        %shift_right_arithmetic3A_1112 = vector.broadcast %shift_right_arithmetic3A_1111 : i32 to vector<16xi32>
        %shift_right_arithmetic3A_1113 = arith.shrsi %bitcast3A_1108, %shift_right_arithmetic3A_1112 : vector<16xi32>
        %sub3A_1114 = arith.subi %broadcast_in_dim3A_1110, %shift_right_arithmetic3A_1113 : vector<16xi32>
        %bitcast3A_1115 = vector.bitcast %sub3A_1114 : vector<16xi32> to vector<16xf32>
        %mul3A_1116 = arith.constant 5.000000e-01 : f32
        %mul3A_1117 = vector.broadcast %mul3A_1116 : f32 to vector<16xf32>
        %mul3A_1118 = arith.mulf %mul3A_1117, %max3A_1107 : vector<16xf32>
        %mul3A_1119 = arith.mulf %mul3A_1118, %bitcast3A_1115 : vector<16xf32>
        %mul3A_1120 = arith.mulf %mul3A_1119, %bitcast3A_1115 : vector<16xf32>
        %sub3A_1121 = arith.constant 1.500000e+00 : f32
        %sub3A_1122 = vector.broadcast %sub3A_1121 : f32 to vector<16xf32>
        %sub3A_1123 = arith.subf %sub3A_1122, %mul3A_1120 : vector<16xf32>
        %mul3A_1124 = arith.mulf %bitcast3A_1115, %sub3A_1123 : vector<16xf32>
        %mul3A_1125 = arith.constant 5.000000e-01 : f32
        %mul3A_1126 = vector.broadcast %mul3A_1125 : f32 to vector<16xf32>
        %mul3A_1127 = arith.mulf %mul3A_1126, %max3A_1107 : vector<16xf32>
        %mul3A_1128 = arith.mulf %mul3A_1127, %mul3A_1124 : vector<16xf32>
        %mul3A_1129 = arith.mulf %mul3A_1128, %mul3A_1124 : vector<16xf32>
        %sub3A_1130 = arith.constant 1.500000e+00 : f32
        %sub3A_1131 = vector.broadcast %sub3A_1130 : f32 to vector<16xf32>
        %sub3A_1132 = arith.subf %sub3A_1131, %mul3A_1129 : vector<16xf32>
        %mul3A_1133 = arith.mulf %mul3A_1124, %sub3A_1132 : vector<16xf32>
        %mul3A_1134 = arith.constant 5.000000e-01 : f32
        %mul3A_1135 = vector.broadcast %mul3A_1134 : f32 to vector<16xf32>
        %mul3A_1136 = arith.mulf %mul3A_1135, %max3A_1107 : vector<16xf32>
        %mul3A_1137 = arith.mulf %mul3A_1136, %mul3A_1133 : vector<16xf32>
        %mul3A_1138 = arith.mulf %mul3A_1137, %mul3A_1133 : vector<16xf32>
        %sub3A_1139 = arith.constant 1.500000e+00 : f32
        %sub3A_1140 = vector.broadcast %sub3A_1139 : f32 to vector<16xf32>
        %sub3A_1141 = arith.subf %sub3A_1140, %mul3A_1138 : vector<16xf32>
        %mul3A_1142 = arith.mulf %mul3A_1133, %sub3A_1141 : vector<16xf32>
        %mul3A_1143 = arith.constant 8.000000e+00 : f32
        %mul3A_1144 = vector.broadcast %mul3A_1143 : f32 to vector<16xf32>
        %mul3A_1145 = arith.mulf %mul3A_1142, %mul3A_1144 : vector<16xf32>
        %broadcast_in_dim3A_1146 = arith.constant 0 : i32
        %broadcast_in_dim3A_1147 = vector.broadcast %broadcast_in_dim3A_1146 : i32 to vector<16x1xi32>
        %gather3A_1148 = vector.shape_cast %broadcast_in_dim3A_1147 : vector<16x1xi32> to vector<16xi32>
        %gather3A_1149 = tpu.dynamic_gather %mul3A_1145[%gather3A_1148] in [0] : vector<16xf32>, vector<16xi32> -> vector<16xf32>
        %mul3A_1150 = arith.mulf %get3A_989, %gather3A_1149 : vector<16xf32>
        %swap3A_1151 = arith.index_cast %add3A_986 : i32 to index
        %swap3A_1152 = arith.constant 0 : index
        %swap3A_1153 = tpu.vector_load %arg8[%swap3A_1151, %swap3A_1152] {strides = array<i32>} : memref<256x64xf32, #tpu.memory_space<vmem>>, vector<16xf32>,
        tpu.vector_store %arg8[%swap3A_1151, %swap3A_1152], %mul3A_1150 {strides = array<i32>} : memref<256x64xf32, #tpu.memory_space<vmem>>, vector<16xf32>,
        %mul3A_1154 = arith.mulf %get3A_992, %gather3A_1149 : vector<16xf32>
        %swap3A_1155 = arith.index_cast %add3A_986 : i32 to index
        %swap3A_1156 = arith.constant 16 : index
        %swap3A_1157 = tpu.vector_load %arg8[%swap3A_1155, %swap3A_1156] {strides = array<i32>} : memref<256x64xf32, #tpu.memory_space<vmem>>, vector<16xf32>,
        tpu.vector_store %arg8[%swap3A_1155, %swap3A_1156], %mul3A_1154 {strides = array<i32>} : memref<256x64xf32, #tpu.memory_space<vmem>>, vector<16xf32>,
        %mul3A_1158 = arith.mulf %get3A_995, %gather3A_1149 : vector<16xf32>
        %swap3A_1159 = arith.index_cast %add3A_986 : i32 to index
        %swap3A_1160 = arith.constant 32 : index
        %swap3A_1161 = tpu.vector_load %arg8[%swap3A_1159, %swap3A_1160] {strides = array<i32>} : memref<256x64xf32, #tpu.memory_space<vmem>>, vector<16xf32>,
        tpu.vector_store %arg8[%swap3A_1159, %swap3A_1160], %mul3A_1158 {strides = array<i32>} : memref<256x64xf32, #tpu.memory_space<vmem>>, vector<16xf32>,
        %mul3A_1162 = arith.mulf %get3A_998, %gather3A_1149 : vector<16xf32>
        %swap3A_1163 = arith.index_cast %add3A_986 : i32 to index
        %swap3A_1164 = arith.constant 48 : index
        %swap3A_1165 = tpu.vector_load %arg8[%swap3A_1163, %swap3A_1164] {strides = array<i32>} : memref<256x64xf32, #tpu.memory_space<vmem>>, vector<16xf32>,
        tpu.vector_store %arg8[%swap3A_1163, %swap3A_1164], %mul3A_1162 {strides = array<i32>} : memref<256x64xf32, #tpu.memory_space<vmem>>, vector<16xf32>,
        %broadcast_in_dim3A_1166 = arith.constant 1 : i32
        %broadcast_in_dim3A_1167 = vector.broadcast %broadcast_in_dim3A_1166 : i32 to vector<16x1xi32>
        %gather3A_1168 = vector.shape_cast %broadcast_in_dim3A_1167 : vector<16x1xi32> to vector<16xi32>
        %gather3A_1169 = tpu.dynamic_gather %mul3A_1145[%gather3A_1168] in [0] : vector<16xf32>, vector<16xi32> -> vector<16xf32>
        %mul3A_1170 = arith.mulf %get3A_1019, %gather3A_1169 : vector<16xf32>
        %swap3A_1171 = arith.index_cast %add3A_1016 : i32 to index
        %swap3A_1172 = arith.constant 0 : index
        %swap3A_1173 = tpu.vector_load %arg8[%swap3A_1171, %swap3A_1172] {strides = array<i32>} : memref<256x64xf32, #tpu.memory_space<vmem>>, vector<16xf32>,
        tpu.vector_store %arg8[%swap3A_1171, %swap3A_1172], %mul3A_1170 {strides = array<i32>} : memref<256x64xf32, #tpu.memory_space<vmem>>, vector<16xf32>,
        %mul3A_1174 = arith.mulf %get3A_1022, %gather3A_1169 : vector<16xf32>
        %swap3A_1175 = arith.index_cast %add3A_1016 : i32 to index
        %swap3A_1176 = arith.constant 16 : index
        %swap3A_1177 = tpu.vector_load %arg8[%swap3A_1175, %swap3A_1176] {strides = array<i32>} : memref<256x64xf32, #tpu.memory_space<vmem>>, vector<16xf32>,
        tpu.vector_store %arg8[%swap3A_1175, %swap3A_1176], %mul3A_1174 {strides = array<i32>} : memref<256x64xf32, #tpu.memory_space<vmem>>, vector<16xf32>,
        %mul3A_1178 = arith.mulf %get3A_1025, %gather3A_1169 : vector<16xf32>
        %swap3A_1179 = arith.index_cast %add3A_1016 : i32 to index
        %swap3A_1180 = arith.constant 32 : index
        %swap3A_1181 = tpu.vector_load %arg8[%swap3A_1179, %swap3A_1180] {strides = array<i32>} : memref<256x64xf32, #tpu.memory_space<vmem>>, vector<16xf32>,
        tpu.vector_store %arg8[%swap3A_1179, %swap3A_1180], %mul3A_1178 {strides = array<i32>} : memref<256x64xf32, #tpu.memory_space<vmem>>, vector<16xf32>,
        %mul3A_1182 = arith.mulf %get3A_1028, %gather3A_1169 : vector<16xf32>
        %swap3A_1183 = arith.index_cast %add3A_1016 : i32 to index
        %swap3A_1184 = arith.constant 48 : index
        %swap3A_1185 = tpu.vector_load %arg8[%swap3A_1183, %swap3A_1184] {strides = array<i32>} : memref<256x64xf32, #tpu.memory_space<vmem>>, vector<16xf32>,
        tpu.vector_store %arg8[%swap3A_1183, %swap3A_1184], %mul3A_1182 {strides = array<i32>} : memref<256x64xf32, #tpu.memory_space<vmem>>, vector<16xf32>,
        %broadcast_in_dim3A_1186 = arith.constant 2 : i32
        %broadcast_in_dim3A_1187 = vector.broadcast %broadcast_in_dim3A_1186 : i32 to vector<16x1xi32>
        %gather3A_1188 = vector.shape_cast %broadcast_in_dim3A_1187 : vector<16x1xi32> to vector<16xi32>
        %gather3A_1189 = tpu.dynamic_gather %mul3A_1145[%gather3A_1188] in [0] : vector<16xf32>, vector<16xi32> -> vector<16xf32>
        %mul3A_1190 = arith.mulf %get3A_1049, %gather3A_1189 : vector<16xf32>
        %swap3A_1191 = arith.index_cast %add3A_1046 : i32 to index
        %swap3A_1192 = arith.constant 0 : index
        %swap3A_1193 = tpu.vector_load %arg8[%swap3A_1191, %swap3A_1192] {strides = array<i32>} : memref<256x64xf32, #tpu.memory_space<vmem>>, vector<16xf32>,
        tpu.vector_store %arg8[%swap3A_1191, %swap3A_1192], %mul3A_1190 {strides = array<i32>} : memref<256x64xf32, #tpu.memory_space<vmem>>, vector<16xf32>,
        %mul3A_1194 = arith.mulf %get3A_1052, %gather3A_1189 : vector<16xf32>
        %swap3A_1195 = arith.index_cast %add3A_1046 : i32 to index
        %swap3A_1196 = arith.constant 16 : index
        %swap3A_1197 = tpu.vector_load %arg8[%swap3A_1195, %swap3A_1196] {strides = array<i32>} : memref<256x64xf32, #tpu.memory_space<vmem>>, vector<16xf32>,
        tpu.vector_store %arg8[%swap3A_1195, %swap3A_1196], %mul3A_1194 {strides = array<i32>} : memref<256x64xf32, #tpu.memory_space<vmem>>, vector<16xf32>,
        %mul3A_1198 = arith.mulf %get3A_1055, %gather3A_1189 : vector<16xf32>
        %swap3A_1199 = arith.index_cast %add3A_1046 : i32 to index
        %swap3A_1200 = arith.constant 32 : index
        %swap3A_1201 = tpu.vector_load %arg8[%swap3A_1199, %swap3A_1200] {strides = array<i32>} : memref<256x64xf32, #tpu.memory_space<vmem>>, vector<16xf32>,
        tpu.vector_store %arg8[%swap3A_1199, %swap3A_1200], %mul3A_1198 {strides = array<i32>} : memref<256x64xf32, #tpu.memory_space<vmem>>, vector<16xf32>,
        %mul3A_1202 = arith.mulf %get3A_1058, %gather3A_1189 : vector<16xf32>
        %swap3A_1203 = arith.index_cast %add3A_1046 : i32 to index
        %swap3A_1204 = arith.constant 48 : index
        %swap3A_1205 = tpu.vector_load %arg8[%swap3A_1203, %swap3A_1204] {strides = array<i32>} : memref<256x64xf32, #tpu.memory_space<vmem>>, vector<16xf32>,
        tpu.vector_store %arg8[%swap3A_1203, %swap3A_1204], %mul3A_1202 {strides = array<i32>} : memref<256x64xf32, #tpu.memory_space<vmem>>, vector<16xf32>,
        %broadcast_in_dim3A_1206 = arith.constant 3 : i32
        %broadcast_in_dim3A_1207 = vector.broadcast %broadcast_in_dim3A_1206 : i32 to vector<16x1xi32>
        %gather3A_1208 = vector.shape_cast %broadcast_in_dim3A_1207 : vector<16x1xi32> to vector<16xi32>
        %gather3A_1209 = tpu.dynamic_gather %mul3A_1145[%gather3A_1208] in [0] : vector<16xf32>, vector<16xi32> -> vector<16xf32>
        %mul3A_1210 = arith.mulf %get3A_1079, %gather3A_1209 : vector<16xf32>
        %swap3A_1211 = arith.index_cast %add3A_1076 : i32 to index
        %swap3A_1212 = arith.constant 0 : index
        %swap3A_1213 = tpu.vector_load %arg8[%swap3A_1211, %swap3A_1212] {strides = array<i32>} : memref<256x64xf32, #tpu.memory_space<vmem>>, vector<16xf32>,
        tpu.vector_store %arg8[%swap3A_1211, %swap3A_1212], %mul3A_1210 {strides = array<i32>} : memref<256x64xf32, #tpu.memory_space<vmem>>, vector<16xf32>,
        %mul3A_1214 = arith.mulf %get3A_1082, %gather3A_1209 : vector<16xf32>
        %swap3A_1215 = arith.index_cast %add3A_1076 : i32 to index
        %swap3A_1216 = arith.constant 16 : index
        %swap3A_1217 = tpu.vector_load %arg8[%swap3A_1215, %swap3A_1216] {strides = array<i32>} : memref<256x64xf32, #tpu.memory_space<vmem>>, vector<16xf32>,
        tpu.vector_store %arg8[%swap3A_1215, %swap3A_1216], %mul3A_1214 {strides = array<i32>} : memref<256x64xf32, #tpu.memory_space<vmem>>, vector<16xf32>,
        %mul3A_1218 = arith.mulf %get3A_1085, %gather3A_1209 : vector<16xf32>
        %swap3A_1219 = arith.index_cast %add3A_1076 : i32 to index
        %swap3A_1220 = arith.constant 32 : index
        %swap3A_1221 = tpu.vector_load %arg8[%swap3A_1219, %swap3A_1220] {strides = array<i32>} : memref<256x64xf32, #tpu.memory_space<vmem>>, vector<16xf32>,
        tpu.vector_store %arg8[%swap3A_1219, %swap3A_1220], %mul3A_1218 {strides = array<i32>} : memref<256x64xf32, #tpu.memory_space<vmem>>, vector<16xf32>,
        %mul3A_1222 = arith.mulf %get3A_1088, %gather3A_1209 : vector<16xf32>
        %swap3A_1223 = arith.index_cast %add3A_1076 : i32 to index
        %swap3A_1224 = arith.constant 48 : index
        %swap3A_1225 = tpu.vector_load %arg8[%swap3A_1223, %swap3A_1224] {strides = array<i32>} : memref<256x64xf32, #tpu.memory_space<vmem>>, vector<16xf32>,
        tpu.vector_store %arg8[%swap3A_1223, %swap3A_1224], %mul3A_1222 {strides = array<i32>} : memref<256x64xf32, #tpu.memory_space<vmem>>, vector<16xf32>,
      }
      %scan3A_194 = arith.constant 16 : i32
      %mul3A_195 = arith.constant 256 : i32
      %mul3A_196 = arith.muli %add3A_153, %mul3A_195 : i32
      %add3A_197 = arith.addi %mul3A_2, %mul3A_196 : i32
      %dma_start3A_198 = arith.constant 0 : i32
      %dma_start3A_199 = tpu.memref_slice %arg4[%add3A_197, %dma_start3A_198] : memref<819200x64xf32, #tpu.memory_space<hbm>> -> memref<256x64xf32, #tpu.memory_space<hbm>>
      %dma_start3A_200 = arith.constant 0 : i32
      %dma_start3A_201 = tpu.memref_slice %arg4[%add3A_197, %dma_start3A_200] : memref<819200x64xf32, #tpu.memory_space<hbm>> -> memref<256x64xf32, #tpu.memory_space<hbm>>
      tpu.enqueue_dma source(%arg8 : memref<256x64xf32, #tpu.memory_space<vmem>>) target(%dma_start3A_201 : memref<256x64xf32, #tpu.memory_space<hbm>>) target_semaphore(%arg16 : memref<!tpu.dma_semaphore, #tpu.memory_space<semaphore_mem>>)
      %mul3A_202 = arith.constant 4 : i32
      %mul3A_203 = arith.muli %scan3A_50, %mul3A_202 : i32
      %add3A_204 = arith.constant 3 : i32
      %add3A_205 = arith.addi %mul3A_203, %add3A_204 : i32
      %ge3A_206 = arith.constant 2 : i32
      %ge3A_207 = arith.cmpi sge, %add3A_205, %ge3A_206 : i32
      %convert_element_type3A_208 = arith.extui %ge3A_207 : i1 to i32
      %cond3A_209 = arith.constant 0 : i32
      %cond3A_210 = arith.cmpi ne, %convert_element_type3A_208, %cond3A_209 : i32
      scf.if %cond3A_210 {
        %sub3A = arith.constant 2 : i32
        %sub3A_254 = arith.subi %add3A_205, %sub3A : i32
        %mul3A_255 = arith.constant 256 : i32
        %mul3A_256 = arith.muli %sub3A_254, %mul3A_255 : i32
        %add3A_257 = arith.addi %mul3A_2, %mul3A_256 : i32
        %dma_wait3A_258 = arith.constant 0 : i32
        %dma_wait3A_259 = tpu.memref_slice %arg4[%add3A_257, %dma_wait3A_258] : memref<819200x64xf32, #tpu.memory_space<hbm>> -> memref<256x64xf32, #tpu.memory_space<hbm>>
        %dma_wait3A_260 = arith.constant 0 : i32
        %dma_wait3A_261 = tpu.memref_slice %arg4[%add3A_257, %dma_wait3A_260] : memref<819200x64xf32, #tpu.memory_space<hbm>> -> memref<256x64xf32, #tpu.memory_space<hbm>>
        tpu.wait_dma2 semaphore(%arg15 : memref<!tpu.dma_semaphore, #tpu.memory_space<semaphore_mem>>) src(%arg7 : memref<256x64xf32, #tpu.memory_space<vmem>>) dst(%dma_wait3A_261 : memref<256x64xf32, #tpu.memory_space<hbm>>)
      } else {
      }
      %add3A_211 = arith.constant 2 : i32
      %add3A_212 = arith.addi %add3A_205, %add3A_211 : i32
      %lt3A_213 = arith.constant 100 : i32
      %lt3A_214 = arith.cmpi slt, %add3A_212, %lt3A_213 : i32
      %convert_element_type3A_215 = arith.extui %lt3A_214 : i1 to i32
      %cond3A_216 = arith.constant 0 : i32
      %cond3A_217 = arith.cmpi ne, %convert_element_type3A_215, %cond3A_216 : i32
      scf.if %cond3A_217 {
        %add3A_254 = arith.constant 2 : i32
        %add3A_255 = arith.addi %add3A_205, %add3A_254 : i32
        %mul3A_256 = arith.constant 256 : i32
        %mul3A_257 = arith.muli %add3A_255, %mul3A_256 : i32
        %add3A_258 = arith.constant 0 : i32
        %add3A_259 = arith.addi %mul3A_257, %add3A_258 : i32
        %dma_start3A_260 = arith.constant 0 : i32
        %dma_start3A_261 = arith.constant 0 : i32
        %dma_start3A_262 = tpu.memref_slice %arg7[%dma_start3A_260, %dma_start3A_261] : memref<256x64xf32, #tpu.memory_space<vmem>> -> memref<128x64xf32, #tpu.memory_space<vmem>>
        %dma_start3A_263 = tpu.memref_slice %arg5[%add3A_259] : memref<25600xi32, #tpu.memory_space<vmem>> -> memref<128xi32, #tpu.memory_space<vmem>>
        %dma_start3A_264 = arith.constant 0 : i32
        %dma_start3A_265 = arith.constant 0 : i32
        %dma_start3A_266 = tpu.memref_slice %arg3[%dma_start3A_264, %dma_start3A_265] : memref<1000000x64xf32, #tpu.memory_space<hbm>> -> memref<1000000x64xf32, #tpu.memory_space<hbm>>
        tpu.enqueue_indirect_dma source(%dma_start3A_266 : memref<1000000x64xf32, #tpu.memory_space<hbm>>) target(%dma_start3A_262 : memref<128x64xf32, #tpu.memory_space<vmem>>) offsets(%dma_start3A_263 : memref<128xi32, #tpu.memory_space<vmem>>) semaphore(%arg11 : memref<!tpu.dma_semaphore, #tpu.memory_space<semaphore_mem>>)
        %mul3A_267 = arith.constant 256 : i32
        %mul3A_268 = arith.muli %add3A_255, %mul3A_267 : i32
        %add3A_269 = arith.constant 128 : i32
        %add3A_270 = arith.addi %mul3A_268, %add3A_269 : i32
        %dma_start3A_271 = arith.constant 128 : i32
        %dma_start3A_272 = arith.constant 0 : i32
        %dma_start3A_273 = tpu.memref_slice %arg7[%dma_start3A_271, %dma_start3A_272] : memref<256x64xf32, #tpu.memory_space<vmem>> -> memref<128x64xf32, #tpu.memory_space<vmem>>
        %dma_start3A_274 = tpu.memref_slice %arg5[%add3A_270] : memref<25600xi32, #tpu.memory_space<vmem>> -> memref<128xi32, #tpu.memory_space<vmem>>
        %dma_start3A_275 = arith.constant 0 : i32
        %dma_start3A_276 = arith.constant 0 : i32
        %dma_start3A_277 = tpu.memref_slice %arg3[%dma_start3A_275, %dma_start3A_276] : memref<1000000x64xf32, #tpu.memory_space<hbm>> -> memref<1000000x64xf32, #tpu.memory_space<hbm>>
        tpu.enqueue_indirect_dma source(%dma_start3A_277 : memref<1000000x64xf32, #tpu.memory_space<hbm>>) target(%dma_start3A_273 : memref<128x64xf32, #tpu.memory_space<vmem>>) offsets(%dma_start3A_274 : memref<128xi32, #tpu.memory_space<vmem>>) semaphore(%arg11 : memref<!tpu.dma_semaphore, #tpu.memory_space<semaphore_mem>>)
      } else {
      }
      %mul3A_218 = arith.constant 256 : i32
      %mul3A_219 = arith.muli %add3A_205, %mul3A_218 : i32
      %add3A_220 = arith.constant 0 : i32
      %add3A_221 = arith.addi %mul3A_219, %add3A_220 : i32
      %dma_wait3A_222 = arith.constant 0 : i32
      %dma_wait3A_223 = arith.constant 0 : i32
      %dma_wait3A_224 = tpu.memref_slice %arg9[%dma_wait3A_222, %dma_wait3A_223] : memref<256x64xf32, #tpu.memory_space<vmem>> -> memref<128x64xf32, #tpu.memory_space<vmem>>
      %dma_wait3A_225 = tpu.memref_slice %arg5[%add3A_221] : memref<25600xi32, #tpu.memory_space<vmem>> -> memref<128xi32, #tpu.memory_space<vmem>>
      %dma_wait3A_226 = arith.constant 0 : i32
      %dma_wait3A_227 = arith.constant 0 : i32
      %dma_wait3A_228 = tpu.memref_slice %arg3[%dma_wait3A_226, %dma_wait3A_227] : memref<1000000x64xf32, #tpu.memory_space<hbm>> -> memref<1000000x64xf32, #tpu.memory_space<hbm>>
      tpu.wait_indirect_dma semaphore(%arg13 : memref<!tpu.dma_semaphore, #tpu.memory_space<semaphore_mem>>) src(%dma_wait3A_228 : memref<1000000x64xf32, #tpu.memory_space<hbm>>) dst(%dma_wait3A_224 : memref<128x64xf32, #tpu.memory_space<vmem>>)
      %mul3A_229 = arith.constant 256 : i32
      %mul3A_230 = arith.muli %add3A_205, %mul3A_229 : i32
      %add3A_231 = arith.constant 128 : i32
      %add3A_232 = arith.addi %mul3A_230, %add3A_231 : i32
      %dma_wait3A_233 = arith.constant 128 : i32
      %dma_wait3A_234 = arith.constant 0 : i32
      %dma_wait3A_235 = tpu.memref_slice %arg9[%dma_wait3A_233, %dma_wait3A_234] : memref<256x64xf32, #tpu.memory_space<vmem>> -> memref<128x64xf32, #tpu.memory_space<vmem>>
      %dma_wait3A_236 = tpu.memref_slice %arg5[%add3A_232] : memref<25600xi32, #tpu.memory_space<vmem>> -> memref<128xi32, #tpu.memory_space<vmem>>
      %dma_wait3A_237 = arith.constant 0 : i32
      %dma_wait3A_238 = arith.constant 0 : i32
      %dma_wait3A_239 = tpu.memref_slice %arg3[%dma_wait3A_237, %dma_wait3A_238] : memref<1000000x64xf32, #tpu.memory_space<hbm>> -> memref<1000000x64xf32, #tpu.memory_space<hbm>>
      tpu.wait_indirect_dma semaphore(%arg13 : memref<!tpu.dma_semaphore, #tpu.memory_space<semaphore_mem>>) src(%dma_wait3A_239 : memref<1000000x64xf32, #tpu.memory_space<hbm>>) dst(%dma_wait3A_235 : memref<128x64xf32, #tpu.memory_space<vmem>>)
      %iota3A_240 = tpu.iota {dimensions = array<i32: 0>} : vector<16xi32>
      %scan3A_241 = arith.constant 0 : i32
      %scan3A_242 = arith.constant 0 : i32
      %scan3A_243 = arith.constant 16 : i32
      %scan3A_244 = arith.addi %scan3A_242, %scan3A_243 : i32
      %scan3A_245 = arith.constant 1 : i32
      scf.for %scan3A_254 = %scan3A_242 to %scan3A_244 step %scan3A_245  : i32 {
        %mul3A_255 = arith.constant 16 : i32
        %mul3A_256 = arith.muli %scan3A_254, %mul3A_255 : i32
        %add3A_257 = arith.constant 0 : i32
        %add3A_258 = arith.addi %mul3A_256, %add3A_257 : i32
        %broadcast_in_dim3A = arith.constant 1.000000e+00 : f32
        %broadcast_in_dim3A_259 = vector.broadcast %broadcast_in_dim3A : f32 to vector<16xf32>
        %add3A_260 = arith.constant 0 : i32
        %add3A_261 = arith.addi %add3A_258, %add3A_260 : i32
        %get3A = arith.index_cast %add3A_261 : i32 to index
        %get3A_262 = arith.constant 0 : index
        %get3A_263 = tpu.vector_load %arg9[%get3A, %get3A_262] {strides = array<i32>} : memref<256x64xf32, #tpu.memory_space<vmem>>, vector<16xf32>,
        %get3A_264 = arith.index_cast %add3A_261 : i32 to index
        %get3A_265 = arith.constant 16 : index
        %get3A_266 = tpu.vector_load %arg9[%get3A_264, %get3A_265] {strides = array<i32>} : memref<256x64xf32, #tpu.memory_space<vmem>>, vector<16xf32>,
        %get3A_267 = arith.index_cast %add3A_261 : i32 to index
        %get3A_268 = arith.constant 32 : index
        %get3A_269 = tpu.vector_load %arg9[%get3A_267, %get3A_268] {strides = array<i32>} : memref<256x64xf32, #tpu.memory_space<vmem>>, vector<16xf32>,
        %get3A_270 = arith.index_cast %add3A_261 : i32 to index
        %get3A_271 = arith.constant 48 : index
        %get3A_272 = tpu.vector_load %arg9[%get3A_270, %get3A_271] {strides = array<i32>} : memref<256x64xf32, #tpu.memory_space<vmem>>, vector<16xf32>,
        %mul3A_273 = arith.mulf %get3A_263, %get3A_263 : vector<16xf32>
        %mul3A_274 = arith.mulf %get3A_266, %get3A_266 : vector<16xf32>
        %add3A_275 = arith.addf %mul3A_273, %mul3A_274 : vector<16xf32>
        %mul3A_276 = arith.mulf %get3A_269, %get3A_269 : vector<16xf32>
        %mul3A_277 = arith.mulf %get3A_272, %get3A_272 : vector<16xf32>
        %add3A_278 = arith.addf %mul3A_276, %mul3A_277 : vector<16xf32>
        %add3A_279 = arith.addf %add3A_275, %add3A_278 : vector<16xf32>
        %reduce_sum3A = arith.constant true
        %reduce_sum3A_280 = vector.broadcast %reduce_sum3A : i1 to vector<16xi1>
        %reduce_sum3A_281 = tpu.scan <sum>, %add3A_279 masked %reduce_sum3A_280 : vector<16xf32>, vector<16xi1> -> vector<16xf32>
        %reduce_sum3A_282 = vector.extract %reduce_sum3A_281[15] : f32 from vector<16xf32>
        %eq3A = arith.constant 0 : i32
        %eq3A_283 = vector.broadcast %eq3A : i32 to vector<16xi32>
        %eq3A_284 = arith.cmpi eq, %iota3A_240, %eq3A_283 : vector<16xi32>
        %broadcast_in_dim3A_285 = vector.broadcast %reduce_sum3A_282 : f32 to vector<16xf32>
        %select_n3A = arith.select %eq3A_284, %broadcast_in_dim3A_285, %broadcast_in_dim3A_259 : vector<16xi1>, vector<16xf32>
        %add3A_286 = arith.constant 1 : i32
        %add3A_287 = arith.addi %add3A_258, %add3A_286 : i32
        %get3A_288 = arith.index_cast %add3A_287 : i32 to index
        %get3A_289 = arith.constant 0 : index
        %get3A_290 = tpu.vector_load %arg9[%get3A_288, %get3A_289] {strides = array<i32>} : memref<256x64xf32, #tpu.memory_space<vmem>>, vector<16xf32>,
        %get3A_291 = arith.index_cast %add3A_287 : i32 to index
        %get3A_292 = arith.constant 16 : index
        %get3A_293 = tpu.vector_load %arg9[%get3A_291, %get3A_292] {strides = array<i32>} : memref<256x64xf32, #tpu.memory_space<vmem>>, vector<16xf32>,
        %get3A_294 = arith.index_cast %add3A_287 : i32 to index
        %get3A_295 = arith.constant 32 : index
        %get3A_296 = tpu.vector_load %arg9[%get3A_294, %get3A_295] {strides = array<i32>} : memref<256x64xf32, #tpu.memory_space<vmem>>, vector<16xf32>,
        %get3A_297 = arith.index_cast %add3A_287 : i32 to index
        %get3A_298 = arith.constant 48 : index
        %get3A_299 = tpu.vector_load %arg9[%get3A_297, %get3A_298] {strides = array<i32>} : memref<256x64xf32, #tpu.memory_space<vmem>>, vector<16xf32>,
        %mul3A_300 = arith.mulf %get3A_290, %get3A_290 : vector<16xf32>
        %mul3A_301 = arith.mulf %get3A_293, %get3A_293 : vector<16xf32>
        %add3A_302 = arith.addf %mul3A_300, %mul3A_301 : vector<16xf32>
        %mul3A_303 = arith.mulf %get3A_296, %get3A_296 : vector<16xf32>
        %mul3A_304 = arith.mulf %get3A_299, %get3A_299 : vector<16xf32>
        %add3A_305 = arith.addf %mul3A_303, %mul3A_304 : vector<16xf32>
        %add3A_306 = arith.addf %add3A_302, %add3A_305 : vector<16xf32>
        %reduce_sum3A_307 = arith.constant true
        %reduce_sum3A_308 = vector.broadcast %reduce_sum3A_307 : i1 to vector<16xi1>
        %reduce_sum3A_309 = tpu.scan <sum>, %add3A_306 masked %reduce_sum3A_308 : vector<16xf32>, vector<16xi1> -> vector<16xf32>
        %reduce_sum3A_310 = vector.extract %reduce_sum3A_309[15] : f32 from vector<16xf32>
        %eq3A_311 = arith.constant 1 : i32
        %eq3A_312 = vector.broadcast %eq3A_311 : i32 to vector<16xi32>
        %eq3A_313 = arith.cmpi eq, %iota3A_240, %eq3A_312 : vector<16xi32>
        %broadcast_in_dim3A_314 = vector.broadcast %reduce_sum3A_310 : f32 to vector<16xf32>
        %select_n3A_315 = arith.select %eq3A_313, %broadcast_in_dim3A_314, %select_n3A : vector<16xi1>, vector<16xf32>
        %add3A_316 = arith.constant 2 : i32
        %add3A_317 = arith.addi %add3A_258, %add3A_316 : i32
        %get3A_318 = arith.index_cast %add3A_317 : i32 to index
        %get3A_319 = arith.constant 0 : index
        %get3A_320 = tpu.vector_load %arg9[%get3A_318, %get3A_319] {strides = array<i32>} : memref<256x64xf32, #tpu.memory_space<vmem>>, vector<16xf32>,
        %get3A_321 = arith.index_cast %add3A_317 : i32 to index
        %get3A_322 = arith.constant 16 : index
        %get3A_323 = tpu.vector_load %arg9[%get3A_321, %get3A_322] {strides = array<i32>} : memref<256x64xf32, #tpu.memory_space<vmem>>, vector<16xf32>,
        %get3A_324 = arith.index_cast %add3A_317 : i32 to index
        %get3A_325 = arith.constant 32 : index
        %get3A_326 = tpu.vector_load %arg9[%get3A_324, %get3A_325] {strides = array<i32>} : memref<256x64xf32, #tpu.memory_space<vmem>>, vector<16xf32>,
        %get3A_327 = arith.index_cast %add3A_317 : i32 to index
        %get3A_328 = arith.constant 48 : index
        %get3A_329 = tpu.vector_load %arg9[%get3A_327, %get3A_328] {strides = array<i32>} : memref<256x64xf32, #tpu.memory_space<vmem>>, vector<16xf32>,
        %mul3A_330 = arith.mulf %get3A_320, %get3A_320 : vector<16xf32>
        %mul3A_331 = arith.mulf %get3A_323, %get3A_323 : vector<16xf32>
        %add3A_332 = arith.addf %mul3A_330, %mul3A_331 : vector<16xf32>
        %mul3A_333 = arith.mulf %get3A_326, %get3A_326 : vector<16xf32>
        %mul3A_334 = arith.mulf %get3A_329, %get3A_329 : vector<16xf32>
        %add3A_335 = arith.addf %mul3A_333, %mul3A_334 : vector<16xf32>
        %add3A_336 = arith.addf %add3A_332, %add3A_335 : vector<16xf32>
        %reduce_sum3A_337 = arith.constant true
        %reduce_sum3A_338 = vector.broadcast %reduce_sum3A_337 : i1 to vector<16xi1>
        %reduce_sum3A_339 = tpu.scan <sum>, %add3A_336 masked %reduce_sum3A_338 : vector<16xf32>, vector<16xi1> -> vector<16xf32>
        %reduce_sum3A_340 = vector.extract %reduce_sum3A_339[15] : f32 from vector<16xf32>
        %eq3A_341 = arith.constant 2 : i32
        %eq3A_342 = vector.broadcast %eq3A_341 : i32 to vector<16xi32>
        %eq3A_343 = arith.cmpi eq, %iota3A_240, %eq3A_342 : vector<16xi32>
        %broadcast_in_dim3A_344 = vector.broadcast %reduce_sum3A_340 : f32 to vector<16xf32>
        %select_n3A_345 = arith.select %eq3A_343, %broadcast_in_dim3A_344, %select_n3A_315 : vector<16xi1>, vector<16xf32>
        %add3A_346 = arith.constant 3 : i32
        %add3A_347 = arith.addi %add3A_258, %add3A_346 : i32
        %get3A_348 = arith.index_cast %add3A_347 : i32 to index
        %get3A_349 = arith.constant 0 : index
        %get3A_350 = tpu.vector_load %arg9[%get3A_348, %get3A_349] {strides = array<i32>} : memref<256x64xf32, #tpu.memory_space<vmem>>, vector<16xf32>,
        %get3A_351 = arith.index_cast %add3A_347 : i32 to index
        %get3A_352 = arith.constant 16 : index
        %get3A_353 = tpu.vector_load %arg9[%get3A_351, %get3A_352] {strides = array<i32>} : memref<256x64xf32, #tpu.memory_space<vmem>>, vector<16xf32>,
        %get3A_354 = arith.index_cast %add3A_347 : i32 to index
        %get3A_355 = arith.constant 32 : index
        %get3A_356 = tpu.vector_load %arg9[%get3A_354, %get3A_355] {strides = array<i32>} : memref<256x64xf32, #tpu.memory_space<vmem>>, vector<16xf32>,
        %get3A_357 = arith.index_cast %add3A_347 : i32 to index
        %get3A_358 = arith.constant 48 : index
        %get3A_359 = tpu.vector_load %arg9[%get3A_357, %get3A_358] {strides = array<i32>} : memref<256x64xf32, #tpu.memory_space<vmem>>, vector<16xf32>,
        %mul3A_360 = arith.mulf %get3A_350, %get3A_350 : vector<16xf32>
        %mul3A_361 = arith.mulf %get3A_353, %get3A_353 : vector<16xf32>
        %add3A_362 = arith.addf %mul3A_360, %mul3A_361 : vector<16xf32>
        %mul3A_363 = arith.mulf %get3A_356, %get3A_356 : vector<16xf32>
        %mul3A_364 = arith.mulf %get3A_359, %get3A_359 : vector<16xf32>
        %add3A_365 = arith.addf %mul3A_363, %mul3A_364 : vector<16xf32>
        %add3A_366 = arith.addf %add3A_362, %add3A_365 : vector<16xf32>
        %reduce_sum3A_367 = arith.constant true
        %reduce_sum3A_368 = vector.broadcast %reduce_sum3A_367 : i1 to vector<16xi1>
        %reduce_sum3A_369 = tpu.scan <sum>, %add3A_366 masked %reduce_sum3A_368 : vector<16xf32>, vector<16xi1> -> vector<16xf32>
        %reduce_sum3A_370 = vector.extract %reduce_sum3A_369[15] : f32 from vector<16xf32>
        %eq3A_371 = arith.constant 3 : i32
        %eq3A_372 = vector.broadcast %eq3A_371 : i32 to vector<16xi32>
        %eq3A_373 = arith.cmpi eq, %iota3A_240, %eq3A_372 : vector<16xi32>
        %broadcast_in_dim3A_374 = vector.broadcast %reduce_sum3A_370 : f32 to vector<16xf32>
        %select_n3A_375 = arith.select %eq3A_373, %broadcast_in_dim3A_374, %select_n3A_345 : vector<16xi1>, vector<16xf32>
        %max3A = arith.constant 1.000000e-24 : f32
        %max3A_376 = vector.broadcast %max3A : f32 to vector<16xf32>
        %max3A_377 = arith.maximumf %select_n3A_375, %max3A_376 : vector<16xf32>
        %bitcast3A = vector.bitcast %max3A_377 : vector<16xf32> to vector<16xi32>
        %broadcast_in_dim3A_378 = arith.constant 1597463007 : i32
        %broadcast_in_dim3A_379 = vector.broadcast %broadcast_in_dim3A_378 : i32 to vector<16xi32>
        %shift_right_arithmetic3A = arith.constant 1 : i32
        %shift_right_arithmetic3A_380 = vector.broadcast %shift_right_arithmetic3A : i32 to vector<16xi32>
        %shift_right_arithmetic3A_381 = arith.shrsi %bitcast3A, %shift_right_arithmetic3A_380 : vector<16xi32>
        %sub3A = arith.subi %broadcast_in_dim3A_379, %shift_right_arithmetic3A_381 : vector<16xi32>
        %bitcast3A_382 = vector.bitcast %sub3A : vector<16xi32> to vector<16xf32>
        %mul3A_383 = arith.constant 5.000000e-01 : f32
        %mul3A_384 = vector.broadcast %mul3A_383 : f32 to vector<16xf32>
        %mul3A_385 = arith.mulf %mul3A_384, %max3A_377 : vector<16xf32>
        %mul3A_386 = arith.mulf %mul3A_385, %bitcast3A_382 : vector<16xf32>
        %mul3A_387 = arith.mulf %mul3A_386, %bitcast3A_382 : vector<16xf32>
        %sub3A_388 = arith.constant 1.500000e+00 : f32
        %sub3A_389 = vector.broadcast %sub3A_388 : f32 to vector<16xf32>
        %sub3A_390 = arith.subf %sub3A_389, %mul3A_387 : vector<16xf32>
        %mul3A_391 = arith.mulf %bitcast3A_382, %sub3A_390 : vector<16xf32>
        %mul3A_392 = arith.constant 5.000000e-01 : f32
        %mul3A_393 = vector.broadcast %mul3A_392 : f32 to vector<16xf32>
        %mul3A_394 = arith.mulf %mul3A_393, %max3A_377 : vector<16xf32>
        %mul3A_395 = arith.mulf %mul3A_394, %mul3A_391 : vector<16xf32>
        %mul3A_396 = arith.mulf %mul3A_395, %mul3A_391 : vector<16xf32>
        %sub3A_397 = arith.constant 1.500000e+00 : f32
        %sub3A_398 = vector.broadcast %sub3A_397 : f32 to vector<16xf32>
        %sub3A_399 = arith.subf %sub3A_398, %mul3A_396 : vector<16xf32>
        %mul3A_400 = arith.mulf %mul3A_391, %sub3A_399 : vector<16xf32>
        %mul3A_401 = arith.constant 5.000000e-01 : f32
        %mul3A_402 = vector.broadcast %mul3A_401 : f32 to vector<16xf32>
        %mul3A_403 = arith.mulf %mul3A_402, %max3A_377 : vector<16xf32>
        %mul3A_404 = arith.mulf %mul3A_403, %mul3A_400 : vector<16xf32>
        %mul3A_405 = arith.mulf %mul3A_404, %mul3A_400 : vector<16xf32>
        %sub3A_406 = arith.constant 1.500000e+00 : f32
        %sub3A_407 = vector.broadcast %sub3A_406 : f32 to vector<16xf32>
        %sub3A_408 = arith.subf %sub3A_407, %mul3A_405 : vector<16xf32>
        %mul3A_409 = arith.mulf %mul3A_400, %sub3A_408 : vector<16xf32>
        %mul3A_410 = arith.constant 8.000000e+00 : f32
        %mul3A_411 = vector.broadcast %mul3A_410 : f32 to vector<16xf32>
        %mul3A_412 = arith.mulf %mul3A_409, %mul3A_411 : vector<16xf32>
        %broadcast_in_dim3A_413 = arith.constant 0 : i32
        %broadcast_in_dim3A_414 = vector.broadcast %broadcast_in_dim3A_413 : i32 to vector<16x1xi32>
        %gather3A = vector.shape_cast %broadcast_in_dim3A_414 : vector<16x1xi32> to vector<16xi32>
        %gather3A_415 = tpu.dynamic_gather %mul3A_412[%gather3A] in [0] : vector<16xf32>, vector<16xi32> -> vector<16xf32>
        %mul3A_416 = arith.mulf %get3A_263, %gather3A_415 : vector<16xf32>
        %swap3A = arith.index_cast %add3A_261 : i32 to index
        %swap3A_417 = arith.constant 0 : index
        %swap3A_418 = tpu.vector_load %arg9[%swap3A, %swap3A_417] {strides = array<i32>} : memref<256x64xf32, #tpu.memory_space<vmem>>, vector<16xf32>,
        tpu.vector_store %arg9[%swap3A, %swap3A_417], %mul3A_416 {strides = array<i32>} : memref<256x64xf32, #tpu.memory_space<vmem>>, vector<16xf32>,
        %mul3A_419 = arith.mulf %get3A_266, %gather3A_415 : vector<16xf32>
        %swap3A_420 = arith.index_cast %add3A_261 : i32 to index
        %swap3A_421 = arith.constant 16 : index
        %swap3A_422 = tpu.vector_load %arg9[%swap3A_420, %swap3A_421] {strides = array<i32>} : memref<256x64xf32, #tpu.memory_space<vmem>>, vector<16xf32>,
        tpu.vector_store %arg9[%swap3A_420, %swap3A_421], %mul3A_419 {strides = array<i32>} : memref<256x64xf32, #tpu.memory_space<vmem>>, vector<16xf32>,
        %mul3A_423 = arith.mulf %get3A_269, %gather3A_415 : vector<16xf32>
        %swap3A_424 = arith.index_cast %add3A_261 : i32 to index
        %swap3A_425 = arith.constant 32 : index
        %swap3A_426 = tpu.vector_load %arg9[%swap3A_424, %swap3A_425] {strides = array<i32>} : memref<256x64xf32, #tpu.memory_space<vmem>>, vector<16xf32>,
        tpu.vector_store %arg9[%swap3A_424, %swap3A_425], %mul3A_423 {strides = array<i32>} : memref<256x64xf32, #tpu.memory_space<vmem>>, vector<16xf32>,
        %mul3A_427 = arith.mulf %get3A_272, %gather3A_415 : vector<16xf32>
        %swap3A_428 = arith.index_cast %add3A_261 : i32 to index
        %swap3A_429 = arith.constant 48 : index
        %swap3A_430 = tpu.vector_load %arg9[%swap3A_428, %swap3A_429] {strides = array<i32>} : memref<256x64xf32, #tpu.memory_space<vmem>>, vector<16xf32>,
        tpu.vector_store %arg9[%swap3A_428, %swap3A_429], %mul3A_427 {strides = array<i32>} : memref<256x64xf32, #tpu.memory_space<vmem>>, vector<16xf32>,
        %broadcast_in_dim3A_431 = arith.constant 1 : i32
        %broadcast_in_dim3A_432 = vector.broadcast %broadcast_in_dim3A_431 : i32 to vector<16x1xi32>
        %gather3A_433 = vector.shape_cast %broadcast_in_dim3A_432 : vector<16x1xi32> to vector<16xi32>
        %gather3A_434 = tpu.dynamic_gather %mul3A_412[%gather3A_433] in [0] : vector<16xf32>, vector<16xi32> -> vector<16xf32>
        %mul3A_435 = arith.mulf %get3A_290, %gather3A_434 : vector<16xf32>
        %swap3A_436 = arith.index_cast %add3A_287 : i32 to index
        %swap3A_437 = arith.constant 0 : index
        %swap3A_438 = tpu.vector_load %arg9[%swap3A_436, %swap3A_437] {strides = array<i32>} : memref<256x64xf32, #tpu.memory_space<vmem>>, vector<16xf32>,
        tpu.vector_store %arg9[%swap3A_436, %swap3A_437], %mul3A_435 {strides = array<i32>} : memref<256x64xf32, #tpu.memory_space<vmem>>, vector<16xf32>,
        %mul3A_439 = arith.mulf %get3A_293, %gather3A_434 : vector<16xf32>
        %swap3A_440 = arith.index_cast %add3A_287 : i32 to index
        %swap3A_441 = arith.constant 16 : index
        %swap3A_442 = tpu.vector_load %arg9[%swap3A_440, %swap3A_441] {strides = array<i32>} : memref<256x64xf32, #tpu.memory_space<vmem>>, vector<16xf32>,
        tpu.vector_store %arg9[%swap3A_440, %swap3A_441], %mul3A_439 {strides = array<i32>} : memref<256x64xf32, #tpu.memory_space<vmem>>, vector<16xf32>,
        %mul3A_443 = arith.mulf %get3A_296, %gather3A_434 : vector<16xf32>
        %swap3A_444 = arith.index_cast %add3A_287 : i32 to index
        %swap3A_445 = arith.constant 32 : index
        %swap3A_446 = tpu.vector_load %arg9[%swap3A_444, %swap3A_445] {strides = array<i32>} : memref<256x64xf32, #tpu.memory_space<vmem>>, vector<16xf32>,
        tpu.vector_store %arg9[%swap3A_444, %swap3A_445], %mul3A_443 {strides = array<i32>} : memref<256x64xf32, #tpu.memory_space<vmem>>, vector<16xf32>,
        %mul3A_447 = arith.mulf %get3A_299, %gather3A_434 : vector<16xf32>
        %swap3A_448 = arith.index_cast %add3A_287 : i32 to index
        %swap3A_449 = arith.constant 48 : index
        %swap3A_450 = tpu.vector_load %arg9[%swap3A_448, %swap3A_449] {strides = array<i32>} : memref<256x64xf32, #tpu.memory_space<vmem>>, vector<16xf32>,
        tpu.vector_store %arg9[%swap3A_448, %swap3A_449], %mul3A_447 {strides = array<i32>} : memref<256x64xf32, #tpu.memory_space<vmem>>, vector<16xf32>,
        %broadcast_in_dim3A_451 = arith.constant 2 : i32
        %broadcast_in_dim3A_452 = vector.broadcast %broadcast_in_dim3A_451 : i32 to vector<16x1xi32>
        %gather3A_453 = vector.shape_cast %broadcast_in_dim3A_452 : vector<16x1xi32> to vector<16xi32>
        %gather3A_454 = tpu.dynamic_gather %mul3A_412[%gather3A_453] in [0] : vector<16xf32>, vector<16xi32> -> vector<16xf32>
        %mul3A_455 = arith.mulf %get3A_320, %gather3A_454 : vector<16xf32>
        %swap3A_456 = arith.index_cast %add3A_317 : i32 to index
        %swap3A_457 = arith.constant 0 : index
        %swap3A_458 = tpu.vector_load %arg9[%swap3A_456, %swap3A_457] {strides = array<i32>} : memref<256x64xf32, #tpu.memory_space<vmem>>, vector<16xf32>,
        tpu.vector_store %arg9[%swap3A_456, %swap3A_457], %mul3A_455 {strides = array<i32>} : memref<256x64xf32, #tpu.memory_space<vmem>>, vector<16xf32>,
        %mul3A_459 = arith.mulf %get3A_323, %gather3A_454 : vector<16xf32>
        %swap3A_460 = arith.index_cast %add3A_317 : i32 to index
        %swap3A_461 = arith.constant 16 : index
        %swap3A_462 = tpu.vector_load %arg9[%swap3A_460, %swap3A_461] {strides = array<i32>} : memref<256x64xf32, #tpu.memory_space<vmem>>, vector<16xf32>,
        tpu.vector_store %arg9[%swap3A_460, %swap3A_461], %mul3A_459 {strides = array<i32>} : memref<256x64xf32, #tpu.memory_space<vmem>>, vector<16xf32>,
        %mul3A_463 = arith.mulf %get3A_326, %gather3A_454 : vector<16xf32>
        %swap3A_464 = arith.index_cast %add3A_317 : i32 to index
        %swap3A_465 = arith.constant 32 : index
        %swap3A_466 = tpu.vector_load %arg9[%swap3A_464, %swap3A_465] {strides = array<i32>} : memref<256x64xf32, #tpu.memory_space<vmem>>, vector<16xf32>,
        tpu.vector_store %arg9[%swap3A_464, %swap3A_465], %mul3A_463 {strides = array<i32>} : memref<256x64xf32, #tpu.memory_space<vmem>>, vector<16xf32>,
        %mul3A_467 = arith.mulf %get3A_329, %gather3A_454 : vector<16xf32>
        %swap3A_468 = arith.index_cast %add3A_317 : i32 to index
        %swap3A_469 = arith.constant 48 : index
        %swap3A_470 = tpu.vector_load %arg9[%swap3A_468, %swap3A_469] {strides = array<i32>} : memref<256x64xf32, #tpu.memory_space<vmem>>, vector<16xf32>,
        tpu.vector_store %arg9[%swap3A_468, %swap3A_469], %mul3A_467 {strides = array<i32>} : memref<256x64xf32, #tpu.memory_space<vmem>>, vector<16xf32>,
        %broadcast_in_dim3A_471 = arith.constant 3 : i32
        %broadcast_in_dim3A_472 = vector.broadcast %broadcast_in_dim3A_471 : i32 to vector<16x1xi32>
        %gather3A_473 = vector.shape_cast %broadcast_in_dim3A_472 : vector<16x1xi32> to vector<16xi32>
        %gather3A_474 = tpu.dynamic_gather %mul3A_412[%gather3A_473] in [0] : vector<16xf32>, vector<16xi32> -> vector<16xf32>
        %mul3A_475 = arith.mulf %get3A_350, %gather3A_474 : vector<16xf32>
        %swap3A_476 = arith.index_cast %add3A_347 : i32 to index
        %swap3A_477 = arith.constant 0 : index
        %swap3A_478 = tpu.vector_load %arg9[%swap3A_476, %swap3A_477] {strides = array<i32>} : memref<256x64xf32, #tpu.memory_space<vmem>>, vector<16xf32>,
        tpu.vector_store %arg9[%swap3A_476, %swap3A_477], %mul3A_475 {strides = array<i32>} : memref<256x64xf32, #tpu.memory_space<vmem>>, vector<16xf32>,
        %mul3A_479 = arith.mulf %get3A_353, %gather3A_474 : vector<16xf32>
        %swap3A_480 = arith.index_cast %add3A_347 : i32 to index
        %swap3A_481 = arith.constant 16 : index
        %swap3A_482 = tpu.vector_load %arg9[%swap3A_480, %swap3A_481] {strides = array<i32>} : memref<256x64xf32, #tpu.memory_space<vmem>>, vector<16xf32>,
        tpu.vector_store %arg9[%swap3A_480, %swap3A_481], %mul3A_479 {strides = array<i32>} : memref<256x64xf32, #tpu.memory_space<vmem>>, vector<16xf32>,
        %mul3A_483 = arith.mulf %get3A_356, %gather3A_474 : vector<16xf32>
        %swap3A_484 = arith.index_cast %add3A_347 : i32 to index
        %swap3A_485 = arith.constant 32 : index
        %swap3A_486 = tpu.vector_load %arg9[%swap3A_484, %swap3A_485] {strides = array<i32>} : memref<256x64xf32, #tpu.memory_space<vmem>>, vector<16xf32>,
        tpu.vector_store %arg9[%swap3A_484, %swap3A_485], %mul3A_483 {strides = array<i32>} : memref<256x64xf32, #tpu.memory_space<vmem>>, vector<16xf32>,
        %mul3A_487 = arith.mulf %get3A_359, %gather3A_474 : vector<16xf32>
        %swap3A_488 = arith.index_cast %add3A_347 : i32 to index
        %swap3A_489 = arith.constant 48 : index
        %swap3A_490 = tpu.vector_load %arg9[%swap3A_488, %swap3A_489] {strides = array<i32>} : memref<256x64xf32, #tpu.memory_space<vmem>>, vector<16xf32>,
        tpu.vector_store %arg9[%swap3A_488, %swap3A_489], %mul3A_487 {strides = array<i32>} : memref<256x64xf32, #tpu.memory_space<vmem>>, vector<16xf32>,
        %add3A_491 = arith.constant 4 : i32
        %add3A_492 = arith.addi %mul3A_256, %add3A_491 : i32
        %broadcast_in_dim3A_493 = arith.constant 1.000000e+00 : f32
        %broadcast_in_dim3A_494 = vector.broadcast %broadcast_in_dim3A_493 : f32 to vector<16xf32>
        %add3A_495 = arith.constant 0 : i32
        %add3A_496 = arith.addi %add3A_492, %add3A_495 : i32
        %get3A_497 = arith.index_cast %add3A_496 : i32 to index
        %get3A_498 = arith.constant 0 : index
        %get3A_499 = tpu.vector_load %arg9[%get3A_497, %get3A_498] {strides = array<i32>} : memref<256x64xf32, #tpu.memory_space<vmem>>, vector<16xf32>,
        %get3A_500 = arith.index_cast %add3A_496 : i32 to index
        %get3A_501 = arith.constant 16 : index
        %get3A_502 = tpu.vector_load %arg9[%get3A_500, %get3A_501] {strides = array<i32>} : memref<256x64xf32, #tpu.memory_space<vmem>>, vector<16xf32>,
        %get3A_503 = arith.index_cast %add3A_496 : i32 to index
        %get3A_504 = arith.constant 32 : index
        %get3A_505 = tpu.vector_load %arg9[%get3A_503, %get3A_504] {strides = array<i32>} : memref<256x64xf32, #tpu.memory_space<vmem>>, vector<16xf32>,
        %get3A_506 = arith.index_cast %add3A_496 : i32 to index
        %get3A_507 = arith.constant 48 : index
        %get3A_508 = tpu.vector_load %arg9[%get3A_506, %get3A_507] {strides = array<i32>} : memref<256x64xf32, #tpu.memory_space<vmem>>, vector<16xf32>,
        %mul3A_509 = arith.mulf %get3A_499, %get3A_499 : vector<16xf32>
        %mul3A_510 = arith.mulf %get3A_502, %get3A_502 : vector<16xf32>
        %add3A_511 = arith.addf %mul3A_509, %mul3A_510 : vector<16xf32>
        %mul3A_512 = arith.mulf %get3A_505, %get3A_505 : vector<16xf32>
        %mul3A_513 = arith.mulf %get3A_508, %get3A_508 : vector<16xf32>
        %add3A_514 = arith.addf %mul3A_512, %mul3A_513 : vector<16xf32>
        %add3A_515 = arith.addf %add3A_511, %add3A_514 : vector<16xf32>
        %reduce_sum3A_516 = arith.constant true
        %reduce_sum3A_517 = vector.broadcast %reduce_sum3A_516 : i1 to vector<16xi1>
        %reduce_sum3A_518 = tpu.scan <sum>, %add3A_515 masked %reduce_sum3A_517 : vector<16xf32>, vector<16xi1> -> vector<16xf32>
        %reduce_sum3A_519 = vector.extract %reduce_sum3A_518[15] : f32 from vector<16xf32>
        %eq3A_520 = arith.constant 0 : i32
        %eq3A_521 = vector.broadcast %eq3A_520 : i32 to vector<16xi32>
        %eq3A_522 = arith.cmpi eq, %iota3A_240, %eq3A_521 : vector<16xi32>
        %broadcast_in_dim3A_523 = vector.broadcast %reduce_sum3A_519 : f32 to vector<16xf32>
        %select_n3A_524 = arith.select %eq3A_522, %broadcast_in_dim3A_523, %broadcast_in_dim3A_494 : vector<16xi1>, vector<16xf32>
        %add3A_525 = arith.constant 1 : i32
        %add3A_526 = arith.addi %add3A_492, %add3A_525 : i32
        %get3A_527 = arith.index_cast %add3A_526 : i32 to index
        %get3A_528 = arith.constant 0 : index
        %get3A_529 = tpu.vector_load %arg9[%get3A_527, %get3A_528] {strides = array<i32>} : memref<256x64xf32, #tpu.memory_space<vmem>>, vector<16xf32>,
        %get3A_530 = arith.index_cast %add3A_526 : i32 to index
        %get3A_531 = arith.constant 16 : index
        %get3A_532 = tpu.vector_load %arg9[%get3A_530, %get3A_531] {strides = array<i32>} : memref<256x64xf32, #tpu.memory_space<vmem>>, vector<16xf32>,
        %get3A_533 = arith.index_cast %add3A_526 : i32 to index
        %get3A_534 = arith.constant 32 : index
        %get3A_535 = tpu.vector_load %arg9[%get3A_533, %get3A_534] {strides = array<i32>} : memref<256x64xf32, #tpu.memory_space<vmem>>, vector<16xf32>,
        %get3A_536 = arith.index_cast %add3A_526 : i32 to index
        %get3A_537 = arith.constant 48 : index
        %get3A_538 = tpu.vector_load %arg9[%get3A_536, %get3A_537] {strides = array<i32>} : memref<256x64xf32, #tpu.memory_space<vmem>>, vector<16xf32>,
        %mul3A_539 = arith.mulf %get3A_529, %get3A_529 : vector<16xf32>
        %mul3A_540 = arith.mulf %get3A_532, %get3A_532 : vector<16xf32>
        %add3A_541 = arith.addf %mul3A_539, %mul3A_540 : vector<16xf32>
        %mul3A_542 = arith.mulf %get3A_535, %get3A_535 : vector<16xf32>
        %mul3A_543 = arith.mulf %get3A_538, %get3A_538 : vector<16xf32>
        %add3A_544 = arith.addf %mul3A_542, %mul3A_543 : vector<16xf32>
        %add3A_545 = arith.addf %add3A_541, %add3A_544 : vector<16xf32>
        %reduce_sum3A_546 = arith.constant true
        %reduce_sum3A_547 = vector.broadcast %reduce_sum3A_546 : i1 to vector<16xi1>
        %reduce_sum3A_548 = tpu.scan <sum>, %add3A_545 masked %reduce_sum3A_547 : vector<16xf32>, vector<16xi1> -> vector<16xf32>
        %reduce_sum3A_549 = vector.extract %reduce_sum3A_548[15] : f32 from vector<16xf32>
        %eq3A_550 = arith.constant 1 : i32
        %eq3A_551 = vector.broadcast %eq3A_550 : i32 to vector<16xi32>
        %eq3A_552 = arith.cmpi eq, %iota3A_240, %eq3A_551 : vector<16xi32>
        %broadcast_in_dim3A_553 = vector.broadcast %reduce_sum3A_549 : f32 to vector<16xf32>
        %select_n3A_554 = arith.select %eq3A_552, %broadcast_in_dim3A_553, %select_n3A_524 : vector<16xi1>, vector<16xf32>
        %add3A_555 = arith.constant 2 : i32
        %add3A_556 = arith.addi %add3A_492, %add3A_555 : i32
        %get3A_557 = arith.index_cast %add3A_556 : i32 to index
        %get3A_558 = arith.constant 0 : index
        %get3A_559 = tpu.vector_load %arg9[%get3A_557, %get3A_558] {strides = array<i32>} : memref<256x64xf32, #tpu.memory_space<vmem>>, vector<16xf32>,
        %get3A_560 = arith.index_cast %add3A_556 : i32 to index
        %get3A_561 = arith.constant 16 : index
        %get3A_562 = tpu.vector_load %arg9[%get3A_560, %get3A_561] {strides = array<i32>} : memref<256x64xf32, #tpu.memory_space<vmem>>, vector<16xf32>,
        %get3A_563 = arith.index_cast %add3A_556 : i32 to index
        %get3A_564 = arith.constant 32 : index
        %get3A_565 = tpu.vector_load %arg9[%get3A_563, %get3A_564] {strides = array<i32>} : memref<256x64xf32, #tpu.memory_space<vmem>>, vector<16xf32>,
        %get3A_566 = arith.index_cast %add3A_556 : i32 to index
        %get3A_567 = arith.constant 48 : index
        %get3A_568 = tpu.vector_load %arg9[%get3A_566, %get3A_567] {strides = array<i32>} : memref<256x64xf32, #tpu.memory_space<vmem>>, vector<16xf32>,
        %mul3A_569 = arith.mulf %get3A_559, %get3A_559 : vector<16xf32>
        %mul3A_570 = arith.mulf %get3A_562, %get3A_562 : vector<16xf32>
        %add3A_571 = arith.addf %mul3A_569, %mul3A_570 : vector<16xf32>
        %mul3A_572 = arith.mulf %get3A_565, %get3A_565 : vector<16xf32>
        %mul3A_573 = arith.mulf %get3A_568, %get3A_568 : vector<16xf32>
        %add3A_574 = arith.addf %mul3A_572, %mul3A_573 : vector<16xf32>
        %add3A_575 = arith.addf %add3A_571, %add3A_574 : vector<16xf32>
        %reduce_sum3A_576 = arith.constant true
        %reduce_sum3A_577 = vector.broadcast %reduce_sum3A_576 : i1 to vector<16xi1>
        %reduce_sum3A_578 = tpu.scan <sum>, %add3A_575 masked %reduce_sum3A_577 : vector<16xf32>, vector<16xi1> -> vector<16xf32>
        %reduce_sum3A_579 = vector.extract %reduce_sum3A_578[15] : f32 from vector<16xf32>
        %eq3A_580 = arith.constant 2 : i32
        %eq3A_581 = vector.broadcast %eq3A_580 : i32 to vector<16xi32>
        %eq3A_582 = arith.cmpi eq, %iota3A_240, %eq3A_581 : vector<16xi32>
        %broadcast_in_dim3A_583 = vector.broadcast %reduce_sum3A_579 : f32 to vector<16xf32>
        %select_n3A_584 = arith.select %eq3A_582, %broadcast_in_dim3A_583, %select_n3A_554 : vector<16xi1>, vector<16xf32>
        %add3A_585 = arith.constant 3 : i32
        %add3A_586 = arith.addi %add3A_492, %add3A_585 : i32
        %get3A_587 = arith.index_cast %add3A_586 : i32 to index
        %get3A_588 = arith.constant 0 : index
        %get3A_589 = tpu.vector_load %arg9[%get3A_587, %get3A_588] {strides = array<i32>} : memref<256x64xf32, #tpu.memory_space<vmem>>, vector<16xf32>,
        %get3A_590 = arith.index_cast %add3A_586 : i32 to index
        %get3A_591 = arith.constant 16 : index
        %get3A_592 = tpu.vector_load %arg9[%get3A_590, %get3A_591] {strides = array<i32>} : memref<256x64xf32, #tpu.memory_space<vmem>>, vector<16xf32>,
        %get3A_593 = arith.index_cast %add3A_586 : i32 to index
        %get3A_594 = arith.constant 32 : index
        %get3A_595 = tpu.vector_load %arg9[%get3A_593, %get3A_594] {strides = array<i32>} : memref<256x64xf32, #tpu.memory_space<vmem>>, vector<16xf32>,
        %get3A_596 = arith.index_cast %add3A_586 : i32 to index
        %get3A_597 = arith.constant 48 : index
        %get3A_598 = tpu.vector_load %arg9[%get3A_596, %get3A_597] {strides = array<i32>} : memref<256x64xf32, #tpu.memory_space<vmem>>, vector<16xf32>,
        %mul3A_599 = arith.mulf %get3A_589, %get3A_589 : vector<16xf32>
        %mul3A_600 = arith.mulf %get3A_592, %get3A_592 : vector<16xf32>
        %add3A_601 = arith.addf %mul3A_599, %mul3A_600 : vector<16xf32>
        %mul3A_602 = arith.mulf %get3A_595, %get3A_595 : vector<16xf32>
        %mul3A_603 = arith.mulf %get3A_598, %get3A_598 : vector<16xf32>
        %add3A_604 = arith.addf %mul3A_602, %mul3A_603 : vector<16xf32>
        %add3A_605 = arith.addf %add3A_601, %add3A_604 : vector<16xf32>
        %reduce_sum3A_606 = arith.constant true
        %reduce_sum3A_607 = vector.broadcast %reduce_sum3A_606 : i1 to vector<16xi1>
        %reduce_sum3A_608 = tpu.scan <sum>, %add3A_605 masked %reduce_sum3A_607 : vector<16xf32>, vector<16xi1> -> vector<16xf32>
        %reduce_sum3A_609 = vector.extract %reduce_sum3A_608[15] : f32 from vector<16xf32>
        %eq3A_610 = arith.constant 3 : i32
        %eq3A_611 = vector.broadcast %eq3A_610 : i32 to vector<16xi32>
        %eq3A_612 = arith.cmpi eq, %iota3A_240, %eq3A_611 : vector<16xi32>
        %broadcast_in_dim3A_613 = vector.broadcast %reduce_sum3A_609 : f32 to vector<16xf32>
        %select_n3A_614 = arith.select %eq3A_612, %broadcast_in_dim3A_613, %select_n3A_584 : vector<16xi1>, vector<16xf32>
        %max3A_615 = arith.constant 1.000000e-24 : f32
        %max3A_616 = vector.broadcast %max3A_615 : f32 to vector<16xf32>
        %max3A_617 = arith.maximumf %select_n3A_614, %max3A_616 : vector<16xf32>
        %bitcast3A_618 = vector.bitcast %max3A_617 : vector<16xf32> to vector<16xi32>
        %broadcast_in_dim3A_619 = arith.constant 1597463007 : i32
        %broadcast_in_dim3A_620 = vector.broadcast %broadcast_in_dim3A_619 : i32 to vector<16xi32>
        %shift_right_arithmetic3A_621 = arith.constant 1 : i32
        %shift_right_arithmetic3A_622 = vector.broadcast %shift_right_arithmetic3A_621 : i32 to vector<16xi32>
        %shift_right_arithmetic3A_623 = arith.shrsi %bitcast3A_618, %shift_right_arithmetic3A_622 : vector<16xi32>
        %sub3A_624 = arith.subi %broadcast_in_dim3A_620, %shift_right_arithmetic3A_623 : vector<16xi32>
        %bitcast3A_625 = vector.bitcast %sub3A_624 : vector<16xi32> to vector<16xf32>
        %mul3A_626 = arith.constant 5.000000e-01 : f32
        %mul3A_627 = vector.broadcast %mul3A_626 : f32 to vector<16xf32>
        %mul3A_628 = arith.mulf %mul3A_627, %max3A_617 : vector<16xf32>
        %mul3A_629 = arith.mulf %mul3A_628, %bitcast3A_625 : vector<16xf32>
        %mul3A_630 = arith.mulf %mul3A_629, %bitcast3A_625 : vector<16xf32>
        %sub3A_631 = arith.constant 1.500000e+00 : f32
        %sub3A_632 = vector.broadcast %sub3A_631 : f32 to vector<16xf32>
        %sub3A_633 = arith.subf %sub3A_632, %mul3A_630 : vector<16xf32>
        %mul3A_634 = arith.mulf %bitcast3A_625, %sub3A_633 : vector<16xf32>
        %mul3A_635 = arith.constant 5.000000e-01 : f32
        %mul3A_636 = vector.broadcast %mul3A_635 : f32 to vector<16xf32>
        %mul3A_637 = arith.mulf %mul3A_636, %max3A_617 : vector<16xf32>
        %mul3A_638 = arith.mulf %mul3A_637, %mul3A_634 : vector<16xf32>
        %mul3A_639 = arith.mulf %mul3A_638, %mul3A_634 : vector<16xf32>
        %sub3A_640 = arith.constant 1.500000e+00 : f32
        %sub3A_641 = vector.broadcast %sub3A_640 : f32 to vector<16xf32>
        %sub3A_642 = arith.subf %sub3A_641, %mul3A_639 : vector<16xf32>
        %mul3A_643 = arith.mulf %mul3A_634, %sub3A_642 : vector<16xf32>
        %mul3A_644 = arith.constant 5.000000e-01 : f32
        %mul3A_645 = vector.broadcast %mul3A_644 : f32 to vector<16xf32>
        %mul3A_646 = arith.mulf %mul3A_645, %max3A_617 : vector<16xf32>
        %mul3A_647 = arith.mulf %mul3A_646, %mul3A_643 : vector<16xf32>
        %mul3A_648 = arith.mulf %mul3A_647, %mul3A_643 : vector<16xf32>
        %sub3A_649 = arith.constant 1.500000e+00 : f32
        %sub3A_650 = vector.broadcast %sub3A_649 : f32 to vector<16xf32>
        %sub3A_651 = arith.subf %sub3A_650, %mul3A_648 : vector<16xf32>
        %mul3A_652 = arith.mulf %mul3A_643, %sub3A_651 : vector<16xf32>
        %mul3A_653 = arith.constant 8.000000e+00 : f32
        %mul3A_654 = vector.broadcast %mul3A_653 : f32 to vector<16xf32>
        %mul3A_655 = arith.mulf %mul3A_652, %mul3A_654 : vector<16xf32>
        %broadcast_in_dim3A_656 = arith.constant 0 : i32
        %broadcast_in_dim3A_657 = vector.broadcast %broadcast_in_dim3A_656 : i32 to vector<16x1xi32>
        %gather3A_658 = vector.shape_cast %broadcast_in_dim3A_657 : vector<16x1xi32> to vector<16xi32>
        %gather3A_659 = tpu.dynamic_gather %mul3A_655[%gather3A_658] in [0] : vector<16xf32>, vector<16xi32> -> vector<16xf32>
        %mul3A_660 = arith.mulf %get3A_499, %gather3A_659 : vector<16xf32>
        %swap3A_661 = arith.index_cast %add3A_496 : i32 to index
        %swap3A_662 = arith.constant 0 : index
        %swap3A_663 = tpu.vector_load %arg9[%swap3A_661, %swap3A_662] {strides = array<i32>} : memref<256x64xf32, #tpu.memory_space<vmem>>, vector<16xf32>,
        tpu.vector_store %arg9[%swap3A_661, %swap3A_662], %mul3A_660 {strides = array<i32>} : memref<256x64xf32, #tpu.memory_space<vmem>>, vector<16xf32>,
        %mul3A_664 = arith.mulf %get3A_502, %gather3A_659 : vector<16xf32>
        %swap3A_665 = arith.index_cast %add3A_496 : i32 to index
        %swap3A_666 = arith.constant 16 : index
        %swap3A_667 = tpu.vector_load %arg9[%swap3A_665, %swap3A_666] {strides = array<i32>} : memref<256x64xf32, #tpu.memory_space<vmem>>, vector<16xf32>,
        tpu.vector_store %arg9[%swap3A_665, %swap3A_666], %mul3A_664 {strides = array<i32>} : memref<256x64xf32, #tpu.memory_space<vmem>>, vector<16xf32>,
        %mul3A_668 = arith.mulf %get3A_505, %gather3A_659 : vector<16xf32>
        %swap3A_669 = arith.index_cast %add3A_496 : i32 to index
        %swap3A_670 = arith.constant 32 : index
        %swap3A_671 = tpu.vector_load %arg9[%swap3A_669, %swap3A_670] {strides = array<i32>} : memref<256x64xf32, #tpu.memory_space<vmem>>, vector<16xf32>,
        tpu.vector_store %arg9[%swap3A_669, %swap3A_670], %mul3A_668 {strides = array<i32>} : memref<256x64xf32, #tpu.memory_space<vmem>>, vector<16xf32>,
        %mul3A_672 = arith.mulf %get3A_508, %gather3A_659 : vector<16xf32>
        %swap3A_673 = arith.index_cast %add3A_496 : i32 to index
        %swap3A_674 = arith.constant 48 : index
        %swap3A_675 = tpu.vector_load %arg9[%swap3A_673, %swap3A_674] {strides = array<i32>} : memref<256x64xf32, #tpu.memory_space<vmem>>, vector<16xf32>,
        tpu.vector_store %arg9[%swap3A_673, %swap3A_674], %mul3A_672 {strides = array<i32>} : memref<256x64xf32, #tpu.memory_space<vmem>>, vector<16xf32>,
        %broadcast_in_dim3A_676 = arith.constant 1 : i32
        %broadcast_in_dim3A_677 = vector.broadcast %broadcast_in_dim3A_676 : i32 to vector<16x1xi32>
        %gather3A_678 = vector.shape_cast %broadcast_in_dim3A_677 : vector<16x1xi32> to vector<16xi32>
        %gather3A_679 = tpu.dynamic_gather %mul3A_655[%gather3A_678] in [0] : vector<16xf32>, vector<16xi32> -> vector<16xf32>
        %mul3A_680 = arith.mulf %get3A_529, %gather3A_679 : vector<16xf32>
        %swap3A_681 = arith.index_cast %add3A_526 : i32 to index
        %swap3A_682 = arith.constant 0 : index
        %swap3A_683 = tpu.vector_load %arg9[%swap3A_681, %swap3A_682] {strides = array<i32>} : memref<256x64xf32, #tpu.memory_space<vmem>>, vector<16xf32>,
        tpu.vector_store %arg9[%swap3A_681, %swap3A_682], %mul3A_680 {strides = array<i32>} : memref<256x64xf32, #tpu.memory_space<vmem>>, vector<16xf32>,
        %mul3A_684 = arith.mulf %get3A_532, %gather3A_679 : vector<16xf32>
        %swap3A_685 = arith.index_cast %add3A_526 : i32 to index
        %swap3A_686 = arith.constant 16 : index
        %swap3A_687 = tpu.vector_load %arg9[%swap3A_685, %swap3A_686] {strides = array<i32>} : memref<256x64xf32, #tpu.memory_space<vmem>>, vector<16xf32>,
        tpu.vector_store %arg9[%swap3A_685, %swap3A_686], %mul3A_684 {strides = array<i32>} : memref<256x64xf32, #tpu.memory_space<vmem>>, vector<16xf32>,
        %mul3A_688 = arith.mulf %get3A_535, %gather3A_679 : vector<16xf32>
        %swap3A_689 = arith.index_cast %add3A_526 : i32 to index
        %swap3A_690 = arith.constant 32 : index
        %swap3A_691 = tpu.vector_load %arg9[%swap3A_689, %swap3A_690] {strides = array<i32>} : memref<256x64xf32, #tpu.memory_space<vmem>>, vector<16xf32>,
        tpu.vector_store %arg9[%swap3A_689, %swap3A_690], %mul3A_688 {strides = array<i32>} : memref<256x64xf32, #tpu.memory_space<vmem>>, vector<16xf32>,
        %mul3A_692 = arith.mulf %get3A_538, %gather3A_679 : vector<16xf32>
        %swap3A_693 = arith.index_cast %add3A_526 : i32 to index
        %swap3A_694 = arith.constant 48 : index
        %swap3A_695 = tpu.vector_load %arg9[%swap3A_693, %swap3A_694] {strides = array<i32>} : memref<256x64xf32, #tpu.memory_space<vmem>>, vector<16xf32>,
        tpu.vector_store %arg9[%swap3A_693, %swap3A_694], %mul3A_692 {strides = array<i32>} : memref<256x64xf32, #tpu.memory_space<vmem>>, vector<16xf32>,
        %broadcast_in_dim3A_696 = arith.constant 2 : i32
        %broadcast_in_dim3A_697 = vector.broadcast %broadcast_in_dim3A_696 : i32 to vector<16x1xi32>
        %gather3A_698 = vector.shape_cast %broadcast_in_dim3A_697 : vector<16x1xi32> to vector<16xi32>
        %gather3A_699 = tpu.dynamic_gather %mul3A_655[%gather3A_698] in [0] : vector<16xf32>, vector<16xi32> -> vector<16xf32>
        %mul3A_700 = arith.mulf %get3A_559, %gather3A_699 : vector<16xf32>
        %swap3A_701 = arith.index_cast %add3A_556 : i32 to index
        %swap3A_702 = arith.constant 0 : index
        %swap3A_703 = tpu.vector_load %arg9[%swap3A_701, %swap3A_702] {strides = array<i32>} : memref<256x64xf32, #tpu.memory_space<vmem>>, vector<16xf32>,
        tpu.vector_store %arg9[%swap3A_701, %swap3A_702], %mul3A_700 {strides = array<i32>} : memref<256x64xf32, #tpu.memory_space<vmem>>, vector<16xf32>,
        %mul3A_704 = arith.mulf %get3A_562, %gather3A_699 : vector<16xf32>
        %swap3A_705 = arith.index_cast %add3A_556 : i32 to index
        %swap3A_706 = arith.constant 16 : index
        %swap3A_707 = tpu.vector_load %arg9[%swap3A_705, %swap3A_706] {strides = array<i32>} : memref<256x64xf32, #tpu.memory_space<vmem>>, vector<16xf32>,
        tpu.vector_store %arg9[%swap3A_705, %swap3A_706], %mul3A_704 {strides = array<i32>} : memref<256x64xf32, #tpu.memory_space<vmem>>, vector<16xf32>,
        %mul3A_708 = arith.mulf %get3A_565, %gather3A_699 : vector<16xf32>
        %swap3A_709 = arith.index_cast %add3A_556 : i32 to index
        %swap3A_710 = arith.constant 32 : index
        %swap3A_711 = tpu.vector_load %arg9[%swap3A_709, %swap3A_710] {strides = array<i32>} : memref<256x64xf32, #tpu.memory_space<vmem>>, vector<16xf32>,
        tpu.vector_store %arg9[%swap3A_709, %swap3A_710], %mul3A_708 {strides = array<i32>} : memref<256x64xf32, #tpu.memory_space<vmem>>, vector<16xf32>,
        %mul3A_712 = arith.mulf %get3A_568, %gather3A_699 : vector<16xf32>
        %swap3A_713 = arith.index_cast %add3A_556 : i32 to index
        %swap3A_714 = arith.constant 48 : index
        %swap3A_715 = tpu.vector_load %arg9[%swap3A_713, %swap3A_714] {strides = array<i32>} : memref<256x64xf32, #tpu.memory_space<vmem>>, vector<16xf32>,
        tpu.vector_store %arg9[%swap3A_713, %swap3A_714], %mul3A_712 {strides = array<i32>} : memref<256x64xf32, #tpu.memory_space<vmem>>, vector<16xf32>,
        %broadcast_in_dim3A_716 = arith.constant 3 : i32
        %broadcast_in_dim3A_717 = vector.broadcast %broadcast_in_dim3A_716 : i32 to vector<16x1xi32>
        %gather3A_718 = vector.shape_cast %broadcast_in_dim3A_717 : vector<16x1xi32> to vector<16xi32>
        %gather3A_719 = tpu.dynamic_gather %mul3A_655[%gather3A_718] in [0] : vector<16xf32>, vector<16xi32> -> vector<16xf32>
        %mul3A_720 = arith.mulf %get3A_589, %gather3A_719 : vector<16xf32>
        %swap3A_721 = arith.index_cast %add3A_586 : i32 to index
        %swap3A_722 = arith.constant 0 : index
        %swap3A_723 = tpu.vector_load %arg9[%swap3A_721, %swap3A_722] {strides = array<i32>} : memref<256x64xf32, #tpu.memory_space<vmem>>, vector<16xf32>,
        tpu.vector_store %arg9[%swap3A_721, %swap3A_722], %mul3A_720 {strides = array<i32>} : memref<256x64xf32, #tpu.memory_space<vmem>>, vector<16xf32>,
        %mul3A_724 = arith.mulf %get3A_592, %gather3A_719 : vector<16xf32>
        %swap3A_725 = arith.index_cast %add3A_586 : i32 to index
        %swap3A_726 = arith.constant 16 : index
        %swap3A_727 = tpu.vector_load %arg9[%swap3A_725, %swap3A_726] {strides = array<i32>} : memref<256x64xf32, #tpu.memory_space<vmem>>, vector<16xf32>,
        tpu.vector_store %arg9[%swap3A_725, %swap3A_726], %mul3A_724 {strides = array<i32>} : memref<256x64xf32, #tpu.memory_space<vmem>>, vector<16xf32>,
        %mul3A_728 = arith.mulf %get3A_595, %gather3A_719 : vector<16xf32>
        %swap3A_729 = arith.index_cast %add3A_586 : i32 to index
        %swap3A_730 = arith.constant 32 : index
        %swap3A_731 = tpu.vector_load %arg9[%swap3A_729, %swap3A_730] {strides = array<i32>} : memref<256x64xf32, #tpu.memory_space<vmem>>, vector<16xf32>,
        tpu.vector_store %arg9[%swap3A_729, %swap3A_730], %mul3A_728 {strides = array<i32>} : memref<256x64xf32, #tpu.memory_space<vmem>>, vector<16xf32>,
        %mul3A_732 = arith.mulf %get3A_598, %gather3A_719 : vector<16xf32>
        %swap3A_733 = arith.index_cast %add3A_586 : i32 to index
        %swap3A_734 = arith.constant 48 : index
        %swap3A_735 = tpu.vector_load %arg9[%swap3A_733, %swap3A_734] {strides = array<i32>} : memref<256x64xf32, #tpu.memory_space<vmem>>, vector<16xf32>,
        tpu.vector_store %arg9[%swap3A_733, %swap3A_734], %mul3A_732 {strides = array<i32>} : memref<256x64xf32, #tpu.memory_space<vmem>>, vector<16xf32>,
        %add3A_736 = arith.constant 8 : i32
        %add3A_737 = arith.addi %mul3A_256, %add3A_736 : i32
        %broadcast_in_dim3A_738 = arith.constant 1.000000e+00 : f32
        %broadcast_in_dim3A_739 = vector.broadcast %broadcast_in_dim3A_738 : f32 to vector<16xf32>
        %add3A_740 = arith.constant 0 : i32
        %add3A_741 = arith.addi %add3A_737, %add3A_740 : i32
        %get3A_742 = arith.index_cast %add3A_741 : i32 to index
        %get3A_743 = arith.constant 0 : index
        %get3A_744 = tpu.vector_load %arg9[%get3A_742, %get3A_743] {strides = array<i32>} : memref<256x64xf32, #tpu.memory_space<vmem>>, vector<16xf32>,
        %get3A_745 = arith.index_cast %add3A_741 : i32 to index
        %get3A_746 = arith.constant 16 : index
        %get3A_747 = tpu.vector_load %arg9[%get3A_745, %get3A_746] {strides = array<i32>} : memref<256x64xf32, #tpu.memory_space<vmem>>, vector<16xf32>,
        %get3A_748 = arith.index_cast %add3A_741 : i32 to index
        %get3A_749 = arith.constant 32 : index
        %get3A_750 = tpu.vector_load %arg9[%get3A_748, %get3A_749] {strides = array<i32>} : memref<256x64xf32, #tpu.memory_space<vmem>>, vector<16xf32>,
        %get3A_751 = arith.index_cast %add3A_741 : i32 to index
        %get3A_752 = arith.constant 48 : index
        %get3A_753 = tpu.vector_load %arg9[%get3A_751, %get3A_752] {strides = array<i32>} : memref<256x64xf32, #tpu.memory_space<vmem>>, vector<16xf32>,
        %mul3A_754 = arith.mulf %get3A_744, %get3A_744 : vector<16xf32>
        %mul3A_755 = arith.mulf %get3A_747, %get3A_747 : vector<16xf32>
        %add3A_756 = arith.addf %mul3A_754, %mul3A_755 : vector<16xf32>
        %mul3A_757 = arith.mulf %get3A_750, %get3A_750 : vector<16xf32>
        %mul3A_758 = arith.mulf %get3A_753, %get3A_753 : vector<16xf32>
        %add3A_759 = arith.addf %mul3A_757, %mul3A_758 : vector<16xf32>
        %add3A_760 = arith.addf %add3A_756, %add3A_759 : vector<16xf32>
        %reduce_sum3A_761 = arith.constant true
        %reduce_sum3A_762 = vector.broadcast %reduce_sum3A_761 : i1 to vector<16xi1>
        %reduce_sum3A_763 = tpu.scan <sum>, %add3A_760 masked %reduce_sum3A_762 : vector<16xf32>, vector<16xi1> -> vector<16xf32>
        %reduce_sum3A_764 = vector.extract %reduce_sum3A_763[15] : f32 from vector<16xf32>
        %eq3A_765 = arith.constant 0 : i32
        %eq3A_766 = vector.broadcast %eq3A_765 : i32 to vector<16xi32>
        %eq3A_767 = arith.cmpi eq, %iota3A_240, %eq3A_766 : vector<16xi32>
        %broadcast_in_dim3A_768 = vector.broadcast %reduce_sum3A_764 : f32 to vector<16xf32>
        %select_n3A_769 = arith.select %eq3A_767, %broadcast_in_dim3A_768, %broadcast_in_dim3A_739 : vector<16xi1>, vector<16xf32>
        %add3A_770 = arith.constant 1 : i32
        %add3A_771 = arith.addi %add3A_737, %add3A_770 : i32
        %get3A_772 = arith.index_cast %add3A_771 : i32 to index
        %get3A_773 = arith.constant 0 : index
        %get3A_774 = tpu.vector_load %arg9[%get3A_772, %get3A_773] {strides = array<i32>} : memref<256x64xf32, #tpu.memory_space<vmem>>, vector<16xf32>,
        %get3A_775 = arith.index_cast %add3A_771 : i32 to index
        %get3A_776 = arith.constant 16 : index
        %get3A_777 = tpu.vector_load %arg9[%get3A_775, %get3A_776] {strides = array<i32>} : memref<256x64xf32, #tpu.memory_space<vmem>>, vector<16xf32>,
        %get3A_778 = arith.index_cast %add3A_771 : i32 to index
        %get3A_779 = arith.constant 32 : index
        %get3A_780 = tpu.vector_load %arg9[%get3A_778, %get3A_779] {strides = array<i32>} : memref<256x64xf32, #tpu.memory_space<vmem>>, vector<16xf32>,
        %get3A_781 = arith.index_cast %add3A_771 : i32 to index
        %get3A_782 = arith.constant 48 : index
        %get3A_783 = tpu.vector_load %arg9[%get3A_781, %get3A_782] {strides = array<i32>} : memref<256x64xf32, #tpu.memory_space<vmem>>, vector<16xf32>,
        %mul3A_784 = arith.mulf %get3A_774, %get3A_774 : vector<16xf32>
        %mul3A_785 = arith.mulf %get3A_777, %get3A_777 : vector<16xf32>
        %add3A_786 = arith.addf %mul3A_784, %mul3A_785 : vector<16xf32>
        %mul3A_787 = arith.mulf %get3A_780, %get3A_780 : vector<16xf32>
        %mul3A_788 = arith.mulf %get3A_783, %get3A_783 : vector<16xf32>
        %add3A_789 = arith.addf %mul3A_787, %mul3A_788 : vector<16xf32>
        %add3A_790 = arith.addf %add3A_786, %add3A_789 : vector<16xf32>
        %reduce_sum3A_791 = arith.constant true
        %reduce_sum3A_792 = vector.broadcast %reduce_sum3A_791 : i1 to vector<16xi1>
        %reduce_sum3A_793 = tpu.scan <sum>, %add3A_790 masked %reduce_sum3A_792 : vector<16xf32>, vector<16xi1> -> vector<16xf32>
        %reduce_sum3A_794 = vector.extract %reduce_sum3A_793[15] : f32 from vector<16xf32>
        %eq3A_795 = arith.constant 1 : i32
        %eq3A_796 = vector.broadcast %eq3A_795 : i32 to vector<16xi32>
        %eq3A_797 = arith.cmpi eq, %iota3A_240, %eq3A_796 : vector<16xi32>
        %broadcast_in_dim3A_798 = vector.broadcast %reduce_sum3A_794 : f32 to vector<16xf32>
        %select_n3A_799 = arith.select %eq3A_797, %broadcast_in_dim3A_798, %select_n3A_769 : vector<16xi1>, vector<16xf32>
        %add3A_800 = arith.constant 2 : i32
        %add3A_801 = arith.addi %add3A_737, %add3A_800 : i32
        %get3A_802 = arith.index_cast %add3A_801 : i32 to index
        %get3A_803 = arith.constant 0 : index
        %get3A_804 = tpu.vector_load %arg9[%get3A_802, %get3A_803] {strides = array<i32>} : memref<256x64xf32, #tpu.memory_space<vmem>>, vector<16xf32>,
        %get3A_805 = arith.index_cast %add3A_801 : i32 to index
        %get3A_806 = arith.constant 16 : index
        %get3A_807 = tpu.vector_load %arg9[%get3A_805, %get3A_806] {strides = array<i32>} : memref<256x64xf32, #tpu.memory_space<vmem>>, vector<16xf32>,
        %get3A_808 = arith.index_cast %add3A_801 : i32 to index
        %get3A_809 = arith.constant 32 : index
        %get3A_810 = tpu.vector_load %arg9[%get3A_808, %get3A_809] {strides = array<i32>} : memref<256x64xf32, #tpu.memory_space<vmem>>, vector<16xf32>,
        %get3A_811 = arith.index_cast %add3A_801 : i32 to index
        %get3A_812 = arith.constant 48 : index
        %get3A_813 = tpu.vector_load %arg9[%get3A_811, %get3A_812] {strides = array<i32>} : memref<256x64xf32, #tpu.memory_space<vmem>>, vector<16xf32>,
        %mul3A_814 = arith.mulf %get3A_804, %get3A_804 : vector<16xf32>
        %mul3A_815 = arith.mulf %get3A_807, %get3A_807 : vector<16xf32>
        %add3A_816 = arith.addf %mul3A_814, %mul3A_815 : vector<16xf32>
        %mul3A_817 = arith.mulf %get3A_810, %get3A_810 : vector<16xf32>
        %mul3A_818 = arith.mulf %get3A_813, %get3A_813 : vector<16xf32>
        %add3A_819 = arith.addf %mul3A_817, %mul3A_818 : vector<16xf32>
        %add3A_820 = arith.addf %add3A_816, %add3A_819 : vector<16xf32>
        %reduce_sum3A_821 = arith.constant true
        %reduce_sum3A_822 = vector.broadcast %reduce_sum3A_821 : i1 to vector<16xi1>
        %reduce_sum3A_823 = tpu.scan <sum>, %add3A_820 masked %reduce_sum3A_822 : vector<16xf32>, vector<16xi1> -> vector<16xf32>
        %reduce_sum3A_824 = vector.extract %reduce_sum3A_823[15] : f32 from vector<16xf32>
        %eq3A_825 = arith.constant 2 : i32
        %eq3A_826 = vector.broadcast %eq3A_825 : i32 to vector<16xi32>
        %eq3A_827 = arith.cmpi eq, %iota3A_240, %eq3A_826 : vector<16xi32>
        %broadcast_in_dim3A_828 = vector.broadcast %reduce_sum3A_824 : f32 to vector<16xf32>
        %select_n3A_829 = arith.select %eq3A_827, %broadcast_in_dim3A_828, %select_n3A_799 : vector<16xi1>, vector<16xf32>
        %add3A_830 = arith.constant 3 : i32
        %add3A_831 = arith.addi %add3A_737, %add3A_830 : i32
        %get3A_832 = arith.index_cast %add3A_831 : i32 to index
        %get3A_833 = arith.constant 0 : index
        %get3A_834 = tpu.vector_load %arg9[%get3A_832, %get3A_833] {strides = array<i32>} : memref<256x64xf32, #tpu.memory_space<vmem>>, vector<16xf32>,
        %get3A_835 = arith.index_cast %add3A_831 : i32 to index
        %get3A_836 = arith.constant 16 : index
        %get3A_837 = tpu.vector_load %arg9[%get3A_835, %get3A_836] {strides = array<i32>} : memref<256x64xf32, #tpu.memory_space<vmem>>, vector<16xf32>,
        %get3A_838 = arith.index_cast %add3A_831 : i32 to index
        %get3A_839 = arith.constant 32 : index
        %get3A_840 = tpu.vector_load %arg9[%get3A_838, %get3A_839] {strides = array<i32>} : memref<256x64xf32, #tpu.memory_space<vmem>>, vector<16xf32>,
        %get3A_841 = arith.index_cast %add3A_831 : i32 to index
        %get3A_842 = arith.constant 48 : index
        %get3A_843 = tpu.vector_load %arg9[%get3A_841, %get3A_842] {strides = array<i32>} : memref<256x64xf32, #tpu.memory_space<vmem>>, vector<16xf32>,
        %mul3A_844 = arith.mulf %get3A_834, %get3A_834 : vector<16xf32>
        %mul3A_845 = arith.mulf %get3A_837, %get3A_837 : vector<16xf32>
        %add3A_846 = arith.addf %mul3A_844, %mul3A_845 : vector<16xf32>
        %mul3A_847 = arith.mulf %get3A_840, %get3A_840 : vector<16xf32>
        %mul3A_848 = arith.mulf %get3A_843, %get3A_843 : vector<16xf32>
        %add3A_849 = arith.addf %mul3A_847, %mul3A_848 : vector<16xf32>
        %add3A_850 = arith.addf %add3A_846, %add3A_849 : vector<16xf32>
        %reduce_sum3A_851 = arith.constant true
        %reduce_sum3A_852 = vector.broadcast %reduce_sum3A_851 : i1 to vector<16xi1>
        %reduce_sum3A_853 = tpu.scan <sum>, %add3A_850 masked %reduce_sum3A_852 : vector<16xf32>, vector<16xi1> -> vector<16xf32>
        %reduce_sum3A_854 = vector.extract %reduce_sum3A_853[15] : f32 from vector<16xf32>
        %eq3A_855 = arith.constant 3 : i32
        %eq3A_856 = vector.broadcast %eq3A_855 : i32 to vector<16xi32>
        %eq3A_857 = arith.cmpi eq, %iota3A_240, %eq3A_856 : vector<16xi32>
        %broadcast_in_dim3A_858 = vector.broadcast %reduce_sum3A_854 : f32 to vector<16xf32>
        %select_n3A_859 = arith.select %eq3A_857, %broadcast_in_dim3A_858, %select_n3A_829 : vector<16xi1>, vector<16xf32>
        %max3A_860 = arith.constant 1.000000e-24 : f32
        %max3A_861 = vector.broadcast %max3A_860 : f32 to vector<16xf32>
        %max3A_862 = arith.maximumf %select_n3A_859, %max3A_861 : vector<16xf32>
        %bitcast3A_863 = vector.bitcast %max3A_862 : vector<16xf32> to vector<16xi32>
        %broadcast_in_dim3A_864 = arith.constant 1597463007 : i32
        %broadcast_in_dim3A_865 = vector.broadcast %broadcast_in_dim3A_864 : i32 to vector<16xi32>
        %shift_right_arithmetic3A_866 = arith.constant 1 : i32
        %shift_right_arithmetic3A_867 = vector.broadcast %shift_right_arithmetic3A_866 : i32 to vector<16xi32>
        %shift_right_arithmetic3A_868 = arith.shrsi %bitcast3A_863, %shift_right_arithmetic3A_867 : vector<16xi32>
        %sub3A_869 = arith.subi %broadcast_in_dim3A_865, %shift_right_arithmetic3A_868 : vector<16xi32>
        %bitcast3A_870 = vector.bitcast %sub3A_869 : vector<16xi32> to vector<16xf32>
        %mul3A_871 = arith.constant 5.000000e-01 : f32
        %mul3A_872 = vector.broadcast %mul3A_871 : f32 to vector<16xf32>
        %mul3A_873 = arith.mulf %mul3A_872, %max3A_862 : vector<16xf32>
        %mul3A_874 = arith.mulf %mul3A_873, %bitcast3A_870 : vector<16xf32>
        %mul3A_875 = arith.mulf %mul3A_874, %bitcast3A_870 : vector<16xf32>
        %sub3A_876 = arith.constant 1.500000e+00 : f32
        %sub3A_877 = vector.broadcast %sub3A_876 : f32 to vector<16xf32>
        %sub3A_878 = arith.subf %sub3A_877, %mul3A_875 : vector<16xf32>
        %mul3A_879 = arith.mulf %bitcast3A_870, %sub3A_878 : vector<16xf32>
        %mul3A_880 = arith.constant 5.000000e-01 : f32
        %mul3A_881 = vector.broadcast %mul3A_880 : f32 to vector<16xf32>
        %mul3A_882 = arith.mulf %mul3A_881, %max3A_862 : vector<16xf32>
        %mul3A_883 = arith.mulf %mul3A_882, %mul3A_879 : vector<16xf32>
        %mul3A_884 = arith.mulf %mul3A_883, %mul3A_879 : vector<16xf32>
        %sub3A_885 = arith.constant 1.500000e+00 : f32
        %sub3A_886 = vector.broadcast %sub3A_885 : f32 to vector<16xf32>
        %sub3A_887 = arith.subf %sub3A_886, %mul3A_884 : vector<16xf32>
        %mul3A_888 = arith.mulf %mul3A_879, %sub3A_887 : vector<16xf32>
        %mul3A_889 = arith.constant 5.000000e-01 : f32
        %mul3A_890 = vector.broadcast %mul3A_889 : f32 to vector<16xf32>
        %mul3A_891 = arith.mulf %mul3A_890, %max3A_862 : vector<16xf32>
        %mul3A_892 = arith.mulf %mul3A_891, %mul3A_888 : vector<16xf32>
        %mul3A_893 = arith.mulf %mul3A_892, %mul3A_888 : vector<16xf32>
        %sub3A_894 = arith.constant 1.500000e+00 : f32
        %sub3A_895 = vector.broadcast %sub3A_894 : f32 to vector<16xf32>
        %sub3A_896 = arith.subf %sub3A_895, %mul3A_893 : vector<16xf32>
        %mul3A_897 = arith.mulf %mul3A_888, %sub3A_896 : vector<16xf32>
        %mul3A_898 = arith.constant 8.000000e+00 : f32
        %mul3A_899 = vector.broadcast %mul3A_898 : f32 to vector<16xf32>
        %mul3A_900 = arith.mulf %mul3A_897, %mul3A_899 : vector<16xf32>
        %broadcast_in_dim3A_901 = arith.constant 0 : i32
        %broadcast_in_dim3A_902 = vector.broadcast %broadcast_in_dim3A_901 : i32 to vector<16x1xi32>
        %gather3A_903 = vector.shape_cast %broadcast_in_dim3A_902 : vector<16x1xi32> to vector<16xi32>
        %gather3A_904 = tpu.dynamic_gather %mul3A_900[%gather3A_903] in [0] : vector<16xf32>, vector<16xi32> -> vector<16xf32>
        %mul3A_905 = arith.mulf %get3A_744, %gather3A_904 : vector<16xf32>
        %swap3A_906 = arith.index_cast %add3A_741 : i32 to index
        %swap3A_907 = arith.constant 0 : index
        %swap3A_908 = tpu.vector_load %arg9[%swap3A_906, %swap3A_907] {strides = array<i32>} : memref<256x64xf32, #tpu.memory_space<vmem>>, vector<16xf32>,
        tpu.vector_store %arg9[%swap3A_906, %swap3A_907], %mul3A_905 {strides = array<i32>} : memref<256x64xf32, #tpu.memory_space<vmem>>, vector<16xf32>,
        %mul3A_909 = arith.mulf %get3A_747, %gather3A_904 : vector<16xf32>
        %swap3A_910 = arith.index_cast %add3A_741 : i32 to index
        %swap3A_911 = arith.constant 16 : index
        %swap3A_912 = tpu.vector_load %arg9[%swap3A_910, %swap3A_911] {strides = array<i32>} : memref<256x64xf32, #tpu.memory_space<vmem>>, vector<16xf32>,
        tpu.vector_store %arg9[%swap3A_910, %swap3A_911], %mul3A_909 {strides = array<i32>} : memref<256x64xf32, #tpu.memory_space<vmem>>, vector<16xf32>,
        %mul3A_913 = arith.mulf %get3A_750, %gather3A_904 : vector<16xf32>
        %swap3A_914 = arith.index_cast %add3A_741 : i32 to index
        %swap3A_915 = arith.constant 32 : index
        %swap3A_916 = tpu.vector_load %arg9[%swap3A_914, %swap3A_915] {strides = array<i32>} : memref<256x64xf32, #tpu.memory_space<vmem>>, vector<16xf32>,
        tpu.vector_store %arg9[%swap3A_914, %swap3A_915], %mul3A_913 {strides = array<i32>} : memref<256x64xf32, #tpu.memory_space<vmem>>, vector<16xf32>,
        %mul3A_917 = arith.mulf %get3A_753, %gather3A_904 : vector<16xf32>
        %swap3A_918 = arith.index_cast %add3A_741 : i32 to index
        %swap3A_919 = arith.constant 48 : index
        %swap3A_920 = tpu.vector_load %arg9[%swap3A_918, %swap3A_919] {strides = array<i32>} : memref<256x64xf32, #tpu.memory_space<vmem>>, vector<16xf32>,
        tpu.vector_store %arg9[%swap3A_918, %swap3A_919], %mul3A_917 {strides = array<i32>} : memref<256x64xf32, #tpu.memory_space<vmem>>, vector<16xf32>,
        %broadcast_in_dim3A_921 = arith.constant 1 : i32
        %broadcast_in_dim3A_922 = vector.broadcast %broadcast_in_dim3A_921 : i32 to vector<16x1xi32>
        %gather3A_923 = vector.shape_cast %broadcast_in_dim3A_922 : vector<16x1xi32> to vector<16xi32>
        %gather3A_924 = tpu.dynamic_gather %mul3A_900[%gather3A_923] in [0] : vector<16xf32>, vector<16xi32> -> vector<16xf32>
        %mul3A_925 = arith.mulf %get3A_774, %gather3A_924 : vector<16xf32>
        %swap3A_926 = arith.index_cast %add3A_771 : i32 to index
        %swap3A_927 = arith.constant 0 : index
        %swap3A_928 = tpu.vector_load %arg9[%swap3A_926, %swap3A_927] {strides = array<i32>} : memref<256x64xf32, #tpu.memory_space<vmem>>, vector<16xf32>,
        tpu.vector_store %arg9[%swap3A_926, %swap3A_927], %mul3A_925 {strides = array<i32>} : memref<256x64xf32, #tpu.memory_space<vmem>>, vector<16xf32>,
        %mul3A_929 = arith.mulf %get3A_777, %gather3A_924 : vector<16xf32>
        %swap3A_930 = arith.index_cast %add3A_771 : i32 to index
        %swap3A_931 = arith.constant 16 : index
        %swap3A_932 = tpu.vector_load %arg9[%swap3A_930, %swap3A_931] {strides = array<i32>} : memref<256x64xf32, #tpu.memory_space<vmem>>, vector<16xf32>,
        tpu.vector_store %arg9[%swap3A_930, %swap3A_931], %mul3A_929 {strides = array<i32>} : memref<256x64xf32, #tpu.memory_space<vmem>>, vector<16xf32>,
        %mul3A_933 = arith.mulf %get3A_780, %gather3A_924 : vector<16xf32>
        %swap3A_934 = arith.index_cast %add3A_771 : i32 to index
        %swap3A_935 = arith.constant 32 : index
        %swap3A_936 = tpu.vector_load %arg9[%swap3A_934, %swap3A_935] {strides = array<i32>} : memref<256x64xf32, #tpu.memory_space<vmem>>, vector<16xf32>,
        tpu.vector_store %arg9[%swap3A_934, %swap3A_935], %mul3A_933 {strides = array<i32>} : memref<256x64xf32, #tpu.memory_space<vmem>>, vector<16xf32>,
        %mul3A_937 = arith.mulf %get3A_783, %gather3A_924 : vector<16xf32>
        %swap3A_938 = arith.index_cast %add3A_771 : i32 to index
        %swap3A_939 = arith.constant 48 : index
        %swap3A_940 = tpu.vector_load %arg9[%swap3A_938, %swap3A_939] {strides = array<i32>} : memref<256x64xf32, #tpu.memory_space<vmem>>, vector<16xf32>,
        tpu.vector_store %arg9[%swap3A_938, %swap3A_939], %mul3A_937 {strides = array<i32>} : memref<256x64xf32, #tpu.memory_space<vmem>>, vector<16xf32>,
        %broadcast_in_dim3A_941 = arith.constant 2 : i32
        %broadcast_in_dim3A_942 = vector.broadcast %broadcast_in_dim3A_941 : i32 to vector<16x1xi32>
        %gather3A_943 = vector.shape_cast %broadcast_in_dim3A_942 : vector<16x1xi32> to vector<16xi32>
        %gather3A_944 = tpu.dynamic_gather %mul3A_900[%gather3A_943] in [0] : vector<16xf32>, vector<16xi32> -> vector<16xf32>
        %mul3A_945 = arith.mulf %get3A_804, %gather3A_944 : vector<16xf32>
        %swap3A_946 = arith.index_cast %add3A_801 : i32 to index
        %swap3A_947 = arith.constant 0 : index
        %swap3A_948 = tpu.vector_load %arg9[%swap3A_946, %swap3A_947] {strides = array<i32>} : memref<256x64xf32, #tpu.memory_space<vmem>>, vector<16xf32>,
        tpu.vector_store %arg9[%swap3A_946, %swap3A_947], %mul3A_945 {strides = array<i32>} : memref<256x64xf32, #tpu.memory_space<vmem>>, vector<16xf32>,
        %mul3A_949 = arith.mulf %get3A_807, %gather3A_944 : vector<16xf32>
        %swap3A_950 = arith.index_cast %add3A_801 : i32 to index
        %swap3A_951 = arith.constant 16 : index
        %swap3A_952 = tpu.vector_load %arg9[%swap3A_950, %swap3A_951] {strides = array<i32>} : memref<256x64xf32, #tpu.memory_space<vmem>>, vector<16xf32>,
        tpu.vector_store %arg9[%swap3A_950, %swap3A_951], %mul3A_949 {strides = array<i32>} : memref<256x64xf32, #tpu.memory_space<vmem>>, vector<16xf32>,
        %mul3A_953 = arith.mulf %get3A_810, %gather3A_944 : vector<16xf32>
        %swap3A_954 = arith.index_cast %add3A_801 : i32 to index
        %swap3A_955 = arith.constant 32 : index
        %swap3A_956 = tpu.vector_load %arg9[%swap3A_954, %swap3A_955] {strides = array<i32>} : memref<256x64xf32, #tpu.memory_space<vmem>>, vector<16xf32>,
        tpu.vector_store %arg9[%swap3A_954, %swap3A_955], %mul3A_953 {strides = array<i32>} : memref<256x64xf32, #tpu.memory_space<vmem>>, vector<16xf32>,
        %mul3A_957 = arith.mulf %get3A_813, %gather3A_944 : vector<16xf32>
        %swap3A_958 = arith.index_cast %add3A_801 : i32 to index
        %swap3A_959 = arith.constant 48 : index
        %swap3A_960 = tpu.vector_load %arg9[%swap3A_958, %swap3A_959] {strides = array<i32>} : memref<256x64xf32, #tpu.memory_space<vmem>>, vector<16xf32>,
        tpu.vector_store %arg9[%swap3A_958, %swap3A_959], %mul3A_957 {strides = array<i32>} : memref<256x64xf32, #tpu.memory_space<vmem>>, vector<16xf32>,
        %broadcast_in_dim3A_961 = arith.constant 3 : i32
        %broadcast_in_dim3A_962 = vector.broadcast %broadcast_in_dim3A_961 : i32 to vector<16x1xi32>
        %gather3A_963 = vector.shape_cast %broadcast_in_dim3A_962 : vector<16x1xi32> to vector<16xi32>
        %gather3A_964 = tpu.dynamic_gather %mul3A_900[%gather3A_963] in [0] : vector<16xf32>, vector<16xi32> -> vector<16xf32>
        %mul3A_965 = arith.mulf %get3A_834, %gather3A_964 : vector<16xf32>
        %swap3A_966 = arith.index_cast %add3A_831 : i32 to index
        %swap3A_967 = arith.constant 0 : index
        %swap3A_968 = tpu.vector_load %arg9[%swap3A_966, %swap3A_967] {strides = array<i32>} : memref<256x64xf32, #tpu.memory_space<vmem>>, vector<16xf32>,
        tpu.vector_store %arg9[%swap3A_966, %swap3A_967], %mul3A_965 {strides = array<i32>} : memref<256x64xf32, #tpu.memory_space<vmem>>, vector<16xf32>,
        %mul3A_969 = arith.mulf %get3A_837, %gather3A_964 : vector<16xf32>
        %swap3A_970 = arith.index_cast %add3A_831 : i32 to index
        %swap3A_971 = arith.constant 16 : index
        %swap3A_972 = tpu.vector_load %arg9[%swap3A_970, %swap3A_971] {strides = array<i32>} : memref<256x64xf32, #tpu.memory_space<vmem>>, vector<16xf32>,
        tpu.vector_store %arg9[%swap3A_970, %swap3A_971], %mul3A_969 {strides = array<i32>} : memref<256x64xf32, #tpu.memory_space<vmem>>, vector<16xf32>,
        %mul3A_973 = arith.mulf %get3A_840, %gather3A_964 : vector<16xf32>
        %swap3A_974 = arith.index_cast %add3A_831 : i32 to index
        %swap3A_975 = arith.constant 32 : index
        %swap3A_976 = tpu.vector_load %arg9[%swap3A_974, %swap3A_975] {strides = array<i32>} : memref<256x64xf32, #tpu.memory_space<vmem>>, vector<16xf32>,
        tpu.vector_store %arg9[%swap3A_974, %swap3A_975], %mul3A_973 {strides = array<i32>} : memref<256x64xf32, #tpu.memory_space<vmem>>, vector<16xf32>,
        %mul3A_977 = arith.mulf %get3A_843, %gather3A_964 : vector<16xf32>
        %swap3A_978 = arith.index_cast %add3A_831 : i32 to index
        %swap3A_979 = arith.constant 48 : index
        %swap3A_980 = tpu.vector_load %arg9[%swap3A_978, %swap3A_979] {strides = array<i32>} : memref<256x64xf32, #tpu.memory_space<vmem>>, vector<16xf32>,
        tpu.vector_store %arg9[%swap3A_978, %swap3A_979], %mul3A_977 {strides = array<i32>} : memref<256x64xf32, #tpu.memory_space<vmem>>, vector<16xf32>,
        %add3A_981 = arith.constant 12 : i32
        %add3A_982 = arith.addi %mul3A_256, %add3A_981 : i32
        %broadcast_in_dim3A_983 = arith.constant 1.000000e+00 : f32
        %broadcast_in_dim3A_984 = vector.broadcast %broadcast_in_dim3A_983 : f32 to vector<16xf32>
        %add3A_985 = arith.constant 0 : i32
        %add3A_986 = arith.addi %add3A_982, %add3A_985 : i32
        %get3A_987 = arith.index_cast %add3A_986 : i32 to index
        %get3A_988 = arith.constant 0 : index
        %get3A_989 = tpu.vector_load %arg9[%get3A_987, %get3A_988] {strides = array<i32>} : memref<256x64xf32, #tpu.memory_space<vmem>>, vector<16xf32>,
        %get3A_990 = arith.index_cast %add3A_986 : i32 to index
        %get3A_991 = arith.constant 16 : index
        %get3A_992 = tpu.vector_load %arg9[%get3A_990, %get3A_991] {strides = array<i32>} : memref<256x64xf32, #tpu.memory_space<vmem>>, vector<16xf32>,
        %get3A_993 = arith.index_cast %add3A_986 : i32 to index
        %get3A_994 = arith.constant 32 : index
        %get3A_995 = tpu.vector_load %arg9[%get3A_993, %get3A_994] {strides = array<i32>} : memref<256x64xf32, #tpu.memory_space<vmem>>, vector<16xf32>,
        %get3A_996 = arith.index_cast %add3A_986 : i32 to index
        %get3A_997 = arith.constant 48 : index
        %get3A_998 = tpu.vector_load %arg9[%get3A_996, %get3A_997] {strides = array<i32>} : memref<256x64xf32, #tpu.memory_space<vmem>>, vector<16xf32>,
        %mul3A_999 = arith.mulf %get3A_989, %get3A_989 : vector<16xf32>
        %mul3A_1000 = arith.mulf %get3A_992, %get3A_992 : vector<16xf32>
        %add3A_1001 = arith.addf %mul3A_999, %mul3A_1000 : vector<16xf32>
        %mul3A_1002 = arith.mulf %get3A_995, %get3A_995 : vector<16xf32>
        %mul3A_1003 = arith.mulf %get3A_998, %get3A_998 : vector<16xf32>
        %add3A_1004 = arith.addf %mul3A_1002, %mul3A_1003 : vector<16xf32>
        %add3A_1005 = arith.addf %add3A_1001, %add3A_1004 : vector<16xf32>
        %reduce_sum3A_1006 = arith.constant true
        %reduce_sum3A_1007 = vector.broadcast %reduce_sum3A_1006 : i1 to vector<16xi1>
        %reduce_sum3A_1008 = tpu.scan <sum>, %add3A_1005 masked %reduce_sum3A_1007 : vector<16xf32>, vector<16xi1> -> vector<16xf32>
        %reduce_sum3A_1009 = vector.extract %reduce_sum3A_1008[15] : f32 from vector<16xf32>
        %eq3A_1010 = arith.constant 0 : i32
        %eq3A_1011 = vector.broadcast %eq3A_1010 : i32 to vector<16xi32>
        %eq3A_1012 = arith.cmpi eq, %iota3A_240, %eq3A_1011 : vector<16xi32>
        %broadcast_in_dim3A_1013 = vector.broadcast %reduce_sum3A_1009 : f32 to vector<16xf32>
        %select_n3A_1014 = arith.select %eq3A_1012, %broadcast_in_dim3A_1013, %broadcast_in_dim3A_984 : vector<16xi1>, vector<16xf32>
        %add3A_1015 = arith.constant 1 : i32
        %add3A_1016 = arith.addi %add3A_982, %add3A_1015 : i32
        %get3A_1017 = arith.index_cast %add3A_1016 : i32 to index
        %get3A_1018 = arith.constant 0 : index
        %get3A_1019 = tpu.vector_load %arg9[%get3A_1017, %get3A_1018] {strides = array<i32>} : memref<256x64xf32, #tpu.memory_space<vmem>>, vector<16xf32>,
        %get3A_1020 = arith.index_cast %add3A_1016 : i32 to index
        %get3A_1021 = arith.constant 16 : index
        %get3A_1022 = tpu.vector_load %arg9[%get3A_1020, %get3A_1021] {strides = array<i32>} : memref<256x64xf32, #tpu.memory_space<vmem>>, vector<16xf32>,
        %get3A_1023 = arith.index_cast %add3A_1016 : i32 to index
        %get3A_1024 = arith.constant 32 : index
        %get3A_1025 = tpu.vector_load %arg9[%get3A_1023, %get3A_1024] {strides = array<i32>} : memref<256x64xf32, #tpu.memory_space<vmem>>, vector<16xf32>,
        %get3A_1026 = arith.index_cast %add3A_1016 : i32 to index
        %get3A_1027 = arith.constant 48 : index
        %get3A_1028 = tpu.vector_load %arg9[%get3A_1026, %get3A_1027] {strides = array<i32>} : memref<256x64xf32, #tpu.memory_space<vmem>>, vector<16xf32>,
        %mul3A_1029 = arith.mulf %get3A_1019, %get3A_1019 : vector<16xf32>
        %mul3A_1030 = arith.mulf %get3A_1022, %get3A_1022 : vector<16xf32>
        %add3A_1031 = arith.addf %mul3A_1029, %mul3A_1030 : vector<16xf32>
        %mul3A_1032 = arith.mulf %get3A_1025, %get3A_1025 : vector<16xf32>
        %mul3A_1033 = arith.mulf %get3A_1028, %get3A_1028 : vector<16xf32>
        %add3A_1034 = arith.addf %mul3A_1032, %mul3A_1033 : vector<16xf32>
        %add3A_1035 = arith.addf %add3A_1031, %add3A_1034 : vector<16xf32>
        %reduce_sum3A_1036 = arith.constant true
        %reduce_sum3A_1037 = vector.broadcast %reduce_sum3A_1036 : i1 to vector<16xi1>
        %reduce_sum3A_1038 = tpu.scan <sum>, %add3A_1035 masked %reduce_sum3A_1037 : vector<16xf32>, vector<16xi1> -> vector<16xf32>
        %reduce_sum3A_1039 = vector.extract %reduce_sum3A_1038[15] : f32 from vector<16xf32>
        %eq3A_1040 = arith.constant 1 : i32
        %eq3A_1041 = vector.broadcast %eq3A_1040 : i32 to vector<16xi32>
        %eq3A_1042 = arith.cmpi eq, %iota3A_240, %eq3A_1041 : vector<16xi32>
        %broadcast_in_dim3A_1043 = vector.broadcast %reduce_sum3A_1039 : f32 to vector<16xf32>
        %select_n3A_1044 = arith.select %eq3A_1042, %broadcast_in_dim3A_1043, %select_n3A_1014 : vector<16xi1>, vector<16xf32>
        %add3A_1045 = arith.constant 2 : i32
        %add3A_1046 = arith.addi %add3A_982, %add3A_1045 : i32
        %get3A_1047 = arith.index_cast %add3A_1046 : i32 to index
        %get3A_1048 = arith.constant 0 : index
        %get3A_1049 = tpu.vector_load %arg9[%get3A_1047, %get3A_1048] {strides = array<i32>} : memref<256x64xf32, #tpu.memory_space<vmem>>, vector<16xf32>,
        %get3A_1050 = arith.index_cast %add3A_1046 : i32 to index
        %get3A_1051 = arith.constant 16 : index
        %get3A_1052 = tpu.vector_load %arg9[%get3A_1050, %get3A_1051] {strides = array<i32>} : memref<256x64xf32, #tpu.memory_space<vmem>>, vector<16xf32>,
        %get3A_1053 = arith.index_cast %add3A_1046 : i32 to index
        %get3A_1054 = arith.constant 32 : index
        %get3A_1055 = tpu.vector_load %arg9[%get3A_1053, %get3A_1054] {strides = array<i32>} : memref<256x64xf32, #tpu.memory_space<vmem>>, vector<16xf32>,
        %get3A_1056 = arith.index_cast %add3A_1046 : i32 to index
        %get3A_1057 = arith.constant 48 : index
        %get3A_1058 = tpu.vector_load %arg9[%get3A_1056, %get3A_1057] {strides = array<i32>} : memref<256x64xf32, #tpu.memory_space<vmem>>, vector<16xf32>,
        %mul3A_1059 = arith.mulf %get3A_1049, %get3A_1049 : vector<16xf32>
        %mul3A_1060 = arith.mulf %get3A_1052, %get3A_1052 : vector<16xf32>
        %add3A_1061 = arith.addf %mul3A_1059, %mul3A_1060 : vector<16xf32>
        %mul3A_1062 = arith.mulf %get3A_1055, %get3A_1055 : vector<16xf32>
        %mul3A_1063 = arith.mulf %get3A_1058, %get3A_1058 : vector<16xf32>
        %add3A_1064 = arith.addf %mul3A_1062, %mul3A_1063 : vector<16xf32>
        %add3A_1065 = arith.addf %add3A_1061, %add3A_1064 : vector<16xf32>
        %reduce_sum3A_1066 = arith.constant true
        %reduce_sum3A_1067 = vector.broadcast %reduce_sum3A_1066 : i1 to vector<16xi1>
        %reduce_sum3A_1068 = tpu.scan <sum>, %add3A_1065 masked %reduce_sum3A_1067 : vector<16xf32>, vector<16xi1> -> vector<16xf32>
        %reduce_sum3A_1069 = vector.extract %reduce_sum3A_1068[15] : f32 from vector<16xf32>
        %eq3A_1070 = arith.constant 2 : i32
        %eq3A_1071 = vector.broadcast %eq3A_1070 : i32 to vector<16xi32>
        %eq3A_1072 = arith.cmpi eq, %iota3A_240, %eq3A_1071 : vector<16xi32>
        %broadcast_in_dim3A_1073 = vector.broadcast %reduce_sum3A_1069 : f32 to vector<16xf32>
        %select_n3A_1074 = arith.select %eq3A_1072, %broadcast_in_dim3A_1073, %select_n3A_1044 : vector<16xi1>, vector<16xf32>
        %add3A_1075 = arith.constant 3 : i32
        %add3A_1076 = arith.addi %add3A_982, %add3A_1075 : i32
        %get3A_1077 = arith.index_cast %add3A_1076 : i32 to index
        %get3A_1078 = arith.constant 0 : index
        %get3A_1079 = tpu.vector_load %arg9[%get3A_1077, %get3A_1078] {strides = array<i32>} : memref<256x64xf32, #tpu.memory_space<vmem>>, vector<16xf32>,
        %get3A_1080 = arith.index_cast %add3A_1076 : i32 to index
        %get3A_1081 = arith.constant 16 : index
        %get3A_1082 = tpu.vector_load %arg9[%get3A_1080, %get3A_1081] {strides = array<i32>} : memref<256x64xf32, #tpu.memory_space<vmem>>, vector<16xf32>,
        %get3A_1083 = arith.index_cast %add3A_1076 : i32 to index
        %get3A_1084 = arith.constant 32 : index
        %get3A_1085 = tpu.vector_load %arg9[%get3A_1083, %get3A_1084] {strides = array<i32>} : memref<256x64xf32, #tpu.memory_space<vmem>>, vector<16xf32>,
        %get3A_1086 = arith.index_cast %add3A_1076 : i32 to index
        %get3A_1087 = arith.constant 48 : index
        %get3A_1088 = tpu.vector_load %arg9[%get3A_1086, %get3A_1087] {strides = array<i32>} : memref<256x64xf32, #tpu.memory_space<vmem>>, vector<16xf32>,
        %mul3A_1089 = arith.mulf %get3A_1079, %get3A_1079 : vector<16xf32>
        %mul3A_1090 = arith.mulf %get3A_1082, %get3A_1082 : vector<16xf32>
        %add3A_1091 = arith.addf %mul3A_1089, %mul3A_1090 : vector<16xf32>
        %mul3A_1092 = arith.mulf %get3A_1085, %get3A_1085 : vector<16xf32>
        %mul3A_1093 = arith.mulf %get3A_1088, %get3A_1088 : vector<16xf32>
        %add3A_1094 = arith.addf %mul3A_1092, %mul3A_1093 : vector<16xf32>
        %add3A_1095 = arith.addf %add3A_1091, %add3A_1094 : vector<16xf32>
        %reduce_sum3A_1096 = arith.constant true
        %reduce_sum3A_1097 = vector.broadcast %reduce_sum3A_1096 : i1 to vector<16xi1>
        %reduce_sum3A_1098 = tpu.scan <sum>, %add3A_1095 masked %reduce_sum3A_1097 : vector<16xf32>, vector<16xi1> -> vector<16xf32>
        %reduce_sum3A_1099 = vector.extract %reduce_sum3A_1098[15] : f32 from vector<16xf32>
        %eq3A_1100 = arith.constant 3 : i32
        %eq3A_1101 = vector.broadcast %eq3A_1100 : i32 to vector<16xi32>
        %eq3A_1102 = arith.cmpi eq, %iota3A_240, %eq3A_1101 : vector<16xi32>
        %broadcast_in_dim3A_1103 = vector.broadcast %reduce_sum3A_1099 : f32 to vector<16xf32>
        %select_n3A_1104 = arith.select %eq3A_1102, %broadcast_in_dim3A_1103, %select_n3A_1074 : vector<16xi1>, vector<16xf32>
        %max3A_1105 = arith.constant 1.000000e-24 : f32
        %max3A_1106 = vector.broadcast %max3A_1105 : f32 to vector<16xf32>
        %max3A_1107 = arith.maximumf %select_n3A_1104, %max3A_1106 : vector<16xf32>
        %bitcast3A_1108 = vector.bitcast %max3A_1107 : vector<16xf32> to vector<16xi32>
        %broadcast_in_dim3A_1109 = arith.constant 1597463007 : i32
        %broadcast_in_dim3A_1110 = vector.broadcast %broadcast_in_dim3A_1109 : i32 to vector<16xi32>
        %shift_right_arithmetic3A_1111 = arith.constant 1 : i32
        %shift_right_arithmetic3A_1112 = vector.broadcast %shift_right_arithmetic3A_1111 : i32 to vector<16xi32>
        %shift_right_arithmetic3A_1113 = arith.shrsi %bitcast3A_1108, %shift_right_arithmetic3A_1112 : vector<16xi32>
        %sub3A_1114 = arith.subi %broadcast_in_dim3A_1110, %shift_right_arithmetic3A_1113 : vector<16xi32>
        %bitcast3A_1115 = vector.bitcast %sub3A_1114 : vector<16xi32> to vector<16xf32>
        %mul3A_1116 = arith.constant 5.000000e-01 : f32
        %mul3A_1117 = vector.broadcast %mul3A_1116 : f32 to vector<16xf32>
        %mul3A_1118 = arith.mulf %mul3A_1117, %max3A_1107 : vector<16xf32>
        %mul3A_1119 = arith.mulf %mul3A_1118, %bitcast3A_1115 : vector<16xf32>
        %mul3A_1120 = arith.mulf %mul3A_1119, %bitcast3A_1115 : vector<16xf32>
        %sub3A_1121 = arith.constant 1.500000e+00 : f32
        %sub3A_1122 = vector.broadcast %sub3A_1121 : f32 to vector<16xf32>
        %sub3A_1123 = arith.subf %sub3A_1122, %mul3A_1120 : vector<16xf32>
        %mul3A_1124 = arith.mulf %bitcast3A_1115, %sub3A_1123 : vector<16xf32>
        %mul3A_1125 = arith.constant 5.000000e-01 : f32
        %mul3A_1126 = vector.broadcast %mul3A_1125 : f32 to vector<16xf32>
        %mul3A_1127 = arith.mulf %mul3A_1126, %max3A_1107 : vector<16xf32>
        %mul3A_1128 = arith.mulf %mul3A_1127, %mul3A_1124 : vector<16xf32>
        %mul3A_1129 = arith.mulf %mul3A_1128, %mul3A_1124 : vector<16xf32>
        %sub3A_1130 = arith.constant 1.500000e+00 : f32
        %sub3A_1131 = vector.broadcast %sub3A_1130 : f32 to vector<16xf32>
        %sub3A_1132 = arith.subf %sub3A_1131, %mul3A_1129 : vector<16xf32>
        %mul3A_1133 = arith.mulf %mul3A_1124, %sub3A_1132 : vector<16xf32>
        %mul3A_1134 = arith.constant 5.000000e-01 : f32
        %mul3A_1135 = vector.broadcast %mul3A_1134 : f32 to vector<16xf32>
        %mul3A_1136 = arith.mulf %mul3A_1135, %max3A_1107 : vector<16xf32>
        %mul3A_1137 = arith.mulf %mul3A_1136, %mul3A_1133 : vector<16xf32>
        %mul3A_1138 = arith.mulf %mul3A_1137, %mul3A_1133 : vector<16xf32>
        %sub3A_1139 = arith.constant 1.500000e+00 : f32
        %sub3A_1140 = vector.broadcast %sub3A_1139 : f32 to vector<16xf32>
        %sub3A_1141 = arith.subf %sub3A_1140, %mul3A_1138 : vector<16xf32>
        %mul3A_1142 = arith.mulf %mul3A_1133, %sub3A_1141 : vector<16xf32>
        %mul3A_1143 = arith.constant 8.000000e+00 : f32
        %mul3A_1144 = vector.broadcast %mul3A_1143 : f32 to vector<16xf32>
        %mul3A_1145 = arith.mulf %mul3A_1142, %mul3A_1144 : vector<16xf32>
        %broadcast_in_dim3A_1146 = arith.constant 0 : i32
        %broadcast_in_dim3A_1147 = vector.broadcast %broadcast_in_dim3A_1146 : i32 to vector<16x1xi32>
        %gather3A_1148 = vector.shape_cast %broadcast_in_dim3A_1147 : vector<16x1xi32> to vector<16xi32>
        %gather3A_1149 = tpu.dynamic_gather %mul3A_1145[%gather3A_1148] in [0] : vector<16xf32>, vector<16xi32> -> vector<16xf32>
        %mul3A_1150 = arith.mulf %get3A_989, %gather3A_1149 : vector<16xf32>
        %swap3A_1151 = arith.index_cast %add3A_986 : i32 to index
        %swap3A_1152 = arith.constant 0 : index
        %swap3A_1153 = tpu.vector_load %arg9[%swap3A_1151, %swap3A_1152] {strides = array<i32>} : memref<256x64xf32, #tpu.memory_space<vmem>>, vector<16xf32>,
        tpu.vector_store %arg9[%swap3A_1151, %swap3A_1152], %mul3A_1150 {strides = array<i32>} : memref<256x64xf32, #tpu.memory_space<vmem>>, vector<16xf32>,
        %mul3A_1154 = arith.mulf %get3A_992, %gather3A_1149 : vector<16xf32>
        %swap3A_1155 = arith.index_cast %add3A_986 : i32 to index
        %swap3A_1156 = arith.constant 16 : index
        %swap3A_1157 = tpu.vector_load %arg9[%swap3A_1155, %swap3A_1156] {strides = array<i32>} : memref<256x64xf32, #tpu.memory_space<vmem>>, vector<16xf32>,
        tpu.vector_store %arg9[%swap3A_1155, %swap3A_1156], %mul3A_1154 {strides = array<i32>} : memref<256x64xf32, #tpu.memory_space<vmem>>, vector<16xf32>,
        %mul3A_1158 = arith.mulf %get3A_995, %gather3A_1149 : vector<16xf32>
        %swap3A_1159 = arith.index_cast %add3A_986 : i32 to index
        %swap3A_1160 = arith.constant 32 : index
        %swap3A_1161 = tpu.vector_load %arg9[%swap3A_1159, %swap3A_1160] {strides = array<i32>} : memref<256x64xf32, #tpu.memory_space<vmem>>, vector<16xf32>,
        tpu.vector_store %arg9[%swap3A_1159, %swap3A_1160], %mul3A_1158 {strides = array<i32>} : memref<256x64xf32, #tpu.memory_space<vmem>>, vector<16xf32>,
        %mul3A_1162 = arith.mulf %get3A_998, %gather3A_1149 : vector<16xf32>
        %swap3A_1163 = arith.index_cast %add3A_986 : i32 to index
        %swap3A_1164 = arith.constant 48 : index
        %swap3A_1165 = tpu.vector_load %arg9[%swap3A_1163, %swap3A_1164] {strides = array<i32>} : memref<256x64xf32, #tpu.memory_space<vmem>>, vector<16xf32>,
        tpu.vector_store %arg9[%swap3A_1163, %swap3A_1164], %mul3A_1162 {strides = array<i32>} : memref<256x64xf32, #tpu.memory_space<vmem>>, vector<16xf32>,
        %broadcast_in_dim3A_1166 = arith.constant 1 : i32
        %broadcast_in_dim3A_1167 = vector.broadcast %broadcast_in_dim3A_1166 : i32 to vector<16x1xi32>
        %gather3A_1168 = vector.shape_cast %broadcast_in_dim3A_1167 : vector<16x1xi32> to vector<16xi32>
        %gather3A_1169 = tpu.dynamic_gather %mul3A_1145[%gather3A_1168] in [0] : vector<16xf32>, vector<16xi32> -> vector<16xf32>
        %mul3A_1170 = arith.mulf %get3A_1019, %gather3A_1169 : vector<16xf32>
        %swap3A_1171 = arith.index_cast %add3A_1016 : i32 to index
        %swap3A_1172 = arith.constant 0 : index
        %swap3A_1173 = tpu.vector_load %arg9[%swap3A_1171, %swap3A_1172] {strides = array<i32>} : memref<256x64xf32, #tpu.memory_space<vmem>>, vector<16xf32>,
        tpu.vector_store %arg9[%swap3A_1171, %swap3A_1172], %mul3A_1170 {strides = array<i32>} : memref<256x64xf32, #tpu.memory_space<vmem>>, vector<16xf32>,
        %mul3A_1174 = arith.mulf %get3A_1022, %gather3A_1169 : vector<16xf32>
        %swap3A_1175 = arith.index_cast %add3A_1016 : i32 to index
        %swap3A_1176 = arith.constant 16 : index
        %swap3A_1177 = tpu.vector_load %arg9[%swap3A_1175, %swap3A_1176] {strides = array<i32>} : memref<256x64xf32, #tpu.memory_space<vmem>>, vector<16xf32>,
        tpu.vector_store %arg9[%swap3A_1175, %swap3A_1176], %mul3A_1174 {strides = array<i32>} : memref<256x64xf32, #tpu.memory_space<vmem>>, vector<16xf32>,
        %mul3A_1178 = arith.mulf %get3A_1025, %gather3A_1169 : vector<16xf32>
        %swap3A_1179 = arith.index_cast %add3A_1016 : i32 to index
        %swap3A_1180 = arith.constant 32 : index
        %swap3A_1181 = tpu.vector_load %arg9[%swap3A_1179, %swap3A_1180] {strides = array<i32>} : memref<256x64xf32, #tpu.memory_space<vmem>>, vector<16xf32>,
        tpu.vector_store %arg9[%swap3A_1179, %swap3A_1180], %mul3A_1178 {strides = array<i32>} : memref<256x64xf32, #tpu.memory_space<vmem>>, vector<16xf32>,
        %mul3A_1182 = arith.mulf %get3A_1028, %gather3A_1169 : vector<16xf32>
        %swap3A_1183 = arith.index_cast %add3A_1016 : i32 to index
        %swap3A_1184 = arith.constant 48 : index
        %swap3A_1185 = tpu.vector_load %arg9[%swap3A_1183, %swap3A_1184] {strides = array<i32>} : memref<256x64xf32, #tpu.memory_space<vmem>>, vector<16xf32>,
        tpu.vector_store %arg9[%swap3A_1183, %swap3A_1184], %mul3A_1182 {strides = array<i32>} : memref<256x64xf32, #tpu.memory_space<vmem>>, vector<16xf32>,
        %broadcast_in_dim3A_1186 = arith.constant 2 : i32
        %broadcast_in_dim3A_1187 = vector.broadcast %broadcast_in_dim3A_1186 : i32 to vector<16x1xi32>
        %gather3A_1188 = vector.shape_cast %broadcast_in_dim3A_1187 : vector<16x1xi32> to vector<16xi32>
        %gather3A_1189 = tpu.dynamic_gather %mul3A_1145[%gather3A_1188] in [0] : vector<16xf32>, vector<16xi32> -> vector<16xf32>
        %mul3A_1190 = arith.mulf %get3A_1049, %gather3A_1189 : vector<16xf32>
        %swap3A_1191 = arith.index_cast %add3A_1046 : i32 to index
        %swap3A_1192 = arith.constant 0 : index
        %swap3A_1193 = tpu.vector_load %arg9[%swap3A_1191, %swap3A_1192] {strides = array<i32>} : memref<256x64xf32, #tpu.memory_space<vmem>>, vector<16xf32>,
        tpu.vector_store %arg9[%swap3A_1191, %swap3A_1192], %mul3A_1190 {strides = array<i32>} : memref<256x64xf32, #tpu.memory_space<vmem>>, vector<16xf32>,
        %mul3A_1194 = arith.mulf %get3A_1052, %gather3A_1189 : vector<16xf32>
        %swap3A_1195 = arith.index_cast %add3A_1046 : i32 to index
        %swap3A_1196 = arith.constant 16 : index
        %swap3A_1197 = tpu.vector_load %arg9[%swap3A_1195, %swap3A_1196] {strides = array<i32>} : memref<256x64xf32, #tpu.memory_space<vmem>>, vector<16xf32>,
        tpu.vector_store %arg9[%swap3A_1195, %swap3A_1196], %mul3A_1194 {strides = array<i32>} : memref<256x64xf32, #tpu.memory_space<vmem>>, vector<16xf32>,
        %mul3A_1198 = arith.mulf %get3A_1055, %gather3A_1189 : vector<16xf32>
        %swap3A_1199 = arith.index_cast %add3A_1046 : i32 to index
        %swap3A_1200 = arith.constant 32 : index
        %swap3A_1201 = tpu.vector_load %arg9[%swap3A_1199, %swap3A_1200] {strides = array<i32>} : memref<256x64xf32, #tpu.memory_space<vmem>>, vector<16xf32>,
        tpu.vector_store %arg9[%swap3A_1199, %swap3A_1200], %mul3A_1198 {strides = array<i32>} : memref<256x64xf32, #tpu.memory_space<vmem>>, vector<16xf32>,
        %mul3A_1202 = arith.mulf %get3A_1058, %gather3A_1189 : vector<16xf32>
        %swap3A_1203 = arith.index_cast %add3A_1046 : i32 to index
        %swap3A_1204 = arith.constant 48 : index
        %swap3A_1205 = tpu.vector_load %arg9[%swap3A_1203, %swap3A_1204] {strides = array<i32>} : memref<256x64xf32, #tpu.memory_space<vmem>>, vector<16xf32>,
        tpu.vector_store %arg9[%swap3A_1203, %swap3A_1204], %mul3A_1202 {strides = array<i32>} : memref<256x64xf32, #tpu.memory_space<vmem>>, vector<16xf32>,
        %broadcast_in_dim3A_1206 = arith.constant 3 : i32
        %broadcast_in_dim3A_1207 = vector.broadcast %broadcast_in_dim3A_1206 : i32 to vector<16x1xi32>
        %gather3A_1208 = vector.shape_cast %broadcast_in_dim3A_1207 : vector<16x1xi32> to vector<16xi32>
        %gather3A_1209 = tpu.dynamic_gather %mul3A_1145[%gather3A_1208] in [0] : vector<16xf32>, vector<16xi32> -> vector<16xf32>
        %mul3A_1210 = arith.mulf %get3A_1079, %gather3A_1209 : vector<16xf32>
        %swap3A_1211 = arith.index_cast %add3A_1076 : i32 to index
        %swap3A_1212 = arith.constant 0 : index
        %swap3A_1213 = tpu.vector_load %arg9[%swap3A_1211, %swap3A_1212] {strides = array<i32>} : memref<256x64xf32, #tpu.memory_space<vmem>>, vector<16xf32>,
        tpu.vector_store %arg9[%swap3A_1211, %swap3A_1212], %mul3A_1210 {strides = array<i32>} : memref<256x64xf32, #tpu.memory_space<vmem>>, vector<16xf32>,
        %mul3A_1214 = arith.mulf %get3A_1082, %gather3A_1209 : vector<16xf32>
        %swap3A_1215 = arith.index_cast %add3A_1076 : i32 to index
        %swap3A_1216 = arith.constant 16 : index
        %swap3A_1217 = tpu.vector_load %arg9[%swap3A_1215, %swap3A_1216] {strides = array<i32>} : memref<256x64xf32, #tpu.memory_space<vmem>>, vector<16xf32>,
        tpu.vector_store %arg9[%swap3A_1215, %swap3A_1216], %mul3A_1214 {strides = array<i32>} : memref<256x64xf32, #tpu.memory_space<vmem>>, vector<16xf32>,
        %mul3A_1218 = arith.mulf %get3A_1085, %gather3A_1209 : vector<16xf32>
        %swap3A_1219 = arith.index_cast %add3A_1076 : i32 to index
        %swap3A_1220 = arith.constant 32 : index
        %swap3A_1221 = tpu.vector_load %arg9[%swap3A_1219, %swap3A_1220] {strides = array<i32>} : memref<256x64xf32, #tpu.memory_space<vmem>>, vector<16xf32>,
        tpu.vector_store %arg9[%swap3A_1219, %swap3A_1220], %mul3A_1218 {strides = array<i32>} : memref<256x64xf32, #tpu.memory_space<vmem>>, vector<16xf32>,
        %mul3A_1222 = arith.mulf %get3A_1088, %gather3A_1209 : vector<16xf32>
        %swap3A_1223 = arith.index_cast %add3A_1076 : i32 to index
        %swap3A_1224 = arith.constant 48 : index
        %swap3A_1225 = tpu.vector_load %arg9[%swap3A_1223, %swap3A_1224] {strides = array<i32>} : memref<256x64xf32, #tpu.memory_space<vmem>>, vector<16xf32>,
        tpu.vector_store %arg9[%swap3A_1223, %swap3A_1224], %mul3A_1222 {strides = array<i32>} : memref<256x64xf32, #tpu.memory_space<vmem>>, vector<16xf32>,
      }
      %scan3A_246 = arith.constant 16 : i32
      %mul3A_247 = arith.constant 256 : i32
      %mul3A_248 = arith.muli %add3A_205, %mul3A_247 : i32
      %add3A_249 = arith.addi %mul3A_2, %mul3A_248 : i32
      %dma_start3A_250 = arith.constant 0 : i32
      %dma_start3A_251 = tpu.memref_slice %arg4[%add3A_249, %dma_start3A_250] : memref<819200x64xf32, #tpu.memory_space<hbm>> -> memref<256x64xf32, #tpu.memory_space<hbm>>
      %dma_start3A_252 = arith.constant 0 : i32
      %dma_start3A_253 = tpu.memref_slice %arg4[%add3A_249, %dma_start3A_252] : memref<819200x64xf32, #tpu.memory_space<hbm>> -> memref<256x64xf32, #tpu.memory_space<hbm>>
      tpu.enqueue_dma source(%arg9 : memref<256x64xf32, #tpu.memory_space<vmem>>) target(%dma_start3A_253 : memref<256x64xf32, #tpu.memory_space<hbm>>) target_semaphore(%arg17 : memref<!tpu.dma_semaphore, #tpu.memory_space<semaphore_mem>>)
    }
    %scan3A_38 = arith.constant 25 : i32
    %add3A_39 = arith.constant 25088 : i32
    %add3A_40 = arith.addi %mul3A_2, %add3A_39 : i32
    %dma_wait3A = arith.constant 0 : i32
    %dma_wait3A_41 = tpu.memref_slice %arg4[%add3A_40, %dma_wait3A] : memref<819200x64xf32, #tpu.memory_space<hbm>> -> memref<256x64xf32, #tpu.memory_space<hbm>>
    %dma_wait3A_42 = arith.constant 0 : i32
    %dma_wait3A_43 = tpu.memref_slice %arg4[%add3A_40, %dma_wait3A_42] : memref<819200x64xf32, #tpu.memory_space<hbm>> -> memref<256x64xf32, #tpu.memory_space<hbm>>
    tpu.wait_dma2 semaphore(%arg16 : memref<!tpu.dma_semaphore, #tpu.memory_space<semaphore_mem>>) src(%arg8 : memref<256x64xf32, #tpu.memory_space<vmem>>) dst(%dma_wait3A_43 : memref<256x64xf32, #tpu.memory_space<hbm>>)
    %add3A_44 = arith.constant 25344 : i32
    %add3A_45 = arith.addi %mul3A_2, %add3A_44 : i32
    %dma_wait3A_46 = arith.constant 0 : i32
    %dma_wait3A_47 = tpu.memref_slice %arg4[%add3A_45, %dma_wait3A_46] : memref<819200x64xf32, #tpu.memory_space<hbm>> -> memref<256x64xf32, #tpu.memory_space<hbm>>
    %dma_wait3A_48 = arith.constant 0 : i32
    %dma_wait3A_49 = tpu.memref_slice %arg4[%add3A_45, %dma_wait3A_48] : memref<819200x64xf32, #tpu.memory_space<hbm>> -> memref<256x64xf32, #tpu.memory_space<hbm>>
    tpu.wait_dma2 semaphore(%arg17 : memref<!tpu.dma_semaphore, #tpu.memory_space<semaphore_mem>>) src(%arg9 : memref<256x64xf32, #tpu.memory_space<vmem>>) dst(%dma_wait3A_49 : memref<256x64xf32, #tpu.memory_space<hbm>>)
    return
  }
}

</mosaic_0001>

<sc_bundles>
// kernel: kernel.3.cloned.1.call-start
scs
__scs_entry_jumppad:
0x0: {  	(pc) =	sbr.rel $0x88, $3  }
0x1: {  	(tag) =	ssettag $0x0;
	lr =	simm.s32 $0x1  }
0x2: {  	[smem:$0x3F9F] =	sst lr;
	_ =	strace $0xD0000000  }
0x3: {  	_ = 	snop  }
0x4: {  	_ = 	snop  }
0x5: {  	_ = 	snop  }
0x6: {  	_ = 	snop  }
0x7: {  	_ = 	snop  }
__scs_overlays_trampoline_lowered:
0x8: {  	[smem:$0x3FAE] =	sst s0  }
0x9: {  	[smem:$0x3FAF] =	sst s1  }
0xa: {  	[smem:$0x3FB0] =	sst s2  }
0xb: {  	[smem:$0x3FB1] =	sst s3  }
0xc: {  	[smem:$0x3FB2] =	sst s4  }
0xd: {  	[smem:$0x3FB3] =	sst s5  }
0xe: {  	[smem:$0x3FB4] =	sst s6  }
0xf: {  	[smem:$0x3FB5] =	sst s7  }
0x10: {  	[smem:$0x3FB6] =	sst s8  }
0x11: {  	[smem:$0x3FB7] =	sst s9;
	s0 =	simm.s32 @!p0 $0x0  }
0x12: {  	s1 =	sld [smem:$0x3F9D];
	s0 =	simm.s32 @p0 $0x1  }
0x13: {  	[smem:$0x3FB8] =	sst s0;
	s0 =	simm.s32 @!p1 $0x0  }
0x14: {  	s2 =	sld [smem:$0x3F9C];
	s0 =	simm.s32 @p1 $0x1  }
0x15: {  	[smem:$0x3FB9] =	sst s0;
	s0 =	simm.s32 @!p2 $0x0  }
0x16: {  	s3 =	sld [smem:$0x3FDB];
	s0 =	simm.s32 @p2 $0x1  }
0x17: {  	s4 =	simm.s32 $0x1BF5;
	[smem:$0x3FBB] =	sst s0  }
0x18: {  	s0 =	sld [smem:$0x3F9E];
	_ =	swait.ge [sflag:s4], $0x0  }
0x19: {  	s7 =	sld [smem:$0x3F9F]  }
0x1a: {  	s8 =	sadd.s32 $0xFFFFE003, lr  }
0x1b: {  	s9 =	sadd.s32 $0xFFFFFEF7, lr;
	s5 =	simm.s32 $0xFFFFFFFF;
	p2 =	slt.u32 s8, $0xFFFFF086  }
0x1c: {  	p1 =	slt.u32 s9, $0xF7A;
	s5 =	simm.s32 @!p2 $0x0  }
0x1d: {  	s5 =	simm.s32 @p1 $0x1;
	p0 =	seq.s32 s7, s2  }
0x1e: {  	s7 =	smul.u32 @!p0 $0xF7A, s2;
	p2 =	seq.s32 @!p0 s5, $0x0  }
0x1f: {  	s9 =	smul.u32 $0xF7A, s1;
	s8 =	simm.s32 @!p0 $0x1BF5;
	p2 =	por !p2, p0  }
0x20: {  	[sflag:s8] =	ssyncset.s32 @!p0 $0xFFFFF086;
	s6 =	sadd.s32 @!p0 s3, s7;
	s7 =	simm.s32 @!p0 $0x108  }
0x21: {  	s3 =	sadd.s32 s3, s9;
	s6 =	sadd.s32 @!p0 $0x88, s6;
	s7 =	simm.s32 @p2 $0x1082  }
0x22: {  	[simem:s7], [sflag:s8] =	dma.local @!p0 [hbm:s6], $0xF7A  }
0x23: {  	s9 =	sor.u32 $0xD0000000, s2;
	s6 =	simm.s32 $0x108;
	_ =	swait.ge @!p0 [sflag:s8], $0x0  }
0x24: {  	s3 =	sadd.s32 $0x88, s3;
	s6 =	simm.s32 @!p1 $0x1082;
	[sflag:s4] =	ssyncset.s32 $0xFFFFF086  }
0x25: {  	[simem:s6], [sflag:s4] =	dma.local [hbm:s3], $0xF7A  }
0x26: {  	[smem:$0x3F9F] =	sst s1;
	(tag) =	ssettag s2;
	_ =	strace s9  }
0x27: {  	s1 =	sld [smem:$0x3FAF]  }
0x28: {  	s2 =	sld [smem:$0x3FB0]  }
0x29: {  	s4 =	sld [smem:$0x3FB2]  }
0x2a: {  	p0 =	seq.s32 s5, $0x0;
	s5 =	sld [smem:$0x3FB3]  }
0x2b: {  	s6 =	sld [smem:$0x3FB4]  }
0x2c: {  	s7 =	sld [smem:$0x3FB5]  }
0x2d: {  	s3 =	simm.s32 $0x108;
	s8 =	sld [smem:$0x3FB6]  }
0x2e: {  	s3 =	simm.s32 @!p0 $0x1082;
	s9 =	sld [smem:$0x3FB7]  }
0x2f: {  	lr =	sadd.s32 s0, s3;
	s0 =	sld [smem:$0x3FAE]  }
0x30: {  	s3 =	sld [smem:$0x3FB1]  }
0x31: {  	[smem:$0x3FBA] =	sst s10  }
0x32: {  	s10 =	sld [smem:$0x3FB8];
	_ =	sdelay $0x3  }
0x33: {  	p0 =	seq.s32 s10, $0x1;
	s10 =	sld [smem:$0x3FBA];
	_ =	sdelay $0x3  }
0x34: {  	[smem:$0x3FBA] =	sst s10  }
0x35: {  	s10 =	sld [smem:$0x3FB9];
	_ =	sdelay $0x3  }
0x36: {  	p1 =	seq.s32 s10, $0x1;
	s10 =	sld [smem:$0x3FBA];
	_ =	sdelay $0x3  }
0x37: {  	[smem:$0x3FBA] =	sst s10  }
0x38: {  	s10 =	sld [smem:$0x3FBB]  }
0x39: {  	_ = 	snop;
	(pc) =	sbr.ind lr, $3  }
0x3a: {  	_ = 	snop  }
0x3b: {  	_ = 	snop  }
0x3c: {  	p2 =	seq.s32 s10, $0x1;
	s10 =	sld [smem:$0x3FBA]  }
0x3d: {  	_ =	shalt  }
0x3e: {  	_ =	shalt  }
0x3f: {  	_ =	shalt  }
0x40: {  	_ =	shalt  }
0x41: {  	_ =	shalt  }
0x42: {  	_ =	shalt  }
0x43: {  	_ =	shalt  }
0x44: {  	_ =	shalt  }
0x45: {  	_ =	shalt  }
0x46: {  	_ =	shalt  }
0x47: {  	_ =	shalt  }
0x48: {  	_ =	shalt  }
0x49: {  	_ =	shalt  }
0x4a: {  	_ =	shalt  }
0x4b: {  	_ =	shalt  }
0x4c: {  	_ =	shalt  }
0x4d: {  	_ =	shalt  }
0x4e: {  	_ =	shalt  }
0x4f: {  	_ =	shalt  }
0x50: {  	_ =	shalt  }
0x51: {  	_ =	shalt  }
0x52: {  	_ =	shalt  }
0x53: {  	_ =	shalt  }
0x54: {  	_ =	shalt  }
0x55: {  	_ =	shalt  }
0x56: {  	_ =	shalt  }
0x57: {  	_ =	shalt  }
0x58: {  	_ =	shalt  }
0x59: {  	_ =	shalt  }
0x5a: {  	_ =	shalt  }
0x5b: {  	_ =	shalt  }
0x5c: {  	_ =	shalt  }
0x5d: {  	_ =	shalt  }
0x5e: {  	_ =	shalt  }
0x5f: {  	_ =	shalt  }
0x60: {  	_ =	shalt  }
0x61: {  	_ =	shalt  }
0x62: {  	_ =	shalt  }
0x63: {  	_ =	shalt  }
0x64: {  	_ =	shalt  }
0x65: {  	_ =	shalt  }
0x66: {  	_ =	shalt  }
0x67: {  	_ =	shalt  }
0x68: {  	_ =	shalt  }
0x69: {  	_ =	shalt  }
0x6a: {  	_ =	shalt  }
0x6b: {  	_ =	shalt  }
0x6c: {  	_ =	shalt  }
0x6d: {  	_ =	shalt  }
0x6e: {  	_ =	shalt  }
0x6f: {  	_ =	shalt  }
0x70: {  	_ =	shalt  }
0x71: {  	_ =	shalt  }
0x72: {  	_ =	shalt  }
0x73: {  	_ =	shalt  }
0x74: {  	_ =	shalt  }
0x75: {  	_ =	shalt  }
0x76: {  	_ =	shalt  }
0x77: {  	_ =	shalt  }
0x78: {  	_ =	shalt  }
0x79: {  	_ =	shalt  }
0x7a: {  	_ =	shalt  }
0x7b: {  	_ =	shalt  }
0x7c: {  	_ =	shalt  }
0x7d: {  	_ =	shalt  }
0x7e: {  	_ =	shalt  }
0x7f: {  	_ =	shalt  }
0x80: {  	_ =	shalt  }
0x81: {  	_ =	shalt  }
0x82: {  	_ =	shalt  }
0x83: {  	_ =	shalt  }
0x84: {  	_ =	shalt  }
0x85: {  	_ =	shalt  }
0x86: {  	_ =	shalt  }
0x87: {  	_ =	shalt  }
.Lfunc_end0:
.L_simem_size_0:
called_computation.1_lowered:
.L_overlay_start_0:
0x88: {  	s2 =	sld [smem:$0x3FD9]  }
0x89: {  	s3 =	sld [smem:$0x3FFE];
	_ =	sdelay $0x1  }
0x8a: {  	s1 =	srdreg.scid  }
0x8b: {  	s0 =	sand.u32 $0x1, s1  }
0x8c: {  	s17 =	sshll.u32 s0, $0xA;
	s2 =	sadd.s32 s3, s2  }
0x8d: {  	s2 =	sadd.s32 s2, s17  }
0x8e: {  	[smem:$0x3FC6] =	sst s2  }
0x8f: {  	_ = 	snop  }
0x90: {  	s2 =	sld [smem:$0x3FD0];
	(tm) =	ssettm $0x1  }
0x91: {  	s18 =	sld [smem:$0x3FFB];
	_ =	sdelay $0x3  }
0x92: {  	_ =	strace s18  }
0x93: {  	s3 =	sld [smem:$0x3FFC];
	_ =	sdelay $0x3  }
0x94: {  	_ =	strace s3  }
0x95: {  	s3 =	sld [smem:$0x3FFD];
	_ =	sdelay $0x3  }
0x96: {  	_ =	strace s3  }
0x97: {  	_ =	strace $0x8FFFFFFF  }
0x98: {  	s19 =	sld [smem:$0x3FDB];
	_ =	sdelay $0x1  }
0x99: {  	s4 =	simm.s32 $_scs_section_size  }
0x9a: {  	s5 =	simm.s32 $_size__tile_overlayer_lowered;
	s6 =	simm.s32 $_tile_overlayer_lowered  }
0x9b: {  	s22 =	simm.s32 $0x1BFF;
	s21 =	sshll.u32 s6, $0x1;
	s3 =	sadd.s32 s4, s19  }
0x9c: {  	s7 =	simm.s32 $0x0;
	s20 =	sshll.u32 s5, $0x1;
	s5 =	sadd.s32 s21, s3  }
0x9d: {  	[timem:s7], [sflag:s22] =	dma.local [hbm:s5], s20  }
0x9e: {  	_ =	swait.ge [sflag:s22], s20  }
0x9f: {  	s4 =	ssub.s32 $0x0, s20;
	[sflag:s22] =	ssyncset.done $0x0  }
0xa0: {  	[sflag:s22] =	ssyncadd.s32 s4;
	_ =	sdelay $0x1  }
0xa1: {  	s23 =	simm.s32 $0x1B8B  }
0xa2: {  	_ =	swait.ge [sflag:s23], $0x1  }
0xa3: {  	[sflag:s23] =	ssyncset.done $0x0  }
0xa4: {  	s25 =	simm.s32 $0x1B8E;
	s24 =	sld [smem:$0x3FFE];
	[sflag:s23] =	ssyncadd.s32 $0xFFFFFFFF  }
0xa5: {  	s26 =	simm.s32 $execute0_lowered;
	[smem:$0x3FD2] =	sst s25  }
0xa6: {  	s5 =	sshll.u32 s26, $0x1;
	_ =	strace $0x80000046;
	[dreg:$0x1] =	wrdreg $0xFFFFFFFF  }
0xa7: {  	s28 =	simm.s32 $_size_execute0_lowered;
	s3 =	sadd.s32 s3, s5;
	[dreg:$0x0] =	wrdreg $0x0  }
0xa8: {  	s5 =	sshll.u32 s28, $0x1;
	[dreg:$0x2] =	wrdreg s3  }
0xa9: {  	[dreg:$0x3] =	wrdreg s5  }
0xaa: {  	[dreg:$0x4] =	wrdreg $0xC0  }
0xab: {  	_ =	task [dreg:s7], $0x5FFFF  }
0xac: {  	[dreg:$0x1] =	wrdreg $0xFFFFFFFF  }
0xad: {  	[dreg:$0x0] =	wrdreg $0x60  }
0xae: {  	[dreg:$0x2] =	wrdreg s24  }
0xaf: {  	[dreg:$0x3] =	wrdreg s2  }
0xb0: {  	[dreg:$0x4] =	wrdreg $0x9  }
0xb1: {  	_ =	task.clear_ibuf [dreg:s7], $0x5FFFF;
	_ =	strace $0x90000046  }
0xb2: {  	s29 =	simm.s32 $0x9;
	_ =	strace $0x80000048  }
0xb3: {  	_ =	swait.ge [sflag:s29], $0x1  }
0xb4: {  	[sflag:s29] =	ssyncadd.s32 $0xFFFFFFFF  }
0xb5: {  	_ =	strace $0x90000048  }
0xb6: {  	_ =	sfence  }
0xb7: {  	s30 =	sld [smem:$0x0];
	_ =	sdelay $0x2  }
0xb8: {  	s31 =	sshll.u32 s1, $0xD;
	s1 =	sshrl.u32 s1, $0x2  }
0xb9: {  	s3 =	sand.u32 $0x4000, s31;
	s1 =	sadd.s32 s1, s30  }
0xba: {  	s0 =	sor.u32 s3, s0;
	s1 =	sshll.u32 s1, $0x11  }
0xbb: {  	s0 =	sor.u32 s1, s0  }
0xbc: {  	s0 =	sadd.s32 $0x8F2B, s0  }
0xbd: {  	[sflag:s0] =	ssyncadd.remote.s32 $0x1  }
0xbe: {  	_ =	sfence.sel $0xFFFF  }
0xbf: {  	[dreg:$0x0] =	wrdreg $0xFFFFFFFF;
	(pc) =	sbr.abs _section_cstart, $3  }
0xc0: {  	[dreg:$0x1] =	wrdreg $0xFFFFFFFF  }
0xc1: {  	_ =	task.clear_ibuf [dreg:s7], $0x2FFFF;
	_ =	strace $0x9FFFFFFF  }
0xc2: {  	(tm) =	ssettm $0x7FFFFFFF  }
0xc3: {  	_ =	shalt  }
tec
execute0_lowered:
.L_overlay_start_1:
0x0: {  	(tag) =	ssettag $0x1  }
0x1: {  	s0 =	srdreg.scid;
	s4 =	rddreg [dreg:$0x0]  }
0x2: {  	s1 =	stileid.u32;
	s2 =	rddreg [dreg:$0x1];
	s3 =	simm.s32 $0x0  }
0x3: {  	s9 =	simm.s32 $0x9;
	s10 =	simm.s32 $0x80;
	s11 =	simm.s32 $0x6400  }
0x4: {  	s14 =	simm.s32 $0xA400;
	s17 =	simm.s32 $0xE400;
	s18 =	simm.s32 $0x10400  }
0x5: {  	s19 =	simm.s32 $0x1;
	s20 =	simm.s32 $0x12400;
	s21 =	simm.s32 $0x14400  }
0x6: {  	s22 =	simm.s32 $0x2;
	s23 =	simm.s32 $0x5;
	s24 =	simm.s32 $0x3  }
0x7: {  	s25 =	simm.s32 $0x6;
	s0 =	sand.u32 $0x1, s0;
	s1 =	sshll.u32 s1, $0x1  }
0x8: {  	s26 =	simm.s32 $0x4;
	s28 =	simm.s32 $0x7;
	s1 =	sor.u32 s0, s1  }
0x9: {  	s29 =	simm.s32 $0x8;
	s0 =	ssub.s32 $0x2, s0;
	s7 =	smul.u32 $0x6400, s1  }
0xa: {  	s30 =	simm.s32 $0x0;
	[smem:$0x7FF] =	sst s3;
	s6 =	sshrl.u32 s0, $0x1  }
0xb: {  	_ =	strace $0x80000047;
	s0 =	ssub.s32 s0, s6;
	s5 =	sshrl.u32 s7, $0x3  }
0xc: {  	vm0 =	vmmov $0x1;
	s6 =	smul.u32 $0x190000, s1;
	s7 =	sor.u32 $0x100, s7;
	s5 =	sadd.s32 s5, s4  }
0xd: {  	vm1 =	vcmask $0x310;
	vm2 =	vcmask $0x710;
	vm3 =	vcmask $0xB10;
	s8 =	smax.u32 s0, $0x1;
	s4 =	sadd.s32 $0xF42E00, s4;
	s5 =	sadd.s32 $0xA00, s5  }
.LBB2_1:
0xe: {  	[tilespmem:s3], [sflag:$0x9] =	stream.linear.gather [hbm4b:s5+s3], $0x6400, $0x38;
	[tilespmem:$0x16400] =	vst v63  }
0xf: {  	_ =	swait.ge [sflag:s9], $0x6400  }
0x10: {  	[sflag:s9] =	ssyncset.done $0x0  }
0x11: {  	[sflag:s9] =	ssyncadd.s32 $0xFFFF9C00  }
0x12: {  	[tilespmem:s11], [sflag:$0x1] =	stream.indirect.gather [hbm4b:s4+s10], $0x40, s3, s10, $0xb8;
	[tilespmem:$0x16400] =	vst v63  }
0x13: {  	s0 =	simm.s32 $0x8400  }
0x14: {  	[tilespmem:s0], [sflag:$0x1] =	stream.indirect.gather [hbm4b:s4+s10], $0x40, s10, s10, $0xb8;
	[tilespmem:$0x16400] =	vst v63  }
0x15: {  	s15 =	simm.s32 $0x100  }
0x16: {  	[tilespmem:s14], [sflag:$0x2] =	stream.indirect.gather [hbm4b:s4+s10], $0x40, s15, s10, $0xb8;
	[tilespmem:$0x16400] =	vst v63  }
0x17: {  	s16 =	simm.s32 $0x180;
	s1 =	simm.s32 $0xC400;
	s31 =	simm.s32 $0x0  }
0x18: {  	[tilespmem:s1], [sflag:$0x2] =	stream.indirect.gather [hbm4b:s4+s10], $0x40, s16, s10, $0xb8;
	[tilespmem:$0x16400] =	vst v63  }
.LBB2_2:
0x19: {  	p0 =	seq.s32 s31, $0x0  }
0x1a: {  	s0 =	sshll.u32 s31, $0x2;
	s12 =	simm.s32 @!p0 $0x7  }
0x1b: {  	s1 =	sor.u32 $0x2, s0;
	_ =	swait.ge @!p0 [sflag:s12], $0x4000  }
0x1c: {  	s13 =	sshll.u32 s1, $0x8;
	[sflag:s12] =	ssyncset.done @!p0 $0x0  }
0x1d: {  	s16 =	sand.u32 $0x3FFFFF00, s13;
	[sflag:s12] =	ssyncadd.s32 @!p0 $0xFFFFC000  }
0x1e: {  	[tilespmem:s17], [sflag:$0x3] =	stream.indirect.gather [hbm4b:s4+s10], $0x40, s16, s10, $0xb8;
	[tilespmem:$0x16400] =	vst v63  }
0x1f: {  	s12 =	sor.u32 $0x80, s16  }
0x20: {  	[tilespmem:s18], [sflag:$0x3] =	stream.indirect.gather [hbm4b:s4+s10], $0x40, s12, s10, $0xb8;
	[tilespmem:$0x16400] =	vst v63  }
0x21: {  	_ =	swait.ge [sflag:s19], $0x2000  }
0x22: {  	[sflag:s19] =	ssyncset.done $0x0  }
0x23: {  	[sflag:s19] =	ssyncadd.s32 $0xFFFFE000  }
0x24: {  	_ =	swait.ge [sflag:s19], $0x2000  }
0x25: {  	[sflag:s19] =	ssyncset.done $0x0  }
0x26: {  	s12 =	simm.s32 $0x0;
	[sflag:s19] =	ssyncadd.s32 $0xFFFFE000  }
.LBB2_3:
0x27: {  	s13 =	sshra.s32 s12, $0x2  }
0x28: {  	v51 =	vld [tilespmem:s13+$0x6400]  }
0x29: {  	v50 =	vld [tilespmem:s13+$0x6410]  }
0x2a: {  	v49 =	vld [tilespmem:s13+$0x6420]  }
0x2b: {  	v48 =	vld [tilespmem:s13+$0x6430]  }
0x2c: {  	v47 =	vld [tilespmem:s13+$0x6440]  }
0x2d: {  	v45 =	vld [tilespmem:s13+$0x6450]  }
0x2e: {  	v46 =	vld [tilespmem:s13+$0x6460]  }
0x2f: {  	v42 =	vld [tilespmem:s13+$0x6470]  }
0x30: {  	v37 =	vld [tilespmem:s13+$0x6480]  }
0x31: {  	v32 =	vld [tilespmem:s13+$0x6490]  }
0x32: {  	v33 =	vld [tilespmem:s13+$0x64A0]  }
0x33: {  	v27 =	vld [tilespmem:s13+$0x64B0];
	v0 =	vmul.f32 v51, v51  }
0x34: {  	v7 =	vld [tilespmem:s13+$0x64C0];
	v1 =	vmul.f32 v50, v50;
	v2 =	vmul.f32 v49, v49  }
0x35: {  	v6 =	vld [tilespmem:s13+$0x64D0];
	v3 =	vmul.f32 v48, v48;
	v53 =	vmul.f32 v47, v47  }
0x36: {  	v4 =	vld [tilespmem:s13+$0x64E0];
	v8 =	vmul.f32 v45, v45;
	v54 =	vmul.f32 v46, v46  }
0x37: {  	v5 =	vld [tilespmem:s13+$0x64F0];
	v9 =	vmul.f32 v42, v42;
	v55 =	vmul.f32 v37, v37  }
0x38: {  	v10 =	vmul.f32 v32, v32;
	v56 =	vmul.f32 v33, v33  }
0x39: {  	v11 =	vmul.f32 v27, v27;
	v57 =	vmul.f32 v7, v7;
	v0 =	vadd.f32 v1, v0  }
0x3a: {  	v38 =	vld [tilespmem:s13+$0x6500];
	v12 =	vmul.f32 v6, v6;
	v2 =	vadd.f32 v3, v2;
	v1 =	vadd.f32 v8, v53  }
0x3b: {  	v39 =	vld [tilespmem:s13+$0x6510];
	v58 =	vmul.f32 v4, v4;
	v3 =	vadd.f32 v9, v54;
	v8 =	vadd.f32 v10, v55  }
0x3c: {  	v34 =	vld [tilespmem:s13+$0x6520];
	v13 =	vmul.f32 v5, v5;
	v9 =	vadd.f32 v11, v56;
	v0 =	vadd.f32 v2, v0  }
0x3d: {  	v61 =	vld [tilespmem:s13+$0x6530];
	v1 =	vadd.f32 v3, v1;
	v2 =	vadd.f32 v12, v57  }
0x3e: {  	v63 =	vld [tilespmem:s13+$0x6540];
	v3 =	vadd.f32 v13, v58;
	v59 =	vadd.f32 v9, v8;
	(xrf2) =	vadd.scan.msk.f32 $0xffff, v0  }
0x3f: {  	v24 =	vld [tilespmem:s13+$0x6550];
	(xrf2) =	vadd.scan.msk.f32 $0xffff, v1  }
0x40: {  	v26 =	vld [tilespmem:s13+$0x6560];
	v60 =	vadd.f32 v3, v2;
	(xrf2) =	vadd.scan.msk.f32 $0xffff, v59  }
0x41: {  	v35 =	vld [tilespmem:s13+$0x6570]  }
0x42: {  	v41 =	vld [tilespmem:s13+$0x6590];
	(xrf2) =	vadd.scan.msk.f32 $0xffff, v60  }
0x43: {  	v40 =	vld [tilespmem:s13+$0x6580]  }
0x44: {  	v52 =	vld [tilespmem:s13+$0x65A0]  }
0x45: {  	v20 =	vld [tilespmem:s13+$0x65C0]  }
0x46: {  	v21 =	vld [tilespmem:s13+$0x65E0];
	v43 =	vmul.f32 v38, v38;
	v44 =	vmul.f32 v39, v39  }
0x47: {  	v22 =	vld [tilespmem:s13+$0x6620];
	v29 =	vmul.f32 v41, v41;
	v53 =	vmul.f32 v34, v34  }
0x48: {  	[tilespmem:$0x1FF40] =	vst v61;
	v54 =	vmul.f32 v61, v61;
	v55 =	vld [tilespmem:s13+$0x65B0];
	v9 =	vmul.f32 v40, v40;
	v62, _, _ =	vpop (xrf2)  }
0x49: {  	[tilespmem:$0x1FF50] =	vst v63;
	v61 =	vmul.f32 v63, v63;
	v63 =	vld [tilespmem:s13+$0x6610];
	v0 =	vbroadcast v62, $0xF;
	v23, _, _ =	vpop (xrf2)  }
0x4a: {  	v56 =	vadd.f32 v54, v53;
	v58 =	vld [tilespmem:s13+$0x65F0];
	v3 =	vadd.f32 v29, v9;
	v1 =	vbroadcast v23, $0xF;
	v25, _, _ =	vpop (xrf2)  }
0x4b: {  	v29 =	vld [tilespmem:s13+$0x6670];
	v62 =	vmul.f32 v24, v24;
	v0 =	vnsel vm0, $0x3F800000, v0;
	v2 =	vbroadcast v25, $0xF  }
0x4c: {  	[tilespmem:$0x1FF60] =	vst v24;
	v60 =	vld [tilespmem:s13+$0x6600];
	v31, _, _ =	vpop (xrf2);
	v25 =	vmul.f32 v26, v26;
	v0 =	vsel vm1, v0, v1;
	v1 =	vadd.f32 v44, v43  }
0x4d: {  	[tilespmem:$0x1FF70] =	vst v26;
	v24 =	vld [tilespmem:s13+$0x6630];
	v26 =	vmul.f32 v35, v35;
	v36 =	vbroadcast v31, $0xF  }
0x4e: {  	[tilespmem:$0x1FF80] =	vst v35;
	v23 =	vld [tilespmem:s13+$0x65D0];
	v35 =	vmul.f32 v55, v55;
	v0 =	vsel vm2, v0, v2;
	v1 =	vadd.f32 v56, v1  }
0x4f: {  	[tilespmem:$0x1FFA0] =	vst v41;
	v31 =	vmul.f32 v52, v52;
	v28 =	vadd.f32 v26, v25;
	v25 =	vld [tilespmem:s13+$0x6640];
	v0 =	vsel vm3, v0, v36  }
0x50: {  	v41 =	vmul.f32 v21, v21;
	v43 =	vmul.f32 v58, v58;
	v26 =	vld [tilespmem:s13+$0x6650];
	v0 =	vmax.f32 v0, $1.000000020e-24;
	(xrf2) =	vadd.scan.msk.f32 $0xffff, v1  }
0x51: {  	[tilespmem:$0x1FF20] =	vst v4;
	v35 =	vadd.f32 v35, v31;
	v31 =	vld [tilespmem:s13+$0x6680];
	v16 =	vshra.s32 v0, $0x1;
	v4 =	vmul.f32 $5.000000000e-01, v0  }
0x52: {  	v53 =	vmul.f32 v22, v22;
	v10 =	vadd.f32 v43, v41;
	v41 =	vld [tilespmem:s13+$0x66D0];
	v30 =	vsub.s32 $0x5F3759DF, v16  }
0x53: {  	v44 =	vmul.f32 v63, v63;
	v43 =	vld [tilespmem:s13+$0x66E0];
	v1 =	vadd.f32 v62, v61;
	v57 =	vmul.f32 v30, v4  }
0x54: {  	[tilespmem:$0x1FF90] =	vst v40;
	v36 =	vmul.f32 v20, v20;
	v40 =	vmul.f32 v23, v23;
	v3 =	vadd.f32 v35, v3;
	v35 =	vld [tilespmem:s13+$0x66A0]  }
0x55: {  	v16 =	vmul.f32 v60, v60;
	v1 =	vadd.f32 v28, v1;
	v28 =	vld [tilespmem:s13+$0x6660];
	v59 =	vmul.f32 v30, v57  }
0x56: {  	[tilespmem:$0x1FFC0] =	vst v55;
	v54 =	vmul.f32 v24, v24;
	v36 =	vadd.f32 v40, v36;
	v40 =	vld [tilespmem:s13+$0x66C0];
	v55 =	vmul.f32 v25, v25  }
0x57: {  	v56 =	vmul.f32 v26, v26;
	(xrf2) =	vadd.scan.msk.f32 $0xffff, v1;
	v1 =	vadd.f32 v44, v16;
	v44 =	vld [tilespmem:s13+$0x66F0];
	v2 =	vsub.f32 $1.500000000e+00, v59  }
0x58: {  	[tilespmem:$0x1FFE0] =	vst v60;
	v12 =	vadd.f32 v10, v36;
	v36 =	vld [tilespmem:s13+$0x66B0];
	v18 =	vmul.f32 v31, v31;
	v60 =	vmul.f32 v41, v41  }
0x59: {  	[tilespmem:$0x1FF10] =	vst v6;
	v6 =	vmul.f32 v43, v43;
	(xrf2) =	vadd.scan.msk.f32 $0xffff, v3;
	v2 =	vmul.f32 v30, v2;
	v30 =	vld [tilespmem:s13+$0x6690]  }
0x5a: {  	v53 =	vadd.f32 v54, v53;
	v57 =	vmul.f32 v29, v29;
	v17 =	vmul.f32 v28, v28;
	v13, _, _ =	vpop (xrf2);
	(xrf2) =	vadd.scan.msk.f32 $0xffff, v12  }
0x5b: {  	[tilespmem:$0x1FF30] =	vst v5;
	v55 =	vadd.f32 v56, v55;
	v19 =	vmul.f32 v35, v35;
	v5 =	vmul.f32 v40, v40  }
0x5c: {  	v1 =	vadd.f32 v53, v1;
	v54 =	vadd.f32 v57, v17;
	v62 =	vmul.f32 v44, v44  }
0x5d: {  	v59 =	vmul.f32 v36, v36;
	v53 =	vadd.f32 v60, v5;
	v11 =	vmul.f32 v2, v4  }
0x5e: {  	[tilespmem:$0x1FFD0] =	vst v58;
	v54 =	vadd.f32 v54, v55;
	v55 =	vadd.f32 v62, v6;
	v58 =	vmul.f32 v30, v30  }
0x5f: {  	v57 =	vadd.f32 v59, v19;
	v14 =	vmul.f32 v11, v2  }
0x60: {  	(xrf2) =	vadd.scan.msk.f32 $0xffff, v1;
	v53 =	vadd.f32 v55, v53;
	v55 =	vld [tilespmem:s13+$0x6710];
	v56 =	vadd.f32 v58, v18  }
0x61: {  	v61, _, _ =	vpop (xrf2);
	(xrf2) =	vadd.scan.msk.f32 $0xffff, v54;
	v3 =	vsub.f32 $1.500000000e+00, v14;
	v54 =	vld [tilespmem:s13+$0x6700]  }
0x62: {  	[tilespmem:$0x1FF00] =	vst v7;
	v15 =	vbroadcast v13, $0xF;
	v9 =	vadd.f32 v57, v56  }
0x63: {  	[tilespmem:$0x1FFF0] =	vst v63;
	v61 =	vbroadcast v61, $0xF;
	v63, _, _ =	vpop (xrf2);
	v58 =	vld [tilespmem:s13+$0x6720];
	v2 =	vmul.f32 v3, v2  }
0x64: {  	[tilespmem:$0x1FFB0] =	vst v52;
	v62 =	vld [tilespmem:s13+$0x67A0];
	v52 =	vnsel vm0, $0x3F800000, v15;
	v7 =	vbroadcast v63, $0xF;
	(xrf2) =	vadd.scan.msk.f32 $0xffff, v9;
	v8, _, _ =	vpop (xrf2)  }
0x65: {  	v63 =	vld [tilespmem:s13+$0x67B0];
	v52 =	vsel vm1, v52, v61;
	v59 =	vbroadcast v8, $0xF;
	v8 =	vmul.f32 v2, v4  }
0x66: {  	v52 =	vsel vm2, v52, v7;
	v0 =	vmul.f32 v55, v55;
	v1 =	vmul.f32 v54, v54;
	(xrf2) =	vadd.scan.msk.f32 $0xffff, v53  }
0x67: {  	v52 =	vsel vm3, v52, v59;
	v3 =	vmul.f32 v8, v2;
	v59 =	vld [tilespmem:s13+$0x6760]  }
0x68: {  	v53 =	vld [tilespmem:s13+$0x6750];
	v7 =	vmul.f32 v58, v58;
	v8 =	vadd.f32 v0, v1;
	v10 =	vmax.f32 v52, $1.000000020e-24  }
0x69: {  	v52 =	vld [tilespmem:s13+$0x6730];
	v11 =	vshra.s32 v10, $0x1;
	v15 =	vmul.f32 $5.000000000e-01, v10;
	v3 =	vsub.f32 $1.500000000e+00, v3  }
0x6a: {  	v60 =	vld [tilespmem:s13+$0x6780];
	v1 =	vmul.f32 v62, v62;
	v0 =	vmul.f32 v63, v63;
	v14 =	vsub.s32 $0x5F3759DF, v11  }
0x6b: {  	v61 =	vld [tilespmem:s13+$0x6790];
	v9 =	vmul.f32 v14, v15;
	v10, _, _ =	vpop (xrf2);
	v16 =	vmul.f32 v3, v2  }
0x6c: {  	v56 =	vld [tilespmem:s13+$0x6740];
	v11, _, _ =	vpop (xrf2);
	v19 =	vbroadcast v10, $0xF;
	v6 =	vmul.f32 v59, v59  }
0x6d: {  	v57 =	vld [tilespmem:s13+$0x6770];
	v4 =	vmul.f32 v14, v9;
	v2 =	vbroadcast v11, $0xF  }
0x6e: {  	v18, _, _ =	vpop (xrf2);
	v10 =	vmul.f32 v52, v52;
	v9 =	vmul.f32 v53, v53  }
0x6f: {  	v13 =	vbroadcast v18, $0xF;
	v3 =	vnsel vm0, $0x3F800000, v19;
	v19 =	vld [tilespmem:s13+$0x67C0];
	v4 =	vsub.f32 $1.500000000e+00, v4  }
0x70: {  	v11, _, _ =	vpop (xrf2);
	v18 =	vld [tilespmem:s13+$0x67D0];
	v5 =	vsel vm1, v3, v2;
	v3 =	vmul.f32 v60, v60;
	v2 =	vmul.f32 v61, v61  }
0x71: {  	v17 =	vld [tilespmem:s13+$0x67E0];
	v7 =	vadd.f32 v10, v7;
	v12 =	vmul.f32 v14, v4;
	v14 =	vbroadcast v11, $0xF  }
0x72: {  	v0 =	vadd.f32 v0, v1;
	v10 =	vld [tilespmem:s13+$0x67F0];
	v11 =	vmul.f32 v56, v56;
	v4 =	vmul.f32 v57, v57  }
0x73: {  	v5 =	vsel vm2, v5, v13;
	v2 =	vadd.f32 v2, v3;
	v1 =	vadd.f32 v7, v8  }
0x74: {  	v9 =	vadd.f32 v9, v11;
	v4 =	vadd.f32 v4, v6;
	v5 =	vsel vm3, v5, v14  }
0x75: {  	v13 =	vmul.f32 v19, v19;
	v11 =	vmul.f32 v18, v18;
	v0 =	vadd.f32 v0, v2  }
0x76: {  	v2 =	vmul.f32 $8.000000000e+00, v16;
	v16 =	vimm.s32 $0x0;
	v6 =	vmul.f32 v17, v17  }
0x77: {  	v5 =	vmax.f32 v5, $1.000000020e-24;
	v3 =	vadd.f32 v11, v13;
	v13 =	vmul.f32 v10, v10  }
0x78: {  	v4 =	vadd.f32 v4, v9;
	v8 =	vperm.xlane v2, v16;
	v9 =	vmul.f32 v12, v15  }
0x79: {  	v6 =	vadd.f32 v13, v6;
	v13 =	vshra.s32 v5, $0x1;
	v5 =	vmul.f32 $5.000000000e-01, v5  }
0x7a: {  	v14 =	vimm.s32 $0x1;
	(xrf2) =	vadd.scan.msk.f32 $0xffff, v1;
	v1 =	vmul.f32 v8, v51;
	v9 =	vmul.f32 v9, v12  }
0x7b: {  	(xrf2) =	vadd.scan.msk.f32 $0xffff, v4;
	v4 =	vmul.f32 v8, v50;
	v7 =	vsub.s32 $0x5F3759DF, v13;
	v13 =	vperm.xlane v2, v14  }
0x7c: {  	v50 =	vmul.f32 v8, v49;
	v51 =	vmul.f32 v7, v5;
	v9 =	vsub.f32 $1.500000000e+00, v9  }
0x7d: {  	v8 =	vmul.f32 v8, v48;
	(xrf2) =	vadd.scan.msk.f32 $0xffff, v0;
	v3 =	vadd.f32 v6, v3;
	v47 =	vmul.f32 v13, v47  }
0x7e: {  	[tilespmem:s13+$0x6400] =	vst v1;
	v51 =	vmul.f32 v7, v51;
	v1 =	vmul.f32 v9, v12  }
0x7f: {  	v48 =	vmul.f32 v13, v45;
	v49 =	vmul.f32 v13, v46;
	(xrf2) =	vadd.scan.msk.f32 $0xffff, v3  }
0x80: {  	[tilespmem:s13+$0x6420] =	vst v50;
	v0 =	vsub.f32 $1.500000000e+00, v51;
	v9 =	vmul.f32 v1, v15;
	v15 =	vimm.s32 $0x2  }
0x81: {  	[tilespmem:s13+$0x6440] =	vst v47;
	v51 =	vmul.f32 v13, v42;
	v50 =	vperm.xlane v2, v15  }
0x82: {  	[tilespmem:s13+$0x6450] =	vst v48;
	v0 =	vmul.f32 v7, v0;
	v45 =	vmul.f32 v9, v1  }
0x83: {  	[tilespmem:s13+$0x6460] =	vst v49;
	v13 =	vimm.s32 $0x3;
	v42 =	vmul.f32 v50, v37;
	v11 =	vmul.f32 v50, v27;
	v27 =	vld [tilespmem:$0x1FF00]  }
0x84: {  	v48, _, _ =	vpop (xrf2);
	v2 =	vperm.xlane v2, v13;
	[tilespmem:s13+$0x6470] =	vst v51;
	v46 =	vmul.f32 v50, v32;
	v37 =	vld [tilespmem:$0x1FF10]  }
0x85: {  	v47 =	vmul.f32 v50, v33;
	v7 =	vsub.f32 $1.500000000e+00, v45;
	v49, _, _ =	vpop (xrf2);
	v50 =	vmul.f32 v0, v5;
	[tilespmem:s13+$0x6480] =	vst v42;
	v42 =	vld [tilespmem:$0x1FF20]  }
0x86: {  	v6 =	vbroadcast v48, $0xF;
	v51 =	vbroadcast v49, $0xF;
	[tilespmem:s13+$0x6490] =	vst v46;
	v46 =	vld [tilespmem:$0x1FF30]  }
0x87: {  	[tilespmem:s13+$0x6430] =	vst v8;
	v12, _, _ =	vpop (xrf2);
	v1 =	vmul.f32 v7, v1;
	v8 =	vmul.f32 v50, v0  }
0x88: {  	[tilespmem:s13+$0x6410] =	vst v4;
	v32 =	vbroadcast v12, $0xF;
	v4 =	vmul.f32 v2, v27  }
0x89: {  	v6 =	vnsel vm0, $0x3F800000, v6;
	[tilespmem:s13+$0x64B0] =	vst v11;
	v1 =	vmul.f32 $8.000000000e+00, v1;
	v33, _, _ =	vpop (xrf2);
	v9 =	vmul.f32 v2, v37  }
0x8a: {  	v11 =	vld [tilespmem:$0x1FF40];
	v8 =	vsub.f32 $1.500000000e+00, v8;
	v7 =	vbroadcast v33, $0xF;
	[tilespmem:s13+$0x64C0] =	vst v4;
	v4 =	vmul.f32 v2, v42  }
0x8b: {  	[tilespmem:s13+$0x64A0] =	vst v47;
	v3 =	vsel vm1, v6, v51;
	v45 =	vperm.xlane v1, v16;
	v2 =	vmul.f32 v2, v46  }
0x8c: {  	v3 =	vsel vm2, v3, v32;
	v27 =	vld [tilespmem:$0x1FF50];
	[tilespmem:s13+$0x64D0] =	vst v9;
	v0 =	vmul.f32 v8, v0;
	v51 =	vperm.xlane v1, v14  }
0x8d: {  	v37 =	vld [tilespmem:$0x1FF80];
	v3 =	vsel vm3, v3, v7;
	[tilespmem:s13+$0x64E0] =	vst v4;
	v47 =	vmul.f32 v45, v38;
	v48 =	vmul.f32 v45, v39  }
0x8e: {  	v32 =	vld [tilespmem:$0x1FF60];
	v3 =	vmax.f32 v3, $1.000000020e-24;
	[tilespmem:s13+$0x64F0] =	vst v2;
	v49 =	vmul.f32 v45, v34;
	v5 =	vmul.f32 v0, v5  }
0x8f: {  	v6 =	vmul.f32 v45, v11;
	v50 =	vshra.s32 v3, $0x1;
	v3 =	vmul.f32 $5.000000000e-01, v3;
	[tilespmem:s13+$0x6500] =	vst v47  }
0x90: {  	v34 =	vperm.xlane v1, v15;
	v1 =	vperm.xlane v1, v13;
	v8 =	vsub.s32 $0x5F3759DF, v50;
	[tilespmem:s13+$0x6510] =	vst v48  }
0x91: {  	v33 =	vld [tilespmem:$0x1FF70];
	v2 =	vmul.f32 v51, v27;
	[tilespmem:s13+$0x6520] =	vst v49;
	v12 =	vmul.f32 v8, v3  }
0x92: {  	v9 =	vld [tilespmem:$0x1FFD0];
	v4 =	vmul.f32 v51, v37;
	v5 =	vmul.f32 v5, v0;
	[tilespmem:s13+$0x6530] =	vst v6  }
0x93: {  	v39 =	vld [tilespmem:$0x1FF90];
	v6 =	vmul.f32 v51, v32;
	[tilespmem:s13+$0x6540] =	vst v2;
	v7 =	vmul.f32 v8, v12  }
0x94: {  	v46 =	vld [tilespmem:$0x1FFB0];
	v48 =	vmul.f32 v1, v20;
	[tilespmem:s13+$0x6570] =	vst v4  }
0x95: {  	v45 =	vld [tilespmem:$0x1FFA0];
	v49 =	vmul.f32 v1, v23;
	v5 =	vsub.f32 $1.500000000e+00, v5;
	[tilespmem:s13+$0x6550] =	vst v6;
	v38 =	vsub.f32 $1.500000000e+00, v7  }
0x96: {  	v50 =	vmul.f32 v1, v21;
	v2 =	vmul.f32 v51, v33;
	[tilespmem:s13+$0x65C0] =	vst v48  }
0x97: {  	v47 =	vld [tilespmem:$0x1FFC0];
	[tilespmem:s13+$0x65D0] =	vst v49;
	v0 =	vmul.f32 v5, v0;
	v42 =	vmul.f32 v8, v38  }
0x98: {  	v1 =	vmul.f32 v1, v9;
	[tilespmem:s13+$0x6560] =	vst v2;
	v2 =	vmul.f32 v34, v39;
	v12 =	vld [tilespmem:$0x1FFE0]  }
0x99: {  	v21 =	vld [tilespmem:$0x1FFF0];
	[tilespmem:s13+$0x65E0] =	vst v50;
	v0 =	vmul.f32 $8.000000000e+00, v0;
	v6 =	vmul.f32 v42, v3  }
0x9a: {  	v5 =	vmul.f32 v34, v45;
	[tilespmem:s13+$0x6580] =	vst v2;
	v2 =	vmul.f32 v34, v46  }
0x9b: {  	[tilespmem:s13+$0x65F0] =	vst v1;
	v51 =	vperm.xlane v0, v16;
	v6 =	vmul.f32 v6, v42  }
0x9c: {  	[tilespmem:s13+$0x6590] =	vst v5;
	v5 =	vmul.f32 v34, v47  }
0x9d: {  	[tilespmem:s13+$0x65A0] =	vst v2;
	v2 =	vmul.f32 v51, v12;
	v11 =	vsub.f32 $1.500000000e+00, v6  }
0x9e: {  	[tilespmem:s13+$0x65B0] =	vst v5;
	v23 =	vperm.xlane v0, v14;
	v4 =	vmul.f32 v51, v21  }
0x9f: {  	v22 =	vmul.f32 v51, v22;
	[tilespmem:s13+$0x6600] =	vst v2;
	v20 =	vmul.f32 v11, v42  }
0xa0: {  	v24 =	vmul.f32 v51, v24;
	[tilespmem:s13+$0x6610] =	vst v4  }
0xa1: {  	v25 =	vmul.f32 v23, v25;
	[tilespmem:s13+$0x6620] =	vst v22;
	v3 =	vmul.f32 v20, v3  }
0xa2: {  	v32 =	vperm.xlane v0, v15;
	v27 =	vmul.f32 v23, v26;
	[tilespmem:s13+$0x6630] =	vst v24  }
0xa3: {  	v28 =	vmul.f32 v23, v28;
	[tilespmem:s13+$0x6640] =	vst v25;
	v3 =	vmul.f32 v3, v20  }
0xa4: {  	v33 =	vmul.f32 v23, v29;
	[tilespmem:s13+$0x6650] =	vst v27  }
0xa5: {  	v34 =	vmul.f32 v32, v31;
	[tilespmem:s13+$0x6660] =	vst v28;
	v3 =	vsub.f32 $1.500000000e+00, v3  }
0xa6: {  	v0 =	vperm.xlane v0, v13;
	v37 =	vmul.f32 v32, v30;
	[tilespmem:s13+$0x6670] =	vst v33  }
0xa7: {  	v38 =	vmul.f32 v32, v35;
	[tilespmem:s13+$0x6680] =	vst v34;
	v1 =	vmul.f32 v3, v20  }
0xa8: {  	v39 =	vmul.f32 v32, v36;
	[tilespmem:s13+$0x6690] =	vst v37  }
0xa9: {  	v40 =	vmul.f32 v0, v40;
	[tilespmem:s13+$0x66A0] =	vst v38;
	v1 =	vmul.f32 $8.000000000e+00, v1  }
0xaa: {  	v43 =	vmul.f32 v0, v43;
	[tilespmem:s13+$0x66B0] =	vst v39  }
0xab: {  	[tilespmem:s13+$0x66C0] =	vst v40;
	v42 =	vmul.f32 v0, v41;
	v45 =	vperm.xlane v1, v16  }
0xac: {  	[tilespmem:s13+$0x66E0] =	vst v43;
	v0 =	vmul.f32 v0, v44  }
0xad: {  	[tilespmem:s13+$0x66D0] =	vst v42;
	v46 =	vmul.f32 v45, v54  }
0xae: {  	[tilespmem:s13+$0x66F0] =	vst v0;
	v47 =	vmul.f32 v45, v55  }
0xaf: {  	v49 =	vperm.xlane v1, v14;
	v48 =	vmul.f32 v45, v58;
	[tilespmem:s13+$0x6700] =	vst v46  }
0xb0: {  	v50 =	vmul.f32 v45, v52;
	[tilespmem:s13+$0x6710] =	vst v47  }
0xb1: {  	v51 =	vmul.f32 v49, v56;
	[tilespmem:s13+$0x6720] =	vst v48  }
0xb2: {  	v52 =	vmul.f32 v49, v53;
	[tilespmem:s13+$0x6730] =	vst v50  }
0xb3: {  	v53 =	vmul.f32 v49, v59;
	v54 =	vperm.xlane v1, v15;
	[tilespmem:s13+$0x6740] =	vst v51  }
0xb4: {  	v55 =	vmul.f32 v49, v57;
	[tilespmem:s13+$0x6750] =	vst v52  }
0xb5: {  	[tilespmem:s13+$0x6760] =	vst v53;
	v56 =	vmul.f32 v54, v60  }
0xb6: {  	[tilespmem:s13+$0x6770] =	vst v55;
	v57 =	vmul.f32 v54, v61  }
0xb7: {  	v1 =	vperm.xlane v1, v13;
	v58 =	vmul.f32 v54, v62;
	[tilespmem:s13+$0x6780] =	vst v56  }
0xb8: {  	v59 =	vmul.f32 v54, v63;
	[tilespmem:s13+$0x6790] =	vst v57  }
0xb9: {  	p1 =	sne.s32 s12, $0xF000;
	v60 =	vmul.f32 v1, v19;
	[tilespmem:s13+$0x67A0] =	vst v58  }
.Ltmp0:
0xba: {  	v61 =	vmul.f32 v1, v18;
	[tilespmem:s13+$0x67B0] =	vst v59;
	(pc) =	sbr.rel @p1 .LBB2_3-.Ltmp0, $4  }
0xbb: {  	v62 =	vmul.f32 v1, v17;
	[tilespmem:s13+$0x67C0] =	vst v60  }
0xbc: {  	v63 =	vmul.f32 v1, v10;
	[tilespmem:s13+$0x67D0] =	vst v61  }
0xbd: {  	[tilespmem:s13+$0x67E0] =	vst v62  }
0xbe: {  	s12 =	sadd.s32 $0x1000, s12;
	[tilespmem:s13+$0x67F0] =	vst v63  }
0xbf: {  	s12 =	sshll.u32 s31, $0x10  }
0xc0: {  	s12 =	sadd.s32 s6, s12  }
0xc1: {  	s12 =	sshrl.u32 s12, $0x3  }
0xc2: {  	s12 =	sadd.s32 s2, s12  }
0xc3: {  	[hbm4b:s12+s3] =	stream.linear.scatter [tilespmem:s11], [sflag:$0x5], $0x4000, $0x38;
	[tilespmem:$0x16400] =	vst v63  }
0xc4: {  	s12 =	simm.s32 @!p0 $0x8  }
0xc5: {  	s0 =	sor.u32 $0x3, s0;
	_ =	swait.ge @!p0 [sflag:s12], $0x4000  }
0xc6: {  	s13 =	sshll.u32 s0, $0x8;
	[sflag:s12] =	ssyncset.done @!p0 $0x0  }
0xc7: {  	s16 =	sand.u32 $0x3FFFFF00, s13;
	[sflag:s12] =	ssyncadd.s32 @!p0 $0xFFFFC000  }
0xc8: {  	[tilespmem:s20], [sflag:$0x4] =	stream.indirect.gather [hbm4b:s4+s10], $0x40, s16, s10, $0xb8;
	[tilespmem:$0x16400] =	vst v63  }
0xc9: {  	s12 =	sor.u32 $0x80, s16  }
0xca: {  	[tilespmem:s21], [sflag:$0x4] =	stream.indirect.gather [hbm4b:s4+s10], $0x40, s12, s10, $0xb8;
	[tilespmem:$0x16400] =	vst v63  }
0xcb: {  	_ =	swait.ge [sflag:s22], $0x2000  }
0xcc: {  	[sflag:s22] =	ssyncset.done $0x0  }
0xcd: {  	[sflag:s22] =	ssyncadd.s32 $0xFFFFE000  }
0xce: {  	_ =	swait.ge [sflag:s22], $0x2000  }
0xcf: {  	[sflag:s22] =	ssyncset.done $0x0  }
0xd0: {  	s12 =	simm.s32 $0x0;
	[sflag:s22] =	ssyncadd.s32 $0xFFFFE000  }
.LBB2_5:
0xd1: {  	s13 =	sshra.s32 s12, $0x2  }
0xd2: {  	v51 =	vld [tilespmem:s13+$0xA400]  }
0xd3: {  	v50 =	vld [tilespmem:s13+$0xA410]  }
0xd4: {  	v49 =	vld [tilespmem:s13+$0xA420]  }
0xd5: {  	v48 =	vld [tilespmem:s13+$0xA430]  }
0xd6: {  	v47 =	vld [tilespmem:s13+$0xA440]  }
0xd7: {  	v45 =	vld [tilespmem:s13+$0xA450]  }
0xd8: {  	v46 =	vld [tilespmem:s13+$0xA460]  }
0xd9: {  	v42 =	vld [tilespmem:s13+$0xA470]  }
0xda: {  	v37 =	vld [tilespmem:s13+$0xA480]  }
0xdb: {  	v32 =	vld [tilespmem:s13+$0xA490]  }
0xdc: {  	v33 =	vld [tilespmem:s13+$0xA4A0]  }
0xdd: {  	v27 =	vld [tilespmem:s13+$0xA4B0];
	v0 =	vmul.f32 v51, v51  }
0xde: {  	v7 =	vld [tilespmem:s13+$0xA4C0];
	v1 =	vmul.f32 v50, v50;
	v2 =	vmul.f32 v49, v49  }
0xdf: {  	v6 =	vld [tilespmem:s13+$0xA4D0];
	v3 =	vmul.f32 v48, v48;
	v53 =	vmul.f32 v47, v47  }
0xe0: {  	v4 =	vld [tilespmem:s13+$0xA4E0];
	v8 =	vmul.f32 v45, v45;
	v54 =	vmul.f32 v46, v46  }
0xe1: {  	v5 =	vld [tilespmem:s13+$0xA4F0];
	v9 =	vmul.f32 v42, v42;
	v55 =	vmul.f32 v37, v37  }
0xe2: {  	v10 =	vmul.f32 v32, v32;
	v56 =	vmul.f32 v33, v33  }
0xe3: {  	v11 =	vmul.f32 v27, v27;
	v57 =	vmul.f32 v7, v7;
	v0 =	vadd.f32 v1, v0  }
0xe4: {  	v38 =	vld [tilespmem:s13+$0xA500];
	v12 =	vmul.f32 v6, v6;
	v2 =	vadd.f32 v3, v2;
	v1 =	vadd.f32 v8, v53  }
0xe5: {  	v39 =	vld [tilespmem:s13+$0xA510];
	v58 =	vmul.f32 v4, v4;
	v3 =	vadd.f32 v9, v54;
	v8 =	vadd.f32 v10, v55  }
0xe6: {  	v34 =	vld [tilespmem:s13+$0xA520];
	v13 =	vmul.f32 v5, v5;
	v9 =	vadd.f32 v11, v56;
	v0 =	vadd.f32 v2, v0  }
0xe7: {  	v61 =	vld [tilespmem:s13+$0xA530];
	v1 =	vadd.f32 v3, v1;
	v2 =	vadd.f32 v12, v57  }
0xe8: {  	v63 =	vld [tilespmem:s13+$0xA540];
	v3 =	vadd.f32 v13, v58;
	v59 =	vadd.f32 v9, v8;
	(xrf2) =	vadd.scan.msk.f32 $0xffff, v0  }
0xe9: {  	v24 =	vld [tilespmem:s13+$0xA550];
	(xrf2) =	vadd.scan.msk.f32 $0xffff, v1  }
0xea: {  	v26 =	vld [tilespmem:s13+$0xA560];
	v60 =	vadd.f32 v3, v2;
	(xrf2) =	vadd.scan.msk.f32 $0xffff, v59  }
0xeb: {  	v35 =	vld [tilespmem:s13+$0xA570]  }
0xec: {  	v41 =	vld [tilespmem:s13+$0xA590];
	(xrf2) =	vadd.scan.msk.f32 $0xffff, v60  }
0xed: {  	v40 =	vld [tilespmem:s13+$0xA580]  }
0xee: {  	v52 =	vld [tilespmem:s13+$0xA5A0]  }
0xef: {  	v20 =	vld [tilespmem:s13+$0xA5C0]  }
0xf0: {  	v21 =	vld [tilespmem:s13+$0xA5E0];
	v43 =	vmul.f32 v38, v38;
	v44 =	vmul.f32 v39, v39  }
0xf1: {  	v22 =	vld [tilespmem:s13+$0xA620];
	v29 =	vmul.f32 v41, v41;
	v53 =	vmul.f32 v34, v34  }
0xf2: {  	[tilespmem:$0x1FE40] =	vst v61;
	v54 =	vmul.f32 v61, v61;
	v55 =	vld [tilespmem:s13+$0xA5B0];
	v9 =	vmul.f32 v40, v40;
	v62, _, _ =	vpop (xrf2)  }
0xf3: {  	[tilespmem:$0x1FE50] =	vst v63;
	v61 =	vmul.f32 v63, v63;
	v63 =	vld [tilespmem:s13+$0xA610];
	v0 =	vbroadcast v62, $0xF;
	v23, _, _ =	vpop (xrf2)  }
0xf4: {  	v56 =	vadd.f32 v54, v53;
	v58 =	vld [tilespmem:s13+$0xA5F0];
	v3 =	vadd.f32 v29, v9;
	v1 =	vbroadcast v23, $0xF;
	v25, _, _ =	vpop (xrf2)  }
0xf5: {  	v29 =	vld [tilespmem:s13+$0xA670];
	v62 =	vmul.f32 v24, v24;
	v0 =	vnsel vm0, $0x3F800000, v0;
	v2 =	vbroadcast v25, $0xF  }
0xf6: {  	[tilespmem:$0x1FE60] =	vst v24;
	v60 =	vld [tilespmem:s13+$0xA600];
	v31, _, _ =	vpop (xrf2);
	v25 =	vmul.f32 v26, v26;
	v0 =	vsel vm1, v0, v1;
	v1 =	vadd.f32 v44, v43  }
0xf7: {  	[tilespmem:$0x1FE70] =	vst v26;
	v24 =	vld [tilespmem:s13+$0xA630];
	v26 =	vmul.f32 v35, v35;
	v36 =	vbroadcast v31, $0xF  }
0xf8: {  	[tilespmem:$0x1FE80] =	vst v35;
	v23 =	vld [tilespmem:s13+$0xA5D0];
	v35 =	vmul.f32 v55, v55;
	v0 =	vsel vm2, v0, v2;
	v1 =	vadd.f32 v56, v1  }
0xf9: {  	[tilespmem:$0x1FEA0] =	vst v41;
	v31 =	vmul.f32 v52, v52;
	v28 =	vadd.f32 v26, v25;
	v25 =	vld [tilespmem:s13+$0xA640];
	v0 =	vsel vm3, v0, v36  }
0xfa: {  	v41 =	vmul.f32 v21, v21;
	v43 =	vmul.f32 v58, v58;
	v26 =	vld [tilespmem:s13+$0xA650];
	v0 =	vmax.f32 v0, $1.000000020e-24;
	(xrf2) =	vadd.scan.msk.f32 $0xffff, v1  }
0xfb: {  	[tilespmem:$0x1FE20] =	vst v4;
	v35 =	vadd.f32 v35, v31;
	v31 =	vld [tilespmem:s13+$0xA680];
	v16 =	vshra.s32 v0, $0x1;
	v4 =	vmul.f32 $5.000000000e-01, v0  }
0xfc: {  	v53 =	vmul.f32 v22, v22;
	v10 =	vadd.f32 v43, v41;
	v41 =	vld [tilespmem:s13+$0xA6D0];
	v30 =	vsub.s32 $0x5F3759DF, v16  }
0xfd: {  	v44 =	vmul.f32 v63, v63;
	v43 =	vld [tilespmem:s13+$0xA6E0];
	v1 =	vadd.f32 v62, v61;
	v57 =	vmul.f32 v30, v4  }
0xfe: {  	[tilespmem:$0x1FE90] =	vst v40;
	v36 =	vmul.f32 v20, v20;
	v40 =	vmul.f32 v23, v23;
	v3 =	vadd.f32 v35, v3;
	v35 =	vld [tilespmem:s13+$0xA6A0]  }
0xff: {  	v16 =	vmul.f32 v60, v60;
	v1 =	vadd.f32 v28, v1;
	v28 =	vld [tilespmem:s13+$0xA660];
	v59 =	vmul.f32 v30, v57  }
0x100: {  	[tilespmem:$0x1FEC0] =	vst v55;
	v54 =	vmul.f32 v24, v24;
	v36 =	vadd.f32 v40, v36;
	v40 =	vld [tilespmem:s13+$0xA6C0];
	v55 =	vmul.f32 v25, v25  }
0x101: {  	v56 =	vmul.f32 v26, v26;
	(xrf2) =	vadd.scan.msk.f32 $0xffff, v1;
	v1 =	vadd.f32 v44, v16;
	v44 =	vld [tilespmem:s13+$0xA6F0];
	v2 =	vsub.f32 $1.500000000e+00, v59  }
0x102: {  	[tilespmem:$0x1FEE0] =	vst v60;
	v12 =	vadd.f32 v10, v36;
	v36 =	vld [tilespmem:s13+$0xA6B0];
	v18 =	vmul.f32 v31, v31;
	v60 =	vmul.f32 v41, v41  }
0x103: {  	[tilespmem:$0x1FE10] =	vst v6;
	v6 =	vmul.f32 v43, v43;
	(xrf2) =	vadd.scan.msk.f32 $0xffff, v3;
	v2 =	vmul.f32 v30, v2;
	v30 =	vld [tilespmem:s13+$0xA690]  }
0x104: {  	v53 =	vadd.f32 v54, v53;
	v57 =	vmul.f32 v29, v29;
	v17 =	vmul.f32 v28, v28;
	v13, _, _ =	vpop (xrf2);
	(xrf2) =	vadd.scan.msk.f32 $0xffff, v12  }
0x105: {  	[tilespmem:$0x1FE30] =	vst v5;
	v55 =	vadd.f32 v56, v55;
	v19 =	vmul.f32 v35, v35;
	v5 =	vmul.f32 v40, v40  }
0x106: {  	v1 =	vadd.f32 v53, v1;
	v54 =	vadd.f32 v57, v17;
	v62 =	vmul.f32 v44, v44  }
0x107: {  	v59 =	vmul.f32 v36, v36;
	v53 =	vadd.f32 v60, v5;
	v11 =	vmul.f32 v2, v4  }
0x108: {  	[tilespmem:$0x1FED0] =	vst v58;
	v54 =	vadd.f32 v54, v55;
	v55 =	vadd.f32 v62, v6;
	v58 =	vmul.f32 v30, v30  }
0x109: {  	v57 =	vadd.f32 v59, v19;
	v14 =	vmul.f32 v11, v2  }
0x10a: {  	(xrf2) =	vadd.scan.msk.f32 $0xffff, v1;
	v53 =	vadd.f32 v55, v53;
	v55 =	vld [tilespmem:s13+$0xA710];
	v56 =	vadd.f32 v58, v18  }
0x10b: {  	v61, _, _ =	vpop (xrf2);
	(xrf2) =	vadd.scan.msk.f32 $0xffff, v54;
	v3 =	vsub.f32 $1.500000000e+00, v14;
	v54 =	vld [tilespmem:s13+$0xA700]  }
0x10c: {  	[tilespmem:$0x1FE00] =	vst v7;
	v15 =	vbroadcast v13, $0xF;
	v9 =	vadd.f32 v57, v56  }
0x10d: {  	[tilespmem:$0x1FEF0] =	vst v63;
	v61 =	vbroadcast v61, $0xF;
	v63, _, _ =	vpop (xrf2);
	v58 =	vld [tilespmem:s13+$0xA720];
	v2 =	vmul.f32 v3, v2  }
0x10e: {  	[tilespmem:$0x1FEB0] =	vst v52;
	v62 =	vld [tilespmem:s13+$0xA7A0];
	v52 =	vnsel vm0, $0x3F800000, v15;
	v7 =	vbroadcast v63, $0xF;
	(xrf2) =	vadd.scan.msk.f32 $0xffff, v9;
	v8, _, _ =	vpop (xrf2)  }
0x10f: {  	v63 =	vld [tilespmem:s13+$0xA7B0];
	v52 =	vsel vm1, v52, v61;
	v59 =	vbroadcast v8, $0xF;
	v8 =	vmul.f32 v2, v4  }
0x110: {  	v52 =	vsel vm2, v52, v7;
	v0 =	vmul.f32 v55, v55;
	v1 =	vmul.f32 v54, v54;
	(xrf2) =	vadd.scan.msk.f32 $0xffff, v53  }
0x111: {  	v52 =	vsel vm3, v52, v59;
	v3 =	vmul.f32 v8, v2;
	v59 =	vld [tilespmem:s13+$0xA760]  }
0x112: {  	v53 =	vld [tilespmem:s13+$0xA750];
	v7 =	vmul.f32 v58, v58;
	v8 =	vadd.f32 v0, v1;
	v10 =	vmax.f32 v52, $1.000000020e-24  }
0x113: {  	v52 =	vld [tilespmem:s13+$0xA730];
	v11 =	vshra.s32 v10, $0x1;
	v15 =	vmul.f32 $5.000000000e-01, v10;
	v3 =	vsub.f32 $1.500000000e+00, v3  }
0x114: {  	v60 =	vld [tilespmem:s13+$0xA780];
	v1 =	vmul.f32 v62, v62;
	v0 =	vmul.f32 v63, v63;
	v14 =	vsub.s32 $0x5F3759DF, v11  }
0x115: {  	v61 =	vld [tilespmem:s13+$0xA790];
	v9 =	vmul.f32 v14, v15;
	v10, _, _ =	vpop (xrf2);
	v16 =	vmul.f32 v3, v2  }
0x116: {  	v56 =	vld [tilespmem:s13+$0xA740];
	v11, _, _ =	vpop (xrf2);
	v19 =	vbroadcast v10, $0xF;
	v6 =	vmul.f32 v59, v59  }
0x117: {  	v57 =	vld [tilespmem:s13+$0xA770];
	v4 =	vmul.f32 v14, v9;
	v2 =	vbroadcast v11, $0xF  }
0x118: {  	v18, _, _ =	vpop (xrf2);
	v10 =	vmul.f32 v52, v52;
	v9 =	vmul.f32 v53, v53  }
0x119: {  	v13 =	vbroadcast v18, $0xF;
	v3 =	vnsel vm0, $0x3F800000, v19;
	v19 =	vld [tilespmem:s13+$0xA7C0];
	v4 =	vsub.f32 $1.500000000e+00, v4  }
0x11a: {  	v11, _, _ =	vpop (xrf2);
	v18 =	vld [tilespmem:s13+$0xA7D0];
	v5 =	vsel vm1, v3, v2;
	v3 =	vmul.f32 v60, v60;
	v2 =	vmul.f32 v61, v61  }
0x11b: {  	v17 =	vld [tilespmem:s13+$0xA7E0];
	v7 =	vadd.f32 v10, v7;
	v12 =	vmul.f32 v14, v4;
	v14 =	vbroadcast v11, $0xF  }
0x11c: {  	v0 =	vadd.f32 v0, v1;
	v10 =	vld [tilespmem:s13+$0xA7F0];
	v11 =	vmul.f32 v56, v56;
	v4 =	vmul.f32 v57, v57  }
0x11d: {  	v5 =	vsel vm2, v5, v13;
	v2 =	vadd.f32 v2, v3;
	v1 =	vadd.f32 v7, v8  }
0x11e: {  	v9 =	vadd.f32 v9, v11;
	v4 =	vadd.f32 v4, v6;
	v5 =	vsel vm3, v5, v14  }
0x11f: {  	v13 =	vmul.f32 v19, v19;
	v11 =	vmul.f32 v18, v18;
	v0 =	vadd.f32 v0, v2  }
0x120: {  	v2 =	vmul.f32 $8.000000000e+00, v16;
	v16 =	vimm.s32 $0x0;
	v6 =	vmul.f32 v17, v17  }
0x121: {  	v5 =	vmax.f32 v5, $1.000000020e-24;
	v3 =	vadd.f32 v11, v13;
	v13 =	vmul.f32 v10, v10  }
0x122: {  	v4 =	vadd.f32 v4, v9;
	v8 =	vperm.xlane v2, v16;
	v9 =	vmul.f32 v12, v15  }
0x123: {  	v6 =	vadd.f32 v13, v6;
	v13 =	vshra.s32 v5, $0x1;
	v5 =	vmul.f32 $5.000000000e-01, v5  }
0x124: {  	v14 =	vimm.s32 $0x1;
	(xrf2) =	vadd.scan.msk.f32 $0xffff, v1;
	v1 =	vmul.f32 v8, v51;
	v9 =	vmul.f32 v9, v12  }
0x125: {  	(xrf2) =	vadd.scan.msk.f32 $0xffff, v4;
	v4 =	vmul.f32 v8, v50;
	v7 =	vsub.s32 $0x5F3759DF, v13;
	v13 =	vperm.xlane v2, v14  }
0x126: {  	v50 =	vmul.f32 v8, v49;
	v51 =	vmul.f32 v7, v5;
	v9 =	vsub.f32 $1.500000000e+00, v9  }
0x127: {  	v8 =	vmul.f32 v8, v48;
	(xrf2) =	vadd.scan.msk.f32 $0xffff, v0;
	v3 =	vadd.f32 v6, v3;
	v47 =	vmul.f32 v13, v47  }
0x128: {  	[tilespmem:s13+$0xA400] =	vst v1;
	v51 =	vmul.f32 v7, v51;
	v1 =	vmul.f32 v9, v12  }
0x129: {  	v48 =	vmul.f32 v13, v45;
	v49 =	vmul.f32 v13, v46;
	(xrf2) =	vadd.scan.msk.f32 $0xffff, v3  }
0x12a: {  	[tilespmem:s13+$0xA420] =	vst v50;
	v0 =	vsub.f32 $1.500000000e+00, v51;
	v9 =	vmul.f32 v1, v15;
	v15 =	vimm.s32 $0x2  }
0x12b: {  	[tilespmem:s13+$0xA440] =	vst v47;
	v51 =	vmul.f32 v13, v42;
	v50 =	vperm.xlane v2, v15  }
0x12c: {  	[tilespmem:s13+$0xA450] =	vst v48;
	v0 =	vmul.f32 v7, v0;
	v45 =	vmul.f32 v9, v1  }
0x12d: {  	[tilespmem:s13+$0xA460] =	vst v49;
	v13 =	vimm.s32 $0x3;
	v42 =	vmul.f32 v50, v37;
	v11 =	vmul.f32 v50, v27;
	v27 =	vld [tilespmem:$0x1FE00]  }
0x12e: {  	v48, _, _ =	vpop (xrf2);
	v2 =	vperm.xlane v2, v13;
	[tilespmem:s13+$0xA470] =	vst v51;
	v46 =	vmul.f32 v50, v32;
	v37 =	vld [tilespmem:$0x1FE10]  }
0x12f: {  	v47 =	vmul.f32 v50, v33;
	v7 =	vsub.f32 $1.500000000e+00, v45;
	v49, _, _ =	vpop (xrf2);
	v50 =	vmul.f32 v0, v5;
	[tilespmem:s13+$0xA480] =	vst v42;
	v42 =	vld [tilespmem:$0x1FE20]  }
0x130: {  	v6 =	vbroadcast v48, $0xF;
	v51 =	vbroadcast v49, $0xF;
	[tilespmem:s13+$0xA490] =	vst v46;
	v46 =	vld [tilespmem:$0x1FE30]  }
0x131: {  	[tilespmem:s13+$0xA430] =	vst v8;
	v12, _, _ =	vpop (xrf2);
	v1 =	vmul.f32 v7, v1;
	v8 =	vmul.f32 v50, v0  }
0x132: {  	[tilespmem:s13+$0xA410] =	vst v4;
	v32 =	vbroadcast v12, $0xF;
	v4 =	vmul.f32 v2, v27  }
0x133: {  	v6 =	vnsel vm0, $0x3F800000, v6;
	[tilespmem:s13+$0xA4B0] =	vst v11;
	v1 =	vmul.f32 $8.000000000e+00, v1;
	v33, _, _ =	vpop (xrf2);
	v9 =	vmul.f32 v2, v37  }
0x134: {  	v11 =	vld [tilespmem:$0x1FE40];
	v8 =	vsub.f32 $1.500000000e+00, v8;
	v7 =	vbroadcast v33, $0xF;
	[tilespmem:s13+$0xA4C0] =	vst v4;
	v4 =	vmul.f32 v2, v42  }
0x135: {  	[tilespmem:s13+$0xA4A0] =	vst v47;
	v3 =	vsel vm1, v6, v51;
	v45 =	vperm.xlane v1, v16;
	v2 =	vmul.f32 v2, v46  }
0x136: {  	v3 =	vsel vm2, v3, v32;
	v27 =	vld [tilespmem:$0x1FE50];
	[tilespmem:s13+$0xA4D0] =	vst v9;
	v0 =	vmul.f32 v8, v0;
	v51 =	vperm.xlane v1, v14  }
0x137: {  	v37 =	vld [tilespmem:$0x1FE80];
	v3 =	vsel vm3, v3, v7;
	[tilespmem:s13+$0xA4E0] =	vst v4;
	v47 =	vmul.f32 v45, v38;
	v48 =	vmul.f32 v45, v39  }
0x138: {  	v32 =	vld [tilespmem:$0x1FE60];
	v3 =	vmax.f32 v3, $1.000000020e-24;
	[tilespmem:s13+$0xA4F0] =	vst v2;
	v49 =	vmul.f32 v45, v34;
	v5 =	vmul.f32 v0, v5  }
0x139: {  	v6 =	vmul.f32 v45, v11;
	v50 =	vshra.s32 v3, $0x1;
	v3 =	vmul.f32 $5.000000000e-01, v3;
	[tilespmem:s13+$0xA500] =	vst v47  }
0x13a: {  	v34 =	vperm.xlane v1, v15;
	v1 =	vperm.xlane v1, v13;
	v8 =	vsub.s32 $0x5F3759DF, v50;
	[tilespmem:s13+$0xA510] =	vst v48  }
0x13b: {  	v33 =	vld [tilespmem:$0x1FE70];
	v2 =	vmul.f32 v51, v27;
	[tilespmem:s13+$0xA520] =	vst v49;
	v12 =	vmul.f32 v8, v3  }
0x13c: {  	v9 =	vld [tilespmem:$0x1FED0];
	v4 =	vmul.f32 v51, v37;
	v5 =	vmul.f32 v5, v0;
	[tilespmem:s13+$0xA530] =	vst v6  }
0x13d: {  	v39 =	vld [tilespmem:$0x1FE90];
	v6 =	vmul.f32 v51, v32;
	[tilespmem:s13+$0xA540] =	vst v2;
	v7 =	vmul.f32 v8, v12  }
0x13e: {  	v46 =	vld [tilespmem:$0x1FEB0];
	v48 =	vmul.f32 v1, v20;
	[tilespmem:s13+$0xA570] =	vst v4  }
0x13f: {  	v45 =	vld [tilespmem:$0x1FEA0];
	v49 =	vmul.f32 v1, v23;
	v5 =	vsub.f32 $1.500000000e+00, v5;
	[tilespmem:s13+$0xA550] =	vst v6;
	v38 =	vsub.f32 $1.500000000e+00, v7  }
0x140: {  	v50 =	vmul.f32 v1, v21;
	v2 =	vmul.f32 v51, v33;
	[tilespmem:s13+$0xA5C0] =	vst v48  }
0x141: {  	v47 =	vld [tilespmem:$0x1FEC0];
	[tilespmem:s13+$0xA5D0] =	vst v49;
	v0 =	vmul.f32 v5, v0;
	v42 =	vmul.f32 v8, v38  }
0x142: {  	v1 =	vmul.f32 v1, v9;
	[tilespmem:s13+$0xA560] =	vst v2;
	v2 =	vmul.f32 v34, v39;
	v12 =	vld [tilespmem:$0x1FEE0]  }
0x143: {  	v21 =	vld [tilespmem:$0x1FEF0];
	[tilespmem:s13+$0xA5E0] =	vst v50;
	v0 =	vmul.f32 $8.000000000e+00, v0;
	v6 =	vmul.f32 v42, v3  }
0x144: {  	v5 =	vmul.f32 v34, v45;
	[tilespmem:s13+$0xA580] =	vst v2;
	v2 =	vmul.f32 v34, v46  }
0x145: {  	[tilespmem:s13+$0xA5F0] =	vst v1;
	v51 =	vperm.xlane v0, v16;
	v6 =	vmul.f32 v6, v42  }
0x146: {  	[tilespmem:s13+$0xA590] =	vst v5;
	v5 =	vmul.f32 v34, v47  }
0x147: {  	[tilespmem:s13+$0xA5A0] =	vst v2;
	v2 =	vmul.f32 v51, v12;
	v11 =	vsub.f32 $1.500000000e+00, v6  }
0x148: {  	[tilespmem:s13+$0xA5B0] =	vst v5;
	v23 =	vperm.xlane v0, v14;
	v4 =	vmul.f32 v51, v21  }
0x149: {  	v22 =	vmul.f32 v51, v22;
	[tilespmem:s13+$0xA600] =	vst v2;
	v20 =	vmul.f32 v11, v42  }
0x14a: {  	v24 =	vmul.f32 v51, v24;
	[tilespmem:s13+$0xA610] =	vst v4  }
0x14b: {  	v25 =	vmul.f32 v23, v25;
	[tilespmem:s13+$0xA620] =	vst v22;
	v3 =	vmul.f32 v20, v3  }
0x14c: {  	v32 =	vperm.xlane v0, v15;
	v27 =	vmul.f32 v23, v26;
	[tilespmem:s13+$0xA630] =	vst v24  }
0x14d: {  	v28 =	vmul.f32 v23, v28;
	[tilespmem:s13+$0xA640] =	vst v25;
	v3 =	vmul.f32 v3, v20  }
0x14e: {  	v33 =	vmul.f32 v23, v29;
	[tilespmem:s13+$0xA650] =	vst v27  }
0x14f: {  	v34 =	vmul.f32 v32, v31;
	[tilespmem:s13+$0xA660] =	vst v28;
	v3 =	vsub.f32 $1.500000000e+00, v3  }
0x150: {  	v0 =	vperm.xlane v0, v13;
	v37 =	vmul.f32 v32, v30;
	[tilespmem:s13+$0xA670] =	vst v33  }
0x151: {  	v38 =	vmul.f32 v32, v35;
	[tilespmem:s13+$0xA680] =	vst v34;
	v1 =	vmul.f32 v3, v20  }
0x152: {  	v39 =	vmul.f32 v32, v36;
	[tilespmem:s13+$0xA690] =	vst v37  }
0x153: {  	v40 =	vmul.f32 v0, v40;
	[tilespmem:s13+$0xA6A0] =	vst v38;
	v1 =	vmul.f32 $8.000000000e+00, v1  }
0x154: {  	v43 =	vmul.f32 v0, v43;
	[tilespmem:s13+$0xA6B0] =	vst v39  }
0x155: {  	[tilespmem:s13+$0xA6C0] =	vst v40;
	v42 =	vmul.f32 v0, v41;
	v45 =	vperm.xlane v1, v16  }
0x156: {  	[tilespmem:s13+$0xA6E0] =	vst v43;
	v0 =	vmul.f32 v0, v44  }
0x157: {  	[tilespmem:s13+$0xA6D0] =	vst v42;
	v46 =	vmul.f32 v45, v54  }
0x158: {  	[tilespmem:s13+$0xA6F0] =	vst v0;
	v47 =	vmul.f32 v45, v55  }
0x159: {  	v49 =	vperm.xlane v1, v14;
	v48 =	vmul.f32 v45, v58;
	[tilespmem:s13+$0xA700] =	vst v46  }
0x15a: {  	v50 =	vmul.f32 v45, v52;
	[tilespmem:s13+$0xA710] =	vst v47  }
0x15b: {  	v51 =	vmul.f32 v49, v56;
	[tilespmem:s13+$0xA720] =	vst v48  }
0x15c: {  	v52 =	vmul.f32 v49, v53;
	[tilespmem:s13+$0xA730] =	vst v50  }
0x15d: {  	v53 =	vmul.f32 v49, v59;
	v54 =	vperm.xlane v1, v15;
	[tilespmem:s13+$0xA740] =	vst v51  }
0x15e: {  	v55 =	vmul.f32 v49, v57;
	[tilespmem:s13+$0xA750] =	vst v52  }
0x15f: {  	[tilespmem:s13+$0xA760] =	vst v53;
	v56 =	vmul.f32 v54, v60  }
0x160: {  	[tilespmem:s13+$0xA770] =	vst v55;
	v57 =	vmul.f32 v54, v61  }
0x161: {  	v1 =	vperm.xlane v1, v13;
	v58 =	vmul.f32 v54, v62;
	[tilespmem:s13+$0xA780] =	vst v56  }
0x162: {  	v59 =	vmul.f32 v54, v63;
	[tilespmem:s13+$0xA790] =	vst v57  }
0x163: {  	p0 =	sne.s32 s12, $0xF000;
	v60 =	vmul.f32 v1, v19;
	[tilespmem:s13+$0xA7A0] =	vst v58  }
.Ltmp1:
0x164: {  	v61 =	vmul.f32 v1, v18;
	[tilespmem:s13+$0xA7B0] =	vst v59;
	(pc) =	sbr.rel @p0 .LBB2_5-.Ltmp1, $4  }
0x165: {  	v62 =	vmul.f32 v1, v17;
	[tilespmem:s13+$0xA7C0] =	vst v60  }
0x166: {  	v63 =	vmul.f32 v1, v10;
	[tilespmem:s13+$0xA7D0] =	vst v61  }
0x167: {  	[tilespmem:s13+$0xA7E0] =	vst v62  }
0x168: {  	s12 =	sadd.s32 $0x1000, s12;
	[tilespmem:s13+$0xA7F0] =	vst v63  }
0x169: {  	s12 =	sshll.u32 s31, $0xA  }
0x16a: {  	s13 =	sadd.s32 s12, s7  }
0x16b: {  	s13 =	sshll.u32 s13, $0x3  }
0x16c: {  	s13 =	sand.u32 $0x1FFFE800, s13  }
0x16d: {  	s13 =	sadd.s32 s2, s13  }
0x16e: {  	[hbm4b:s13+s3] =	stream.linear.scatter [tilespmem:s14], [sflag:$0x6], $0x4000, $0x38;
	[tilespmem:$0x16400] =	vst v63  }
0x16f: {  	p0 =	seq.s32 s31, $0x18;
	_ =	swait.ge [sflag:s23], $0x4000  }
0x170: {  	s15 =	simm.s32 @!p0 $0x80;
	[sflag:s23] =	ssyncset.done $0x0  }
0x171: {  	s16 =	simm.s32 @!p0 $0x6400;
	s13 =	sadd.s32 @!p0 $0x400, s12;
	[sflag:s23] =	ssyncadd.s32 $0xFFFFC000  }
0x172: {  	[tilespmem:s16], [sflag:$0x1] =	stream.indirect.gather @!p0 [hbm4b:s4+s15], $0x40, s13, s15, $0xb8;
	[tilespmem:$0x16400] =	vst v63  }
0x173: {  	s13 =	sadd.s32 @!p0 $0x480, s12;
	s16 =	simm.s32 @!p0 $0x8400  }
0x174: {  	[tilespmem:s16], [sflag:$0x1] =	stream.indirect.gather @!p0 [hbm4b:s4+s15], $0x40, s13, s15, $0xb8;
	[tilespmem:$0x16400] =	vst v63  }
0x175: {  	_ =	swait.ge [sflag:s24], $0x2000  }
0x176: {  	[sflag:s24] =	ssyncset.done $0x0  }
0x177: {  	[sflag:s24] =	ssyncadd.s32 $0xFFFFE000  }
0x178: {  	_ =	swait.ge [sflag:s24], $0x2000  }
0x179: {  	[sflag:s24] =	ssyncset.done $0x0  }
0x17a: {  	s13 =	simm.s32 $0x0;
	[sflag:s24] =	ssyncadd.s32 $0xFFFFE000  }
.LBB2_7:
0x17b: {  	s15 =	sshra.s32 s13, $0x2  }
0x17c: {  	v51 =	vld [tilespmem:s15+$0xE400]  }
0x17d: {  	v50 =	vld [tilespmem:s15+$0xE410]  }
0x17e: {  	v49 =	vld [tilespmem:s15+$0xE420]  }
0x17f: {  	v48 =	vld [tilespmem:s15+$0xE430]  }
0x180: {  	v47 =	vld [tilespmem:s15+$0xE440]  }
0x181: {  	v45 =	vld [tilespmem:s15+$0xE450]  }
0x182: {  	v46 =	vld [tilespmem:s15+$0xE460]  }
0x183: {  	v42 =	vld [tilespmem:s15+$0xE470]  }
0x184: {  	v37 =	vld [tilespmem:s15+$0xE480]  }
0x185: {  	v32 =	vld [tilespmem:s15+$0xE490]  }
0x186: {  	v33 =	vld [tilespmem:s15+$0xE4A0]  }
0x187: {  	v27 =	vld [tilespmem:s15+$0xE4B0];
	v0 =	vmul.f32 v51, v51  }
0x188: {  	v7 =	vld [tilespmem:s15+$0xE4C0];
	v1 =	vmul.f32 v50, v50;
	v2 =	vmul.f32 v49, v49  }
0x189: {  	v6 =	vld [tilespmem:s15+$0xE4D0];
	v3 =	vmul.f32 v48, v48;
	v53 =	vmul.f32 v47, v47  }
0x18a: {  	v4 =	vld [tilespmem:s15+$0xE4E0];
	v8 =	vmul.f32 v45, v45;
	v54 =	vmul.f32 v46, v46  }
0x18b: {  	v5 =	vld [tilespmem:s15+$0xE4F0];
	v9 =	vmul.f32 v42, v42;
	v55 =	vmul.f32 v37, v37  }
0x18c: {  	v10 =	vmul.f32 v32, v32;
	v56 =	vmul.f32 v33, v33  }
0x18d: {  	v11 =	vmul.f32 v27, v27;
	v57 =	vmul.f32 v7, v7;
	v0 =	vadd.f32 v1, v0  }
0x18e: {  	v38 =	vld [tilespmem:s15+$0xE500];
	v12 =	vmul.f32 v6, v6;
	v2 =	vadd.f32 v3, v2;
	v1 =	vadd.f32 v8, v53  }
0x18f: {  	v39 =	vld [tilespmem:s15+$0xE510];
	v58 =	vmul.f32 v4, v4;
	v3 =	vadd.f32 v9, v54;
	v8 =	vadd.f32 v10, v55  }
0x190: {  	v34 =	vld [tilespmem:s15+$0xE520];
	v13 =	vmul.f32 v5, v5;
	v9 =	vadd.f32 v11, v56;
	v0 =	vadd.f32 v2, v0  }
0x191: {  	v61 =	vld [tilespmem:s15+$0xE530];
	v1 =	vadd.f32 v3, v1;
	v2 =	vadd.f32 v12, v57  }
0x192: {  	v63 =	vld [tilespmem:s15+$0xE540];
	v3 =	vadd.f32 v13, v58;
	v59 =	vadd.f32 v9, v8;
	(xrf2) =	vadd.scan.msk.f32 $0xffff, v0  }
0x193: {  	v24 =	vld [tilespmem:s15+$0xE550];
	(xrf2) =	vadd.scan.msk.f32 $0xffff, v1  }
0x194: {  	v26 =	vld [tilespmem:s15+$0xE560];
	v60 =	vadd.f32 v3, v2;
	(xrf2) =	vadd.scan.msk.f32 $0xffff, v59  }
0x195: {  	v35 =	vld [tilespmem:s15+$0xE570]  }
0x196: {  	v41 =	vld [tilespmem:s15+$0xE590];
	(xrf2) =	vadd.scan.msk.f32 $0xffff, v60  }
0x197: {  	v40 =	vld [tilespmem:s15+$0xE580]  }
0x198: {  	v52 =	vld [tilespmem:s15+$0xE5A0]  }
0x199: {  	v20 =	vld [tilespmem:s15+$0xE5C0]  }
0x19a: {  	v21 =	vld [tilespmem:s15+$0xE5E0];
	v43 =	vmul.f32 v38, v38;
	v44 =	vmul.f32 v39, v39  }
0x19b: {  	v22 =	vld [tilespmem:s15+$0xE620];
	v29 =	vmul.f32 v41, v41;
	v53 =	vmul.f32 v34, v34  }
0x19c: {  	[tilespmem:$0x1FD40] =	vst v61;
	v54 =	vmul.f32 v61, v61;
	v55 =	vld [tilespmem:s15+$0xE5B0];
	v9 =	vmul.f32 v40, v40;
	v62, _, _ =	vpop (xrf2)  }
0x19d: {  	[tilespmem:$0x1FD50] =	vst v63;
	v61 =	vmul.f32 v63, v63;
	v63 =	vld [tilespmem:s15+$0xE610];
	v0 =	vbroadcast v62, $0xF;
	v23, _, _ =	vpop (xrf2)  }
0x19e: {  	v56 =	vadd.f32 v54, v53;
	v58 =	vld [tilespmem:s15+$0xE5F0];
	v3 =	vadd.f32 v29, v9;
	v1 =	vbroadcast v23, $0xF;
	v25, _, _ =	vpop (xrf2)  }
0x19f: {  	v29 =	vld [tilespmem:s15+$0xE670];
	v62 =	vmul.f32 v24, v24;
	v0 =	vnsel vm0, $0x3F800000, v0;
	v2 =	vbroadcast v25, $0xF  }
0x1a0: {  	[tilespmem:$0x1FD60] =	vst v24;
	v60 =	vld [tilespmem:s15+$0xE600];
	v31, _, _ =	vpop (xrf2);
	v25 =	vmul.f32 v26, v26;
	v0 =	vsel vm1, v0, v1;
	v1 =	vadd.f32 v44, v43  }
0x1a1: {  	[tilespmem:$0x1FD70] =	vst v26;
	v24 =	vld [tilespmem:s15+$0xE630];
	v26 =	vmul.f32 v35, v35;
	v36 =	vbroadcast v31, $0xF  }
0x1a2: {  	[tilespmem:$0x1FD80] =	vst v35;
	v23 =	vld [tilespmem:s15+$0xE5D0];
	v35 =	vmul.f32 v55, v55;
	v0 =	vsel vm2, v0, v2;
	v1 =	vadd.f32 v56, v1  }
0x1a3: {  	[tilespmem:$0x1FDA0] =	vst v41;
	v31 =	vmul.f32 v52, v52;
	v28 =	vadd.f32 v26, v25;
	v25 =	vld [tilespmem:s15+$0xE640];
	v0 =	vsel vm3, v0, v36  }
0x1a4: {  	v41 =	vmul.f32 v21, v21;
	v43 =	vmul.f32 v58, v58;
	v26 =	vld [tilespmem:s15+$0xE650];
	v0 =	vmax.f32 v0, $1.000000020e-24;
	(xrf2) =	vadd.scan.msk.f32 $0xffff, v1  }
0x1a5: {  	[tilespmem:$0x1FD20] =	vst v4;
	v35 =	vadd.f32 v35, v31;
	v31 =	vld [tilespmem:s15+$0xE680];
	v16 =	vshra.s32 v0, $0x1;
	v4 =	vmul.f32 $5.000000000e-01, v0  }
0x1a6: {  	v53 =	vmul.f32 v22, v22;
	v10 =	vadd.f32 v43, v41;
	v41 =	vld [tilespmem:s15+$0xE6D0];
	v30 =	vsub.s32 $0x5F3759DF, v16  }
0x1a7: {  	v44 =	vmul.f32 v63, v63;
	v43 =	vld [tilespmem:s15+$0xE6E0];
	v1 =	vadd.f32 v62, v61;
	v57 =	vmul.f32 v30, v4  }
0x1a8: {  	[tilespmem:$0x1FD90] =	vst v40;
	v36 =	vmul.f32 v20, v20;
	v40 =	vmul.f32 v23, v23;
	v3 =	vadd.f32 v35, v3;
	v35 =	vld [tilespmem:s15+$0xE6A0]  }
0x1a9: {  	v16 =	vmul.f32 v60, v60;
	v1 =	vadd.f32 v28, v1;
	v28 =	vld [tilespmem:s15+$0xE660];
	v59 =	vmul.f32 v30, v57  }
0x1aa: {  	[tilespmem:$0x1FDC0] =	vst v55;
	v54 =	vmul.f32 v24, v24;
	v36 =	vadd.f32 v40, v36;
	v40 =	vld [tilespmem:s15+$0xE6C0];
	v55 =	vmul.f32 v25, v25  }
0x1ab: {  	v56 =	vmul.f32 v26, v26;
	(xrf2) =	vadd.scan.msk.f32 $0xffff, v1;
	v1 =	vadd.f32 v44, v16;
	v44 =	vld [tilespmem:s15+$0xE6F0];
	v2 =	vsub.f32 $1.500000000e+00, v59  }
0x1ac: {  	[tilespmem:$0x1FDE0] =	vst v60;
	v12 =	vadd.f32 v10, v36;
	v36 =	vld [tilespmem:s15+$0xE6B0];
	v18 =	vmul.f32 v31, v31;
	v60 =	vmul.f32 v41, v41  }
0x1ad: {  	[tilespmem:$0x1FD10] =	vst v6;
	v6 =	vmul.f32 v43, v43;
	(xrf2) =	vadd.scan.msk.f32 $0xffff, v3;
	v2 =	vmul.f32 v30, v2;
	v30 =	vld [tilespmem:s15+$0xE690]  }
0x1ae: {  	v53 =	vadd.f32 v54, v53;
	v57 =	vmul.f32 v29, v29;
	v17 =	vmul.f32 v28, v28;
	v13, _, _ =	vpop (xrf2);
	(xrf2) =	vadd.scan.msk.f32 $0xffff, v12  }
0x1af: {  	[tilespmem:$0x1FD30] =	vst v5;
	v55 =	vadd.f32 v56, v55;
	v19 =	vmul.f32 v35, v35;
	v5 =	vmul.f32 v40, v40  }
0x1b0: {  	v1 =	vadd.f32 v53, v1;
	v54 =	vadd.f32 v57, v17;
	v62 =	vmul.f32 v44, v44  }
0x1b1: {  	v59 =	vmul.f32 v36, v36;
	v53 =	vadd.f32 v60, v5;
	v11 =	vmul.f32 v2, v4  }
0x1b2: {  	[tilespmem:$0x1FDD0] =	vst v58;
	v54 =	vadd.f32 v54, v55;
	v55 =	vadd.f32 v62, v6;
	v58 =	vmul.f32 v30, v30  }
0x1b3: {  	v57 =	vadd.f32 v59, v19;
	v14 =	vmul.f32 v11, v2  }
0x1b4: {  	(xrf2) =	vadd.scan.msk.f32 $0xffff, v1;
	v53 =	vadd.f32 v55, v53;
	v55 =	vld [tilespmem:s15+$0xE710];
	v56 =	vadd.f32 v58, v18  }
0x1b5: {  	v61, _, _ =	vpop (xrf2);
	(xrf2) =	vadd.scan.msk.f32 $0xffff, v54;
	v3 =	vsub.f32 $1.500000000e+00, v14;
	v54 =	vld [tilespmem:s15+$0xE700]  }
0x1b6: {  	[tilespmem:$0x1FD00] =	vst v7;
	v15 =	vbroadcast v13, $0xF;
	v9 =	vadd.f32 v57, v56  }
0x1b7: {  	[tilespmem:$0x1FDF0] =	vst v63;
	v61 =	vbroadcast v61, $0xF;
	v63, _, _ =	vpop (xrf2);
	v58 =	vld [tilespmem:s15+$0xE720];
	v2 =	vmul.f32 v3, v2  }
0x1b8: {  	[tilespmem:$0x1FDB0] =	vst v52;
	v62 =	vld [tilespmem:s15+$0xE7A0];
	v52 =	vnsel vm0, $0x3F800000, v15;
	v7 =	vbroadcast v63, $0xF;
	(xrf2) =	vadd.scan.msk.f32 $0xffff, v9;
	v8, _, _ =	vpop (xrf2)  }
0x1b9: {  	v63 =	vld [tilespmem:s15+$0xE7B0];
	v52 =	vsel vm1, v52, v61;
	v59 =	vbroadcast v8, $0xF;
	v8 =	vmul.f32 v2, v4  }
0x1ba: {  	v52 =	vsel vm2, v52, v7;
	v0 =	vmul.f32 v55, v55;
	v1 =	vmul.f32 v54, v54;
	(xrf2) =	vadd.scan.msk.f32 $0xffff, v53  }
0x1bb: {  	v52 =	vsel vm3, v52, v59;
	v3 =	vmul.f32 v8, v2;
	v59 =	vld [tilespmem:s15+$0xE760]  }
0x1bc: {  	v53 =	vld [tilespmem:s15+$0xE750];
	v7 =	vmul.f32 v58, v58;
	v8 =	vadd.f32 v0, v1;
	v10 =	vmax.f32 v52, $1.000000020e-24  }
0x1bd: {  	v52 =	vld [tilespmem:s15+$0xE730];
	v11 =	vshra.s32 v10, $0x1;
	v15 =	vmul.f32 $5.000000000e-01, v10;
	v3 =	vsub.f32 $1.500000000e+00, v3  }
0x1be: {  	v60 =	vld [tilespmem:s15+$0xE780];
	v1 =	vmul.f32 v62, v62;
	v0 =	vmul.f32 v63, v63;
	v14 =	vsub.s32 $0x5F3759DF, v11  }
0x1bf: {  	v61 =	vld [tilespmem:s15+$0xE790];
	v9 =	vmul.f32 v14, v15;
	v10, _, _ =	vpop (xrf2);
	v16 =	vmul.f32 v3, v2  }
0x1c0: {  	v56 =	vld [tilespmem:s15+$0xE740];
	v11, _, _ =	vpop (xrf2);
	v19 =	vbroadcast v10, $0xF;
	v6 =	vmul.f32 v59, v59  }
0x1c1: {  	v57 =	vld [tilespmem:s15+$0xE770];
	v4 =	vmul.f32 v14, v9;
	v2 =	vbroadcast v11, $0xF  }
0x1c2: {  	v18, _, _ =	vpop (xrf2);
	v10 =	vmul.f32 v52, v52;
	v9 =	vmul.f32 v53, v53  }
0x1c3: {  	v13 =	vbroadcast v18, $0xF;
	v3 =	vnsel vm0, $0x3F800000, v19;
	v19 =	vld [tilespmem:s15+$0xE7C0];
	v4 =	vsub.f32 $1.500000000e+00, v4  }
0x1c4: {  	v11, _, _ =	vpop (xrf2);
	v18 =	vld [tilespmem:s15+$0xE7D0];
	v5 =	vsel vm1, v3, v2;
	v3 =	vmul.f32 v60, v60;
	v2 =	vmul.f32 v61, v61  }
0x1c5: {  	v17 =	vld [tilespmem:s15+$0xE7E0];
	v7 =	vadd.f32 v10, v7;
	v12 =	vmul.f32 v14, v4;
	v14 =	vbroadcast v11, $0xF  }
0x1c6: {  	v0 =	vadd.f32 v0, v1;
	v10 =	vld [tilespmem:s15+$0xE7F0];
	v11 =	vmul.f32 v56, v56;
	v4 =	vmul.f32 v57, v57  }
0x1c7: {  	v5 =	vsel vm2, v5, v13;
	v2 =	vadd.f32 v2, v3;
	v1 =	vadd.f32 v7, v8  }
0x1c8: {  	v9 =	vadd.f32 v9, v11;
	v4 =	vadd.f32 v4, v6;
	v5 =	vsel vm3, v5, v14  }
0x1c9: {  	v13 =	vmul.f32 v19, v19;
	v11 =	vmul.f32 v18, v18;
	v0 =	vadd.f32 v0, v2  }
0x1ca: {  	v2 =	vmul.f32 $8.000000000e+00, v16;
	v16 =	vimm.s32 $0x0;
	v6 =	vmul.f32 v17, v17  }
0x1cb: {  	v5 =	vmax.f32 v5, $1.000000020e-24;
	v3 =	vadd.f32 v11, v13;
	v13 =	vmul.f32 v10, v10  }
0x1cc: {  	v4 =	vadd.f32 v4, v9;
	v8 =	vperm.xlane v2, v16;
	v9 =	vmul.f32 v12, v15  }
0x1cd: {  	v6 =	vadd.f32 v13, v6;
	v13 =	vshra.s32 v5, $0x1;
	v5 =	vmul.f32 $5.000000000e-01, v5  }
0x1ce: {  	v14 =	vimm.s32 $0x1;
	(xrf2) =	vadd.scan.msk.f32 $0xffff, v1;
	v1 =	vmul.f32 v8, v51;
	v9 =	vmul.f32 v9, v12  }
0x1cf: {  	(xrf2) =	vadd.scan.msk.f32 $0xffff, v4;
	v4 =	vmul.f32 v8, v50;
	v7 =	vsub.s32 $0x5F3759DF, v13;
	v13 =	vperm.xlane v2, v14  }
0x1d0: {  	v50 =	vmul.f32 v8, v49;
	v51 =	vmul.f32 v7, v5;
	v9 =	vsub.f32 $1.500000000e+00, v9  }
0x1d1: {  	v8 =	vmul.f32 v8, v48;
	(xrf2) =	vadd.scan.msk.f32 $0xffff, v0;
	v3 =	vadd.f32 v6, v3;
	v47 =	vmul.f32 v13, v47  }
0x1d2: {  	[tilespmem:s15+$0xE400] =	vst v1;
	v51 =	vmul.f32 v7, v51;
	v1 =	vmul.f32 v9, v12  }
0x1d3: {  	v48 =	vmul.f32 v13, v45;
	v49 =	vmul.f32 v13, v46;
	(xrf2) =	vadd.scan.msk.f32 $0xffff, v3  }
0x1d4: {  	[tilespmem:s15+$0xE420] =	vst v50;
	v0 =	vsub.f32 $1.500000000e+00, v51;
	v9 =	vmul.f32 v1, v15;
	v15 =	vimm.s32 $0x2  }
0x1d5: {  	[tilespmem:s15+$0xE440] =	vst v47;
	v51 =	vmul.f32 v13, v42;
	v50 =	vperm.xlane v2, v15  }
0x1d6: {  	[tilespmem:s15+$0xE450] =	vst v48;
	v0 =	vmul.f32 v7, v0;
	v45 =	vmul.f32 v9, v1  }
0x1d7: {  	[tilespmem:s15+$0xE460] =	vst v49;
	v13 =	vimm.s32 $0x3;
	v42 =	vmul.f32 v50, v37;
	v11 =	vmul.f32 v50, v27;
	v27 =	vld [tilespmem:$0x1FD00]  }
0x1d8: {  	v48, _, _ =	vpop (xrf2);
	v2 =	vperm.xlane v2, v13;
	[tilespmem:s15+$0xE470] =	vst v51;
	v46 =	vmul.f32 v50, v32;
	v37 =	vld [tilespmem:$0x1FD10]  }
0x1d9: {  	v47 =	vmul.f32 v50, v33;
	v7 =	vsub.f32 $1.500000000e+00, v45;
	v49, _, _ =	vpop (xrf2);
	v50 =	vmul.f32 v0, v5;
	[tilespmem:s15+$0xE480] =	vst v42;
	v42 =	vld [tilespmem:$0x1FD20]  }
0x1da: {  	v6 =	vbroadcast v48, $0xF;
	v51 =	vbroadcast v49, $0xF;
	[tilespmem:s15+$0xE490] =	vst v46;
	v46 =	vld [tilespmem:$0x1FD30]  }
0x1db: {  	[tilespmem:s15+$0xE430] =	vst v8;
	v12, _, _ =	vpop (xrf2);
	v1 =	vmul.f32 v7, v1;
	v8 =	vmul.f32 v50, v0  }
0x1dc: {  	[tilespmem:s15+$0xE410] =	vst v4;
	v32 =	vbroadcast v12, $0xF;
	v4 =	vmul.f32 v2, v27  }
0x1dd: {  	v6 =	vnsel vm0, $0x3F800000, v6;
	[tilespmem:s15+$0xE4B0] =	vst v11;
	v1 =	vmul.f32 $8.000000000e+00, v1;
	v33, _, _ =	vpop (xrf2);
	v9 =	vmul.f32 v2, v37  }
0x1de: {  	v11 =	vld [tilespmem:$0x1FD40];
	v8 =	vsub.f32 $1.500000000e+00, v8;
	v7 =	vbroadcast v33, $0xF;
	[tilespmem:s15+$0xE4C0] =	vst v4;
	v4 =	vmul.f32 v2, v42  }
0x1df: {  	[tilespmem:s15+$0xE4A0] =	vst v47;
	v3 =	vsel vm1, v6, v51;
	v45 =	vperm.xlane v1, v16;
	v2 =	vmul.f32 v2, v46  }
0x1e0: {  	v3 =	vsel vm2, v3, v32;
	v27 =	vld [tilespmem:$0x1FD50];
	[tilespmem:s15+$0xE4D0] =	vst v9;
	v0 =	vmul.f32 v8, v0;
	v51 =	vperm.xlane v1, v14  }
0x1e1: {  	v37 =	vld [tilespmem:$0x1FD80];
	v3 =	vsel vm3, v3, v7;
	[tilespmem:s15+$0xE4E0] =	vst v4;
	v47 =	vmul.f32 v45, v38;
	v48 =	vmul.f32 v45, v39  }
0x1e2: {  	v32 =	vld [tilespmem:$0x1FD60];
	v3 =	vmax.f32 v3, $1.000000020e-24;
	[tilespmem:s15+$0xE4F0] =	vst v2;
	v49 =	vmul.f32 v45, v34;
	v5 =	vmul.f32 v0, v5  }
0x1e3: {  	v6 =	vmul.f32 v45, v11;
	v50 =	vshra.s32 v3, $0x1;
	v3 =	vmul.f32 $5.000000000e-01, v3;
	[tilespmem:s15+$0xE500] =	vst v47  }
0x1e4: {  	v34 =	vperm.xlane v1, v15;
	v1 =	vperm.xlane v1, v13;
	v8 =	vsub.s32 $0x5F3759DF, v50;
	[tilespmem:s15+$0xE510] =	vst v48  }
0x1e5: {  	v33 =	vld [tilespmem:$0x1FD70];
	v2 =	vmul.f32 v51, v27;
	[tilespmem:s15+$0xE520] =	vst v49;
	v12 =	vmul.f32 v8, v3  }
0x1e6: {  	v9 =	vld [tilespmem:$0x1FDD0];
	v4 =	vmul.f32 v51, v37;
	v5 =	vmul.f32 v5, v0;
	[tilespmem:s15+$0xE530] =	vst v6  }
0x1e7: {  	v39 =	vld [tilespmem:$0x1FD90];
	v6 =	vmul.f32 v51, v32;
	[tilespmem:s15+$0xE540] =	vst v2;
	v7 =	vmul.f32 v8, v12  }
0x1e8: {  	v46 =	vld [tilespmem:$0x1FDB0];
	v48 =	vmul.f32 v1, v20;
	[tilespmem:s15+$0xE570] =	vst v4  }
0x1e9: {  	v45 =	vld [tilespmem:$0x1FDA0];
	v49 =	vmul.f32 v1, v23;
	v5 =	vsub.f32 $1.500000000e+00, v5;
	[tilespmem:s15+$0xE550] =	vst v6;
	v38 =	vsub.f32 $1.500000000e+00, v7  }
0x1ea: {  	v50 =	vmul.f32 v1, v21;
	v2 =	vmul.f32 v51, v33;
	[tilespmem:s15+$0xE5C0] =	vst v48  }
0x1eb: {  	v47 =	vld [tilespmem:$0x1FDC0];
	[tilespmem:s15+$0xE5D0] =	vst v49;
	v0 =	vmul.f32 v5, v0;
	v42 =	vmul.f32 v8, v38  }
0x1ec: {  	v1 =	vmul.f32 v1, v9;
	[tilespmem:s15+$0xE560] =	vst v2;
	v2 =	vmul.f32 v34, v39;
	v12 =	vld [tilespmem:$0x1FDE0]  }
0x1ed: {  	v21 =	vld [tilespmem:$0x1FDF0];
	[tilespmem:s15+$0xE5E0] =	vst v50;
	v0 =	vmul.f32 $8.000000000e+00, v0;
	v6 =	vmul.f32 v42, v3  }
0x1ee: {  	v5 =	vmul.f32 v34, v45;
	[tilespmem:s15+$0xE580] =	vst v2;
	v2 =	vmul.f32 v34, v46  }
0x1ef: {  	[tilespmem:s15+$0xE5F0] =	vst v1;
	v51 =	vperm.xlane v0, v16;
	v6 =	vmul.f32 v6, v42  }
0x1f0: {  	[tilespmem:s15+$0xE590] =	vst v5;
	v5 =	vmul.f32 v34, v47  }
0x1f1: {  	[tilespmem:s15+$0xE5A0] =	vst v2;
	v2 =	vmul.f32 v51, v12;
	v11 =	vsub.f32 $1.500000000e+00, v6  }
0x1f2: {  	[tilespmem:s15+$0xE5B0] =	vst v5;
	v23 =	vperm.xlane v0, v14;
	v4 =	vmul.f32 v51, v21  }
0x1f3: {  	v22 =	vmul.f32 v51, v22;
	[tilespmem:s15+$0xE600] =	vst v2;
	v20 =	vmul.f32 v11, v42  }
0x1f4: {  	v24 =	vmul.f32 v51, v24;
	[tilespmem:s15+$0xE610] =	vst v4  }
0x1f5: {  	v25 =	vmul.f32 v23, v25;
	[tilespmem:s15+$0xE620] =	vst v22;
	v3 =	vmul.f32 v20, v3  }
0x1f6: {  	v32 =	vperm.xlane v0, v15;
	v27 =	vmul.f32 v23, v26;
	[tilespmem:s15+$0xE630] =	vst v24  }
0x1f7: {  	v28 =	vmul.f32 v23, v28;
	[tilespmem:s15+$0xE640] =	vst v25;
	v3 =	vmul.f32 v3, v20  }
0x1f8: {  	v33 =	vmul.f32 v23, v29;
	[tilespmem:s15+$0xE650] =	vst v27  }
0x1f9: {  	v34 =	vmul.f32 v32, v31;
	[tilespmem:s15+$0xE660] =	vst v28;
	v3 =	vsub.f32 $1.500000000e+00, v3  }
0x1fa: {  	v0 =	vperm.xlane v0, v13;
	v37 =	vmul.f32 v32, v30;
	[tilespmem:s15+$0xE670] =	vst v33  }
0x1fb: {  	v38 =	vmul.f32 v32, v35;
	[tilespmem:s15+$0xE680] =	vst v34;
	v1 =	vmul.f32 v3, v20  }
0x1fc: {  	v39 =	vmul.f32 v32, v36;
	[tilespmem:s15+$0xE690] =	vst v37  }
0x1fd: {  	v40 =	vmul.f32 v0, v40;
	[tilespmem:s15+$0xE6A0] =	vst v38;
	v1 =	vmul.f32 $8.000000000e+00, v1  }
0x1fe: {  	v43 =	vmul.f32 v0, v43;
	[tilespmem:s15+$0xE6B0] =	vst v39  }
0x1ff: {  	[tilespmem:s15+$0xE6C0] =	vst v40;
	v42 =	vmul.f32 v0, v41;
	v45 =	vperm.xlane v1, v16  }
0x200: {  	[tilespmem:s15+$0xE6E0] =	vst v43;
	v0 =	vmul.f32 v0, v44  }
0x201: {  	[tilespmem:s15+$0xE6D0] =	vst v42;
	v46 =	vmul.f32 v45, v54  }
0x202: {  	[tilespmem:s15+$0xE6F0] =	vst v0;
	v47 =	vmul.f32 v45, v55  }
0x203: {  	v49 =	vperm.xlane v1, v14;
	v48 =	vmul.f32 v45, v58;
	[tilespmem:s15+$0xE700] =	vst v46  }
0x204: {  	v50 =	vmul.f32 v45, v52;
	[tilespmem:s15+$0xE710] =	vst v47  }
0x205: {  	v51 =	vmul.f32 v49, v56;
	[tilespmem:s15+$0xE720] =	vst v48  }
0x206: {  	v52 =	vmul.f32 v49, v53;
	[tilespmem:s15+$0xE730] =	vst v50  }
0x207: {  	v53 =	vmul.f32 v49, v59;
	v54 =	vperm.xlane v1, v15;
	[tilespmem:s15+$0xE740] =	vst v51  }
0x208: {  	v55 =	vmul.f32 v49, v57;
	[tilespmem:s15+$0xE750] =	vst v52  }
0x209: {  	[tilespmem:s15+$0xE760] =	vst v53;
	v56 =	vmul.f32 v54, v60  }
0x20a: {  	[tilespmem:s15+$0xE770] =	vst v55;
	v57 =	vmul.f32 v54, v61  }
0x20b: {  	v1 =	vperm.xlane v1, v13;
	v58 =	vmul.f32 v54, v62;
	[tilespmem:s15+$0xE780] =	vst v56  }
0x20c: {  	v59 =	vmul.f32 v54, v63;
	[tilespmem:s15+$0xE790] =	vst v57  }
0x20d: {  	p1 =	sne.s32 s13, $0xF000;
	v60 =	vmul.f32 v1, v19;
	[tilespmem:s15+$0xE7A0] =	vst v58  }
.Ltmp2:
0x20e: {  	v61 =	vmul.f32 v1, v18;
	[tilespmem:s15+$0xE7B0] =	vst v59;
	(pc) =	sbr.rel @p1 .LBB2_7-.Ltmp2, $4  }
0x20f: {  	v62 =	vmul.f32 v1, v17;
	[tilespmem:s15+$0xE7C0] =	vst v60  }
0x210: {  	v63 =	vmul.f32 v1, v10;
	[tilespmem:s15+$0xE7D0] =	vst v61  }
0x211: {  	[tilespmem:s15+$0xE7E0] =	vst v62  }
0x212: {  	s13 =	sadd.s32 $0x1000, s13;
	[tilespmem:s15+$0xE7F0] =	vst v63  }
0x213: {  	s1 =	sshll.u32 s1, $0xE  }
0x214: {  	s1 =	sadd.s32 s6, s1  }
0x215: {  	s1 =	sshrl.u32 s1, $0x3  }
0x216: {  	s1 =	sadd.s32 s2, s1  }
0x217: {  	[hbm4b:s1+s3] =	stream.linear.scatter [tilespmem:s17], [sflag:$0x7], $0x4000, $0x38;
	[tilespmem:$0x16400] =	vst v63  }
0x218: {  	_ =	swait.ge [sflag:s25], $0x4000  }
0x219: {  	s13 =	simm.s32 @!p0 $0x80;
	[sflag:s25] =	ssyncset.done $0x0  }
0x21a: {  	s15 =	simm.s32 @!p0 $0xA400;
	s1 =	sadd.s32 @!p0 $0x500, s12;
	[sflag:s25] =	ssyncadd.s32 $0xFFFFC000  }
0x21b: {  	[tilespmem:s15], [sflag:$0x2] =	stream.indirect.gather @!p0 [hbm4b:s4+s13], $0x40, s1, s13, $0xb8;
	[tilespmem:$0x16400] =	vst v63  }
0x21c: {  	s1 =	sadd.s32 @!p0 $0x580, s12;
	s12 =	simm.s32 @!p0 $0xC400  }
0x21d: {  	[tilespmem:s12], [sflag:$0x2] =	stream.indirect.gather @!p0 [hbm4b:s4+s13], $0x40, s1, s13, $0xb8;
	[tilespmem:$0x16400] =	vst v63  }
0x21e: {  	_ =	swait.ge [sflag:s26], $0x2000  }
0x21f: {  	[sflag:s26] =	ssyncset.done $0x0  }
0x220: {  	[sflag:s26] =	ssyncadd.s32 $0xFFFFE000  }
0x221: {  	_ =	swait.ge [sflag:s26], $0x2000  }
0x222: {  	[sflag:s26] =	ssyncset.done $0x0  }
0x223: {  	s1 =	simm.s32 $0x0;
	[sflag:s26] =	ssyncadd.s32 $0xFFFFE000  }
.LBB2_9:
0x224: {  	s12 =	sshra.s32 s1, $0x2  }
0x225: {  	v51 =	vld [tilespmem:s12+$0x12400]  }
0x226: {  	v50 =	vld [tilespmem:s12+$0x12410]  }
0x227: {  	v49 =	vld [tilespmem:s12+$0x12420]  }
0x228: {  	v48 =	vld [tilespmem:s12+$0x12430]  }
0x229: {  	v47 =	vld [tilespmem:s12+$0x12440]  }
0x22a: {  	v45 =	vld [tilespmem:s12+$0x12450]  }
0x22b: {  	v46 =	vld [tilespmem:s12+$0x12460]  }
0x22c: {  	v42 =	vld [tilespmem:s12+$0x12470]  }
0x22d: {  	v37 =	vld [tilespmem:s12+$0x12480]  }
0x22e: {  	v32 =	vld [tilespmem:s12+$0x12490]  }
0x22f: {  	v33 =	vld [tilespmem:s12+$0x124A0]  }
0x230: {  	v27 =	vld [tilespmem:s12+$0x124B0];
	v0 =	vmul.f32 v51, v51  }
0x231: {  	v7 =	vld [tilespmem:s12+$0x124C0];
	v1 =	vmul.f32 v50, v50;
	v2 =	vmul.f32 v49, v49  }
0x232: {  	v6 =	vld [tilespmem:s12+$0x124D0];
	v3 =	vmul.f32 v48, v48;
	v53 =	vmul.f32 v47, v47  }
0x233: {  	v4 =	vld [tilespmem:s12+$0x124E0];
	v8 =	vmul.f32 v45, v45;
	v54 =	vmul.f32 v46, v46  }
0x234: {  	v5 =	vld [tilespmem:s12+$0x124F0];
	v9 =	vmul.f32 v42, v42;
	v55 =	vmul.f32 v37, v37  }
0x235: {  	v10 =	vmul.f32 v32, v32;
	v56 =	vmul.f32 v33, v33  }
0x236: {  	v11 =	vmul.f32 v27, v27;
	v57 =	vmul.f32 v7, v7;
	v0 =	vadd.f32 v1, v0  }
0x237: {  	v38 =	vld [tilespmem:s12+$0x12500];
	v12 =	vmul.f32 v6, v6;
	v2 =	vadd.f32 v3, v2;
	v1 =	vadd.f32 v8, v53  }
0x238: {  	v39 =	vld [tilespmem:s12+$0x12510];
	v58 =	vmul.f32 v4, v4;
	v3 =	vadd.f32 v9, v54;
	v8 =	vadd.f32 v10, v55  }
0x239: {  	v34 =	vld [tilespmem:s12+$0x12520];
	v13 =	vmul.f32 v5, v5;
	v9 =	vadd.f32 v11, v56;
	v0 =	vadd.f32 v2, v0  }
0x23a: {  	v61 =	vld [tilespmem:s12+$0x12530];
	v1 =	vadd.f32 v3, v1;
	v2 =	vadd.f32 v12, v57  }
0x23b: {  	v63 =	vld [tilespmem:s12+$0x12540];
	v3 =	vadd.f32 v13, v58;
	v59 =	vadd.f32 v9, v8;
	(xrf2) =	vadd.scan.msk.f32 $0xffff, v0  }
0x23c: {  	v24 =	vld [tilespmem:s12+$0x12550];
	(xrf2) =	vadd.scan.msk.f32 $0xffff, v1  }
0x23d: {  	v26 =	vld [tilespmem:s12+$0x12560];
	v60 =	vadd.f32 v3, v2;
	(xrf2) =	vadd.scan.msk.f32 $0xffff, v59  }
0x23e: {  	v35 =	vld [tilespmem:s12+$0x12570]  }
0x23f: {  	v41 =	vld [tilespmem:s12+$0x12590];
	(xrf2) =	vadd.scan.msk.f32 $0xffff, v60  }
0x240: {  	v40 =	vld [tilespmem:s12+$0x12580]  }
0x241: {  	v52 =	vld [tilespmem:s12+$0x125A0]  }
0x242: {  	v20 =	vld [tilespmem:s12+$0x125C0]  }
0x243: {  	v21 =	vld [tilespmem:s12+$0x125E0];
	v43 =	vmul.f32 v38, v38;
	v44 =	vmul.f32 v39, v39  }
0x244: {  	v22 =	vld [tilespmem:s12+$0x12620];
	v29 =	vmul.f32 v41, v41;
	v53 =	vmul.f32 v34, v34  }
0x245: {  	[tilespmem:$0x1FC40] =	vst v61;
	v54 =	vmul.f32 v61, v61;
	v55 =	vld [tilespmem:s12+$0x125B0];
	v9 =	vmul.f32 v40, v40;
	v62, _, _ =	vpop (xrf2)  }
0x246: {  	[tilespmem:$0x1FC50] =	vst v63;
	v61 =	vmul.f32 v63, v63;
	v63 =	vld [tilespmem:s12+$0x12610];
	v0 =	vbroadcast v62, $0xF;
	v23, _, _ =	vpop (xrf2)  }
0x247: {  	v56 =	vadd.f32 v54, v53;
	v58 =	vld [tilespmem:s12+$0x125F0];
	v3 =	vadd.f32 v29, v9;
	v1 =	vbroadcast v23, $0xF;
	v25, _, _ =	vpop (xrf2)  }
0x248: {  	v29 =	vld [tilespmem:s12+$0x12670];
	v62 =	vmul.f32 v24, v24;
	v0 =	vnsel vm0, $0x3F800000, v0;
	v2 =	vbroadcast v25, $0xF  }
0x249: {  	[tilespmem:$0x1FC60] =	vst v24;
	v60 =	vld [tilespmem:s12+$0x12600];
	v31, _, _ =	vpop (xrf2);
	v25 =	vmul.f32 v26, v26;
	v0 =	vsel vm1, v0, v1;
	v1 =	vadd.f32 v44, v43  }
0x24a: {  	[tilespmem:$0x1FC70] =	vst v26;
	v24 =	vld [tilespmem:s12+$0x12630];
	v26 =	vmul.f32 v35, v35;
	v36 =	vbroadcast v31, $0xF  }
0x24b: {  	[tilespmem:$0x1FC80] =	vst v35;
	v23 =	vld [tilespmem:s12+$0x125D0];
	v35 =	vmul.f32 v55, v55;
	v0 =	vsel vm2, v0, v2;
	v1 =	vadd.f32 v56, v1  }
0x24c: {  	[tilespmem:$0x1FCA0] =	vst v41;
	v31 =	vmul.f32 v52, v52;
	v28 =	vadd.f32 v26, v25;
	v25 =	vld [tilespmem:s12+$0x12640];
	v0 =	vsel vm3, v0, v36  }
0x24d: {  	v41 =	vmul.f32 v21, v21;
	v43 =	vmul.f32 v58, v58;
	v26 =	vld [tilespmem:s12+$0x12650];
	v0 =	vmax.f32 v0, $1.000000020e-24;
	(xrf2) =	vadd.scan.msk.f32 $0xffff, v1  }
0x24e: {  	[tilespmem:$0x1FC20] =	vst v4;
	v35 =	vadd.f32 v35, v31;
	v31 =	vld [tilespmem:s12+$0x12680];
	v16 =	vshra.s32 v0, $0x1;
	v4 =	vmul.f32 $5.000000000e-01, v0  }
0x24f: {  	v53 =	vmul.f32 v22, v22;
	v10 =	vadd.f32 v43, v41;
	v41 =	vld [tilespmem:s12+$0x126D0];
	v30 =	vsub.s32 $0x5F3759DF, v16  }
0x250: {  	v44 =	vmul.f32 v63, v63;
	v43 =	vld [tilespmem:s12+$0x126E0];
	v1 =	vadd.f32 v62, v61;
	v57 =	vmul.f32 v30, v4  }
0x251: {  	[tilespmem:$0x1FC90] =	vst v40;
	v36 =	vmul.f32 v20, v20;
	v40 =	vmul.f32 v23, v23;
	v3 =	vadd.f32 v35, v3;
	v35 =	vld [tilespmem:s12+$0x126A0]  }
0x252: {  	v16 =	vmul.f32 v60, v60;
	v1 =	vadd.f32 v28, v1;
	v28 =	vld [tilespmem:s12+$0x12660];
	v59 =	vmul.f32 v30, v57  }
0x253: {  	[tilespmem:$0x1FCC0] =	vst v55;
	v54 =	vmul.f32 v24, v24;
	v36 =	vadd.f32 v40, v36;
	v40 =	vld [tilespmem:s12+$0x126C0];
	v55 =	vmul.f32 v25, v25  }
0x254: {  	v56 =	vmul.f32 v26, v26;
	(xrf2) =	vadd.scan.msk.f32 $0xffff, v1;
	v1 =	vadd.f32 v44, v16;
	v44 =	vld [tilespmem:s12+$0x126F0];
	v2 =	vsub.f32 $1.500000000e+00, v59  }
0x255: {  	[tilespmem:$0x1FCE0] =	vst v60;
	v12 =	vadd.f32 v10, v36;
	v36 =	vld [tilespmem:s12+$0x126B0];
	v18 =	vmul.f32 v31, v31;
	v60 =	vmul.f32 v41, v41  }
0x256: {  	[tilespmem:$0x1FC10] =	vst v6;
	v6 =	vmul.f32 v43, v43;
	(xrf2) =	vadd.scan.msk.f32 $0xffff, v3;
	v2 =	vmul.f32 v30, v2;
	v30 =	vld [tilespmem:s12+$0x12690]  }
0x257: {  	v53 =	vadd.f32 v54, v53;
	v57 =	vmul.f32 v29, v29;
	v17 =	vmul.f32 v28, v28;
	v13, _, _ =	vpop (xrf2);
	(xrf2) =	vadd.scan.msk.f32 $0xffff, v12  }
0x258: {  	[tilespmem:$0x1FC30] =	vst v5;
	v55 =	vadd.f32 v56, v55;
	v19 =	vmul.f32 v35, v35;
	v5 =	vmul.f32 v40, v40  }
0x259: {  	v1 =	vadd.f32 v53, v1;
	v54 =	vadd.f32 v57, v17;
	v62 =	vmul.f32 v44, v44  }
0x25a: {  	v59 =	vmul.f32 v36, v36;
	v53 =	vadd.f32 v60, v5;
	v11 =	vmul.f32 v2, v4  }
0x25b: {  	[tilespmem:$0x1FCD0] =	vst v58;
	v54 =	vadd.f32 v54, v55;
	v55 =	vadd.f32 v62, v6;
	v58 =	vmul.f32 v30, v30  }
0x25c: {  	v57 =	vadd.f32 v59, v19;
	v14 =	vmul.f32 v11, v2  }
0x25d: {  	(xrf2) =	vadd.scan.msk.f32 $0xffff, v1;
	v53 =	vadd.f32 v55, v53;
	v55 =	vld [tilespmem:s12+$0x12710];
	v56 =	vadd.f32 v58, v18  }
0x25e: {  	v61, _, _ =	vpop (xrf2);
	(xrf2) =	vadd.scan.msk.f32 $0xffff, v54;
	v3 =	vsub.f32 $1.500000000e+00, v14;
	v54 =	vld [tilespmem:s12+$0x12700]  }
0x25f: {  	[tilespmem:$0x1FC00] =	vst v7;
	v15 =	vbroadcast v13, $0xF;
	v9 =	vadd.f32 v57, v56  }
0x260: {  	[tilespmem:$0x1FCF0] =	vst v63;
	v61 =	vbroadcast v61, $0xF;
	v63, _, _ =	vpop (xrf2);
	v58 =	vld [tilespmem:s12+$0x12720];
	v2 =	vmul.f32 v3, v2  }
0x261: {  	[tilespmem:$0x1FCB0] =	vst v52;
	v62 =	vld [tilespmem:s12+$0x127A0];
	v52 =	vnsel vm0, $0x3F800000, v15;
	v7 =	vbroadcast v63, $0xF;
	(xrf2) =	vadd.scan.msk.f32 $0xffff, v9;
	v8, _, _ =	vpop (xrf2)  }
0x262: {  	v63 =	vld [tilespmem:s12+$0x127B0];
	v52 =	vsel vm1, v52, v61;
	v59 =	vbroadcast v8, $0xF;
	v8 =	vmul.f32 v2, v4  }
0x263: {  	v52 =	vsel vm2, v52, v7;
	v0 =	vmul.f32 v55, v55;
	v1 =	vmul.f32 v54, v54;
	(xrf2) =	vadd.scan.msk.f32 $0xffff, v53  }
0x264: {  	v52 =	vsel vm3, v52, v59;
	v3 =	vmul.f32 v8, v2;
	v59 =	vld [tilespmem:s12+$0x12760]  }
0x265: {  	v53 =	vld [tilespmem:s12+$0x12750];
	v7 =	vmul.f32 v58, v58;
	v8 =	vadd.f32 v0, v1;
	v10 =	vmax.f32 v52, $1.000000020e-24  }
0x266: {  	v52 =	vld [tilespmem:s12+$0x12730];
	v11 =	vshra.s32 v10, $0x1;
	v15 =	vmul.f32 $5.000000000e-01, v10;
	v3 =	vsub.f32 $1.500000000e+00, v3  }
0x267: {  	v60 =	vld [tilespmem:s12+$0x12780];
	v1 =	vmul.f32 v62, v62;
	v0 =	vmul.f32 v63, v63;
	v14 =	vsub.s32 $0x5F3759DF, v11  }
0x268: {  	v61 =	vld [tilespmem:s12+$0x12790];
	v9 =	vmul.f32 v14, v15;
	v10, _, _ =	vpop (xrf2);
	v16 =	vmul.f32 v3, v2  }
0x269: {  	v56 =	vld [tilespmem:s12+$0x12740];
	v11, _, _ =	vpop (xrf2);
	v19 =	vbroadcast v10, $0xF;
	v6 =	vmul.f32 v59, v59  }
0x26a: {  	v57 =	vld [tilespmem:s12+$0x12770];
	v4 =	vmul.f32 v14, v9;
	v2 =	vbroadcast v11, $0xF  }
0x26b: {  	v18, _, _ =	vpop (xrf2);
	v10 =	vmul.f32 v52, v52;
	v9 =	vmul.f32 v53, v53  }
0x26c: {  	v13 =	vbroadcast v18, $0xF;
	v3 =	vnsel vm0, $0x3F800000, v19;
	v19 =	vld [tilespmem:s12+$0x127C0];
	v4 =	vsub.f32 $1.500000000e+00, v4  }
0x26d: {  	v11, _, _ =	vpop (xrf2);
	v18 =	vld [tilespmem:s12+$0x127D0];
	v5 =	vsel vm1, v3, v2;
	v3 =	vmul.f32 v60, v60;
	v2 =	vmul.f32 v61, v61  }
0x26e: {  	v17 =	vld [tilespmem:s12+$0x127E0];
	v7 =	vadd.f32 v10, v7;
	v12 =	vmul.f32 v14, v4;
	v14 =	vbroadcast v11, $0xF  }
0x26f: {  	v0 =	vadd.f32 v0, v1;
	v10 =	vld [tilespmem:s12+$0x127F0];
	v11 =	vmul.f32 v56, v56;
	v4 =	vmul.f32 v57, v57  }
0x270: {  	v5 =	vsel vm2, v5, v13;
	v2 =	vadd.f32 v2, v3;
	v1 =	vadd.f32 v7, v8  }
0x271: {  	v9 =	vadd.f32 v9, v11;
	v4 =	vadd.f32 v4, v6;
	v5 =	vsel vm3, v5, v14  }
0x272: {  	v13 =	vmul.f32 v19, v19;
	v11 =	vmul.f32 v18, v18;
	v0 =	vadd.f32 v0, v2  }
0x273: {  	v2 =	vmul.f32 $8.000000000e+00, v16;
	v16 =	vimm.s32 $0x0;
	v6 =	vmul.f32 v17, v17  }
0x274: {  	v5 =	vmax.f32 v5, $1.000000020e-24;
	v3 =	vadd.f32 v11, v13;
	v13 =	vmul.f32 v10, v10  }
0x275: {  	v4 =	vadd.f32 v4, v9;
	v8 =	vperm.xlane v2, v16;
	v9 =	vmul.f32 v12, v15  }
0x276: {  	v6 =	vadd.f32 v13, v6;
	v13 =	vshra.s32 v5, $0x1;
	v5 =	vmul.f32 $5.000000000e-01, v5  }
0x277: {  	v14 =	vimm.s32 $0x1;
	(xrf2) =	vadd.scan.msk.f32 $0xffff, v1;
	v1 =	vmul.f32 v8, v51;
	v9 =	vmul.f32 v9, v12  }
0x278: {  	(xrf2) =	vadd.scan.msk.f32 $0xffff, v4;
	v4 =	vmul.f32 v8, v50;
	v7 =	vsub.s32 $0x5F3759DF, v13;
	v13 =	vperm.xlane v2, v14  }
0x279: {  	v50 =	vmul.f32 v8, v49;
	v51 =	vmul.f32 v7, v5;
	v9 =	vsub.f32 $1.500000000e+00, v9  }
0x27a: {  	v8 =	vmul.f32 v8, v48;
	(xrf2) =	vadd.scan.msk.f32 $0xffff, v0;
	v3 =	vadd.f32 v6, v3;
	v47 =	vmul.f32 v13, v47  }
0x27b: {  	[tilespmem:s12+$0x12400] =	vst v1;
	v51 =	vmul.f32 v7, v51;
	v1 =	vmul.f32 v9, v12  }
0x27c: {  	v48 =	vmul.f32 v13, v45;
	v49 =	vmul.f32 v13, v46;
	(xrf2) =	vadd.scan.msk.f32 $0xffff, v3  }
0x27d: {  	[tilespmem:s12+$0x12420] =	vst v50;
	v0 =	vsub.f32 $1.500000000e+00, v51;
	v9 =	vmul.f32 v1, v15;
	v15 =	vimm.s32 $0x2  }
0x27e: {  	[tilespmem:s12+$0x12440] =	vst v47;
	v51 =	vmul.f32 v13, v42;
	v50 =	vperm.xlane v2, v15  }
0x27f: {  	[tilespmem:s12+$0x12450] =	vst v48;
	v0 =	vmul.f32 v7, v0;
	v45 =	vmul.f32 v9, v1  }
0x280: {  	[tilespmem:s12+$0x12460] =	vst v49;
	v13 =	vimm.s32 $0x3;
	v42 =	vmul.f32 v50, v37;
	v11 =	vmul.f32 v50, v27;
	v27 =	vld [tilespmem:$0x1FC00]  }
0x281: {  	v48, _, _ =	vpop (xrf2);
	v2 =	vperm.xlane v2, v13;
	[tilespmem:s12+$0x12470] =	vst v51;
	v46 =	vmul.f32 v50, v32;
	v37 =	vld [tilespmem:$0x1FC10]  }
0x282: {  	v47 =	vmul.f32 v50, v33;
	v7 =	vsub.f32 $1.500000000e+00, v45;
	v49, _, _ =	vpop (xrf2);
	v50 =	vmul.f32 v0, v5;
	[tilespmem:s12+$0x12480] =	vst v42;
	v42 =	vld [tilespmem:$0x1FC20]  }
0x283: {  	v6 =	vbroadcast v48, $0xF;
	v51 =	vbroadcast v49, $0xF;
	[tilespmem:s12+$0x12490] =	vst v46;
	v46 =	vld [tilespmem:$0x1FC30]  }
0x284: {  	[tilespmem:s12+$0x12430] =	vst v8;
	v12, _, _ =	vpop (xrf2);
	v1 =	vmul.f32 v7, v1;
	v8 =	vmul.f32 v50, v0  }
0x285: {  	[tilespmem:s12+$0x12410] =	vst v4;
	v32 =	vbroadcast v12, $0xF;
	v4 =	vmul.f32 v2, v27  }
0x286: {  	v6 =	vnsel vm0, $0x3F800000, v6;
	[tilespmem:s12+$0x124B0] =	vst v11;
	v1 =	vmul.f32 $8.000000000e+00, v1;
	v33, _, _ =	vpop (xrf2);
	v9 =	vmul.f32 v2, v37  }
0x287: {  	v11 =	vld [tilespmem:$0x1FC40];
	v8 =	vsub.f32 $1.500000000e+00, v8;
	v7 =	vbroadcast v33, $0xF;
	[tilespmem:s12+$0x124C0] =	vst v4;
	v4 =	vmul.f32 v2, v42  }
0x288: {  	[tilespmem:s12+$0x124A0] =	vst v47;
	v3 =	vsel vm1, v6, v51;
	v45 =	vperm.xlane v1, v16;
	v2 =	vmul.f32 v2, v46  }
0x289: {  	v3 =	vsel vm2, v3, v32;
	v27 =	vld [tilespmem:$0x1FC50];
	[tilespmem:s12+$0x124D0] =	vst v9;
	v0 =	vmul.f32 v8, v0;
	v51 =	vperm.xlane v1, v14  }
0x28a: {  	v37 =	vld [tilespmem:$0x1FC80];
	v3 =	vsel vm3, v3, v7;
	[tilespmem:s12+$0x124E0] =	vst v4;
	v47 =	vmul.f32 v45, v38;
	v48 =	vmul.f32 v45, v39  }
0x28b: {  	v32 =	vld [tilespmem:$0x1FC60];
	v3 =	vmax.f32 v3, $1.000000020e-24;
	[tilespmem:s12+$0x124F0] =	vst v2;
	v49 =	vmul.f32 v45, v34;
	v5 =	vmul.f32 v0, v5  }
0x28c: {  	v6 =	vmul.f32 v45, v11;
	v50 =	vshra.s32 v3, $0x1;
	v3 =	vmul.f32 $5.000000000e-01, v3;
	[tilespmem:s12+$0x12500] =	vst v47  }
0x28d: {  	v34 =	vperm.xlane v1, v15;
	v1 =	vperm.xlane v1, v13;
	v8 =	vsub.s32 $0x5F3759DF, v50;
	[tilespmem:s12+$0x12510] =	vst v48  }
0x28e: {  	v33 =	vld [tilespmem:$0x1FC70];
	v2 =	vmul.f32 v51, v27;
	[tilespmem:s12+$0x12520] =	vst v49;
	v12 =	vmul.f32 v8, v3  }
0x28f: {  	v9 =	vld [tilespmem:$0x1FCD0];
	v4 =	vmul.f32 v51, v37;
	v5 =	vmul.f32 v5, v0;
	[tilespmem:s12+$0x12530] =	vst v6  }
0x290: {  	v39 =	vld [tilespmem:$0x1FC90];
	v6 =	vmul.f32 v51, v32;
	[tilespmem:s12+$0x12540] =	vst v2;
	v7 =	vmul.f32 v8, v12  }
0x291: {  	v46 =	vld [tilespmem:$0x1FCB0];
	v48 =	vmul.f32 v1, v20;
	[tilespmem:s12+$0x12570] =	vst v4  }
0x292: {  	v45 =	vld [tilespmem:$0x1FCA0];
	v49 =	vmul.f32 v1, v23;
	v5 =	vsub.f32 $1.500000000e+00, v5;
	[tilespmem:s12+$0x12550] =	vst v6;
	v38 =	vsub.f32 $1.500000000e+00, v7  }
0x293: {  	v50 =	vmul.f32 v1, v21;
	v2 =	vmul.f32 v51, v33;
	[tilespmem:s12+$0x125C0] =	vst v48  }
0x294: {  	v47 =	vld [tilespmem:$0x1FCC0];
	[tilespmem:s12+$0x125D0] =	vst v49;
	v0 =	vmul.f32 v5, v0;
	v42 =	vmul.f32 v8, v38  }
0x295: {  	v1 =	vmul.f32 v1, v9;
	[tilespmem:s12+$0x12560] =	vst v2;
	v2 =	vmul.f32 v34, v39;
	v12 =	vld [tilespmem:$0x1FCE0]  }
0x296: {  	v21 =	vld [tilespmem:$0x1FCF0];
	[tilespmem:s12+$0x125E0] =	vst v50;
	v0 =	vmul.f32 $8.000000000e+00, v0;
	v6 =	vmul.f32 v42, v3  }
0x297: {  	v5 =	vmul.f32 v34, v45;
	[tilespmem:s12+$0x12580] =	vst v2;
	v2 =	vmul.f32 v34, v46  }
0x298: {  	[tilespmem:s12+$0x125F0] =	vst v1;
	v51 =	vperm.xlane v0, v16;
	v6 =	vmul.f32 v6, v42  }
0x299: {  	[tilespmem:s12+$0x12590] =	vst v5;
	v5 =	vmul.f32 v34, v47  }
0x29a: {  	[tilespmem:s12+$0x125A0] =	vst v2;
	v2 =	vmul.f32 v51, v12;
	v11 =	vsub.f32 $1.500000000e+00, v6  }
0x29b: {  	[tilespmem:s12+$0x125B0] =	vst v5;
	v23 =	vperm.xlane v0, v14;
	v4 =	vmul.f32 v51, v21  }
0x29c: {  	v22 =	vmul.f32 v51, v22;
	[tilespmem:s12+$0x12600] =	vst v2;
	v20 =	vmul.f32 v11, v42  }
0x29d: {  	v24 =	vmul.f32 v51, v24;
	[tilespmem:s12+$0x12610] =	vst v4  }
0x29e: {  	v25 =	vmul.f32 v23, v25;
	[tilespmem:s12+$0x12620] =	vst v22;
	v3 =	vmul.f32 v20, v3  }
0x29f: {  	v32 =	vperm.xlane v0, v15;
	v27 =	vmul.f32 v23, v26;
	[tilespmem:s12+$0x12630] =	vst v24  }
0x2a0: {  	v28 =	vmul.f32 v23, v28;
	[tilespmem:s12+$0x12640] =	vst v25;
	v3 =	vmul.f32 v3, v20  }
0x2a1: {  	v33 =	vmul.f32 v23, v29;
	[tilespmem:s12+$0x12650] =	vst v27  }
0x2a2: {  	v34 =	vmul.f32 v32, v31;
	[tilespmem:s12+$0x12660] =	vst v28;
	v3 =	vsub.f32 $1.500000000e+00, v3  }
0x2a3: {  	v0 =	vperm.xlane v0, v13;
	v37 =	vmul.f32 v32, v30;
	[tilespmem:s12+$0x12670] =	vst v33  }
0x2a4: {  	v38 =	vmul.f32 v32, v35;
	[tilespmem:s12+$0x12680] =	vst v34;
	v1 =	vmul.f32 v3, v20  }
0x2a5: {  	v39 =	vmul.f32 v32, v36;
	[tilespmem:s12+$0x12690] =	vst v37  }
0x2a6: {  	v40 =	vmul.f32 v0, v40;
	[tilespmem:s12+$0x126A0] =	vst v38;
	v1 =	vmul.f32 $8.000000000e+00, v1  }
0x2a7: {  	v43 =	vmul.f32 v0, v43;
	[tilespmem:s12+$0x126B0] =	vst v39  }
0x2a8: {  	[tilespmem:s12+$0x126C0] =	vst v40;
	v42 =	vmul.f32 v0, v41;
	v45 =	vperm.xlane v1, v16  }
0x2a9: {  	[tilespmem:s12+$0x126E0] =	vst v43;
	v0 =	vmul.f32 v0, v44  }
0x2aa: {  	[tilespmem:s12+$0x126D0] =	vst v42;
	v46 =	vmul.f32 v45, v54  }
0x2ab: {  	[tilespmem:s12+$0x126F0] =	vst v0;
	v47 =	vmul.f32 v45, v55  }
0x2ac: {  	v49 =	vperm.xlane v1, v14;
	v48 =	vmul.f32 v45, v58;
	[tilespmem:s12+$0x12700] =	vst v46  }
0x2ad: {  	v50 =	vmul.f32 v45, v52;
	[tilespmem:s12+$0x12710] =	vst v47  }
0x2ae: {  	v51 =	vmul.f32 v49, v56;
	[tilespmem:s12+$0x12720] =	vst v48  }
0x2af: {  	v52 =	vmul.f32 v49, v53;
	[tilespmem:s12+$0x12730] =	vst v50  }
0x2b0: {  	v53 =	vmul.f32 v49, v59;
	v54 =	vperm.xlane v1, v15;
	[tilespmem:s12+$0x12740] =	vst v51  }
0x2b1: {  	v55 =	vmul.f32 v49, v57;
	[tilespmem:s12+$0x12750] =	vst v52  }
0x2b2: {  	[tilespmem:s12+$0x12760] =	vst v53;
	v56 =	vmul.f32 v54, v60  }
0x2b3: {  	[tilespmem:s12+$0x12770] =	vst v55;
	v57 =	vmul.f32 v54, v61  }
0x2b4: {  	v1 =	vperm.xlane v1, v13;
	v58 =	vmul.f32 v54, v62;
	[tilespmem:s12+$0x12780] =	vst v56  }
0x2b5: {  	v59 =	vmul.f32 v54, v63;
	[tilespmem:s12+$0x12790] =	vst v57  }
0x2b6: {  	p0 =	sne.s32 s1, $0xF000;
	v60 =	vmul.f32 v1, v19;
	[tilespmem:s12+$0x127A0] =	vst v58  }
.Ltmp3:
0x2b7: {  	v61 =	vmul.f32 v1, v18;
	[tilespmem:s12+$0x127B0] =	vst v59;
	(pc) =	sbr.rel @p0 .LBB2_9-.Ltmp3, $4  }
0x2b8: {  	v62 =	vmul.f32 v1, v17;
	[tilespmem:s12+$0x127C0] =	vst v60  }
0x2b9: {  	v63 =	vmul.f32 v1, v10;
	[tilespmem:s12+$0x127D0] =	vst v61  }
0x2ba: {  	[tilespmem:s12+$0x127E0] =	vst v62  }
0x2bb: {  	s1 =	sadd.s32 $0x1000, s1;
	[tilespmem:s12+$0x127F0] =	vst v63  }
0x2bc: {  	s31 =	sadd.s32 $0x1, s31  }
0x2bd: {  	p0 =	sne.s32 s31, $0x19  }
.Ltmp4:
0x2be: {  	s0 =	sshll.u32 s0, $0xE;
	(pc) =	sbr.rel @p0 .LBB2_2-.Ltmp4, $4  }
0x2bf: {  	s0 =	sadd.s32 s6, s0  }
0x2c0: {  	s0 =	sshrl.u32 s0, $0x3  }
0x2c1: {  	s0 =	sadd.s32 s2, s0  }
0x2c2: {  	[hbm4b:s0+s3] =	stream.linear.scatter [tilespmem:s20], [sflag:$0x8], $0x4000, $0x38;
	[tilespmem:$0x16400] =	vst v63  }
0x2c3: {  	s30 =	sadd.s32 $0x1, s30  }
0x2c4: {  	_ =	swait.ge [sflag:s28], $0x4000;
	p0 =	sne.s32 s30, s8  }
.Ltmp5:
0x2c5: {  	[sflag:s28] =	ssyncset.done $0x0;
	(pc) =	sbr.rel @p0 .LBB2_1-.Ltmp5, $4  }
0x2c6: {  	[sflag:s28] =	ssyncadd.s32 $0xFFFFC000  }
0x2c7: {  	_ =	swait.ge [sflag:s29], $0x4000  }
0x2c8: {  	[sflag:s29] =	ssyncset.done $0x0  }
0x2c9: {  	[sflag:s29] =	ssyncadd.s32 $0xFFFFC000  }
0x2ca: {  	_ =	sfence.sel $0x180000  }
0x2cb: {  	[bflag:$0x0] =	sbarrier.arrive $0xFFFF  }
0x2cc: {  	_ =	strace $0x90000047  }
0x2cd: {  	s0 =	stileid.u32;
	[bflag:$0x2] =	sbarrier.arrive $0xFFFF  }
0x2ce: {  	p0 =	sne.s32 s0, $0x0;
	s0 =	rddreg [dreg:$0x2]  }
0x2cf: {  	s0 =	sadd.s32 @!p0 $0x100000, s0  }
0x2d0: {  	[sflag:s0] =	ssyncadd.tile.s32 @!p0 $0x1;
	_ =	shalt  }
.Lfunc_end2:
_tile_overlayer_lowered:
.L_overlay_start_2:
0x2d1: {  	(tag) =	ssettag $0x2  }
0x2d2: {  	s0 =	rddreg [dreg:$0x0];
	s2 =	stileid.u32  }
0x2d3: {  	s1 =	rddreg [dreg:$0x1];
	p0 =	sne.s32 s2, $0x0  }
0x2d4: {  	s3 =	rddreg [dreg:$0x2];
	[bflag:$0x3] =	sbarrier.arrive $0xFFFF;
	s2 =	simm.s32 @!p0 $0x1C09  }
0x2d5: {  	[timem:s3], [sflag:s2] =	dma.local @!p0 [hbm:s0], s1  }
0x2d6: {  	s0 =	simm.s32 @!p0 $0x9  }
0x2d7: {  	_ =	swait.ge @!p0 [sflag:s0], s1  }
0x2d8: {  	s1 =	ssub.s32 @!p0 $0x0, s1;
	[sflag:s0] =	ssyncset.done @!p0 $0x0  }
0x2d9: {  	[sflag:s0] =	ssyncadd.s32 @!p0 s1  }
0x2da: {  	[bflag:$0x3] =	sbarrier.arrive $0xFFFF  }
0x2db: {  	_ =	shalt  }

// kernel: sparse-core-data-format-call.cloned.1.call-start
scs
called_computation_lowered:
.L_overlay_start_0:
0x0: {  	s2 =	sld [smem:$0x3FD9]  }
0x1: {  	s3 =	sld [smem:$0x3FFE];
	_ =	sdelay $0x1  }
0x2: {  	s1 =	srdreg.scid  }
0x3: {  	s0 =	sand.u32 $0x1, s1  }
0x4: {  	s18 =	sshll.u32 s0, $0xA;
	s2 =	sadd.s32 s3, s2  }
0x5: {  	s2 =	sadd.s32 s2, s18  }
0x6: {  	[smem:$0x3FC6] =	sst s2  }
0x7: {  	_ = 	snop  }
0x8: {  	s2 =	sld [smem:$0x3FD0];
	(tm) =	ssettm $0x1  }
0x9: {  	s19 =	sld [smem:$0x3FFB];
	_ =	sdelay $0x3  }
0xa: {  	_ =	strace s19  }
0xb: {  	s3 =	sld [smem:$0x3FFC];
	_ =	sdelay $0x3  }
0xc: {  	_ =	strace s3  }
0xd: {  	s3 =	sld [smem:$0x3FFD];
	_ =	sdelay $0x3  }
0xe: {  	_ =	strace s3  }
0xf: {  	_ =	strace $0x8FFFFFFF  }
0x10: {  	s20 =	sld [smem:$0x3FDB];
	_ =	sdelay $0x1  }
0x11: {  	s4 =	simm.s32 $_scs_section_size  }
0x12: {  	s5 =	simm.s32 $_size__tile_overlayer_lowered;
	s6 =	simm.s32 $_tile_overlayer_lowered  }
0x13: {  	s23 =	simm.s32 $0x1BFF;
	s22 =	sshll.u32 s6, $0x1;
	s3 =	sadd.s32 s4, s20  }
0x14: {  	s7 =	simm.s32 $0x0;
	s21 =	sshll.u32 s5, $0x1;
	s5 =	sadd.s32 s22, s3  }
0x15: {  	[timem:s7], [sflag:s23] =	dma.local [hbm:s5], s21  }
0x16: {  	_ =	swait.ge [sflag:s23], s21  }
0x17: {  	s4 =	ssub.s32 $0x0, s21;
	[sflag:s23] =	ssyncset.done $0x0  }
0x18: {  	[sflag:s23] =	ssyncadd.s32 s4;
	_ =	sdelay $0x1  }
0x19: {  	s24 =	simm.s32 $0x1B8B  }
0x1a: {  	_ =	swait.ge [sflag:s24], $0x1  }
0x1b: {  	[sflag:s24] =	ssyncset.done $0x0  }
0x1c: {  	s26 =	simm.s32 $0x1B8E;
	s25 =	sld [smem:$0x3FFE];
	[sflag:s24] =	ssyncadd.s32 $0xFFFFFFFF  }
0x1d: {  	s27 =	simm.s32 $execute0_lowered;
	[smem:$0x3FD2] =	sst s26  }
0x1e: {  	s5 =	sshll.u32 s27, $0x1;
	_ =	strace $0x80000049;
	[dreg:$0x1] =	wrdreg $0xFFFFFFFF  }
0x1f: {  	s28 =	simm.s32 $_size_execute0_lowered;
	s3 =	sadd.s32 s3, s5;
	[dreg:$0x0] =	wrdreg $0x0  }
0x20: {  	s5 =	sshll.u32 s28, $0x1;
	[dreg:$0x2] =	wrdreg s3  }
0x21: {  	[dreg:$0x3] =	wrdreg s5  }
0x22: {  	[dreg:$0x4] =	wrdreg $0xC0  }
0x23: {  	_ =	task [dreg:s7], $0x5FFFF  }
0x24: {  	[dreg:$0x1] =	wrdreg $0xFFFFFFFF  }
0x25: {  	[dreg:$0x0] =	wrdreg $0x60  }
0x26: {  	[dreg:$0x2] =	wrdreg s25  }
0x27: {  	[dreg:$0x3] =	wrdreg s2  }
0x28: {  	[dreg:$0x4] =	wrdreg $0x9  }
0x29: {  	_ =	task.clear_ibuf [dreg:s7], $0x5FFFF;
	_ =	strace $0x90000049  }
0x2a: {  	s29 =	simm.s32 $0x9;
	_ =	strace $0x8000004B  }
0x2b: {  	_ =	swait.ge [sflag:s29], $0x1  }
0x2c: {  	[sflag:s29] =	ssyncadd.s32 $0xFFFFFFFF  }
0x2d: {  	_ =	strace $0x9000004B  }
0x2e: {  	_ =	sfence  }
0x2f: {  	s30 =	sld [smem:$0x0];
	_ =	sdelay $0x2  }
0x30: {  	s31 =	sshll.u32 s1, $0xD;
	s1 =	sshrl.u32 s1, $0x2  }
0x31: {  	s3 =	sand.u32 $0x4000, s31;
	s1 =	sadd.s32 s1, s30  }
0x32: {  	s0 =	sor.u32 s3, s0;
	s1 =	sshll.u32 s1, $0x11  }
0x33: {  	s0 =	sor.u32 s1, s0  }
0x34: {  	s0 =	sadd.s32 $0x8F2B, s0  }
0x35: {  	[sflag:s0] =	ssyncadd.remote.s32 $0x1  }
0x36: {  	_ =	sfence.sel $0xFFFF  }
0x37: {  	[dreg:$0x0] =	wrdreg $0xFFFFFFFF;
	(pc) =	sbr.abs _section_cstart, $3  }
0x38: {  	[dreg:$0x1] =	wrdreg $0xFFFFFFFF  }
0x39: {  	_ =	task.clear_ibuf [dreg:s7], $0x2FFFF;
	_ =	strace $0x9FFFFFFF  }
0x3a: {  	(tm) =	ssettm $0x7FFFFFFF  }
0x3b: {  	_ =	shalt  }
tec
execute0_lowered:
.L_overlay_start_1:
0x0: {  	(tag) =	ssettag $0x1  }
0x1: {  	s0 =	srdreg.scid  }
0x2: {  	s1 =	sshll.u32 s0, $0x4  }
0x3: {  	s0 =	stileid.u32;
	s1 =	sand.u32 $0x10, s1  }
0x4: {  	s1 =	sor.u32 s0, s1  }
0x5: {  	s6 =	rddreg [dreg:$0x0];
	s4 =	simm.s32 $0x1;
	s2 =	sshll.u32 s1, $0x7  }
0x6: {  	s7 =	simm.s32 $0x2;
	s12 =	simm.s32 $0x0;
	s1 =	ssub.s32 $0x4000, s2  }
0x7: {  	s8 =	simm.s32 $0x20000;
	s13 =	simm.s32 $0x0;
	s3 =	sand.u32 $0xF80, s1  }
0x8: {  	s9 =	simm.s32 $0x0;
	s5 =	sshrl.u32 s1, $0xC;
	p0 =	sne.s32 s3, $0x0  }
.Ltmp0:
0x9: {  	s1 =	rddreg [dreg:$0x2];
	s4 =	simm.s32 @!p0 $0x0;
	(pc) =	sbr.rel .LBB1_1-.Ltmp0, $4  }
0xa: {  	s11 =	simm.s32 $0x0;
	s3 =	rddreg [dreg:$0x1];
	s5 =	sadd.s32 s4, s5  }
0xb: {  	_ =	strace $0x8000004A;
	s4 =	simm.s32 $0x1;
	s5 =	smul.u32 $0x32, s5  }
0xc: {  	s6 =	sadd.s32 $0xA00, s6;
	s10 =	smov.u32 s2;
	[sflag:s4] =	ssyncpa.u1 $0x0  }
0xd: {  	p0 =	por $0x0, $0x0;
	[sflag:s7] =	ssyncpa.u1 $0x0;
	s7 =	sor.u32 $0x1, s5  }
.LBB1_4:
0xe: {  	s16 =	sshll.u32 s13, $0x3;
	s17 =	sand.u32 $0x78, s13  }
0xf: {  	s30 =	sand.u32 $0x1F800, s13;
	s12 =	sshll.u32 s12, $0x11;
	s16 =	sand.u32 $0x3C00, s16  }
0x10: {  	[tilespmem:s15+$0x810 ss:$0x81] =	vst.msk $0xffff, v2;
	s31 =	sand.u32 $0x7, s13;
	s16 =	sor.u32 s17, s16;
	s17 =	sadd.s32 s3, s30  }
0x11: {  	[tilespmem:s15+$0x1020 ss:$0x81] =	vst.msk $0xffff, v0;
	s13 =	sshll.u32 s31, $0x12;
	s12 =	sadd.s32 s12, s17;
	s16 =	sshrl.u32 s16, $0x3  }
0x12: {  	[tilespmem:s15+$0x0 ss:$0x81] =	vst.msk $0xffff, v1;
	s13 =	sor.u32 $0x400, s13;
	s12 =	sadd.s32 s16, s12  }
0x13: {  	[hbm4b:s12+s13] =	stream.strided.scatter [tilespmem:s14], [sflag:$0x2], $0x2000, s8, s13, $0x20;
	[tilespmem:$0x8080] =	vst v63  }
.LBB1_5:
0x14: {  	s14 =	sadd.s32 $0x1, s9  }
0x15: {  	s12 =	sadd.s32 $0x1000, s10;
	s16 =	smov.u32 s10;
	p2 =	sgt.s32 s14, $0x31  }
0x16: {  	s16 =	smov.u32 @p2 s12  }
0x17: {  	s14 =	simm.s32 @p2 $0x0;
	p2 =	sgt.s32 s16, $0x3FFF  }
0x18: {  	s16 =	smov.u32 @p2 s2;
	p2 =	sne.s32 s11, s7  }
.Ltmp1:
0x19: {  	p1 =	slt.u32 s11, $0x2;
	(pc) =	sbr.rel @!p2 .LBB1_6-.Ltmp1, $4  }
0x1a: {  	s15 =	simm.s32 @!p1 $0x2  }
0x1b: {  	s13 =	smov.u32 s10;
	p0 =	por !p0, !p0;
	_ =	swait.ge @!p1 [sflag:s15], $0x2000  }
0x1c: {  	s12 =	smov.u32 s9;
	[sflag:s15] =	ssyncset.done @!p1 $0x0;
	s9 =	smov.u32 s14  }
0x1d: {  	s11 =	sadd.s32 $0x1, s11;
	[sflag:s15] =	ssyncadd.s32 @!p1 $0xFFFFE000;
	s10 =	smov.u32 s16  }
.LBB1_1:
0x1e: {  	p1 =	sge.u32 s11, s5  }
0x1f: {  	s14 =	sand.u32 @!p1 $0x1FFFFFF, s9  }
0x20: {  	s15 =	smulhi.u32 @!p1 $0x4924925, s14;
	_ =	sdelay $0x1  }
0x21: {  	s15 =	smul.u32 @!p1 $0x38, s15  }
0x22: {  	s16 =	sxor.u32 @!p1 $0xFFFFFFFF, s11;
	s17 =	smul.u32 @!p1 $0x380, s10  }
0x23: {  	s31 =	sadd.s32 $0xFFFFFFFF, s11;
	s16 =	sshll.u32 @!p1 s16, $0xD;
	s14 =	ssub.s32 @!p1 s14, s15  }
0x24: {  	s15 =	sand.u32 @!p1 $0x2000, s16;
	s16 =	sadd.s32 @!p1 s6, s17;
	s14 =	sshll.u32 @!p1 s14, $0x4  }
0x25: {  	s17 =	simm.s32 @!p1 $0x1C00;
	s14 =	sadd.s32 @!p1 s14, s16;
	s16 =	simm.s32 @!p1 $0x40  }
0x26: {  	[tilespmem:s15], [sflag:$0x1] =	stream.strided.gather @!p1 [hbm4b:s14+s16], $0x2000, s17, s16, $0x38;
	[tilespmem:$0x8080] =	vst v63  }
0x27: {  	p1 =	sge.u32 s31, s5  }
.Ltmp2:
0x28: {  	_ = 	snop;
	(pc) =	sbr.rel @p1 .LBB1_5-.Ltmp2, $1  }
0x29: {  	_ =	sdelay $0x3  }
0x2a: {  	s14 =	simm.s32 $0x1  }
0x2b: {  	_ =	swait.ge [sflag:s4], $0x2000;
	s14 =	simm.s32 @!p0 $0x0  }
0x2c: {  	[sflag:s4] =	ssyncset.done $0x0;
	s15 =	sshll.u32 s14, $0xD  }
0x2d: {  	[sflag:s4] =	ssyncadd.s32 $0xFFFFE000;
	s18 =	sor.u32 $0x20, s15  }
0x2e: {  	s14 =	smul.u32 $0x8100, s14;
	v3 =	vld [tilespmem:s18+$0x10]  }
0x2f: {  	s30 =	sand.u32 $0x1, s11;
	v2 =	vld [tilespmem:s18+$0xFFFFFFF0]  }
0x30: {  	s15 =	smul.u32 $0x8100, s30;
	s14 =	sshrl.u32 s14, $0x2;
	v0 =	vld [tilespmem:s18+$0x0]  }
0x31: {  	v1 =	vld [tilespmem:s18+$0xFFFFFFE0];
	s16 =	sor.u32 $0x4000, s14  }
0x32: {  	s31 =	sshrl.u32 s15, $0x2;
	s15 =	sadd.s32 $0x0, s16  }
0x33: {  	s17 =	simm.s32 $0x4;
	s18 =	sadd.s32 $0x40, s18;
	s14 =	sor.u32 $0x4000, s31;
	[tilespmem:s15+$0x1830 ss:$0x81] =	vst.msk $0xffff, v3  }
.LBB1_3:
0x34: {  	v3 =	vld [tilespmem:s18+$0x10];
	p1 =	sne.s32 s17, $0x1FC;
	[tilespmem:s15+$0x810 ss:$0x81] =	vst.msk $0xffff, v2;
	s19 =	smov.u32 s17;
	s17 =	sadd.s32 $0x4, s17  }
.Ltmp3:
0x35: {  	v2 =	vld [tilespmem:s18+$0xFFFFFFF0];
	[tilespmem:s15+$0x1020 ss:$0x81] =	vst.msk $0xffff, v0;
	(pc) =	sbr.rel @p1 .LBB1_3-.Ltmp3, $4  }
0x36: {  	v0 =	vld [tilespmem:s18+$0x0];
	[tilespmem:s15+$0x0 ss:$0x81] =	vst.msk $0xffff, v1  }
0x37: {  	s15 =	sshra.s32 s19, $0x2;
	v1 =	vld [tilespmem:s18+$0xFFFFFFE0]  }
0x38: {  	s15 =	sadd.s32 s15, s16  }
0x39: {  	s18 =	sadd.s32 $0x40, s18;
	[tilespmem:s15+$0x1830 ss:$0x81] =	vst.msk $0xffff, v3  }
.Ltmp4:
0x3a: {  	_ = 	snop;
	(pc) =	sbr.rel .LBB1_4-.Ltmp4, $1  }
0x3b: {  	_ =	sdelay $0x3  }
.LBB1_6:
0x3c: {  	_ =	sfence.sel $0x180000  }
0x3d: {  	s2 =	simm.s32 $0x1;
	[bflag:$0x0] =	sbarrier.arrive $0xFFFF  }
0x3e: {  	s31 =	simm.s32 $0x2;
	[sflag:s2] =	ssyncpa.u1 $0x1  }
0x3f: {  	[sflag:s31] =	ssyncpa.u1 $0x1  }
0x40: {  	p0 =	sne.s32 s0, $0x0;
	_ =	strace $0x9000004A  }
0x41: {  	s0 =	sadd.s32 @!p0 $0x100000, s1;
	[bflag:$0x2] =	sbarrier.arrive $0xFFFF  }
0x42: {  	[sflag:s0] =	ssyncadd.tile.s32 @!p0 $0x1;
	_ =	shalt  }
.Lfunc_end1:
_tile_overlayer_lowered:
.L_overlay_start_2:
0x43: {  	(tag) =	ssettag $0x2  }
0x44: {  	s0 =	rddreg [dreg:$0x0];
	s2 =	stileid.u32  }
0x45: {  	s1 =	rddreg [dreg:$0x1];
	p0 =	sne.s32 s2, $0x0  }
0x46: {  	s3 =	rddreg [dreg:$0x2];
	[bflag:$0x3] =	sbarrier.arrive $0xFFFF;
	s2 =	simm.s32 @!p0 $0x1C01  }
0x47: {  	[timem:s3], [sflag:s2] =	dma.local @!p0 [hbm:s0], s1  }
0x48: {  	s0 =	simm.s32 @!p0 $0x1  }
0x49: {  	_ =	swait.ge @!p0 [sflag:s0], s1  }
0x4a: {  	s1 =	ssub.s32 @!p0 $0x0, s1;
	[sflag:s0] =	ssyncset.done @!p0 $0x0  }
0x4b: {  	[sflag:s0] =	ssyncadd.s32 @!p0 s1  }
0x4c: {  	[bflag:$0x3] =	sbarrier.arrive $0xFFFF  }
0x4d: {  	_ =	shalt  }

</sc_bundles>
